<compile_context>
chip_gen: v7x
topology: tpu7x:2x2x1
jax: 0.10.2.dev20260603
libtpu: 0.0.44.dev20260713+nightly
codegen_flags: <defaults>
</compile_context>

<pallas_src>
import dataclasses
import functools

import jax
import jax.numpy as jnp
from jax import lax
from jax.experimental import pallas as pl
from jax.experimental.pallas import tpu as pltpu
from jax.experimental.pallas import tpu_sc as plsc

N = 10000
E = 320000
D = 128
H = 4
DH = 32
R = 38

NC = 2
NS = 16
NW = NC * NS
EW = E // NW
KA = 400
KB = 80
ZR = 1000
NZ = N // ZR

_f32 = jnp.float32
_i32 = jnp.int32



def _tc1_body(x_ref, w_ref, a_ref, h_ref, s_ref):
    h = jnp.dot(x_ref[...], w_ref[...], preferred_element_type=_f32)
    h_ref[...] = h
    s_ref[...] = jnp.dot(h, a_ref[...], preferred_element_type=_f32)


def _tc_rels_body(r_ref, a_ref, o_ref):
    o_ref[...] = jnp.dot(r_ref[...], a_ref[...], preferred_element_type=_f32)


def _tc2_body(d_ref, o_ref):
    s = d_ref[0] + d_ref[1]
    o_ref[...] = 1.0 / (s + 1e-16)


def _tc3_body(p_ref, o_ref):
    o_ref[...] = jax.nn.gelu(p_ref[0] + p_ref[1])



_PASS_A_KW = dict(
    out_type=(
        jax.ShapeDtypeStruct((E * H,), _f32),
        jax.ShapeDtypeStruct((NC * N * H,), _f32),
    ),
    scratch_types=[
        pltpu.VMEM((N * 8,), _f32),
        pltpu.VMEM((R * H,), _f32),
        pltpu.VMEM((KA,), _i32),
        pltpu.VMEM((KA,), _i32),
        pltpu.VMEM((KA,), _i32),
        pltpu.VMEM((KA * H,), _f32),
        pltpu.VMEM((KA * H,), _i32),
        pltpu.VMEM((ZR * H,), _f32),
        pltpu.VMEM_SHARED((N * H,), _f32),
    ],
)


def _pass_a(src_hbm, dst_hbm, et_hbm, s_hbm, rels_hbm, zden_hbm,
            p_hbm, den_hbm,
            tab_v, rels_v, src_v, dst_v, et_v, pstage_v, didx_v, zbuf_v,
            den_sp):
    cid = lax.axis_index("c")
    sid = lax.axis_index("s")
    wid = sid * NC + cid

    @pl.when(sid < NZ)
    def _zero():
        pltpu.sync_copy(zden_hbm.at[pl.ds(sid * ZR * H, ZR * H)], zbuf_v)
        pltpu.sync_copy(zbuf_v, den_sp.at[pl.ds(sid * ZR * H, ZR * H)])
    pltpu.sync_copy(s_hbm, tab_v)
    pltpu.sync_copy(rels_hbm, rels_v)
    plsc.subcore_barrier()

    iota = lax.iota(_i32, 16)
    iota4 = iota * 4

    @pl.loop(0, EW // KA)
    def _chunk(g):
        base = wid * EW + g * KA
        pltpu.sync_copy(src_hbm.at[pl.ds(base, KA)], src_v)
        pltpu.sync_copy(dst_hbm.at[pl.ds(base, KA)], dst_v)
        pltpu.sync_copy(et_hbm.at[pl.ds(base, KA)], et_v)

        @pl.loop(0, KA // 16)
        def _vec(j):
            sv = src_v[pl.ds(j * 16, 16)]
            dv = dst_v[pl.ds(j * 16, 16)]
            ev = et_v[pl.ds(j * 16, 16)]
            sv8 = sv * 8
            dv8 = dv * 8 + 4
            ev4 = ev * 4
            dv4 = dv * 4
            for h in range(H):
                a = (plsc.load_gather(tab_v, [sv8 + h])
                     + plsc.load_gather(rels_v, [ev4 + h])
                     + plsc.load_gather(tab_v, [dv8 + h]))
                a = jnp.where(a >= 0.0, a, a * 0.2)
                p = jnp.exp(a)
                plsc.store_scatter(pstage_v, [j * 64 + h + iota4], p)
                plsc.store_scatter(didx_v, [j * 64 + h + iota4], dv4 + h)

        pltpu.sync_copy(pstage_v, p_hbm.at[pl.ds(base * H, KA * H)])
        pltpu.sync_copy(pstage_v, den_sp.at[didx_v], add=True)

    plsc.subcore_barrier()

    @pl.when(sid < NZ)
    def _flush():
        pltpu.sync_copy(den_sp.at[pl.ds(sid * ZR * H, ZR * H)], zbuf_v)
        pltpu.sync_copy(zbuf_v,
                        den_hbm.at[pl.ds((cid * N + sid * ZR) * H, ZR * H)])



_PASS_B_KW = dict(
    out_type=(
        jax.ShapeDtypeStruct((E * H,), _f32),
        jax.ShapeDtypeStruct((NC * N, D), _f32),
    ),
    scratch_types=[
        pltpu.VMEM((R * D,), _f32),
        pltpu.VMEM((KB,), _i32),
        pltpu.VMEM((KB,), _i32),
        pltpu.VMEM((KB,), _i32),
        pltpu.VMEM((KB,), _i32),
        pltpu.VMEM((KB,), _i32),
        pltpu.VMEM((KB,), _i32),
        pltpu.VMEM((KB * H,), _f32),
        pltpu.VMEM((KB * H,), _f32),
        pltpu.VMEM((KB, D), _f32),
        pltpu.VMEM((KB, D), _f32),
        pltpu.VMEM((KB * H,), _i32),
        pltpu.VMEM((KB * H,), _f32),
        pltpu.VMEM((KB * H,), _f32),
        pltpu.VMEM((ZR * H,), _f32),
        pltpu.VMEM_SHARED((N * H,), _f32),
        pltpu.VMEM_SHARED((N, D), _f32),
        pltpu.SemaphoreType.DMA,
        pltpu.SemaphoreType.DMA,
        pltpu.SemaphoreType.DMA,
        pltpu.SemaphoreType.DMA,
    ],
)


def _pass_b(src_hbm, dst_hbm, et_hbm, p_hbm, invd_hbm, relf_hbm, h_hbm,
            z128_hbm,
            alpha_hbm, outp_hbm,
            rel_v, srcA, srcB, dstA, dstB, etA, etB, pA, pB, rowsA, rowsB,
            widx_v, wbuf_v, astage_v, zbuf_v, invd_sp, out_sp,
            sgA, sgB, siA, siB):
    cid = lax.axis_index("c")
    sid = lax.axis_index("s")
    wid = sid * NC + cid

    @pl.when(sid < NZ)
    def _zero():
        pltpu.sync_copy(z128_hbm.at[pl.ds(sid * ZR, ZR)],
                        out_sp.at[pl.ds(sid * ZR, ZR)])
        pltpu.sync_copy(invd_hbm.at[pl.ds(sid * ZR * H, ZR * H)], zbuf_v)
        pltpu.sync_copy(zbuf_v, invd_sp.at[pl.ds(sid * ZR * H, ZR * H)])
    pltpu.sync_copy(relf_hbm, rel_v)
    plsc.subcore_barrier()

    iota = lax.iota(_i32, 16)
    lane4 = iota & 3
    rep4 = iota >> 2
    ebase0 = wid * EW
    NCH = EW // KB

    bufs = {
        0: (srcA, dstA, etA, pA, rowsA, sgA, siA),
        1: (srcB, dstB, etB, pB, rowsB, sgB, siB),
    }

    def idx_load(g, par, sync=False):
        s_v, d_v, t_v, p_v, _, _, si = bufs[par]
        base = ebase0 + g * KB
        if sync:
            pltpu.sync_copy(src_hbm.at[pl.ds(base, KB)], s_v)
            pltpu.sync_copy(dst_hbm.at[pl.ds(base, KB)], d_v)
            pltpu.sync_copy(et_hbm.at[pl.ds(base, KB)], t_v)
            pltpu.sync_copy(p_hbm.at[pl.ds(base * H, KB * H)], p_v)
        else:
            pltpu.async_copy(src_hbm.at[pl.ds(base, KB)], s_v, si)
            pltpu.async_copy(dst_hbm.at[pl.ds(base, KB)], d_v, si)
            pltpu.async_copy(et_hbm.at[pl.ds(base, KB)], t_v, si)
            pltpu.async_copy(p_hbm.at[pl.ds(base * H, KB * H)], p_v, si)

    def idx_wait(g, par):
        s_v, d_v, t_v, p_v, _, _, si = bufs[par]
        base = ebase0 + g * KB
        pltpu.make_async_copy(src_hbm.at[pl.ds(base, KB)], s_v, si).wait()
        pltpu.make_async_copy(dst_hbm.at[pl.ds(base, KB)], d_v, si).wait()
        pltpu.make_async_copy(et_hbm.at[pl.ds(base, KB)], t_v, si).wait()
        pltpu.make_async_copy(p_hbm.at[pl.ds(base * H, KB * H)], p_v,
                              si).wait()

    def gather_issue(par):
        s_v, _, _, _, rows_v, sg, _ = bufs[par]
        pltpu.async_copy(h_hbm.at[s_v], rows_v, sg)

    def gather_wait(par):
        s_v, _, _, _, rows_v, sg, _ = bufs[par]
        pltpu.make_async_copy(h_hbm.at[s_v], rows_v, sg).wait()

    def compute(g, par):
        _, d_v, t_v, p_v, rows_v, _, _ = bufs[par]

        @pl.loop(0, KB // 4)
        def _wi(j):
            dvrep = plsc.load_gather(d_v, [j * 4 + rep4])
            widx_v[pl.ds(j * 16, 16)] = dvrep * 4 + lane4

        pltpu.sync_copy(invd_sp.at[widx_v], wbuf_v)

        @pl.loop(0, KB // 4)
        def _w(j):
            w = p_v[pl.ds(j * 16, 16)] * wbuf_v[pl.ds(j * 16, 16)]
            astage_v[pl.ds(j * 16, 16)] = w

        @pl.loop(0, KB)
        def _edge(e):
            etsp = plsc.load_gather(t_v, [jnp.full((16,), e, _i32)])
            et128 = etsp * 128
            for h in range(H):
                wsp = plsc.load_gather(
                    astage_v, [jnp.full((16,), e * 4 + h, _i32)])
                for c in range(2):
                    col = h * 32 + c * 16
                    relv = plsc.load_gather(rel_v, [et128 + (col + iota)])
                    rows_v[e, pl.ds(col, 16)] = (
                        rows_v[e, pl.ds(col, 16)] + relv) * wsp

        pltpu.sync_copy(rows_v, out_sp.at[d_v], add=True)
        pltpu.sync_copy(astage_v,
                        alpha_hbm.at[pl.ds((ebase0 + g * KB) * H, KB * H)])

    idx_load(0, 0, sync=True)
    gather_issue(0)
    idx_load(1, 1)

    @pl.loop(0, (NCH - 3) // 2)
    def _pair(q):
        for par in (0, 1):
            g = q * 2 + par
            idx_wait(g + 1, 1 - par)
            gather_issue(1 - par)
            gather_wait(par)
            compute(g, par)
            idx_load(g + 2, par)

    g = NCH - 3
    parg = g % 2
    idx_wait(g + 1, 1 - parg)
    gather_issue(1 - parg)
    gather_wait(parg)
    compute(g, parg)
    idx_load(g + 2, parg)

    g = NCH - 2
    parg = g % 2
    idx_wait(g + 1, 1 - parg)
    gather_issue(1 - parg)
    gather_wait(parg)
    compute(g, parg)

    g = NCH - 1
    parg = g % 2
    gather_wait(parg)
    compute(g, parg)

    plsc.subcore_barrier()

    @pl.when(sid < NZ)
    def _flush():
        pltpu.sync_copy(out_sp.at[pl.ds(sid * ZR, ZR)],
                        outp_hbm.at[pl.ds(cid * N + sid * ZR, ZR)])



@functools.lru_cache(maxsize=1)
def _built_passes():
    mesh = plsc.VectorSubcoreMesh(core_axis_name="c", subcore_axis_name="s")
    cp = pltpu.CompilerParams()
    if "needs_layout_passes" in pltpu.CompilerParams.__dataclass_fields__:
        cp = dataclasses.replace(cp, needs_layout_passes=False)
    pass_a = pl.kernel(_pass_a, mesh=mesh, compiler_params=cp, **_PASS_A_KW)
    pass_b = pl.kernel(_pass_b, mesh=mesh, compiler_params=cp, **_PASS_B_KW)
    return pass_a, pass_b


def kernel(x, edge_index, edge_type, W, rel_emb, att_src, att_dst):
    src = edge_index[0].astype(_i32)
    dst = edge_index[1].astype(_i32)
    et = edge_type.astype(_i32)

    lanes = jnp.arange(D)
    heads = lanes // DH
    A_src = jnp.zeros((D, H), _f32).at[lanes, heads].set(att_src.reshape(-1))
    A_dst = jnp.zeros((D, H), _f32).at[lanes, heads].set(att_dst.reshape(-1))
    A = jnp.concatenate([A_src, A_dst], axis=1)

    BN = 2000
    h, s = pl.pallas_call(
        _tc1_body,
        grid=(N // BN,),
        in_specs=[pl.BlockSpec((BN, D), lambda i: (i, 0)),
                  pl.BlockSpec((D, D), lambda i: (0, 0)),
                  pl.BlockSpec((D, 2 * H), lambda i: (0, 0))],
        out_specs=[pl.BlockSpec((BN, D), lambda i: (i, 0)),
                   pl.BlockSpec((BN, 2 * H), lambda i: (i, 0))],
        out_shape=[jax.ShapeDtypeStruct((N, D), _f32),
                   jax.ShapeDtypeStruct((N, 2 * H), _f32)],
    )(x, W, A)

    rel_s = pl.pallas_call(
        _tc_rels_body,
        out_shape=jax.ShapeDtypeStruct((R, 2 * H), _f32),
    )(rel_emb, A)

    _pa, _pb = _built_passes()
    zden = jnp.zeros((N * H,), _f32)
    p, den = _pa(src, dst, et, s.reshape(-1),
                 rel_s[:, :H].reshape(-1), zden)

    invd = pl.pallas_call(
        _tc2_body,
        out_shape=jax.ShapeDtypeStruct((N, H), _f32),
    )(den.reshape(NC, N, H))

    z128 = jnp.zeros((N, D), _f32)
    alpha_flat, outp = _pb(src, dst, et, p, invd.reshape(-1),
                               rel_emb.reshape(-1), h, z128)

    out = pl.pallas_call(
        _tc3_body,
        out_shape=jax.ShapeDtypeStruct((N, D), _f32),
    )(outp.reshape(NC, N, D))

    return (out, alpha_flat.reshape(E, H))

# --- scband reference (transcript-rebuilt; emitter-appended) ---
"""Pipeline reference for scband-kg-adapter-sent-rgat-71442486002191 (READ-ONLY COPY).

The authoritative reference and input builder live on the scoring server;
editing this copy changes nothing except your own understanding.
"""

import jax, jax.numpy as jnp
import numpy as np

N_NODES = 10000
N_EDGES = 320000
D = 128
HEADS = 4
HEAD_DIM = D // HEADS
N_REL = 38


def setup_inputs(seed: int = 0) -> dict:
    key = jax.random.key(seed)
    ks = jax.random.split(key, 8)
    x = jax.random.normal(ks[0], (N_NODES, D), dtype=jnp.float32)
    edge_index = jax.random.randint(ks[1], (2, N_EDGES), 0, N_NODES, dtype=jnp.int64)
    edge_type = jax.random.randint(ks[2], (N_EDGES,), 0, N_REL, dtype=jnp.int64)
    W = jax.random.normal(ks[3], (D, HEADS * HEAD_DIM), dtype=jnp.float32) * 0.05
    rel_emb = jax.random.normal(ks[4], (N_REL, HEADS * HEAD_DIM), dtype=jnp.float32) * 0.05
    att_src = jax.random.normal(ks[5], (HEADS, HEAD_DIM), dtype=jnp.float32) * 0.05
    att_dst = jax.random.normal(ks[6], (HEADS, HEAD_DIM), dtype=jnp.float32) * 0.05
    return {"x": x, "edge_index": edge_index, "edge_type": edge_type,
            "W": W, "rel_emb": rel_emb, "att_src": att_src, "att_dst": att_dst}


def reference(x, edge_index, edge_type, W, rel_emb, att_src, att_dst):
    N = x.shape[0]
    # Linear projection, split into heads
    h = (x @ W).reshape(N, HEADS, HEAD_DIM)
    src = edge_index[0]
    dst = edge_index[1]
    # Relation-aware source messages (SRGAT: relation embedding added to message)
    rel = jnp.take(rel_emb, edge_type, axis=0).reshape(-1, HEADS, HEAD_DIM)
    msg = jnp.take(h, src, axis=0) + rel  # [E, H, dh]
    h_dst = jnp.take(h, dst, axis=0)      # [E, H, dh]
    # GAT-style attention logits per edge/head
    alpha = (msg * att_src[None]).sum(-1) + (h_dst * att_dst[None]).sum(-1)  # [E, H]
    alpha = jax.nn.leaky_relu(alpha, negative_slope=0.2)
    # Segment softmax over incoming edges of each destination node
    amax = jax.ops.segment_max(alpha, dst, num_segments=N)
    amax = jnp.where(jnp.isfinite(amax), amax, 0.0)
    alpha = jnp.exp(alpha - jnp.take(amax, dst, axis=0))
    denom = jax.ops.segment_sum(alpha, dst, num_segments=N)
    alpha = alpha / (jnp.take(denom, dst, axis=0) + 1e-16)  # [E, H]
    # Weighted scatter-add aggregation
    out = jax.ops.segment_sum(msg * alpha[..., None], dst, num_segments=N)
    out = out.reshape(N, HEADS * HEAD_DIM)
    out = jax.nn.gelu(out)
    return (out, alpha)

if __name__ == "__main__":
    import jax
    _d = setup_inputs()
    print(jax.jit(kernel)(*tuple(_d.values())))

</pallas_src>

<mosaic_0001>
#map = affine_map<(d0, d1) -> (0)>
module attributes {stable_mosaic.version = 14 : i64} {
  func.func @_pass_a(%arg0: i32, %arg1: i32, %arg2: memref<320000xi32, #tpu.memory_space<hbm>>, %arg3: memref<320000xi32, #tpu.memory_space<hbm>>, %arg4: memref<320000xi32, #tpu.memory_space<hbm>>, %arg5: memref<80000xf32, #tpu.memory_space<hbm>>, %arg6: memref<152xf32, #tpu.memory_space<hbm>>, %arg7: memref<40000xf32, #tpu.memory_space<hbm>>, %arg8: memref<1280000xf32, #tpu.memory_space<hbm>>, %arg9: memref<80000xf32, #tpu.memory_space<hbm>>, %arg10: memref<80000xf32, #tpu.memory_space<vmem>>, %arg11: memref<152xf32, #tpu.memory_space<vmem>>, %arg12: memref<400xi32, #tpu.memory_space<vmem>>, %arg13: memref<400xi32, #tpu.memory_space<vmem>>, %arg14: memref<400xi32, #tpu.memory_space<vmem>>, %arg15: memref<1600xf32, #tpu.memory_space<vmem>>, %arg16: memref<1600xi32, #tpu.memory_space<vmem>>, %arg17: memref<4000xf32, #tpu.memory_space<vmem>>, %arg18: memref<40000xf32, #tpu.memory_space<vmem_shared>>) attributes {dimension_semantics = [#tpu.dimension_semantics<core_parallel>, #tpu.dimension_semantics<subcore_parallel>], iteration_bounds = array<i64: 2, 16>, scalar_prefetch = 0 : i64, scratch_operands = 9 : i64, tpu.core_type = #tpu.core_type<sc_vector_subcore>, window_params = [{transform_indices = #map}, {transform_indices = #map}, {transform_indices = #map}, {transform_indices = #map}, {transform_indices = #map}, {transform_indices = #map}, {transform_indices = #map}, {transform_indices = #map}]} {
    %mul3A = arith.constant 2 : i32
    %mul3A_0 = arith.muli %arg1, %mul3A : i32
    %add3A = arith.addi %mul3A_0, %arg0 : i32
    %lt3A = arith.constant 10 : i32
    %lt3A_1 = arith.cmpi slt, %arg1, %lt3A : i32
    %convert_element_type3A = arith.extui %lt3A_1 : i1 to i32
    %cond3A = arith.constant 0 : i32
    %cond3A_2 = arith.cmpi ne, %convert_element_type3A, %cond3A : i32
    scf.if %cond3A_2 {
      %mul3A_16 = arith.constant 1000 : i32
      %mul3A_17 = arith.muli %arg1, %mul3A_16 : i32
      %mul3A_18 = arith.constant 4 : i32
      %mul3A_19 = arith.muli %mul3A_17, %mul3A_18 : i32
      "tpu.region"() ({
        %run_scoped3A = tpu.sem_alloc : memref<!tpu.dma_semaphore, #tpu.memory_space<semaphore_mem>>
        %dma_start3A = tpu.memref_slice %arg7[%mul3A_19] : memref<40000xf32, #tpu.memory_space<hbm>> -> memref<4000xf32, #tpu.memory_space<hbm>>
        %dma_start3A_24 = tpu.memref_slice %arg7[%mul3A_19] : memref<40000xf32, #tpu.memory_space<hbm>> -> memref<4000xf32, #tpu.memory_space<hbm>>
        tpu.enqueue_dma source(%dma_start3A_24 : memref<4000xf32, #tpu.memory_space<hbm>>) target(%arg17 : memref<4000xf32, #tpu.memory_space<vmem>>) target_semaphore(%run_scoped3A : memref<!tpu.dma_semaphore, #tpu.memory_space<semaphore_mem>>)
        %dma_wait3A = tpu.memref_slice %arg7[%mul3A_19] : memref<40000xf32, #tpu.memory_space<hbm>> -> memref<4000xf32, #tpu.memory_space<hbm>>
        %dma_wait3A_25 = tpu.memref_slice %arg7[%mul3A_19] : memref<40000xf32, #tpu.memory_space<hbm>> -> memref<4000xf32, #tpu.memory_space<hbm>>
        tpu.wait_dma2 semaphore(%run_scoped3A : memref<!tpu.dma_semaphore, #tpu.memory_space<semaphore_mem>>) src(%dma_wait3A_25 : memref<4000xf32, #tpu.memory_space<hbm>>) dst(%arg17 : memref<4000xf32, #tpu.memory_space<vmem>>)
        tpu.yield
      }) : () -> ()
      %mul3A_20 = arith.constant 1000 : i32
      %mul3A_21 = arith.muli %arg1, %mul3A_20 : i32
      %mul3A_22 = arith.constant 4 : i32
      %mul3A_23 = arith.muli %mul3A_21, %mul3A_22 : i32
      "tpu.region"() ({
        %run_scoped3A = tpu.sem_alloc : memref<!tpu.dma_semaphore, #tpu.memory_space<semaphore_mem>>
        %dma_start3A = tpu.memref_slice %arg18[%mul3A_23] : memref<40000xf32, #tpu.memory_space<vmem_shared>> -> memref<4000xf32, #tpu.memory_space<vmem_shared>>
        %dma_start3A_24 = tpu.memref_slice %arg18[%mul3A_23] : memref<40000xf32, #tpu.memory_space<vmem_shared>> -> memref<4000xf32, #tpu.memory_space<vmem_shared>>
        tpu.enqueue_dma source(%arg17 : memref<4000xf32, #tpu.memory_space<vmem>>) target(%dma_start3A_24 : memref<4000xf32, #tpu.memory_space<vmem_shared>>) target_semaphore(%run_scoped3A : memref<!tpu.dma_semaphore, #tpu.memory_space<semaphore_mem>>)
        %dma_wait3A = tpu.memref_slice %arg18[%mul3A_23] : memref<40000xf32, #tpu.memory_space<vmem_shared>> -> memref<4000xf32, #tpu.memory_space<vmem_shared>>
        %dma_wait3A_25 = tpu.memref_slice %arg18[%mul3A_23] : memref<40000xf32, #tpu.memory_space<vmem_shared>> -> memref<4000xf32, #tpu.memory_space<vmem_shared>>
        tpu.wait_dma2 semaphore(%run_scoped3A : memref<!tpu.dma_semaphore, #tpu.memory_space<semaphore_mem>>) src(%arg17 : memref<4000xf32, #tpu.memory_space<vmem>>) dst(%dma_wait3A_25 : memref<4000xf32, #tpu.memory_space<vmem_shared>>)
        tpu.yield
      }) : () -> ()
    } else {
    }
    "tpu.region"() ({
      %run_scoped3A = tpu.sem_alloc : memref<!tpu.dma_semaphore, #tpu.memory_space<semaphore_mem>>
      tpu.enqueue_dma source(%arg5 : memref<80000xf32, #tpu.memory_space<hbm>>) target(%arg10 : memref<80000xf32, #tpu.memory_space<vmem>>) target_semaphore(%run_scoped3A : memref<!tpu.dma_semaphore, #tpu.memory_space<semaphore_mem>>)
      tpu.wait_dma2 semaphore(%run_scoped3A : memref<!tpu.dma_semaphore, #tpu.memory_space<semaphore_mem>>) src(%arg5 : memref<80000xf32, #tpu.memory_space<hbm>>) dst(%arg10 : memref<80000xf32, #tpu.memory_space<vmem>>)
      tpu.yield
    }) : () -> ()
    "tpu.region"() ({
      %run_scoped3A = tpu.sem_alloc : memref<!tpu.dma_semaphore, #tpu.memory_space<semaphore_mem>>
      tpu.enqueue_dma source(%arg6 : memref<152xf32, #tpu.memory_space<hbm>>) target(%arg11 : memref<152xf32, #tpu.memory_space<vmem>>) target_semaphore(%run_scoped3A : memref<!tpu.dma_semaphore, #tpu.memory_space<semaphore_mem>>)
      tpu.wait_dma2 semaphore(%run_scoped3A : memref<!tpu.dma_semaphore, #tpu.memory_space<semaphore_mem>>) src(%arg6 : memref<152xf32, #tpu.memory_space<hbm>>) dst(%arg11 : memref<152xf32, #tpu.memory_space<vmem>>)
      tpu.yield
    }) : () -> ()
    %barrier3A = arith.constant 0 : index
    tpu.barrier barrier_id(%barrier3A)
    %iota3A = tpu.iota {dimensions = array<i32: 0>} : vector<16xi32>
    %mul3A_3 = arith.constant 4 : i32
    %mul3A_4 = vector.broadcast %mul3A_3 : i32 to vector<16xi32>
    %mul3A_5 = arith.muli %iota3A, %mul3A_4 : vector<16xi32>
    %scan3A = arith.constant 0 : i32
    %scan3A_6 = arith.constant 25 : i32
    %scan3A_7 = arith.addi %scan3A, %scan3A_6 : i32
    %scan3A_8 = arith.constant 1 : i32
    scf.for %scan3A_16 = %scan3A to %scan3A_7 step %scan3A_8  : i32 {
      %mul3A_17 = arith.constant 1 : i32
      %mul3A_18 = arith.muli %scan3A_16, %mul3A_17 : i32
      %add3A_19 = arith.constant 0 : i32
      %add3A_20 = arith.addi %add3A_19, %mul3A_18 : i32
      %mul3A_21 = arith.constant 10000 : i32
      %mul3A_22 = arith.muli %add3A, %mul3A_21 : i32
      %mul3A_23 = arith.constant 400 : i32
      %mul3A_24 = arith.muli %add3A_20, %mul3A_23 : i32
      %add3A_25 = arith.addi %mul3A_22, %mul3A_24 : i32
      "tpu.region"() ({
        %run_scoped3A = tpu.sem_alloc : memref<!tpu.dma_semaphore, #tpu.memory_space<semaphore_mem>>
        %dma_start3A = tpu.memref_slice %arg2[%add3A_25] : memref<320000xi32, #tpu.memory_space<hbm>> -> memref<400xi32, #tpu.memory_space<hbm>>
        %dma_start3A_33 = tpu.memref_slice %arg2[%add3A_25] : memref<320000xi32, #tpu.memory_space<hbm>> -> memref<400xi32, #tpu.memory_space<hbm>>
        tpu.enqueue_dma source(%dma_start3A_33 : memref<400xi32, #tpu.memory_space<hbm>>) target(%arg12 : memref<400xi32, #tpu.memory_space<vmem>>) target_semaphore(%run_scoped3A : memref<!tpu.dma_semaphore, #tpu.memory_space<semaphore_mem>>)
        %dma_wait3A = tpu.memref_slice %arg2[%add3A_25] : memref<320000xi32, #tpu.memory_space<hbm>> -> memref<400xi32, #tpu.memory_space<hbm>>
        %dma_wait3A_34 = tpu.memref_slice %arg2[%add3A_25] : memref<320000xi32, #tpu.memory_space<hbm>> -> memref<400xi32, #tpu.memory_space<hbm>>
        tpu.wait_dma2 semaphore(%run_scoped3A : memref<!tpu.dma_semaphore, #tpu.memory_space<semaphore_mem>>) src(%dma_wait3A_34 : memref<400xi32, #tpu.memory_space<hbm>>) dst(%arg12 : memref<400xi32, #tpu.memory_space<vmem>>)
        tpu.yield
      }) : () -> ()
      "tpu.region"() ({
        %run_scoped3A = tpu.sem_alloc : memref<!tpu.dma_semaphore, #tpu.memory_space<semaphore_mem>>
        %dma_start3A = tpu.memref_slice %arg3[%add3A_25] : memref<320000xi32, #tpu.memory_space<hbm>> -> memref<400xi32, #tpu.memory_space<hbm>>
        %dma_start3A_33 = tpu.memref_slice %arg3[%add3A_25] : memref<320000xi32, #tpu.memory_space<hbm>> -> memref<400xi32, #tpu.memory_space<hbm>>
        tpu.enqueue_dma source(%dma_start3A_33 : memref<400xi32, #tpu.memory_space<hbm>>) target(%arg13 : memref<400xi32, #tpu.memory_space<vmem>>) target_semaphore(%run_scoped3A : memref<!tpu.dma_semaphore, #tpu.memory_space<semaphore_mem>>)
        %dma_wait3A = tpu.memref_slice %arg3[%add3A_25] : memref<320000xi32, #tpu.memory_space<hbm>> -> memref<400xi32, #tpu.memory_space<hbm>>
        %dma_wait3A_34 = tpu.memref_slice %arg3[%add3A_25] : memref<320000xi32, #tpu.memory_space<hbm>> -> memref<400xi32, #tpu.memory_space<hbm>>
        tpu.wait_dma2 semaphore(%run_scoped3A : memref<!tpu.dma_semaphore, #tpu.memory_space<semaphore_mem>>) src(%dma_wait3A_34 : memref<400xi32, #tpu.memory_space<hbm>>) dst(%arg13 : memref<400xi32, #tpu.memory_space<vmem>>)
        tpu.yield
      }) : () -> ()
      "tpu.region"() ({
        %run_scoped3A = tpu.sem_alloc : memref<!tpu.dma_semaphore, #tpu.memory_space<semaphore_mem>>
        %dma_start3A = tpu.memref_slice %arg4[%add3A_25] : memref<320000xi32, #tpu.memory_space<hbm>> -> memref<400xi32, #tpu.memory_space<hbm>>
        %dma_start3A_33 = tpu.memref_slice %arg4[%add3A_25] : memref<320000xi32, #tpu.memory_space<hbm>> -> memref<400xi32, #tpu.memory_space<hbm>>
        tpu.enqueue_dma source(%dma_start3A_33 : memref<400xi32, #tpu.memory_space<hbm>>) target(%arg14 : memref<400xi32, #tpu.memory_space<vmem>>) target_semaphore(%run_scoped3A : memref<!tpu.dma_semaphore, #tpu.memory_space<semaphore_mem>>)
        %dma_wait3A = tpu.memref_slice %arg4[%add3A_25] : memref<320000xi32, #tpu.memory_space<hbm>> -> memref<400xi32, #tpu.memory_space<hbm>>
        %dma_wait3A_34 = tpu.memref_slice %arg4[%add3A_25] : memref<320000xi32, #tpu.memory_space<hbm>> -> memref<400xi32, #tpu.memory_space<hbm>>
        tpu.wait_dma2 semaphore(%run_scoped3A : memref<!tpu.dma_semaphore, #tpu.memory_space<semaphore_mem>>) src(%dma_wait3A_34 : memref<400xi32, #tpu.memory_space<hbm>>) dst(%arg14 : memref<400xi32, #tpu.memory_space<vmem>>)
        tpu.yield
      }) : () -> ()
      %scan3A_26 = arith.constant 0 : i32
      %scan3A_27 = arith.constant 25 : i32
      %scan3A_28 = arith.addi %scan3A_26, %scan3A_27 : i32
      %scan3A_29 = arith.constant 1 : i32
      scf.for %scan3A_33 = %scan3A_26 to %scan3A_28 step %scan3A_29  : i32 {
        %mul3A_34 = arith.constant 1 : i32
        %mul3A_35 = arith.muli %scan3A_33, %mul3A_34 : i32
        %add3A_36 = arith.constant 0 : i32
        %add3A_37 = arith.addi %add3A_36, %mul3A_35 : i32
        %mul3A_38 = arith.constant 16 : i32
        %mul3A_39 = arith.muli %add3A_37, %mul3A_38 : i32
        %get3A = arith.index_cast %mul3A_39 : i32 to index
        %get3A_40 = tpu.vector_load %arg12[%get3A] {strides = array<i32>} : memref<400xi32, #tpu.memory_space<vmem>>, vector<16xi32>,
        %mul3A_41 = arith.constant 16 : i32
        %mul3A_42 = arith.muli %add3A_37, %mul3A_41 : i32
        %get3A_43 = arith.index_cast %mul3A_42 : i32 to index
        %get3A_44 = tpu.vector_load %arg13[%get3A_43] {strides = array<i32>} : memref<400xi32, #tpu.memory_space<vmem>>, vector<16xi32>,
        %mul3A_45 = arith.constant 16 : i32
        %mul3A_46 = arith.muli %add3A_37, %mul3A_45 : i32
        %get3A_47 = arith.index_cast %mul3A_46 : i32 to index
        %get3A_48 = tpu.vector_load %arg14[%get3A_47] {strides = array<i32>} : memref<400xi32, #tpu.memory_space<vmem>>, vector<16xi32>,
        %mul3A_49 = arith.constant 8 : i32
        %mul3A_50 = vector.broadcast %mul3A_49 : i32 to vector<16xi32>
        %mul3A_51 = arith.muli %get3A_40, %mul3A_50 : vector<16xi32>
        %mul3A_52 = arith.constant 8 : i32
        %mul3A_53 = vector.broadcast %mul3A_52 : i32 to vector<16xi32>
        %mul3A_54 = arith.muli %get3A_44, %mul3A_53 : vector<16xi32>
        %add3A_55 = arith.constant 4 : i32
        %add3A_56 = vector.broadcast %add3A_55 : i32 to vector<16xi32>
        %add3A_57 = arith.addi %mul3A_54, %add3A_56 : vector<16xi32>
        %mul3A_58 = arith.constant 4 : i32
        %mul3A_59 = vector.broadcast %mul3A_58 : i32 to vector<16xi32>
        %mul3A_60 = arith.muli %get3A_48, %mul3A_59 : vector<16xi32>
        %mul3A_61 = arith.constant 4 : i32
        %mul3A_62 = vector.broadcast %mul3A_61 : i32 to vector<16xi32>
        %mul3A_63 = arith.muli %get3A_44, %mul3A_62 : vector<16xi32>
        %add3A_64 = arith.constant 0 : i32
        %add3A_65 = vector.broadcast %add3A_64 : i32 to vector<16xi32>
        %add3A_66 = arith.addi %mul3A_51, %add3A_65 : vector<16xi32>
        %gather3A = tpu.vector_load_idx %arg10[%add3A_66] : memref<80000xf32, #tpu.memory_space<vmem>>[vector<16xi32>], vector<16xf32>,
        %add3A_67 = arith.constant 0 : i32
        %add3A_68 = vector.broadcast %add3A_67 : i32 to vector<16xi32>
        %add3A_69 = arith.addi %mul3A_60, %add3A_68 : vector<16xi32>
        %gather3A_70 = tpu.vector_load_idx %arg11[%add3A_69] : memref<152xf32, #tpu.memory_space<vmem>>[vector<16xi32>], vector<16xf32>,
        %add3A_71 = arith.addf %gather3A, %gather3A_70 : vector<16xf32>
        %add3A_72 = arith.constant 0 : i32
        %add3A_73 = vector.broadcast %add3A_72 : i32 to vector<16xi32>
        %add3A_74 = arith.addi %add3A_57, %add3A_73 : vector<16xi32>
        %gather3A_75 = tpu.vector_load_idx %arg10[%add3A_74] : memref<80000xf32, #tpu.memory_space<vmem>>[vector<16xi32>], vector<16xf32>,
        %add3A_76 = arith.addf %add3A_71, %gather3A_75 : vector<16xf32>
        %ge3A = arith.constant 0.000000e+00 : f32
        %ge3A_77 = vector.broadcast %ge3A : f32 to vector<16xf32>
        %ge3A_78 = arith.cmpf oge, %add3A_76, %ge3A_77 : vector<16xf32>
        %mul3A_79 = arith.constant 2.000000e-01 : f32
        %mul3A_80 = vector.broadcast %mul3A_79 : f32 to vector<16xf32>
        %mul3A_81 = arith.mulf %add3A_76, %mul3A_80 : vector<16xf32>
        %select_n3A = arith.select %ge3A_78, %add3A_76, %mul3A_81 : vector<16xi1>, vector<16xf32>
        %exp3A = math.exp %select_n3A : vector<16xf32>
        %mul3A_82 = arith.constant 64 : i32
        %mul3A_83 = arith.muli %add3A_37, %mul3A_82 : i32
        %add3A_84 = arith.constant 0 : i32
        %add3A_85 = arith.addi %mul3A_83, %add3A_84 : i32
        %add3A_86 = vector.broadcast %add3A_85 : i32 to vector<16xi32>
        %add3A_87 = arith.addi %add3A_86, %mul3A_5 : vector<16xi32>
        tpu.vector_store_idx %arg15[%add3A_87], %exp3A : memref<1600xf32, #tpu.memory_space<vmem>>[vector<16xi32>], vector<16xf32>,
        %mul3A_88 = arith.constant 64 : i32
        %mul3A_89 = arith.muli %add3A_37, %mul3A_88 : i32
        %add3A_90 = arith.constant 0 : i32
        %add3A_91 = arith.addi %mul3A_89, %add3A_90 : i32
        %add3A_92 = vector.broadcast %add3A_91 : i32 to vector<16xi32>
        %add3A_93 = arith.addi %add3A_92, %mul3A_5 : vector<16xi32>
        %add3A_94 = arith.constant 0 : i32
        %add3A_95 = vector.broadcast %add3A_94 : i32 to vector<16xi32>
        %add3A_96 = arith.addi %mul3A_63, %add3A_95 : vector<16xi32>
        tpu.vector_store_idx %arg16[%add3A_93], %add3A_96 : memref<1600xi32, #tpu.memory_space<vmem>>[vector<16xi32>], vector<16xi32>,
        %add3A_97 = arith.constant 1 : i32
        %add3A_98 = vector.broadcast %add3A_97 : i32 to vector<16xi32>
        %add3A_99 = arith.addi %mul3A_51, %add3A_98 : vector<16xi32>
        %gather3A_100 = tpu.vector_load_idx %arg10[%add3A_99] : memref<80000xf32, #tpu.memory_space<vmem>>[vector<16xi32>], vector<16xf32>,
        %add3A_101 = arith.constant 1 : i32
        %add3A_102 = vector.broadcast %add3A_101 : i32 to vector<16xi32>
        %add3A_103 = arith.addi %mul3A_60, %add3A_102 : vector<16xi32>
        %gather3A_104 = tpu.vector_load_idx %arg11[%add3A_103] : memref<152xf32, #tpu.memory_space<vmem>>[vector<16xi32>], vector<16xf32>,
        %add3A_105 = arith.addf %gather3A_100, %gather3A_104 : vector<16xf32>
        %add3A_106 = arith.constant 1 : i32
        %add3A_107 = vector.broadcast %add3A_106 : i32 to vector<16xi32>
        %add3A_108 = arith.addi %add3A_57, %add3A_107 : vector<16xi32>
        %gather3A_109 = tpu.vector_load_idx %arg10[%add3A_108] : memref<80000xf32, #tpu.memory_space<vmem>>[vector<16xi32>], vector<16xf32>,
        %add3A_110 = arith.addf %add3A_105, %gather3A_109 : vector<16xf32>
        %ge3A_111 = arith.constant 0.000000e+00 : f32
        %ge3A_112 = vector.broadcast %ge3A_111 : f32 to vector<16xf32>
        %ge3A_113 = arith.cmpf oge, %add3A_110, %ge3A_112 : vector<16xf32>
        %mul3A_114 = arith.constant 2.000000e-01 : f32
        %mul3A_115 = vector.broadcast %mul3A_114 : f32 to vector<16xf32>
        %mul3A_116 = arith.mulf %add3A_110, %mul3A_115 : vector<16xf32>
        %select_n3A_117 = arith.select %ge3A_113, %add3A_110, %mul3A_116 : vector<16xi1>, vector<16xf32>
        %exp3A_118 = math.exp %select_n3A_117 : vector<16xf32>
        %mul3A_119 = arith.constant 64 : i32
        %mul3A_120 = arith.muli %add3A_37, %mul3A_119 : i32
        %add3A_121 = arith.constant 1 : i32
        %add3A_122 = arith.addi %mul3A_120, %add3A_121 : i32
        %add3A_123 = vector.broadcast %add3A_122 : i32 to vector<16xi32>
        %add3A_124 = arith.addi %add3A_123, %mul3A_5 : vector<16xi32>
        tpu.vector_store_idx %arg15[%add3A_124], %exp3A_118 : memref<1600xf32, #tpu.memory_space<vmem>>[vector<16xi32>], vector<16xf32>,
        %mul3A_125 = arith.constant 64 : i32
        %mul3A_126 = arith.muli %add3A_37, %mul3A_125 : i32
        %add3A_127 = arith.constant 1 : i32
        %add3A_128 = arith.addi %mul3A_126, %add3A_127 : i32
        %add3A_129 = vector.broadcast %add3A_128 : i32 to vector<16xi32>
        %add3A_130 = arith.addi %add3A_129, %mul3A_5 : vector<16xi32>
        %add3A_131 = arith.constant 1 : i32
        %add3A_132 = vector.broadcast %add3A_131 : i32 to vector<16xi32>
        %add3A_133 = arith.addi %mul3A_63, %add3A_132 : vector<16xi32>
        tpu.vector_store_idx %arg16[%add3A_130], %add3A_133 : memref<1600xi32, #tpu.memory_space<vmem>>[vector<16xi32>], vector<16xi32>,
        %add3A_134 = arith.constant 2 : i32
        %add3A_135 = vector.broadcast %add3A_134 : i32 to vector<16xi32>
        %add3A_136 = arith.addi %mul3A_51, %add3A_135 : vector<16xi32>
        %gather3A_137 = tpu.vector_load_idx %arg10[%add3A_136] : memref<80000xf32, #tpu.memory_space<vmem>>[vector<16xi32>], vector<16xf32>,
        %add3A_138 = arith.constant 2 : i32
        %add3A_139 = vector.broadcast %add3A_138 : i32 to vector<16xi32>
        %add3A_140 = arith.addi %mul3A_60, %add3A_139 : vector<16xi32>
        %gather3A_141 = tpu.vector_load_idx %arg11[%add3A_140] : memref<152xf32, #tpu.memory_space<vmem>>[vector<16xi32>], vector<16xf32>,
        %add3A_142 = arith.addf %gather3A_137, %gather3A_141 : vector<16xf32>
        %add3A_143 = arith.constant 2 : i32
        %add3A_144 = vector.broadcast %add3A_143 : i32 to vector<16xi32>
        %add3A_145 = arith.addi %add3A_57, %add3A_144 : vector<16xi32>
        %gather3A_146 = tpu.vector_load_idx %arg10[%add3A_145] : memref<80000xf32, #tpu.memory_space<vmem>>[vector<16xi32>], vector<16xf32>,
        %add3A_147 = arith.addf %add3A_142, %gather3A_146 : vector<16xf32>
        %ge3A_148 = arith.constant 0.000000e+00 : f32
        %ge3A_149 = vector.broadcast %ge3A_148 : f32 to vector<16xf32>
        %ge3A_150 = arith.cmpf oge, %add3A_147, %ge3A_149 : vector<16xf32>
        %mul3A_151 = arith.constant 2.000000e-01 : f32
        %mul3A_152 = vector.broadcast %mul3A_151 : f32 to vector<16xf32>
        %mul3A_153 = arith.mulf %add3A_147, %mul3A_152 : vector<16xf32>
        %select_n3A_154 = arith.select %ge3A_150, %add3A_147, %mul3A_153 : vector<16xi1>, vector<16xf32>
        %exp3A_155 = math.exp %select_n3A_154 : vector<16xf32>
        %mul3A_156 = arith.constant 64 : i32
        %mul3A_157 = arith.muli %add3A_37, %mul3A_156 : i32
        %add3A_158 = arith.constant 2 : i32
        %add3A_159 = arith.addi %mul3A_157, %add3A_158 : i32
        %add3A_160 = vector.broadcast %add3A_159 : i32 to vector<16xi32>
        %add3A_161 = arith.addi %add3A_160, %mul3A_5 : vector<16xi32>
        tpu.vector_store_idx %arg15[%add3A_161], %exp3A_155 : memref<1600xf32, #tpu.memory_space<vmem>>[vector<16xi32>], vector<16xf32>,
        %mul3A_162 = arith.constant 64 : i32
        %mul3A_163 = arith.muli %add3A_37, %mul3A_162 : i32
        %add3A_164 = arith.constant 2 : i32
        %add3A_165 = arith.addi %mul3A_163, %add3A_164 : i32
        %add3A_166 = vector.broadcast %add3A_165 : i32 to vector<16xi32>
        %add3A_167 = arith.addi %add3A_166, %mul3A_5 : vector<16xi32>
        %add3A_168 = arith.constant 2 : i32
        %add3A_169 = vector.broadcast %add3A_168 : i32 to vector<16xi32>
        %add3A_170 = arith.addi %mul3A_63, %add3A_169 : vector<16xi32>
        tpu.vector_store_idx %arg16[%add3A_167], %add3A_170 : memref<1600xi32, #tpu.memory_space<vmem>>[vector<16xi32>], vector<16xi32>,
        %add3A_171 = arith.constant 3 : i32
        %add3A_172 = vector.broadcast %add3A_171 : i32 to vector<16xi32>
        %add3A_173 = arith.addi %mul3A_51, %add3A_172 : vector<16xi32>
        %gather3A_174 = tpu.vector_load_idx %arg10[%add3A_173] : memref<80000xf32, #tpu.memory_space<vmem>>[vector<16xi32>], vector<16xf32>,
        %add3A_175 = arith.constant 3 : i32
        %add3A_176 = vector.broadcast %add3A_175 : i32 to vector<16xi32>
        %add3A_177 = arith.addi %mul3A_60, %add3A_176 : vector<16xi32>
        %gather3A_178 = tpu.vector_load_idx %arg11[%add3A_177] : memref<152xf32, #tpu.memory_space<vmem>>[vector<16xi32>], vector<16xf32>,
        %add3A_179 = arith.addf %gather3A_174, %gather3A_178 : vector<16xf32>
        %add3A_180 = arith.constant 3 : i32
        %add3A_181 = vector.broadcast %add3A_180 : i32 to vector<16xi32>
        %add3A_182 = arith.addi %add3A_57, %add3A_181 : vector<16xi32>
        %gather3A_183 = tpu.vector_load_idx %arg10[%add3A_182] : memref<80000xf32, #tpu.memory_space<vmem>>[vector<16xi32>], vector<16xf32>,
        %add3A_184 = arith.addf %add3A_179, %gather3A_183 : vector<16xf32>
        %ge3A_185 = arith.constant 0.000000e+00 : f32
        %ge3A_186 = vector.broadcast %ge3A_185 : f32 to vector<16xf32>
        %ge3A_187 = arith.cmpf oge, %add3A_184, %ge3A_186 : vector<16xf32>
        %mul3A_188 = arith.constant 2.000000e-01 : f32
        %mul3A_189 = vector.broadcast %mul3A_188 : f32 to vector<16xf32>
        %mul3A_190 = arith.mulf %add3A_184, %mul3A_189 : vector<16xf32>
        %select_n3A_191 = arith.select %ge3A_187, %add3A_184, %mul3A_190 : vector<16xi1>, vector<16xf32>
        %exp3A_192 = math.exp %select_n3A_191 : vector<16xf32>
        %mul3A_193 = arith.constant 64 : i32
        %mul3A_194 = arith.muli %add3A_37, %mul3A_193 : i32
        %add3A_195 = arith.constant 3 : i32
        %add3A_196 = arith.addi %mul3A_194, %add3A_195 : i32
        %add3A_197 = vector.broadcast %add3A_196 : i32 to vector<16xi32>
        %add3A_198 = arith.addi %add3A_197, %mul3A_5 : vector<16xi32>
        tpu.vector_store_idx %arg15[%add3A_198], %exp3A_192 : memref<1600xf32, #tpu.memory_space<vmem>>[vector<16xi32>], vector<16xf32>,
        %mul3A_199 = arith.constant 64 : i32
        %mul3A_200 = arith.muli %add3A_37, %mul3A_199 : i32
        %add3A_201 = arith.constant 3 : i32
        %add3A_202 = arith.addi %mul3A_200, %add3A_201 : i32
        %add3A_203 = vector.broadcast %add3A_202 : i32 to vector<16xi32>
        %add3A_204 = arith.addi %add3A_203, %mul3A_5 : vector<16xi32>
        %add3A_205 = arith.constant 3 : i32
        %add3A_206 = vector.broadcast %add3A_205 : i32 to vector<16xi32>
        %add3A_207 = arith.addi %mul3A_63, %add3A_206 : vector<16xi32>
        tpu.vector_store_idx %arg16[%add3A_204], %add3A_207 : memref<1600xi32, #tpu.memory_space<vmem>>[vector<16xi32>], vector<16xi32>,
      }
      %scan3A_30 = arith.constant 25 : i32
      %mul3A_31 = arith.constant 4 : i32
      %mul3A_32 = arith.muli %add3A_25, %mul3A_31 : i32
      "tpu.region"() ({
        %run_scoped3A = tpu.sem_alloc : memref<!tpu.dma_semaphore, #tpu.memory_space<semaphore_mem>>
        %dma_start3A = tpu.memref_slice %arg8[%mul3A_32] : memref<1280000xf32, #tpu.memory_space<hbm>> -> memref<1600xf32, #tpu.memory_space<hbm>>
        %dma_start3A_33 = tpu.memref_slice %arg8[%mul3A_32] : memref<1280000xf32, #tpu.memory_space<hbm>> -> memref<1600xf32, #tpu.memory_space<hbm>>
        tpu.enqueue_dma source(%arg15 : memref<1600xf32, #tpu.memory_space<vmem>>) target(%dma_start3A_33 : memref<1600xf32, #tpu.memory_space<hbm>>) target_semaphore(%run_scoped3A : memref<!tpu.dma_semaphore, #tpu.memory_space<semaphore_mem>>)
        %dma_wait3A = tpu.memref_slice %arg8[%mul3A_32] : memref<1280000xf32, #tpu.memory_space<hbm>> -> memref<1600xf32, #tpu.memory_space<hbm>>
        %dma_wait3A_34 = tpu.memref_slice %arg8[%mul3A_32] : memref<1280000xf32, #tpu.memory_space<hbm>> -> memref<1600xf32, #tpu.memory_space<hbm>>
        tpu.wait_dma2 semaphore(%run_scoped3A : memref<!tpu.dma_semaphore, #tpu.memory_space<semaphore_mem>>) src(%arg15 : memref<1600xf32, #tpu.memory_space<vmem>>) dst(%dma_wait3A_34 : memref<1600xf32, #tpu.memory_space<hbm>>)
        tpu.yield
      }) : () -> ()
      "tpu.region"() ({
        %run_scoped3A = tpu.sem_alloc : memref<!tpu.dma_semaphore, #tpu.memory_space<semaphore_mem>>
        %dma_start3A = arith.constant 0 : i32
        %dma_start3A_33 = tpu.memref_slice %arg18[%dma_start3A] : memref<40000xf32, #tpu.memory_space<vmem_shared>> -> memref<40000xf32, #tpu.memory_space<vmem_shared>>
        tpu.enqueue_indirect_dma source(%arg15 : memref<1600xf32, #tpu.memory_space<vmem>>) target(%dma_start3A_33 : memref<40000xf32, #tpu.memory_space<vmem_shared>>) offsets(%arg16 : memref<1600xi32, #tpu.memory_space<vmem>>) semaphore(%run_scoped3A : memref<!tpu.dma_semaphore, #tpu.memory_space<semaphore_mem>>) {add = true}
        %dma_wait3A = arith.constant 0 : i32
        %dma_wait3A_34 = tpu.memref_slice %arg18[%dma_wait3A] : memref<40000xf32, #tpu.memory_space<vmem_shared>> -> memref<40000xf32, #tpu.memory_space<vmem_shared>>
        tpu.wait_indirect_dma semaphore(%run_scoped3A : memref<!tpu.dma_semaphore, #tpu.memory_space<semaphore_mem>>) src(%arg15 : memref<1600xf32, #tpu.memory_space<vmem>>) dst(%dma_wait3A_34 : memref<40000xf32, #tpu.memory_space<vmem_shared>>)
        tpu.yield
      }) : () -> ()
    }
    %scan3A_9 = arith.constant 25 : i32
    %barrier3A_10 = arith.constant 0 : index
    tpu.barrier barrier_id(%barrier3A_10)
    %lt3A_11 = arith.constant 10 : i32
    %lt3A_12 = arith.cmpi slt, %arg1, %lt3A_11 : i32
    %convert_element_type3A_13 = arith.extui %lt3A_12 : i1 to i32
    %cond3A_14 = arith.constant 0 : i32
    %cond3A_15 = arith.cmpi ne, %convert_element_type3A_13, %cond3A_14 : i32
    scf.if %cond3A_15 {
      %mul3A_16 = arith.constant 1000 : i32
      %mul3A_17 = arith.muli %arg1, %mul3A_16 : i32
      %mul3A_18 = arith.constant 4 : i32
      %mul3A_19 = arith.muli %mul3A_17, %mul3A_18 : i32
      "tpu.region"() ({
        %run_scoped3A = tpu.sem_alloc : memref<!tpu.dma_semaphore, #tpu.memory_space<semaphore_mem>>
        %dma_start3A = tpu.memref_slice %arg18[%mul3A_19] : memref<40000xf32, #tpu.memory_space<vmem_shared>> -> memref<4000xf32, #tpu.memory_space<vmem_shared>>
        %dma_start3A_27 = tpu.memref_slice %arg18[%mul3A_19] : memref<40000xf32, #tpu.memory_space<vmem_shared>> -> memref<4000xf32, #tpu.memory_space<vmem_shared>>
        tpu.enqueue_dma source(%dma_start3A_27 : memref<4000xf32, #tpu.memory_space<vmem_shared>>) target(%arg17 : memref<4000xf32, #tpu.memory_space<vmem>>) target_semaphore(%run_scoped3A : memref<!tpu.dma_semaphore, #tpu.memory_space<semaphore_mem>>)
        %dma_wait3A = tpu.memref_slice %arg18[%mul3A_19] : memref<40000xf32, #tpu.memory_space<vmem_shared>> -> memref<4000xf32, #tpu.memory_space<vmem_shared>>
        %dma_wait3A_28 = tpu.memref_slice %arg18[%mul3A_19] : memref<40000xf32, #tpu.memory_space<vmem_shared>> -> memref<4000xf32, #tpu.memory_space<vmem_shared>>
        tpu.wait_dma2 semaphore(%run_scoped3A : memref<!tpu.dma_semaphore, #tpu.memory_space<semaphore_mem>>) src(%dma_wait3A_28 : memref<4000xf32, #tpu.memory_space<vmem_shared>>) dst(%arg17 : memref<4000xf32, #tpu.memory_space<vmem>>)
        tpu.yield
      }) : () -> ()
      %mul3A_20 = arith.constant 10000 : i32
      %mul3A_21 = arith.muli %arg0, %mul3A_20 : i32
      %mul3A_22 = arith.constant 1000 : i32
      %mul3A_23 = arith.muli %arg1, %mul3A_22 : i32
      %add3A_24 = arith.addi %mul3A_21, %mul3A_23 : i32
      %mul3A_25 = arith.constant 4 : i32
      %mul3A_26 = arith.muli %add3A_24, %mul3A_25 : i32
      "tpu.region"() ({
        %run_scoped3A = tpu.sem_alloc : memref<!tpu.dma_semaphore, #tpu.memory_space<semaphore_mem>>
        %dma_start3A = tpu.memref_slice %arg9[%mul3A_26] : memref<80000xf32, #tpu.memory_space<hbm>> -> memref<4000xf32, #tpu.memory_space<hbm>>
        %dma_start3A_27 = tpu.memref_slice %arg9[%mul3A_26] : memref<80000xf32, #tpu.memory_space<hbm>> -> memref<4000xf32, #tpu.memory_space<hbm>>
        tpu.enqueue_dma source(%arg17 : memref<4000xf32, #tpu.memory_space<vmem>>) target(%dma_start3A_27 : memref<4000xf32, #tpu.memory_space<hbm>>) target_semaphore(%run_scoped3A : memref<!tpu.dma_semaphore, #tpu.memory_space<semaphore_mem>>)
        %dma_wait3A = tpu.memref_slice %arg9[%mul3A_26] : memref<80000xf32, #tpu.memory_space<hbm>> -> memref<4000xf32, #tpu.memory_space<hbm>>
        %dma_wait3A_28 = tpu.memref_slice %arg9[%mul3A_26] : memref<80000xf32, #tpu.memory_space<hbm>> -> memref<4000xf32, #tpu.memory_space<hbm>>
        tpu.wait_dma2 semaphore(%run_scoped3A : memref<!tpu.dma_semaphore, #tpu.memory_space<semaphore_mem>>) src(%arg17 : memref<4000xf32, #tpu.memory_space<vmem>>) dst(%dma_wait3A_28 : memref<4000xf32, #tpu.memory_space<hbm>>)
        tpu.yield
      }) : () -> ()
    } else {
    }
    return
  }
}

#map = affine_map<(d0, d1) -> (0)>
#map1 = affine_map<(d0, d1) -> (0, 0)>
module attributes {stable_mosaic.version = 14 : i64} {
  func.func @_pass_b(%arg0: i32, %arg1: i32, %arg2: memref<320000xi32, #tpu.memory_space<hbm>>, %arg3: memref<320000xi32, #tpu.memory_space<hbm>>, %arg4: memref<320000xi32, #tpu.memory_space<hbm>>, %arg5: memref<1280000xf32, #tpu.memory_space<hbm>>, %arg6: memref<40000xf32, #tpu.memory_space<hbm>>, %arg7: memref<4864xf32, #tpu.memory_space<hbm>>, %arg8: memref<10000x128xf32, #tpu.memory_space<hbm>>, %arg9: memref<10000x128xf32, #tpu.memory_space<hbm>>, %arg10: memref<1280000xf32, #tpu.memory_space<hbm>>, %arg11: memref<20000x128xf32, #tpu.memory_space<hbm>>, %arg12: memref<4864xf32, #tpu.memory_space<vmem>>, %arg13: memref<80xi32, #tpu.memory_space<vmem>>, %arg14: memref<80xi32, #tpu.memory_space<vmem>>, %arg15: memref<80xi32, #tpu.memory_space<vmem>>, %arg16: memref<80xi32, #tpu.memory_space<vmem>>, %arg17: memref<80xi32, #tpu.memory_space<vmem>>, %arg18: memref<80xi32, #tpu.memory_space<vmem>>, %arg19: memref<320xf32, #tpu.memory_space<vmem>>, %arg20: memref<320xf32, #tpu.memory_space<vmem>>, %arg21: memref<80x128xf32, #tpu.memory_space<vmem>>, %arg22: memref<80x128xf32, #tpu.memory_space<vmem>>, %arg23: memref<320xi32, #tpu.memory_space<vmem>>, %arg24: memref<320xf32, #tpu.memory_space<vmem>>, %arg25: memref<320xf32, #tpu.memory_space<vmem>>, %arg26: memref<4000xf32, #tpu.memory_space<vmem>>, %arg27: memref<40000xf32, #tpu.memory_space<vmem_shared>>, %arg28: memref<10000x128xf32, #tpu.memory_space<vmem_shared>>, %arg29: memref<!tpu.dma_semaphore, #tpu.memory_space<semaphore_mem>>, %arg30: memref<!tpu.dma_semaphore, #tpu.memory_space<semaphore_mem>>, %arg31: memref<!tpu.dma_semaphore, #tpu.memory_space<semaphore_mem>>, %arg32: memref<!tpu.dma_semaphore, #tpu.memory_space<semaphore_mem>>) attributes {dimension_semantics = [#tpu.dimension_semantics<core_parallel>, #tpu.dimension_semantics<subcore_parallel>], iteration_bounds = array<i64: 2, 16>, scalar_prefetch = 0 : i64, scratch_operands = 21 : i64, tpu.core_type = #tpu.core_type<sc_vector_subcore>, window_params = [{transform_indices = #map}, {transform_indices = #map}, {transform_indices = #map}, {transform_indices = #map}, {transform_indices = #map}, {transform_indices = #map}, {transform_indices = #map1}, {transform_indices = #map1}, {transform_indices = #map}, {transform_indices = #map1}]} {
    %mul3A = arith.constant 2 : i32
    %mul3A_0 = arith.muli %arg1, %mul3A : i32
    %add3A = arith.addi %mul3A_0, %arg0 : i32
    %lt3A = arith.constant 10 : i32
    %lt3A_1 = arith.cmpi slt, %arg1, %lt3A : i32
    %convert_element_type3A = arith.extui %lt3A_1 : i1 to i32
    %cond3A = arith.constant 0 : i32
    %cond3A_2 = arith.cmpi ne, %convert_element_type3A, %cond3A : i32
    scf.if %cond3A_2 {
      %mul3A_144 = arith.constant 1000 : i32
      %mul3A_145 = arith.muli %arg1, %mul3A_144 : i32
      %mul3A_146 = arith.constant 1000 : i32
      %mul3A_147 = arith.muli %arg1, %mul3A_146 : i32
      "tpu.region"() ({
        %run_scoped3A = tpu.sem_alloc : memref<!tpu.dma_semaphore, #tpu.memory_space<semaphore_mem>>
        %dma_start3A_156 = arith.constant 0 : i32
        %dma_start3A_157 = tpu.memref_slice %arg28[%mul3A_147, %dma_start3A_156] : memref<10000x128xf32, #tpu.memory_space<vmem_shared>> -> memref<1000x128xf32, #tpu.memory_space<vmem_shared>>
        %dma_start3A_158 = arith.constant 0 : i32
        %dma_start3A_159 = tpu.memref_slice %arg9[%mul3A_145, %dma_start3A_158] : memref<10000x128xf32, #tpu.memory_space<hbm>> -> memref<1000x128xf32, #tpu.memory_space<hbm>>
        tpu.enqueue_dma source(%dma_start3A_159 : memref<1000x128xf32, #tpu.memory_space<hbm>>) target(%dma_start3A_157 : memref<1000x128xf32, #tpu.memory_space<vmem_shared>>) target_semaphore(%run_scoped3A : memref<!tpu.dma_semaphore, #tpu.memory_space<semaphore_mem>>)
        %dma_wait3A_160 = arith.constant 0 : i32
        %dma_wait3A_161 = tpu.memref_slice %arg28[%mul3A_147, %dma_wait3A_160] : memref<10000x128xf32, #tpu.memory_space<vmem_shared>> -> memref<1000x128xf32, #tpu.memory_space<vmem_shared>>
        %dma_wait3A_162 = arith.constant 0 : i32
        %dma_wait3A_163 = tpu.memref_slice %arg9[%mul3A_145, %dma_wait3A_162] : memref<10000x128xf32, #tpu.memory_space<hbm>> -> memref<1000x128xf32, #tpu.memory_space<hbm>>
        tpu.wait_dma2 semaphore(%run_scoped3A : memref<!tpu.dma_semaphore, #tpu.memory_space<semaphore_mem>>) src(%dma_wait3A_163 : memref<1000x128xf32, #tpu.memory_space<hbm>>) dst(%dma_wait3A_161 : memref<1000x128xf32, #tpu.memory_space<vmem_shared>>)
        tpu.yield
      }) : () -> ()
      %mul3A_148 = arith.constant 1000 : i32
      %mul3A_149 = arith.muli %arg1, %mul3A_148 : i32
      %mul3A_150 = arith.constant 4 : i32
      %mul3A_151 = arith.muli %mul3A_149, %mul3A_150 : i32
      "tpu.region"() ({
        %run_scoped3A = tpu.sem_alloc : memref<!tpu.dma_semaphore, #tpu.memory_space<semaphore_mem>>
        %dma_start3A_156 = tpu.memref_slice %arg6[%mul3A_151] : memref<40000xf32, #tpu.memory_space<hbm>> -> memref<4000xf32, #tpu.memory_space<hbm>>
        %dma_start3A_157 = tpu.memref_slice %arg6[%mul3A_151] : memref<40000xf32, #tpu.memory_space<hbm>> -> memref<4000xf32, #tpu.memory_space<hbm>>
        tpu.enqueue_dma source(%dma_start3A_157 : memref<4000xf32, #tpu.memory_space<hbm>>) target(%arg26 : memref<4000xf32, #tpu.memory_space<vmem>>) target_semaphore(%run_scoped3A : memref<!tpu.dma_semaphore, #tpu.memory_space<semaphore_mem>>)
        %dma_wait3A_158 = tpu.memref_slice %arg6[%mul3A_151] : memref<40000xf32, #tpu.memory_space<hbm>> -> memref<4000xf32, #tpu.memory_space<hbm>>
        %dma_wait3A_159 = tpu.memref_slice %arg6[%mul3A_151] : memref<40000xf32, #tpu.memory_space<hbm>> -> memref<4000xf32, #tpu.memory_space<hbm>>
        tpu.wait_dma2 semaphore(%run_scoped3A : memref<!tpu.dma_semaphore, #tpu.memory_space<semaphore_mem>>) src(%dma_wait3A_159 : memref<4000xf32, #tpu.memory_space<hbm>>) dst(%arg26 : memref<4000xf32, #tpu.memory_space<vmem>>)
        tpu.yield
      }) : () -> ()
      %mul3A_152 = arith.constant 1000 : i32
      %mul3A_153 = arith.muli %arg1, %mul3A_152 : i32
      %mul3A_154 = arith.constant 4 : i32
      %mul3A_155 = arith.muli %mul3A_153, %mul3A_154 : i32
      "tpu.region"() ({
        %run_scoped3A = tpu.sem_alloc : memref<!tpu.dma_semaphore, #tpu.memory_space<semaphore_mem>>
        %dma_start3A_156 = tpu.memref_slice %arg27[%mul3A_155] : memref<40000xf32, #tpu.memory_space<vmem_shared>> -> memref<4000xf32, #tpu.memory_space<vmem_shared>>
        %dma_start3A_157 = tpu.memref_slice %arg27[%mul3A_155] : memref<40000xf32, #tpu.memory_space<vmem_shared>> -> memref<4000xf32, #tpu.memory_space<vmem_shared>>
        tpu.enqueue_dma source(%arg26 : memref<4000xf32, #tpu.memory_space<vmem>>) target(%dma_start3A_157 : memref<4000xf32, #tpu.memory_space<vmem_shared>>) target_semaphore(%run_scoped3A : memref<!tpu.dma_semaphore, #tpu.memory_space<semaphore_mem>>)
        %dma_wait3A_158 = tpu.memref_slice %arg27[%mul3A_155] : memref<40000xf32, #tpu.memory_space<vmem_shared>> -> memref<4000xf32, #tpu.memory_space<vmem_shared>>
        %dma_wait3A_159 = tpu.memref_slice %arg27[%mul3A_155] : memref<40000xf32, #tpu.memory_space<vmem_shared>> -> memref<4000xf32, #tpu.memory_space<vmem_shared>>
        tpu.wait_dma2 semaphore(%run_scoped3A : memref<!tpu.dma_semaphore, #tpu.memory_space<semaphore_mem>>) src(%arg26 : memref<4000xf32, #tpu.memory_space<vmem>>) dst(%dma_wait3A_159 : memref<4000xf32, #tpu.memory_space<vmem_shared>>)
        tpu.yield
      }) : () -> ()
    } else {
    }
    "tpu.region"() ({
      %run_scoped3A = tpu.sem_alloc : memref<!tpu.dma_semaphore, #tpu.memory_space<semaphore_mem>>
      tpu.enqueue_dma source(%arg7 : memref<4864xf32, #tpu.memory_space<hbm>>) target(%arg12 : memref<4864xf32, #tpu.memory_space<vmem>>) target_semaphore(%run_scoped3A : memref<!tpu.dma_semaphore, #tpu.memory_space<semaphore_mem>>)
      tpu.wait_dma2 semaphore(%run_scoped3A : memref<!tpu.dma_semaphore, #tpu.memory_space<semaphore_mem>>) src(%arg7 : memref<4864xf32, #tpu.memory_space<hbm>>) dst(%arg12 : memref<4864xf32, #tpu.memory_space<vmem>>)
      tpu.yield
    }) : () -> ()
    %barrier3A = arith.constant 0 : index
    tpu.barrier barrier_id(%barrier3A)
    %iota3A = tpu.iota {dimensions = array<i32: 0>} : vector<16xi32>
    %and3A = arith.constant 3 : i32
    %and3A_3 = vector.broadcast %and3A : i32 to vector<16xi32>
    %and3A_4 = arith.andi %iota3A, %and3A_3 : vector<16xi32>
    %shift_right_arithmetic3A = arith.constant 2 : i32
    %shift_right_arithmetic3A_5 = vector.broadcast %shift_right_arithmetic3A : i32 to vector<16xi32>
    %shift_right_arithmetic3A_6 = arith.shrsi %iota3A, %shift_right_arithmetic3A_5 : vector<16xi32>
    %mul3A_7 = arith.constant 10000 : i32
    %mul3A_8 = arith.muli %add3A, %mul3A_7 : i32
    %add3A_9 = arith.constant 0 : i32
    %add3A_10 = arith.addi %mul3A_8, %add3A_9 : i32
    "tpu.region"() ({
      %run_scoped3A = tpu.sem_alloc : memref<!tpu.dma_semaphore, #tpu.memory_space<semaphore_mem>>
      %dma_start3A_144 = tpu.memref_slice %arg2[%add3A_10] : memref<320000xi32, #tpu.memory_space<hbm>> -> memref<80xi32, #tpu.memory_space<hbm>>
      %dma_start3A_145 = tpu.memref_slice %arg2[%add3A_10] : memref<320000xi32, #tpu.memory_space<hbm>> -> memref<80xi32, #tpu.memory_space<hbm>>
      tpu.enqueue_dma source(%dma_start3A_145 : memref<80xi32, #tpu.memory_space<hbm>>) target(%arg13 : memref<80xi32, #tpu.memory_space<vmem>>) target_semaphore(%run_scoped3A : memref<!tpu.dma_semaphore, #tpu.memory_space<semaphore_mem>>)
      %dma_wait3A_146 = tpu.memref_slice %arg2[%add3A_10] : memref<320000xi32, #tpu.memory_space<hbm>> -> memref<80xi32, #tpu.memory_space<hbm>>
      %dma_wait3A_147 = tpu.memref_slice %arg2[%add3A_10] : memref<320000xi32, #tpu.memory_space<hbm>> -> memref<80xi32, #tpu.memory_space<hbm>>
      tpu.wait_dma2 semaphore(%run_scoped3A : memref<!tpu.dma_semaphore, #tpu.memory_space<semaphore_mem>>) src(%dma_wait3A_147 : memref<80xi32, #tpu.memory_space<hbm>>) dst(%arg13 : memref<80xi32, #tpu.memory_space<vmem>>)
      tpu.yield
    }) : () -> ()
    "tpu.region"() ({
      %run_scoped3A = tpu.sem_alloc : memref<!tpu.dma_semaphore, #tpu.memory_space<semaphore_mem>>
      %dma_start3A_144 = tpu.memref_slice %arg3[%add3A_10] : memref<320000xi32, #tpu.memory_space<hbm>> -> memref<80xi32, #tpu.memory_space<hbm>>
      %dma_start3A_145 = tpu.memref_slice %arg3[%add3A_10] : memref<320000xi32, #tpu.memory_space<hbm>> -> memref<80xi32, #tpu.memory_space<hbm>>
      tpu.enqueue_dma source(%dma_start3A_145 : memref<80xi32, #tpu.memory_space<hbm>>) target(%arg15 : memref<80xi32, #tpu.memory_space<vmem>>) target_semaphore(%run_scoped3A : memref<!tpu.dma_semaphore, #tpu.memory_space<semaphore_mem>>)
      %dma_wait3A_146 = tpu.memref_slice %arg3[%add3A_10] : memref<320000xi32, #tpu.memory_space<hbm>> -> memref<80xi32, #tpu.memory_space<hbm>>
      %dma_wait3A_147 = tpu.memref_slice %arg3[%add3A_10] : memref<320000xi32, #tpu.memory_space<hbm>> -> memref<80xi32, #tpu.memory_space<hbm>>
      tpu.wait_dma2 semaphore(%run_scoped3A : memref<!tpu.dma_semaphore, #tpu.memory_space<semaphore_mem>>) src(%dma_wait3A_147 : memref<80xi32, #tpu.memory_space<hbm>>) dst(%arg15 : memref<80xi32, #tpu.memory_space<vmem>>)
      tpu.yield
    }) : () -> ()
    "tpu.region"() ({
      %run_scoped3A = tpu.sem_alloc : memref<!tpu.dma_semaphore, #tpu.memory_space<semaphore_mem>>
      %dma_start3A_144 = tpu.memref_slice %arg4[%add3A_10] : memref<320000xi32, #tpu.memory_space<hbm>> -> memref<80xi32, #tpu.memory_space<hbm>>
      %dma_start3A_145 = tpu.memref_slice %arg4[%add3A_10] : memref<320000xi32, #tpu.memory_space<hbm>> -> memref<80xi32, #tpu.memory_space<hbm>>
      tpu.enqueue_dma source(%dma_start3A_145 : memref<80xi32, #tpu.memory_space<hbm>>) target(%arg17 : memref<80xi32, #tpu.memory_space<vmem>>) target_semaphore(%run_scoped3A : memref<!tpu.dma_semaphore, #tpu.memory_space<semaphore_mem>>)
      %dma_wait3A_146 = tpu.memref_slice %arg4[%add3A_10] : memref<320000xi32, #tpu.memory_space<hbm>> -> memref<80xi32, #tpu.memory_space<hbm>>
      %dma_wait3A_147 = tpu.memref_slice %arg4[%add3A_10] : memref<320000xi32, #tpu.memory_space<hbm>> -> memref<80xi32, #tpu.memory_space<hbm>>
      tpu.wait_dma2 semaphore(%run_scoped3A : memref<!tpu.dma_semaphore, #tpu.memory_space<semaphore_mem>>) src(%dma_wait3A_147 : memref<80xi32, #tpu.memory_space<hbm>>) dst(%arg17 : memref<80xi32, #tpu.memory_space<vmem>>)
      tpu.yield
    }) : () -> ()
    %mul3A_11 = arith.constant 4 : i32
    %mul3A_12 = arith.muli %add3A_10, %mul3A_11 : i32
    "tpu.region"() ({
      %run_scoped3A = tpu.sem_alloc : memref<!tpu.dma_semaphore, #tpu.memory_space<semaphore_mem>>
      %dma_start3A_144 = tpu.memref_slice %arg5[%mul3A_12] : memref<1280000xf32, #tpu.memory_space<hbm>> -> memref<320xf32, #tpu.memory_space<hbm>>
      %dma_start3A_145 = tpu.memref_slice %arg5[%mul3A_12] : memref<1280000xf32, #tpu.memory_space<hbm>> -> memref<320xf32, #tpu.memory_space<hbm>>
      tpu.enqueue_dma source(%dma_start3A_145 : memref<320xf32, #tpu.memory_space<hbm>>) target(%arg19 : memref<320xf32, #tpu.memory_space<vmem>>) target_semaphore(%run_scoped3A : memref<!tpu.dma_semaphore, #tpu.memory_space<semaphore_mem>>)
      %dma_wait3A_146 = tpu.memref_slice %arg5[%mul3A_12] : memref<1280000xf32, #tpu.memory_space<hbm>> -> memref<320xf32, #tpu.memory_space<hbm>>
      %dma_wait3A_147 = tpu.memref_slice %arg5[%mul3A_12] : memref<1280000xf32, #tpu.memory_space<hbm>> -> memref<320xf32, #tpu.memory_space<hbm>>
      tpu.wait_dma2 semaphore(%run_scoped3A : memref<!tpu.dma_semaphore, #tpu.memory_space<semaphore_mem>>) src(%dma_wait3A_147 : memref<320xf32, #tpu.memory_space<hbm>>) dst(%arg19 : memref<320xf32, #tpu.memory_space<vmem>>)
      tpu.yield
    }) : () -> ()
    %dma_start3A = arith.constant 0 : i32
    %dma_start3A_13 = arith.constant 0 : i32
    %dma_start3A_14 = tpu.memref_slice %arg8[%dma_start3A, %dma_start3A_13] : memref<10000x128xf32, #tpu.memory_space<hbm>> -> memref<10000x128xf32, #tpu.memory_space<hbm>>
    tpu.enqueue_indirect_dma source(%dma_start3A_14 : memref<10000x128xf32, #tpu.memory_space<hbm>>) target(%arg21 : memref<80x128xf32, #tpu.memory_space<vmem>>) offsets(%arg13 : memref<80xi32, #tpu.memory_space<vmem>>) semaphore(%arg29 : memref<!tpu.dma_semaphore, #tpu.memory_space<semaphore_mem>>)
    %add3A_15 = arith.constant 80 : i32
    %add3A_16 = arith.addi %mul3A_8, %add3A_15 : i32
    %dma_start3A_17 = tpu.memref_slice %arg2[%add3A_16] : memref<320000xi32, #tpu.memory_space<hbm>> -> memref<80xi32, #tpu.memory_space<hbm>>
    %dma_start3A_18 = tpu.memref_slice %arg2[%add3A_16] : memref<320000xi32, #tpu.memory_space<hbm>> -> memref<80xi32, #tpu.memory_space<hbm>>
    tpu.enqueue_dma source(%dma_start3A_18 : memref<80xi32, #tpu.memory_space<hbm>>) target(%arg14 : memref<80xi32, #tpu.memory_space<vmem>>) target_semaphore(%arg32 : memref<!tpu.dma_semaphore, #tpu.memory_space<semaphore_mem>>)
    %dma_start3A_19 = tpu.memref_slice %arg3[%add3A_16] : memref<320000xi32, #tpu.memory_space<hbm>> -> memref<80xi32, #tpu.memory_space<hbm>>
    %dma_start3A_20 = tpu.memref_slice %arg3[%add3A_16] : memref<320000xi32, #tpu.memory_space<hbm>> -> memref<80xi32, #tpu.memory_space<hbm>>
    tpu.enqueue_dma source(%dma_start3A_20 : memref<80xi32, #tpu.memory_space<hbm>>) target(%arg16 : memref<80xi32, #tpu.memory_space<vmem>>) target_semaphore(%arg32 : memref<!tpu.dma_semaphore, #tpu.memory_space<semaphore_mem>>)
    %dma_start3A_21 = tpu.memref_slice %arg4[%add3A_16] : memref<320000xi32, #tpu.memory_space<hbm>> -> memref<80xi32, #tpu.memory_space<hbm>>
    %dma_start3A_22 = tpu.memref_slice %arg4[%add3A_16] : memref<320000xi32, #tpu.memory_space<hbm>> -> memref<80xi32, #tpu.memory_space<hbm>>
    tpu.enqueue_dma source(%dma_start3A_22 : memref<80xi32, #tpu.memory_space<hbm>>) target(%arg18 : memref<80xi32, #tpu.memory_space<vmem>>) target_semaphore(%arg32 : memref<!tpu.dma_semaphore, #tpu.memory_space<semaphore_mem>>)
    %mul3A_23 = arith.constant 4 : i32
    %mul3A_24 = arith.muli %add3A_16, %mul3A_23 : i32
    %dma_start3A_25 = tpu.memref_slice %arg5[%mul3A_24] : memref<1280000xf32, #tpu.memory_space<hbm>> -> memref<320xf32, #tpu.memory_space<hbm>>
    %dma_start3A_26 = tpu.memref_slice %arg5[%mul3A_24] : memref<1280000xf32, #tpu.memory_space<hbm>> -> memref<320xf32, #tpu.memory_space<hbm>>
    tpu.enqueue_dma source(%dma_start3A_26 : memref<320xf32, #tpu.memory_space<hbm>>) target(%arg20 : memref<320xf32, #tpu.memory_space<vmem>>) target_semaphore(%arg32 : memref<!tpu.dma_semaphore, #tpu.memory_space<semaphore_mem>>)
    %scan3A = arith.constant 0 : i32
    %scan3A_27 = arith.constant 61 : i32
    %scan3A_28 = arith.addi %scan3A, %scan3A_27 : i32
    %scan3A_29 = arith.constant 1 : i32
    scf.for %scan3A_144 = %scan3A to %scan3A_28 step %scan3A_29  : i32 {
      %mul3A_145 = arith.constant 1 : i32
      %mul3A_146 = arith.muli %scan3A_144, %mul3A_145 : i32
      %add3A_147 = arith.constant 0 : i32
      %add3A_148 = arith.addi %add3A_147, %mul3A_146 : i32
      %mul3A_149 = arith.constant 2 : i32
      %mul3A_150 = arith.muli %add3A_148, %mul3A_149 : i32
      %add3A_151 = arith.constant 0 : i32
      %add3A_152 = arith.addi %mul3A_150, %add3A_151 : i32
      %add3A_153 = arith.constant 1 : i32
      %add3A_154 = arith.addi %add3A_152, %add3A_153 : i32
      %mul3A_155 = arith.constant 80 : i32
      %mul3A_156 = arith.muli %add3A_154, %mul3A_155 : i32
      %add3A_157 = arith.addi %mul3A_8, %mul3A_156 : i32
      %dma_wait3A_158 = tpu.memref_slice %arg2[%add3A_157] : memref<320000xi32, #tpu.memory_space<hbm>> -> memref<80xi32, #tpu.memory_space<hbm>>
      %dma_wait3A_159 = tpu.memref_slice %arg2[%add3A_157] : memref<320000xi32, #tpu.memory_space<hbm>> -> memref<80xi32, #tpu.memory_space<hbm>>
      tpu.wait_dma2 semaphore(%arg32 : memref<!tpu.dma_semaphore, #tpu.memory_space<semaphore_mem>>) src(%dma_wait3A_159 : memref<80xi32, #tpu.memory_space<hbm>>) dst(%arg14 : memref<80xi32, #tpu.memory_space<vmem>>)
      %dma_wait3A_160 = tpu.memref_slice %arg3[%add3A_157] : memref<320000xi32, #tpu.memory_space<hbm>> -> memref<80xi32, #tpu.memory_space<hbm>>
      %dma_wait3A_161 = tpu.memref_slice %arg3[%add3A_157] : memref<320000xi32, #tpu.memory_space<hbm>> -> memref<80xi32, #tpu.memory_space<hbm>>
      tpu.wait_dma2 semaphore(%arg32 : memref<!tpu.dma_semaphore, #tpu.memory_space<semaphore_mem>>) src(%dma_wait3A_161 : memref<80xi32, #tpu.memory_space<hbm>>) dst(%arg16 : memref<80xi32, #tpu.memory_space<vmem>>)
      %dma_wait3A_162 = tpu.memref_slice %arg4[%add3A_157] : memref<320000xi32, #tpu.memory_space<hbm>> -> memref<80xi32, #tpu.memory_space<hbm>>
      %dma_wait3A_163 = tpu.memref_slice %arg4[%add3A_157] : memref<320000xi32, #tpu.memory_space<hbm>> -> memref<80xi32, #tpu.memory_space<hbm>>
      tpu.wait_dma2 semaphore(%arg32 : memref<!tpu.dma_semaphore, #tpu.memory_space<semaphore_mem>>) src(%dma_wait3A_163 : memref<80xi32, #tpu.memory_space<hbm>>) dst(%arg18 : memref<80xi32, #tpu.memory_space<vmem>>)
      %mul3A_164 = arith.constant 4 : i32
      %mul3A_165 = arith.muli %add3A_157, %mul3A_164 : i32
      %dma_wait3A_166 = tpu.memref_slice %arg5[%mul3A_165] : memref<1280000xf32, #tpu.memory_space<hbm>> -> memref<320xf32, #tpu.memory_space<hbm>>
      %dma_wait3A_167 = tpu.memref_slice %arg5[%mul3A_165] : memref<1280000xf32, #tpu.memory_space<hbm>> -> memref<320xf32, #tpu.memory_space<hbm>>
      tpu.wait_dma2 semaphore(%arg32 : memref<!tpu.dma_semaphore, #tpu.memory_space<semaphore_mem>>) src(%dma_wait3A_167 : memref<320xf32, #tpu.memory_space<hbm>>) dst(%arg20 : memref<320xf32, #tpu.memory_space<vmem>>)
      %dma_start3A_168 = arith.constant 0 : i32
      %dma_start3A_169 = arith.constant 0 : i32
      %dma_start3A_170 = tpu.memref_slice %arg8[%dma_start3A_168, %dma_start3A_169] : memref<10000x128xf32, #tpu.memory_space<hbm>> -> memref<10000x128xf32, #tpu.memory_space<hbm>>
      tpu.enqueue_indirect_dma source(%dma_start3A_170 : memref<10000x128xf32, #tpu.memory_space<hbm>>) target(%arg22 : memref<80x128xf32, #tpu.memory_space<vmem>>) offsets(%arg14 : memref<80xi32, #tpu.memory_space<vmem>>) semaphore(%arg30 : memref<!tpu.dma_semaphore, #tpu.memory_space<semaphore_mem>>)
      %dma_wait3A_171 = arith.constant 0 : i32
      %dma_wait3A_172 = arith.constant 0 : i32
      %dma_wait3A_173 = tpu.memref_slice %arg8[%dma_wait3A_171, %dma_wait3A_172] : memref<10000x128xf32, #tpu.memory_space<hbm>> -> memref<10000x128xf32, #tpu.memory_space<hbm>>
      tpu.wait_indirect_dma semaphore(%arg29 : memref<!tpu.dma_semaphore, #tpu.memory_space<semaphore_mem>>) src(%dma_wait3A_173 : memref<10000x128xf32, #tpu.memory_space<hbm>>) dst(%arg21 : memref<80x128xf32, #tpu.memory_space<vmem>>)
      %scan3A_174 = arith.constant 0 : i32
      %scan3A_175 = arith.constant 20 : i32
      %scan3A_176 = arith.addi %scan3A_174, %scan3A_175 : i32
      %scan3A_177 = arith.constant 1 : i32
      scf.for %scan3A_269 = %scan3A_174 to %scan3A_176 step %scan3A_177  : i32 {
        %mul3A_270 = arith.constant 1 : i32
        %mul3A_271 = arith.muli %scan3A_269, %mul3A_270 : i32
        %add3A_272 = arith.constant 0 : i32
        %add3A_273 = arith.addi %add3A_272, %mul3A_271 : i32
        %mul3A_274 = arith.constant 4 : i32
        %mul3A_275 = arith.muli %add3A_273, %mul3A_274 : i32
        %add3A_276 = vector.broadcast %mul3A_275 : i32 to vector<16xi32>
        %add3A_277 = arith.addi %add3A_276, %shift_right_arithmetic3A_6 : vector<16xi32>
        %gather3A = tpu.vector_load_idx %arg15[%add3A_277] : memref<80xi32, #tpu.memory_space<vmem>>[vector<16xi32>], vector<16xi32>,
        %mul3A_278 = arith.constant 4 : i32
        %mul3A_279 = vector.broadcast %mul3A_278 : i32 to vector<16xi32>
        %mul3A_280 = arith.muli %gather3A, %mul3A_279 : vector<16xi32>
        %add3A_281 = arith.addi %mul3A_280, %and3A_4 : vector<16xi32>
        %mul3A_282 = arith.constant 16 : i32
        %mul3A_283 = arith.muli %add3A_273, %mul3A_282 : i32
        %swap3A = arith.index_cast %mul3A_283 : i32 to index
        %swap3A_284 = tpu.vector_load %arg23[%swap3A] {strides = array<i32>} : memref<320xi32, #tpu.memory_space<vmem>>, vector<16xi32>,
        tpu.vector_store %arg23[%swap3A], %add3A_281 {strides = array<i32>} : memref<320xi32, #tpu.memory_space<vmem>>, vector<16xi32>,
      }
      %scan3A_178 = arith.constant 20 : i32
      "tpu.region"() ({
        %run_scoped3A = tpu.sem_alloc : memref<!tpu.dma_semaphore, #tpu.memory_space<semaphore_mem>>
        %dma_start3A_269 = arith.constant 0 : i32
        %dma_start3A_270 = tpu.memref_slice %arg27[%dma_start3A_269] : memref<40000xf32, #tpu.memory_space<vmem_shared>> -> memref<40000xf32, #tpu.memory_space<vmem_shared>>
        tpu.enqueue_indirect_dma source(%dma_start3A_270 : memref<40000xf32, #tpu.memory_space<vmem_shared>>) target(%arg24 : memref<320xf32, #tpu.memory_space<vmem>>) offsets(%arg23 : memref<320xi32, #tpu.memory_space<vmem>>) semaphore(%run_scoped3A : memref<!tpu.dma_semaphore, #tpu.memory_space<semaphore_mem>>)
        %dma_wait3A_271 = arith.constant 0 : i32
        %dma_wait3A_272 = tpu.memref_slice %arg27[%dma_wait3A_271] : memref<40000xf32, #tpu.memory_space<vmem_shared>> -> memref<40000xf32, #tpu.memory_space<vmem_shared>>
        tpu.wait_indirect_dma semaphore(%run_scoped3A : memref<!tpu.dma_semaphore, #tpu.memory_space<semaphore_mem>>) src(%dma_wait3A_272 : memref<40000xf32, #tpu.memory_space<vmem_shared>>) dst(%arg24 : memref<320xf32, #tpu.memory_space<vmem>>)
        tpu.yield
      }) : () -> ()
      %scan3A_179 = arith.constant 0 : i32
      %scan3A_180 = arith.constant 20 : i32
      %scan3A_181 = arith.addi %scan3A_179, %scan3A_180 : i32
      %scan3A_182 = arith.constant 1 : i32
      scf.for %scan3A_269 = %scan3A_179 to %scan3A_181 step %scan3A_182  : i32 {
        %mul3A_270 = arith.constant 1 : i32
        %mul3A_271 = arith.muli %scan3A_269, %mul3A_270 : i32
        %add3A_272 = arith.constant 0 : i32
        %add3A_273 = arith.addi %add3A_272, %mul3A_271 : i32
        %mul3A_274 = arith.constant 16 : i32
        %mul3A_275 = arith.muli %add3A_273, %mul3A_274 : i32
        %get3A = arith.index_cast %mul3A_275 : i32 to index
        %get3A_276 = tpu.vector_load %arg19[%get3A] {strides = array<i32>} : memref<320xf32, #tpu.memory_space<vmem>>, vector<16xf32>,
        %mul3A_277 = arith.constant 16 : i32
        %mul3A_278 = arith.muli %add3A_273, %mul3A_277 : i32
        %get3A_279 = arith.index_cast %mul3A_278 : i32 to index
        %get3A_280 = tpu.vector_load %arg24[%get3A_279] {strides = array<i32>} : memref<320xf32, #tpu.memory_space<vmem>>, vector<16xf32>,
        %mul3A_281 = arith.mulf %get3A_276, %get3A_280 : vector<16xf32>
        %mul3A_282 = arith.constant 16 : i32
        %mul3A_283 = arith.muli %add3A_273, %mul3A_282 : i32
        %swap3A = arith.index_cast %mul3A_283 : i32 to index
        %swap3A_284 = tpu.vector_load %arg25[%swap3A] {strides = array<i32>} : memref<320xf32, #tpu.memory_space<vmem>>, vector<16xf32>,
        tpu.vector_store %arg25[%swap3A], %mul3A_281 {strides = array<i32>} : memref<320xf32, #tpu.memory_space<vmem>>, vector<16xf32>,
      }
      %scan3A_183 = arith.constant 20 : i32
      %scan3A_184 = arith.constant 0 : i32
      %scan3A_185 = arith.constant 80 : i32
      %scan3A_186 = arith.addi %scan3A_184, %scan3A_185 : i32
      %scan3A_187 = arith.constant 1 : i32
      scf.for %scan3A_269 = %scan3A_184 to %scan3A_186 step %scan3A_187  : i32 {
        %mul3A_270 = arith.constant 1 : i32
        %mul3A_271 = arith.muli %scan3A_269, %mul3A_270 : i32
        %add3A_272 = arith.constant 0 : i32
        %add3A_273 = arith.addi %add3A_272, %mul3A_271 : i32
        %broadcast_in_dim3A = vector.broadcast %add3A_273 : i32 to vector<16xi32>
        %gather3A = tpu.vector_load_idx %arg17[%broadcast_in_dim3A] : memref<80xi32, #tpu.memory_space<vmem>>[vector<16xi32>], vector<16xi32>,
        %mul3A_274 = arith.constant 128 : i32
        %mul3A_275 = vector.broadcast %mul3A_274 : i32 to vector<16xi32>
        %mul3A_276 = arith.muli %gather3A, %mul3A_275 : vector<16xi32>
        %mul3A_277 = arith.constant 4 : i32
        %mul3A_278 = arith.muli %add3A_273, %mul3A_277 : i32
        %add3A_279 = arith.constant 0 : i32
        %add3A_280 = arith.addi %mul3A_278, %add3A_279 : i32
        %broadcast_in_dim3A_281 = vector.broadcast %add3A_280 : i32 to vector<16xi32>
        %gather3A_282 = tpu.vector_load_idx %arg25[%broadcast_in_dim3A_281] : memref<320xf32, #tpu.memory_space<vmem>>[vector<16xi32>], vector<16xf32>,
        %add3A_283 = arith.constant 0 : i32
        %add3A_284 = vector.broadcast %add3A_283 : i32 to vector<16xi32>
        %add3A_285 = arith.addi %add3A_284, %iota3A : vector<16xi32>
        %add3A_286 = arith.addi %mul3A_276, %add3A_285 : vector<16xi32>
        %gather3A_287 = tpu.vector_load_idx %arg12[%add3A_286] : memref<4864xf32, #tpu.memory_space<vmem>>[vector<16xi32>], vector<16xf32>,
        %get3A = arith.index_cast %add3A_273 : i32 to index
        %get3A_288 = arith.constant 0 : index
        %get3A_289 = tpu.vector_load %arg21[%get3A, %get3A_288] {strides = array<i32>} : memref<80x128xf32, #tpu.memory_space<vmem>>, vector<16xf32>,
        %add3A_290 = arith.addf %get3A_289, %gather3A_287 : vector<16xf32>
        %mul3A_291 = arith.mulf %add3A_290, %gather3A_282 : vector<16xf32>
        %swap3A = arith.index_cast %add3A_273 : i32 to index
        %swap3A_292 = arith.constant 0 : index
        %swap3A_293 = tpu.vector_load %arg21[%swap3A, %swap3A_292] {strides = array<i32>} : memref<80x128xf32, #tpu.memory_space<vmem>>, vector<16xf32>,
        tpu.vector_store %arg21[%swap3A, %swap3A_292], %mul3A_291 {strides = array<i32>} : memref<80x128xf32, #tpu.memory_space<vmem>>, vector<16xf32>,
        %add3A_294 = arith.constant 16 : i32
        %add3A_295 = vector.broadcast %add3A_294 : i32 to vector<16xi32>
        %add3A_296 = arith.addi %add3A_295, %iota3A : vector<16xi32>
        %add3A_297 = arith.addi %mul3A_276, %add3A_296 : vector<16xi32>
        %gather3A_298 = tpu.vector_load_idx %arg12[%add3A_297] : memref<4864xf32, #tpu.memory_space<vmem>>[vector<16xi32>], vector<16xf32>,
        %get3A_299 = arith.index_cast %add3A_273 : i32 to index
        %get3A_300 = arith.constant 16 : index
        %get3A_301 = tpu.vector_load %arg21[%get3A_299, %get3A_300] {strides = array<i32>} : memref<80x128xf32, #tpu.memory_space<vmem>>, vector<16xf32>,
        %add3A_302 = arith.addf %get3A_301, %gather3A_298 : vector<16xf32>
        %mul3A_303 = arith.mulf %add3A_302, %gather3A_282 : vector<16xf32>
        %swap3A_304 = arith.index_cast %add3A_273 : i32 to index
        %swap3A_305 = arith.constant 16 : index
        %swap3A_306 = tpu.vector_load %arg21[%swap3A_304, %swap3A_305] {strides = array<i32>} : memref<80x128xf32, #tpu.memory_space<vmem>>, vector<16xf32>,
        tpu.vector_store %arg21[%swap3A_304, %swap3A_305], %mul3A_303 {strides = array<i32>} : memref<80x128xf32, #tpu.memory_space<vmem>>, vector<16xf32>,
        %mul3A_307 = arith.constant 4 : i32
        %mul3A_308 = arith.muli %add3A_273, %mul3A_307 : i32
        %add3A_309 = arith.constant 1 : i32
        %add3A_310 = arith.addi %mul3A_308, %add3A_309 : i32
        %broadcast_in_dim3A_311 = vector.broadcast %add3A_310 : i32 to vector<16xi32>
        %gather3A_312 = tpu.vector_load_idx %arg25[%broadcast_in_dim3A_311] : memref<320xf32, #tpu.memory_space<vmem>>[vector<16xi32>], vector<16xf32>,
        %add3A_313 = arith.constant 32 : i32
        %add3A_314 = vector.broadcast %add3A_313 : i32 to vector<16xi32>
        %add3A_315 = arith.addi %add3A_314, %iota3A : vector<16xi32>
        %add3A_316 = arith.addi %mul3A_276, %add3A_315 : vector<16xi32>
        %gather3A_317 = tpu.vector_load_idx %arg12[%add3A_316] : memref<4864xf32, #tpu.memory_space<vmem>>[vector<16xi32>], vector<16xf32>,
        %get3A_318 = arith.index_cast %add3A_273 : i32 to index
        %get3A_319 = arith.constant 32 : index
        %get3A_320 = tpu.vector_load %arg21[%get3A_318, %get3A_319] {strides = array<i32>} : memref<80x128xf32, #tpu.memory_space<vmem>>, vector<16xf32>,
        %add3A_321 = arith.addf %get3A_320, %gather3A_317 : vector<16xf32>
        %mul3A_322 = arith.mulf %add3A_321, %gather3A_312 : vector<16xf32>
        %swap3A_323 = arith.index_cast %add3A_273 : i32 to index
        %swap3A_324 = arith.constant 32 : index
        %swap3A_325 = tpu.vector_load %arg21[%swap3A_323, %swap3A_324] {strides = array<i32>} : memref<80x128xf32, #tpu.memory_space<vmem>>, vector<16xf32>,
        tpu.vector_store %arg21[%swap3A_323, %swap3A_324], %mul3A_322 {strides = array<i32>} : memref<80x128xf32, #tpu.memory_space<vmem>>, vector<16xf32>,
        %add3A_326 = arith.constant 48 : i32
        %add3A_327 = vector.broadcast %add3A_326 : i32 to vector<16xi32>
        %add3A_328 = arith.addi %add3A_327, %iota3A : vector<16xi32>
        %add3A_329 = arith.addi %mul3A_276, %add3A_328 : vector<16xi32>
        %gather3A_330 = tpu.vector_load_idx %arg12[%add3A_329] : memref<4864xf32, #tpu.memory_space<vmem>>[vector<16xi32>], vector<16xf32>,
        %get3A_331 = arith.index_cast %add3A_273 : i32 to index
        %get3A_332 = arith.constant 48 : index
        %get3A_333 = tpu.vector_load %arg21[%get3A_331, %get3A_332] {strides = array<i32>} : memref<80x128xf32, #tpu.memory_space<vmem>>, vector<16xf32>,
        %add3A_334 = arith.addf %get3A_333, %gather3A_330 : vector<16xf32>
        %mul3A_335 = arith.mulf %add3A_334, %gather3A_312 : vector<16xf32>
        %swap3A_336 = arith.index_cast %add3A_273 : i32 to index
        %swap3A_337 = arith.constant 48 : index
        %swap3A_338 = tpu.vector_load %arg21[%swap3A_336, %swap3A_337] {strides = array<i32>} : memref<80x128xf32, #tpu.memory_space<vmem>>, vector<16xf32>,
        tpu.vector_store %arg21[%swap3A_336, %swap3A_337], %mul3A_335 {strides = array<i32>} : memref<80x128xf32, #tpu.memory_space<vmem>>, vector<16xf32>,
        %mul3A_339 = arith.constant 4 : i32
        %mul3A_340 = arith.muli %add3A_273, %mul3A_339 : i32
        %add3A_341 = arith.constant 2 : i32
        %add3A_342 = arith.addi %mul3A_340, %add3A_341 : i32
        %broadcast_in_dim3A_343 = vector.broadcast %add3A_342 : i32 to vector<16xi32>
        %gather3A_344 = tpu.vector_load_idx %arg25[%broadcast_in_dim3A_343] : memref<320xf32, #tpu.memory_space<vmem>>[vector<16xi32>], vector<16xf32>,
        %add3A_345 = arith.constant 64 : i32
        %add3A_346 = vector.broadcast %add3A_345 : i32 to vector<16xi32>
        %add3A_347 = arith.addi %add3A_346, %iota3A : vector<16xi32>
        %add3A_348 = arith.addi %mul3A_276, %add3A_347 : vector<16xi32>
        %gather3A_349 = tpu.vector_load_idx %arg12[%add3A_348] : memref<4864xf32, #tpu.memory_space<vmem>>[vector<16xi32>], vector<16xf32>,
        %get3A_350 = arith.index_cast %add3A_273 : i32 to index
        %get3A_351 = arith.constant 64 : index
        %get3A_352 = tpu.vector_load %arg21[%get3A_350, %get3A_351] {strides = array<i32>} : memref<80x128xf32, #tpu.memory_space<vmem>>, vector<16xf32>,
        %add3A_353 = arith.addf %get3A_352, %gather3A_349 : vector<16xf32>
        %mul3A_354 = arith.mulf %add3A_353, %gather3A_344 : vector<16xf32>
        %swap3A_355 = arith.index_cast %add3A_273 : i32 to index
        %swap3A_356 = arith.constant 64 : index
        %swap3A_357 = tpu.vector_load %arg21[%swap3A_355, %swap3A_356] {strides = array<i32>} : memref<80x128xf32, #tpu.memory_space<vmem>>, vector<16xf32>,
        tpu.vector_store %arg21[%swap3A_355, %swap3A_356], %mul3A_354 {strides = array<i32>} : memref<80x128xf32, #tpu.memory_space<vmem>>, vector<16xf32>,
        %add3A_358 = arith.constant 80 : i32
        %add3A_359 = vector.broadcast %add3A_358 : i32 to vector<16xi32>
        %add3A_360 = arith.addi %add3A_359, %iota3A : vector<16xi32>
        %add3A_361 = arith.addi %mul3A_276, %add3A_360 : vector<16xi32>
        %gather3A_362 = tpu.vector_load_idx %arg12[%add3A_361] : memref<4864xf32, #tpu.memory_space<vmem>>[vector<16xi32>], vector<16xf32>,
        %get3A_363 = arith.index_cast %add3A_273 : i32 to index
        %get3A_364 = arith.constant 80 : index
        %get3A_365 = tpu.vector_load %arg21[%get3A_363, %get3A_364] {strides = array<i32>} : memref<80x128xf32, #tpu.memory_space<vmem>>, vector<16xf32>,
        %add3A_366 = arith.addf %get3A_365, %gather3A_362 : vector<16xf32>
        %mul3A_367 = arith.mulf %add3A_366, %gather3A_344 : vector<16xf32>
        %swap3A_368 = arith.index_cast %add3A_273 : i32 to index
        %swap3A_369 = arith.constant 80 : index
        %swap3A_370 = tpu.vector_load %arg21[%swap3A_368, %swap3A_369] {strides = array<i32>} : memref<80x128xf32, #tpu.memory_space<vmem>>, vector<16xf32>,
        tpu.vector_store %arg21[%swap3A_368, %swap3A_369], %mul3A_367 {strides = array<i32>} : memref<80x128xf32, #tpu.memory_space<vmem>>, vector<16xf32>,
        %mul3A_371 = arith.constant 4 : i32
        %mul3A_372 = arith.muli %add3A_273, %mul3A_371 : i32
        %add3A_373 = arith.constant 3 : i32
        %add3A_374 = arith.addi %mul3A_372, %add3A_373 : i32
        %broadcast_in_dim3A_375 = vector.broadcast %add3A_374 : i32 to vector<16xi32>
        %gather3A_376 = tpu.vector_load_idx %arg25[%broadcast_in_dim3A_375] : memref<320xf32, #tpu.memory_space<vmem>>[vector<16xi32>], vector<16xf32>,
        %add3A_377 = arith.constant 96 : i32
        %add3A_378 = vector.broadcast %add3A_377 : i32 to vector<16xi32>
        %add3A_379 = arith.addi %add3A_378, %iota3A : vector<16xi32>
        %add3A_380 = arith.addi %mul3A_276, %add3A_379 : vector<16xi32>
        %gather3A_381 = tpu.vector_load_idx %arg12[%add3A_380] : memref<4864xf32, #tpu.memory_space<vmem>>[vector<16xi32>], vector<16xf32>,
        %get3A_382 = arith.index_cast %add3A_273 : i32 to index
        %get3A_383 = arith.constant 96 : index
        %get3A_384 = tpu.vector_load %arg21[%get3A_382, %get3A_383] {strides = array<i32>} : memref<80x128xf32, #tpu.memory_space<vmem>>, vector<16xf32>,
        %add3A_385 = arith.addf %get3A_384, %gather3A_381 : vector<16xf32>
        %mul3A_386 = arith.mulf %add3A_385, %gather3A_376 : vector<16xf32>
        %swap3A_387 = arith.index_cast %add3A_273 : i32 to index
        %swap3A_388 = arith.constant 96 : index
        %swap3A_389 = tpu.vector_load %arg21[%swap3A_387, %swap3A_388] {strides = array<i32>} : memref<80x128xf32, #tpu.memory_space<vmem>>, vector<16xf32>,
        tpu.vector_store %arg21[%swap3A_387, %swap3A_388], %mul3A_386 {strides = array<i32>} : memref<80x128xf32, #tpu.memory_space<vmem>>, vector<16xf32>,
        %add3A_390 = arith.constant 112 : i32
        %add3A_391 = vector.broadcast %add3A_390 : i32 to vector<16xi32>
        %add3A_392 = arith.addi %add3A_391, %iota3A : vector<16xi32>
        %add3A_393 = arith.addi %mul3A_276, %add3A_392 : vector<16xi32>
        %gather3A_394 = tpu.vector_load_idx %arg12[%add3A_393] : memref<4864xf32, #tpu.memory_space<vmem>>[vector<16xi32>], vector<16xf32>,
        %get3A_395 = arith.index_cast %add3A_273 : i32 to index
        %get3A_396 = arith.constant 112 : index
        %get3A_397 = tpu.vector_load %arg21[%get3A_395, %get3A_396] {strides = array<i32>} : memref<80x128xf32, #tpu.memory_space<vmem>>, vector<16xf32>,
        %add3A_398 = arith.addf %get3A_397, %gather3A_394 : vector<16xf32>
        %mul3A_399 = arith.mulf %add3A_398, %gather3A_376 : vector<16xf32>
        %swap3A_400 = arith.index_cast %add3A_273 : i32 to index
        %swap3A_401 = arith.constant 112 : index
        %swap3A_402 = tpu.vector_load %arg21[%swap3A_400, %swap3A_401] {strides = array<i32>} : memref<80x128xf32, #tpu.memory_space<vmem>>, vector<16xf32>,
        tpu.vector_store %arg21[%swap3A_400, %swap3A_401], %mul3A_399 {strides = array<i32>} : memref<80x128xf32, #tpu.memory_space<vmem>>, vector<16xf32>,
      }
      %scan3A_188 = arith.constant 80 : i32
      "tpu.region"() ({
        %run_scoped3A = tpu.sem_alloc : memref<!tpu.dma_semaphore, #tpu.memory_space<semaphore_mem>>
        %dma_start3A_269 = arith.constant 0 : i32
        %dma_start3A_270 = arith.constant 0 : i32
        %dma_start3A_271 = tpu.memref_slice %arg28[%dma_start3A_269, %dma_start3A_270] : memref<10000x128xf32, #tpu.memory_space<vmem_shared>> -> memref<10000x128xf32, #tpu.memory_space<vmem_shared>>
        tpu.enqueue_indirect_dma source(%arg21 : memref<80x128xf32, #tpu.memory_space<vmem>>) target(%dma_start3A_271 : memref<10000x128xf32, #tpu.memory_space<vmem_shared>>) offsets(%arg15 : memref<80xi32, #tpu.memory_space<vmem>>) semaphore(%run_scoped3A : memref<!tpu.dma_semaphore, #tpu.memory_space<semaphore_mem>>) {add = true}
        %dma_wait3A_272 = arith.constant 0 : i32
        %dma_wait3A_273 = arith.constant 0 : i32
        %dma_wait3A_274 = tpu.memref_slice %arg28[%dma_wait3A_272, %dma_wait3A_273] : memref<10000x128xf32, #tpu.memory_space<vmem_shared>> -> memref<10000x128xf32, #tpu.memory_space<vmem_shared>>
        tpu.wait_indirect_dma semaphore(%run_scoped3A : memref<!tpu.dma_semaphore, #tpu.memory_space<semaphore_mem>>) src(%arg21 : memref<80x128xf32, #tpu.memory_space<vmem>>) dst(%dma_wait3A_274 : memref<10000x128xf32, #tpu.memory_space<vmem_shared>>)
        tpu.yield
      }) : () -> ()
      %mul3A_189 = arith.constant 80 : i32
      %mul3A_190 = arith.muli %add3A_152, %mul3A_189 : i32
      %add3A_191 = arith.addi %mul3A_8, %mul3A_190 : i32
      %mul3A_192 = arith.constant 4 : i32
      %mul3A_193 = arith.muli %add3A_191, %mul3A_192 : i32
      "tpu.region"() ({
        %run_scoped3A = tpu.sem_alloc : memref<!tpu.dma_semaphore, #tpu.memory_space<semaphore_mem>>
        %dma_start3A_269 = tpu.memref_slice %arg10[%mul3A_193] : memref<1280000xf32, #tpu.memory_space<hbm>> -> memref<320xf32, #tpu.memory_space<hbm>>
        %dma_start3A_270 = tpu.memref_slice %arg10[%mul3A_193] : memref<1280000xf32, #tpu.memory_space<hbm>> -> memref<320xf32, #tpu.memory_space<hbm>>
        tpu.enqueue_dma source(%arg25 : memref<320xf32, #tpu.memory_space<vmem>>) target(%dma_start3A_270 : memref<320xf32, #tpu.memory_space<hbm>>) target_semaphore(%run_scoped3A : memref<!tpu.dma_semaphore, #tpu.memory_space<semaphore_mem>>)
        %dma_wait3A_271 = tpu.memref_slice %arg10[%mul3A_193] : memref<1280000xf32, #tpu.memory_space<hbm>> -> memref<320xf32, #tpu.memory_space<hbm>>
        %dma_wait3A_272 = tpu.memref_slice %arg10[%mul3A_193] : memref<1280000xf32, #tpu.memory_space<hbm>> -> memref<320xf32, #tpu.memory_space<hbm>>
        tpu.wait_dma2 semaphore(%run_scoped3A : memref<!tpu.dma_semaphore, #tpu.memory_space<semaphore_mem>>) src(%arg25 : memref<320xf32, #tpu.memory_space<vmem>>) dst(%dma_wait3A_272 : memref<320xf32, #tpu.memory_space<hbm>>)
        tpu.yield
      }) : () -> ()
      %add3A_194 = arith.constant 2 : i32
      %add3A_195 = arith.addi %add3A_152, %add3A_194 : i32
      %mul3A_196 = arith.constant 80 : i32
      %mul3A_197 = arith.muli %add3A_195, %mul3A_196 : i32
      %add3A_198 = arith.addi %mul3A_8, %mul3A_197 : i32
      %dma_start3A_199 = tpu.memref_slice %arg2[%add3A_198] : memref<320000xi32, #tpu.memory_space<hbm>> -> memref<80xi32, #tpu.memory_space<hbm>>
      %dma_start3A_200 = tpu.memref_slice %arg2[%add3A_198] : memref<320000xi32, #tpu.memory_space<hbm>> -> memref<80xi32, #tpu.memory_space<hbm>>
      tpu.enqueue_dma source(%dma_start3A_200 : memref<80xi32, #tpu.memory_space<hbm>>) target(%arg13 : memref<80xi32, #tpu.memory_space<vmem>>) target_semaphore(%arg31 : memref<!tpu.dma_semaphore, #tpu.memory_space<semaphore_mem>>)
      %dma_start3A_201 = tpu.memref_slice %arg3[%add3A_198] : memref<320000xi32, #tpu.memory_space<hbm>> -> memref<80xi32, #tpu.memory_space<hbm>>
      %dma_start3A_202 = tpu.memref_slice %arg3[%add3A_198] : memref<320000xi32, #tpu.memory_space<hbm>> -> memref<80xi32, #tpu.memory_space<hbm>>
      tpu.enqueue_dma source(%dma_start3A_202 : memref<80xi32, #tpu.memory_space<hbm>>) target(%arg15 : memref<80xi32, #tpu.memory_space<vmem>>) target_semaphore(%arg31 : memref<!tpu.dma_semaphore, #tpu.memory_space<semaphore_mem>>)
      %dma_start3A_203 = tpu.memref_slice %arg4[%add3A_198] : memref<320000xi32, #tpu.memory_space<hbm>> -> memref<80xi32, #tpu.memory_space<hbm>>
      %dma_start3A_204 = tpu.memref_slice %arg4[%add3A_198] : memref<320000xi32, #tpu.memory_space<hbm>> -> memref<80xi32, #tpu.memory_space<hbm>>
      tpu.enqueue_dma source(%dma_start3A_204 : memref<80xi32, #tpu.memory_space<hbm>>) target(%arg17 : memref<80xi32, #tpu.memory_space<vmem>>) target_semaphore(%arg31 : memref<!tpu.dma_semaphore, #tpu.memory_space<semaphore_mem>>)
      %mul3A_205 = arith.constant 4 : i32
      %mul3A_206 = arith.muli %add3A_198, %mul3A_205 : i32
      %dma_start3A_207 = tpu.memref_slice %arg5[%mul3A_206] : memref<1280000xf32, #tpu.memory_space<hbm>> -> memref<320xf32, #tpu.memory_space<hbm>>
      %dma_start3A_208 = tpu.memref_slice %arg5[%mul3A_206] : memref<1280000xf32, #tpu.memory_space<hbm>> -> memref<320xf32, #tpu.memory_space<hbm>>
      tpu.enqueue_dma source(%dma_start3A_208 : memref<320xf32, #tpu.memory_space<hbm>>) target(%arg19 : memref<320xf32, #tpu.memory_space<vmem>>) target_semaphore(%arg31 : memref<!tpu.dma_semaphore, #tpu.memory_space<semaphore_mem>>)
      %mul3A_209 = arith.constant 2 : i32
      %mul3A_210 = arith.muli %add3A_148, %mul3A_209 : i32
      %add3A_211 = arith.constant 1 : i32
      %add3A_212 = arith.addi %mul3A_210, %add3A_211 : i32
      %add3A_213 = arith.constant 1 : i32
      %add3A_214 = arith.addi %add3A_212, %add3A_213 : i32
      %mul3A_215 = arith.constant 80 : i32
      %mul3A_216 = arith.muli %add3A_214, %mul3A_215 : i32
      %add3A_217 = arith.addi %mul3A_8, %mul3A_216 : i32
      %dma_wait3A_218 = tpu.memref_slice %arg2[%add3A_217] : memref<320000xi32, #tpu.memory_space<hbm>> -> memref<80xi32, #tpu.memory_space<hbm>>
      %dma_wait3A_219 = tpu.memref_slice %arg2[%add3A_217] : memref<320000xi32, #tpu.memory_space<hbm>> -> memref<80xi32, #tpu.memory_space<hbm>>
      tpu.wait_dma2 semaphore(%arg31 : memref<!tpu.dma_semaphore, #tpu.memory_space<semaphore_mem>>) src(%dma_wait3A_219 : memref<80xi32, #tpu.memory_space<hbm>>) dst(%arg13 : memref<80xi32, #tpu.memory_space<vmem>>)
      %dma_wait3A_220 = tpu.memref_slice %arg3[%add3A_217] : memref<320000xi32, #tpu.memory_space<hbm>> -> memref<80xi32, #tpu.memory_space<hbm>>
      %dma_wait3A_221 = tpu.memref_slice %arg3[%add3A_217] : memref<320000xi32, #tpu.memory_space<hbm>> -> memref<80xi32, #tpu.memory_space<hbm>>
      tpu.wait_dma2 semaphore(%arg31 : memref<!tpu.dma_semaphore, #tpu.memory_space<semaphore_mem>>) src(%dma_wait3A_221 : memref<80xi32, #tpu.memory_space<hbm>>) dst(%arg15 : memref<80xi32, #tpu.memory_space<vmem>>)
      %dma_wait3A_222 = tpu.memref_slice %arg4[%add3A_217] : memref<320000xi32, #tpu.memory_space<hbm>> -> memref<80xi32, #tpu.memory_space<hbm>>
      %dma_wait3A_223 = tpu.memref_slice %arg4[%add3A_217] : memref<320000xi32, #tpu.memory_space<hbm>> -> memref<80xi32, #tpu.memory_space<hbm>>
      tpu.wait_dma2 semaphore(%arg31 : memref<!tpu.dma_semaphore, #tpu.memory_space<semaphore_mem>>) src(%dma_wait3A_223 : memref<80xi32, #tpu.memory_space<hbm>>) dst(%arg17 : memref<80xi32, #tpu.memory_space<vmem>>)
      %mul3A_224 = arith.constant 4 : i32
      %mul3A_225 = arith.muli %add3A_217, %mul3A_224 : i32
      %dma_wait3A_226 = tpu.memref_slice %arg5[%mul3A_225] : memref<1280000xf32, #tpu.memory_space<hbm>> -> memref<320xf32, #tpu.memory_space<hbm>>
      %dma_wait3A_227 = tpu.memref_slice %arg5[%mul3A_225] : memref<1280000xf32, #tpu.memory_space<hbm>> -> memref<320xf32, #tpu.memory_space<hbm>>
      tpu.wait_dma2 semaphore(%arg31 : memref<!tpu.dma_semaphore, #tpu.memory_space<semaphore_mem>>) src(%dma_wait3A_227 : memref<320xf32, #tpu.memory_space<hbm>>) dst(%arg19 : memref<320xf32, #tpu.memory_space<vmem>>)
      %dma_start3A_228 = arith.constant 0 : i32
      %dma_start3A_229 = arith.constant 0 : i32
      %dma_start3A_230 = tpu.memref_slice %arg8[%dma_start3A_228, %dma_start3A_229] : memref<10000x128xf32, #tpu.memory_space<hbm>> -> memref<10000x128xf32, #tpu.memory_space<hbm>>
      tpu.enqueue_indirect_dma source(%dma_start3A_230 : memref<10000x128xf32, #tpu.memory_space<hbm>>) target(%arg21 : memref<80x128xf32, #tpu.memory_space<vmem>>) offsets(%arg13 : memref<80xi32, #tpu.memory_space<vmem>>) semaphore(%arg29 : memref<!tpu.dma_semaphore, #tpu.memory_space<semaphore_mem>>)
      %dma_wait3A_231 = arith.constant 0 : i32
      %dma_wait3A_232 = arith.constant 0 : i32
      %dma_wait3A_233 = tpu.memref_slice %arg8[%dma_wait3A_231, %dma_wait3A_232] : memref<10000x128xf32, #tpu.memory_space<hbm>> -> memref<10000x128xf32, #tpu.memory_space<hbm>>
      tpu.wait_indirect_dma semaphore(%arg30 : memref<!tpu.dma_semaphore, #tpu.memory_space<semaphore_mem>>) src(%dma_wait3A_233 : memref<10000x128xf32, #tpu.memory_space<hbm>>) dst(%arg22 : memref<80x128xf32, #tpu.memory_space<vmem>>)
      %scan3A_234 = arith.constant 0 : i32
      %scan3A_235 = arith.constant 20 : i32
      %scan3A_236 = arith.addi %scan3A_234, %scan3A_235 : i32
      %scan3A_237 = arith.constant 1 : i32
      scf.for %scan3A_269 = %scan3A_234 to %scan3A_236 step %scan3A_237  : i32 {
        %mul3A_270 = arith.constant 1 : i32
        %mul3A_271 = arith.muli %scan3A_269, %mul3A_270 : i32
        %add3A_272 = arith.constant 0 : i32
        %add3A_273 = arith.addi %add3A_272, %mul3A_271 : i32
        %mul3A_274 = arith.constant 4 : i32
        %mul3A_275 = arith.muli %add3A_273, %mul3A_274 : i32
        %add3A_276 = vector.broadcast %mul3A_275 : i32 to vector<16xi32>
        %add3A_277 = arith.addi %add3A_276, %shift_right_arithmetic3A_6 : vector<16xi32>
        %gather3A = tpu.vector_load_idx %arg16[%add3A_277] : memref<80xi32, #tpu.memory_space<vmem>>[vector<16xi32>], vector<16xi32>,
        %mul3A_278 = arith.constant 4 : i32
        %mul3A_279 = vector.broadcast %mul3A_278 : i32 to vector<16xi32>
        %mul3A_280 = arith.muli %gather3A, %mul3A_279 : vector<16xi32>
        %add3A_281 = arith.addi %mul3A_280, %and3A_4 : vector<16xi32>
        %mul3A_282 = arith.constant 16 : i32
        %mul3A_283 = arith.muli %add3A_273, %mul3A_282 : i32
        %swap3A = arith.index_cast %mul3A_283 : i32 to index
        %swap3A_284 = tpu.vector_load %arg23[%swap3A] {strides = array<i32>} : memref<320xi32, #tpu.memory_space<vmem>>, vector<16xi32>,
        tpu.vector_store %arg23[%swap3A], %add3A_281 {strides = array<i32>} : memref<320xi32, #tpu.memory_space<vmem>>, vector<16xi32>,
      }
      %scan3A_238 = arith.constant 20 : i32
      "tpu.region"() ({
        %run_scoped3A = tpu.sem_alloc : memref<!tpu.dma_semaphore, #tpu.memory_space<semaphore_mem>>
        %dma_start3A_269 = arith.constant 0 : i32
        %dma_start3A_270 = tpu.memref_slice %arg27[%dma_start3A_269] : memref<40000xf32, #tpu.memory_space<vmem_shared>> -> memref<40000xf32, #tpu.memory_space<vmem_shared>>
        tpu.enqueue_indirect_dma source(%dma_start3A_270 : memref<40000xf32, #tpu.memory_space<vmem_shared>>) target(%arg24 : memref<320xf32, #tpu.memory_space<vmem>>) offsets(%arg23 : memref<320xi32, #tpu.memory_space<vmem>>) semaphore(%run_scoped3A : memref<!tpu.dma_semaphore, #tpu.memory_space<semaphore_mem>>)
        %dma_wait3A_271 = arith.constant 0 : i32
        %dma_wait3A_272 = tpu.memref_slice %arg27[%dma_wait3A_271] : memref<40000xf32, #tpu.memory_space<vmem_shared>> -> memref<40000xf32, #tpu.memory_space<vmem_shared>>
        tpu.wait_indirect_dma semaphore(%run_scoped3A : memref<!tpu.dma_semaphore, #tpu.memory_space<semaphore_mem>>) src(%dma_wait3A_272 : memref<40000xf32, #tpu.memory_space<vmem_shared>>) dst(%arg24 : memref<320xf32, #tpu.memory_space<vmem>>)
        tpu.yield
      }) : () -> ()
      %scan3A_239 = arith.constant 0 : i32
      %scan3A_240 = arith.constant 20 : i32
      %scan3A_241 = arith.addi %scan3A_239, %scan3A_240 : i32
      %scan3A_242 = arith.constant 1 : i32
      scf.for %scan3A_269 = %scan3A_239 to %scan3A_241 step %scan3A_242  : i32 {
        %mul3A_270 = arith.constant 1 : i32
        %mul3A_271 = arith.muli %scan3A_269, %mul3A_270 : i32
        %add3A_272 = arith.constant 0 : i32
        %add3A_273 = arith.addi %add3A_272, %mul3A_271 : i32
        %mul3A_274 = arith.constant 16 : i32
        %mul3A_275 = arith.muli %add3A_273, %mul3A_274 : i32
        %get3A = arith.index_cast %mul3A_275 : i32 to index
        %get3A_276 = tpu.vector_load %arg20[%get3A] {strides = array<i32>} : memref<320xf32, #tpu.memory_space<vmem>>, vector<16xf32>,
        %mul3A_277 = arith.constant 16 : i32
        %mul3A_278 = arith.muli %add3A_273, %mul3A_277 : i32
        %get3A_279 = arith.index_cast %mul3A_278 : i32 to index
        %get3A_280 = tpu.vector_load %arg24[%get3A_279] {strides = array<i32>} : memref<320xf32, #tpu.memory_space<vmem>>, vector<16xf32>,
        %mul3A_281 = arith.mulf %get3A_276, %get3A_280 : vector<16xf32>
        %mul3A_282 = arith.constant 16 : i32
        %mul3A_283 = arith.muli %add3A_273, %mul3A_282 : i32
        %swap3A = arith.index_cast %mul3A_283 : i32 to index
        %swap3A_284 = tpu.vector_load %arg25[%swap3A] {strides = array<i32>} : memref<320xf32, #tpu.memory_space<vmem>>, vector<16xf32>,
        tpu.vector_store %arg25[%swap3A], %mul3A_281 {strides = array<i32>} : memref<320xf32, #tpu.memory_space<vmem>>, vector<16xf32>,
      }
      %scan3A_243 = arith.constant 20 : i32
      %scan3A_244 = arith.constant 0 : i32
      %scan3A_245 = arith.constant 80 : i32
      %scan3A_246 = arith.addi %scan3A_244, %scan3A_245 : i32
      %scan3A_247 = arith.constant 1 : i32
      scf.for %scan3A_269 = %scan3A_244 to %scan3A_246 step %scan3A_247  : i32 {
        %mul3A_270 = arith.constant 1 : i32
        %mul3A_271 = arith.muli %scan3A_269, %mul3A_270 : i32
        %add3A_272 = arith.constant 0 : i32
        %add3A_273 = arith.addi %add3A_272, %mul3A_271 : i32
        %broadcast_in_dim3A = vector.broadcast %add3A_273 : i32 to vector<16xi32>
        %gather3A = tpu.vector_load_idx %arg18[%broadcast_in_dim3A] : memref<80xi32, #tpu.memory_space<vmem>>[vector<16xi32>], vector<16xi32>,
        %mul3A_274 = arith.constant 128 : i32
        %mul3A_275 = vector.broadcast %mul3A_274 : i32 to vector<16xi32>
        %mul3A_276 = arith.muli %gather3A, %mul3A_275 : vector<16xi32>
        %mul3A_277 = arith.constant 4 : i32
        %mul3A_278 = arith.muli %add3A_273, %mul3A_277 : i32
        %add3A_279 = arith.constant 0 : i32
        %add3A_280 = arith.addi %mul3A_278, %add3A_279 : i32
        %broadcast_in_dim3A_281 = vector.broadcast %add3A_280 : i32 to vector<16xi32>
        %gather3A_282 = tpu.vector_load_idx %arg25[%broadcast_in_dim3A_281] : memref<320xf32, #tpu.memory_space<vmem>>[vector<16xi32>], vector<16xf32>,
        %add3A_283 = arith.constant 0 : i32
        %add3A_284 = vector.broadcast %add3A_283 : i32 to vector<16xi32>
        %add3A_285 = arith.addi %add3A_284, %iota3A : vector<16xi32>
        %add3A_286 = arith.addi %mul3A_276, %add3A_285 : vector<16xi32>
        %gather3A_287 = tpu.vector_load_idx %arg12[%add3A_286] : memref<4864xf32, #tpu.memory_space<vmem>>[vector<16xi32>], vector<16xf32>,
        %get3A = arith.index_cast %add3A_273 : i32 to index
        %get3A_288 = arith.constant 0 : index
        %get3A_289 = tpu.vector_load %arg22[%get3A, %get3A_288] {strides = array<i32>} : memref<80x128xf32, #tpu.memory_space<vmem>>, vector<16xf32>,
        %add3A_290 = arith.addf %get3A_289, %gather3A_287 : vector<16xf32>
        %mul3A_291 = arith.mulf %add3A_290, %gather3A_282 : vector<16xf32>
        %swap3A = arith.index_cast %add3A_273 : i32 to index
        %swap3A_292 = arith.constant 0 : index
        %swap3A_293 = tpu.vector_load %arg22[%swap3A, %swap3A_292] {strides = array<i32>} : memref<80x128xf32, #tpu.memory_space<vmem>>, vector<16xf32>,
        tpu.vector_store %arg22[%swap3A, %swap3A_292], %mul3A_291 {strides = array<i32>} : memref<80x128xf32, #tpu.memory_space<vmem>>, vector<16xf32>,
        %add3A_294 = arith.constant 16 : i32
        %add3A_295 = vector.broadcast %add3A_294 : i32 to vector<16xi32>
        %add3A_296 = arith.addi %add3A_295, %iota3A : vector<16xi32>
        %add3A_297 = arith.addi %mul3A_276, %add3A_296 : vector<16xi32>
        %gather3A_298 = tpu.vector_load_idx %arg12[%add3A_297] : memref<4864xf32, #tpu.memory_space<vmem>>[vector<16xi32>], vector<16xf32>,
        %get3A_299 = arith.index_cast %add3A_273 : i32 to index
        %get3A_300 = arith.constant 16 : index
        %get3A_301 = tpu.vector_load %arg22[%get3A_299, %get3A_300] {strides = array<i32>} : memref<80x128xf32, #tpu.memory_space<vmem>>, vector<16xf32>,
        %add3A_302 = arith.addf %get3A_301, %gather3A_298 : vector<16xf32>
        %mul3A_303 = arith.mulf %add3A_302, %gather3A_282 : vector<16xf32>
        %swap3A_304 = arith.index_cast %add3A_273 : i32 to index
        %swap3A_305 = arith.constant 16 : index
        %swap3A_306 = tpu.vector_load %arg22[%swap3A_304, %swap3A_305] {strides = array<i32>} : memref<80x128xf32, #tpu.memory_space<vmem>>, vector<16xf32>,
        tpu.vector_store %arg22[%swap3A_304, %swap3A_305], %mul3A_303 {strides = array<i32>} : memref<80x128xf32, #tpu.memory_space<vmem>>, vector<16xf32>,
        %mul3A_307 = arith.constant 4 : i32
        %mul3A_308 = arith.muli %add3A_273, %mul3A_307 : i32
        %add3A_309 = arith.constant 1 : i32
        %add3A_310 = arith.addi %mul3A_308, %add3A_309 : i32
        %broadcast_in_dim3A_311 = vector.broadcast %add3A_310 : i32 to vector<16xi32>
        %gather3A_312 = tpu.vector_load_idx %arg25[%broadcast_in_dim3A_311] : memref<320xf32, #tpu.memory_space<vmem>>[vector<16xi32>], vector<16xf32>,
        %add3A_313 = arith.constant 32 : i32
        %add3A_314 = vector.broadcast %add3A_313 : i32 to vector<16xi32>
        %add3A_315 = arith.addi %add3A_314, %iota3A : vector<16xi32>
        %add3A_316 = arith.addi %mul3A_276, %add3A_315 : vector<16xi32>
        %gather3A_317 = tpu.vector_load_idx %arg12[%add3A_316] : memref<4864xf32, #tpu.memory_space<vmem>>[vector<16xi32>], vector<16xf32>,
        %get3A_318 = arith.index_cast %add3A_273 : i32 to index
        %get3A_319 = arith.constant 32 : index
        %get3A_320 = tpu.vector_load %arg22[%get3A_318, %get3A_319] {strides = array<i32>} : memref<80x128xf32, #tpu.memory_space<vmem>>, vector<16xf32>,
        %add3A_321 = arith.addf %get3A_320, %gather3A_317 : vector<16xf32>
        %mul3A_322 = arith.mulf %add3A_321, %gather3A_312 : vector<16xf32>
        %swap3A_323 = arith.index_cast %add3A_273 : i32 to index
        %swap3A_324 = arith.constant 32 : index
        %swap3A_325 = tpu.vector_load %arg22[%swap3A_323, %swap3A_324] {strides = array<i32>} : memref<80x128xf32, #tpu.memory_space<vmem>>, vector<16xf32>,
        tpu.vector_store %arg22[%swap3A_323, %swap3A_324], %mul3A_322 {strides = array<i32>} : memref<80x128xf32, #tpu.memory_space<vmem>>, vector<16xf32>,
        %add3A_326 = arith.constant 48 : i32
        %add3A_327 = vector.broadcast %add3A_326 : i32 to vector<16xi32>
        %add3A_328 = arith.addi %add3A_327, %iota3A : vector<16xi32>
        %add3A_329 = arith.addi %mul3A_276, %add3A_328 : vector<16xi32>
        %gather3A_330 = tpu.vector_load_idx %arg12[%add3A_329] : memref<4864xf32, #tpu.memory_space<vmem>>[vector<16xi32>], vector<16xf32>,
        %get3A_331 = arith.index_cast %add3A_273 : i32 to index
        %get3A_332 = arith.constant 48 : index
        %get3A_333 = tpu.vector_load %arg22[%get3A_331, %get3A_332] {strides = array<i32>} : memref<80x128xf32, #tpu.memory_space<vmem>>, vector<16xf32>,
        %add3A_334 = arith.addf %get3A_333, %gather3A_330 : vector<16xf32>
        %mul3A_335 = arith.mulf %add3A_334, %gather3A_312 : vector<16xf32>
        %swap3A_336 = arith.index_cast %add3A_273 : i32 to index
        %swap3A_337 = arith.constant 48 : index
        %swap3A_338 = tpu.vector_load %arg22[%swap3A_336, %swap3A_337] {strides = array<i32>} : memref<80x128xf32, #tpu.memory_space<vmem>>, vector<16xf32>,
        tpu.vector_store %arg22[%swap3A_336, %swap3A_337], %mul3A_335 {strides = array<i32>} : memref<80x128xf32, #tpu.memory_space<vmem>>, vector<16xf32>,
        %mul3A_339 = arith.constant 4 : i32
        %mul3A_340 = arith.muli %add3A_273, %mul3A_339 : i32
        %add3A_341 = arith.constant 2 : i32
        %add3A_342 = arith.addi %mul3A_340, %add3A_341 : i32
        %broadcast_in_dim3A_343 = vector.broadcast %add3A_342 : i32 to vector<16xi32>
        %gather3A_344 = tpu.vector_load_idx %arg25[%broadcast_in_dim3A_343] : memref<320xf32, #tpu.memory_space<vmem>>[vector<16xi32>], vector<16xf32>,
        %add3A_345 = arith.constant 64 : i32
        %add3A_346 = vector.broadcast %add3A_345 : i32 to vector<16xi32>
        %add3A_347 = arith.addi %add3A_346, %iota3A : vector<16xi32>
        %add3A_348 = arith.addi %mul3A_276, %add3A_347 : vector<16xi32>
        %gather3A_349 = tpu.vector_load_idx %arg12[%add3A_348] : memref<4864xf32, #tpu.memory_space<vmem>>[vector<16xi32>], vector<16xf32>,
        %get3A_350 = arith.index_cast %add3A_273 : i32 to index
        %get3A_351 = arith.constant 64 : index
        %get3A_352 = tpu.vector_load %arg22[%get3A_350, %get3A_351] {strides = array<i32>} : memref<80x128xf32, #tpu.memory_space<vmem>>, vector<16xf32>,
        %add3A_353 = arith.addf %get3A_352, %gather3A_349 : vector<16xf32>
        %mul3A_354 = arith.mulf %add3A_353, %gather3A_344 : vector<16xf32>
        %swap3A_355 = arith.index_cast %add3A_273 : i32 to index
        %swap3A_356 = arith.constant 64 : index
        %swap3A_357 = tpu.vector_load %arg22[%swap3A_355, %swap3A_356] {strides = array<i32>} : memref<80x128xf32, #tpu.memory_space<vmem>>, vector<16xf32>,
        tpu.vector_store %arg22[%swap3A_355, %swap3A_356], %mul3A_354 {strides = array<i32>} : memref<80x128xf32, #tpu.memory_space<vmem>>, vector<16xf32>,
        %add3A_358 = arith.constant 80 : i32
        %add3A_359 = vector.broadcast %add3A_358 : i32 to vector<16xi32>
        %add3A_360 = arith.addi %add3A_359, %iota3A : vector<16xi32>
        %add3A_361 = arith.addi %mul3A_276, %add3A_360 : vector<16xi32>
        %gather3A_362 = tpu.vector_load_idx %arg12[%add3A_361] : memref<4864xf32, #tpu.memory_space<vmem>>[vector<16xi32>], vector<16xf32>,
        %get3A_363 = arith.index_cast %add3A_273 : i32 to index
        %get3A_364 = arith.constant 80 : index
        %get3A_365 = tpu.vector_load %arg22[%get3A_363, %get3A_364] {strides = array<i32>} : memref<80x128xf32, #tpu.memory_space<vmem>>, vector<16xf32>,
        %add3A_366 = arith.addf %get3A_365, %gather3A_362 : vector<16xf32>
        %mul3A_367 = arith.mulf %add3A_366, %gather3A_344 : vector<16xf32>
        %swap3A_368 = arith.index_cast %add3A_273 : i32 to index
        %swap3A_369 = arith.constant 80 : index
        %swap3A_370 = tpu.vector_load %arg22[%swap3A_368, %swap3A_369] {strides = array<i32>} : memref<80x128xf32, #tpu.memory_space<vmem>>, vector<16xf32>,
        tpu.vector_store %arg22[%swap3A_368, %swap3A_369], %mul3A_367 {strides = array<i32>} : memref<80x128xf32, #tpu.memory_space<vmem>>, vector<16xf32>,
        %mul3A_371 = arith.constant 4 : i32
        %mul3A_372 = arith.muli %add3A_273, %mul3A_371 : i32
        %add3A_373 = arith.constant 3 : i32
        %add3A_374 = arith.addi %mul3A_372, %add3A_373 : i32
        %broadcast_in_dim3A_375 = vector.broadcast %add3A_374 : i32 to vector<16xi32>
        %gather3A_376 = tpu.vector_load_idx %arg25[%broadcast_in_dim3A_375] : memref<320xf32, #tpu.memory_space<vmem>>[vector<16xi32>], vector<16xf32>,
        %add3A_377 = arith.constant 96 : i32
        %add3A_378 = vector.broadcast %add3A_377 : i32 to vector<16xi32>
        %add3A_379 = arith.addi %add3A_378, %iota3A : vector<16xi32>
        %add3A_380 = arith.addi %mul3A_276, %add3A_379 : vector<16xi32>
        %gather3A_381 = tpu.vector_load_idx %arg12[%add3A_380] : memref<4864xf32, #tpu.memory_space<vmem>>[vector<16xi32>], vector<16xf32>,
        %get3A_382 = arith.index_cast %add3A_273 : i32 to index
        %get3A_383 = arith.constant 96 : index
        %get3A_384 = tpu.vector_load %arg22[%get3A_382, %get3A_383] {strides = array<i32>} : memref<80x128xf32, #tpu.memory_space<vmem>>, vector<16xf32>,
        %add3A_385 = arith.addf %get3A_384, %gather3A_381 : vector<16xf32>
        %mul3A_386 = arith.mulf %add3A_385, %gather3A_376 : vector<16xf32>
        %swap3A_387 = arith.index_cast %add3A_273 : i32 to index
        %swap3A_388 = arith.constant 96 : index
        %swap3A_389 = tpu.vector_load %arg22[%swap3A_387, %swap3A_388] {strides = array<i32>} : memref<80x128xf32, #tpu.memory_space<vmem>>, vector<16xf32>,
        tpu.vector_store %arg22[%swap3A_387, %swap3A_388], %mul3A_386 {strides = array<i32>} : memref<80x128xf32, #tpu.memory_space<vmem>>, vector<16xf32>,
        %add3A_390 = arith.constant 112 : i32
        %add3A_391 = vector.broadcast %add3A_390 : i32 to vector<16xi32>
        %add3A_392 = arith.addi %add3A_391, %iota3A : vector<16xi32>
        %add3A_393 = arith.addi %mul3A_276, %add3A_392 : vector<16xi32>
        %gather3A_394 = tpu.vector_load_idx %arg12[%add3A_393] : memref<4864xf32, #tpu.memory_space<vmem>>[vector<16xi32>], vector<16xf32>,
        %get3A_395 = arith.index_cast %add3A_273 : i32 to index
        %get3A_396 = arith.constant 112 : index
        %get3A_397 = tpu.vector_load %arg22[%get3A_395, %get3A_396] {strides = array<i32>} : memref<80x128xf32, #tpu.memory_space<vmem>>, vector<16xf32>,
        %add3A_398 = arith.addf %get3A_397, %gather3A_394 : vector<16xf32>
        %mul3A_399 = arith.mulf %add3A_398, %gather3A_376 : vector<16xf32>
        %swap3A_400 = arith.index_cast %add3A_273 : i32 to index
        %swap3A_401 = arith.constant 112 : index
        %swap3A_402 = tpu.vector_load %arg22[%swap3A_400, %swap3A_401] {strides = array<i32>} : memref<80x128xf32, #tpu.memory_space<vmem>>, vector<16xf32>,
        tpu.vector_store %arg22[%swap3A_400, %swap3A_401], %mul3A_399 {strides = array<i32>} : memref<80x128xf32, #tpu.memory_space<vmem>>, vector<16xf32>,
      }
      %scan3A_248 = arith.constant 80 : i32
      "tpu.region"() ({
        %run_scoped3A = tpu.sem_alloc : memref<!tpu.dma_semaphore, #tpu.memory_space<semaphore_mem>>
        %dma_start3A_269 = arith.constant 0 : i32
        %dma_start3A_270 = arith.constant 0 : i32
        %dma_start3A_271 = tpu.memref_slice %arg28[%dma_start3A_269, %dma_start3A_270] : memref<10000x128xf32, #tpu.memory_space<vmem_shared>> -> memref<10000x128xf32, #tpu.memory_space<vmem_shared>>
        tpu.enqueue_indirect_dma source(%arg22 : memref<80x128xf32, #tpu.memory_space<vmem>>) target(%dma_start3A_271 : memref<10000x128xf32, #tpu.memory_space<vmem_shared>>) offsets(%arg16 : memref<80xi32, #tpu.memory_space<vmem>>) semaphore(%run_scoped3A : memref<!tpu.dma_semaphore, #tpu.memory_space<semaphore_mem>>) {add = true}
        %dma_wait3A_272 = arith.constant 0 : i32
        %dma_wait3A_273 = arith.constant 0 : i32
        %dma_wait3A_274 = tpu.memref_slice %arg28[%dma_wait3A_272, %dma_wait3A_273] : memref<10000x128xf32, #tpu.memory_space<vmem_shared>> -> memref<10000x128xf32, #tpu.memory_space<vmem_shared>>
        tpu.wait_indirect_dma semaphore(%run_scoped3A : memref<!tpu.dma_semaphore, #tpu.memory_space<semaphore_mem>>) src(%arg22 : memref<80x128xf32, #tpu.memory_space<vmem>>) dst(%dma_wait3A_274 : memref<10000x128xf32, #tpu.memory_space<vmem_shared>>)
        tpu.yield
      }) : () -> ()
      %mul3A_249 = arith.constant 80 : i32
      %mul3A_250 = arith.muli %add3A_212, %mul3A_249 : i32
      %add3A_251 = arith.addi %mul3A_8, %mul3A_250 : i32
      %mul3A_252 = arith.constant 4 : i32
      %mul3A_253 = arith.muli %add3A_251, %mul3A_252 : i32
      "tpu.region"() ({
        %run_scoped3A = tpu.sem_alloc : memref<!tpu.dma_semaphore, #tpu.memory_space<semaphore_mem>>
        %dma_start3A_269 = tpu.memref_slice %arg10[%mul3A_253] : memref<1280000xf32, #tpu.memory_space<hbm>> -> memref<320xf32, #tpu.memory_space<hbm>>
        %dma_start3A_270 = tpu.memref_slice %arg10[%mul3A_253] : memref<1280000xf32, #tpu.memory_space<hbm>> -> memref<320xf32, #tpu.memory_space<hbm>>
        tpu.enqueue_dma source(%arg25 : memref<320xf32, #tpu.memory_space<vmem>>) target(%dma_start3A_270 : memref<320xf32, #tpu.memory_space<hbm>>) target_semaphore(%run_scoped3A : memref<!tpu.dma_semaphore, #tpu.memory_space<semaphore_mem>>)
        %dma_wait3A_271 = tpu.memref_slice %arg10[%mul3A_253] : memref<1280000xf32, #tpu.memory_space<hbm>> -> memref<320xf32, #tpu.memory_space<hbm>>
        %dma_wait3A_272 = tpu.memref_slice %arg10[%mul3A_253] : memref<1280000xf32, #tpu.memory_space<hbm>> -> memref<320xf32, #tpu.memory_space<hbm>>
        tpu.wait_dma2 semaphore(%run_scoped3A : memref<!tpu.dma_semaphore, #tpu.memory_space<semaphore_mem>>) src(%arg25 : memref<320xf32, #tpu.memory_space<vmem>>) dst(%dma_wait3A_272 : memref<320xf32, #tpu.memory_space<hbm>>)
        tpu.yield
      }) : () -> ()
      %add3A_254 = arith.constant 2 : i32
      %add3A_255 = arith.addi %add3A_212, %add3A_254 : i32
      %mul3A_256 = arith.constant 80 : i32
      %mul3A_257 = arith.muli %add3A_255, %mul3A_256 : i32
      %add3A_258 = arith.addi %mul3A_8, %mul3A_257 : i32
      %dma_start3A_259 = tpu.memref_slice %arg2[%add3A_258] : memref<320000xi32, #tpu.memory_space<hbm>> -> memref<80xi32, #tpu.memory_space<hbm>>
      %dma_start3A_260 = tpu.memref_slice %arg2[%add3A_258] : memref<320000xi32, #tpu.memory_space<hbm>> -> memref<80xi32, #tpu.memory_space<hbm>>
      tpu.enqueue_dma source(%dma_start3A_260 : memref<80xi32, #tpu.memory_space<hbm>>) target(%arg14 : memref<80xi32, #tpu.memory_space<vmem>>) target_semaphore(%arg32 : memref<!tpu.dma_semaphore, #tpu.memory_space<semaphore_mem>>)
      %dma_start3A_261 = tpu.memref_slice %arg3[%add3A_258] : memref<320000xi32, #tpu.memory_space<hbm>> -> memref<80xi32, #tpu.memory_space<hbm>>
      %dma_start3A_262 = tpu.memref_slice %arg3[%add3A_258] : memref<320000xi32, #tpu.memory_space<hbm>> -> memref<80xi32, #tpu.memory_space<hbm>>
      tpu.enqueue_dma source(%dma_start3A_262 : memref<80xi32, #tpu.memory_space<hbm>>) target(%arg16 : memref<80xi32, #tpu.memory_space<vmem>>) target_semaphore(%arg32 : memref<!tpu.dma_semaphore, #tpu.memory_space<semaphore_mem>>)
      %dma_start3A_263 = tpu.memref_slice %arg4[%add3A_258] : memref<320000xi32, #tpu.memory_space<hbm>> -> memref<80xi32, #tpu.memory_space<hbm>>
      %dma_start3A_264 = tpu.memref_slice %arg4[%add3A_258] : memref<320000xi32, #tpu.memory_space<hbm>> -> memref<80xi32, #tpu.memory_space<hbm>>
      tpu.enqueue_dma source(%dma_start3A_264 : memref<80xi32, #tpu.memory_space<hbm>>) target(%arg18 : memref<80xi32, #tpu.memory_space<vmem>>) target_semaphore(%arg32 : memref<!tpu.dma_semaphore, #tpu.memory_space<semaphore_mem>>)
      %mul3A_265 = arith.constant 4 : i32
      %mul3A_266 = arith.muli %add3A_258, %mul3A_265 : i32
      %dma_start3A_267 = tpu.memref_slice %arg5[%mul3A_266] : memref<1280000xf32, #tpu.memory_space<hbm>> -> memref<320xf32, #tpu.memory_space<hbm>>
      %dma_start3A_268 = tpu.memref_slice %arg5[%mul3A_266] : memref<1280000xf32, #tpu.memory_space<hbm>> -> memref<320xf32, #tpu.memory_space<hbm>>
      tpu.enqueue_dma source(%dma_start3A_268 : memref<320xf32, #tpu.memory_space<hbm>>) target(%arg20 : memref<320xf32, #tpu.memory_space<vmem>>) target_semaphore(%arg32 : memref<!tpu.dma_semaphore, #tpu.memory_space<semaphore_mem>>)
    }
    %scan3A_30 = arith.constant 61 : i32
    %add3A_31 = arith.constant 9840 : i32
    %add3A_32 = arith.addi %mul3A_8, %add3A_31 : i32
    %dma_wait3A = tpu.memref_slice %arg2[%add3A_32] : memref<320000xi32, #tpu.memory_space<hbm>> -> memref<80xi32, #tpu.memory_space<hbm>>
    %dma_wait3A_33 = tpu.memref_slice %arg2[%add3A_32] : memref<320000xi32, #tpu.memory_space<hbm>> -> memref<80xi32, #tpu.memory_space<hbm>>
    tpu.wait_dma2 semaphore(%arg32 : memref<!tpu.dma_semaphore, #tpu.memory_space<semaphore_mem>>) src(%dma_wait3A_33 : memref<80xi32, #tpu.memory_space<hbm>>) dst(%arg14 : memref<80xi32, #tpu.memory_space<vmem>>)
    %dma_wait3A_34 = tpu.memref_slice %arg3[%add3A_32] : memref<320000xi32, #tpu.memory_space<hbm>> -> memref<80xi32, #tpu.memory_space<hbm>>
    %dma_wait3A_35 = tpu.memref_slice %arg3[%add3A_32] : memref<320000xi32, #tpu.memory_space<hbm>> -> memref<80xi32, #tpu.memory_space<hbm>>
    tpu.wait_dma2 semaphore(%arg32 : memref<!tpu.dma_semaphore, #tpu.memory_space<semaphore_mem>>) src(%dma_wait3A_35 : memref<80xi32, #tpu.memory_space<hbm>>) dst(%arg16 : memref<80xi32, #tpu.memory_space<vmem>>)
    %dma_wait3A_36 = tpu.memref_slice %arg4[%add3A_32] : memref<320000xi32, #tpu.memory_space<hbm>> -> memref<80xi32, #tpu.memory_space<hbm>>
    %dma_wait3A_37 = tpu.memref_slice %arg4[%add3A_32] : memref<320000xi32, #tpu.memory_space<hbm>> -> memref<80xi32, #tpu.memory_space<hbm>>
    tpu.wait_dma2 semaphore(%arg32 : memref<!tpu.dma_semaphore, #tpu.memory_space<semaphore_mem>>) src(%dma_wait3A_37 : memref<80xi32, #tpu.memory_space<hbm>>) dst(%arg18 : memref<80xi32, #tpu.memory_space<vmem>>)
    %mul3A_38 = arith.constant 4 : i32
    %mul3A_39 = arith.muli %add3A_32, %mul3A_38 : i32
    %dma_wait3A_40 = tpu.memref_slice %arg5[%mul3A_39] : memref<1280000xf32, #tpu.memory_space<hbm>> -> memref<320xf32, #tpu.memory_space<hbm>>
    %dma_wait3A_41 = tpu.memref_slice %arg5[%mul3A_39] : memref<1280000xf32, #tpu.memory_space<hbm>> -> memref<320xf32, #tpu.memory_space<hbm>>
    tpu.wait_dma2 semaphore(%arg32 : memref<!tpu.dma_semaphore, #tpu.memory_space<semaphore_mem>>) src(%dma_wait3A_41 : memref<320xf32, #tpu.memory_space<hbm>>) dst(%arg20 : memref<320xf32, #tpu.memory_space<vmem>>)
    %dma_start3A_42 = arith.constant 0 : i32
    %dma_start3A_43 = arith.constant 0 : i32
    %dma_start3A_44 = tpu.memref_slice %arg8[%dma_start3A_42, %dma_start3A_43] : memref<10000x128xf32, #tpu.memory_space<hbm>> -> memref<10000x128xf32, #tpu.memory_space<hbm>>
    tpu.enqueue_indirect_dma source(%dma_start3A_44 : memref<10000x128xf32, #tpu.memory_space<hbm>>) target(%arg22 : memref<80x128xf32, #tpu.memory_space<vmem>>) offsets(%arg14 : memref<80xi32, #tpu.memory_space<vmem>>) semaphore(%arg30 : memref<!tpu.dma_semaphore, #tpu.memory_space<semaphore_mem>>)
    %dma_wait3A_45 = arith.constant 0 : i32
    %dma_wait3A_46 = arith.constant 0 : i32
    %dma_wait3A_47 = tpu.memref_slice %arg8[%dma_wait3A_45, %dma_wait3A_46] : memref<10000x128xf32, #tpu.memory_space<hbm>> -> memref<10000x128xf32, #tpu.memory_space<hbm>>
    tpu.wait_indirect_dma semaphore(%arg29 : memref<!tpu.dma_semaphore, #tpu.memory_space<semaphore_mem>>) src(%dma_wait3A_47 : memref<10000x128xf32, #tpu.memory_space<hbm>>) dst(%arg21 : memref<80x128xf32, #tpu.memory_space<vmem>>)
    %scan3A_48 = arith.constant 0 : i32
    %scan3A_49 = arith.constant 20 : i32
    %scan3A_50 = arith.addi %scan3A_48, %scan3A_49 : i32
    %scan3A_51 = arith.constant 1 : i32
    scf.for %scan3A_144 = %scan3A_48 to %scan3A_50 step %scan3A_51  : i32 {
      %mul3A_145 = arith.constant 1 : i32
      %mul3A_146 = arith.muli %scan3A_144, %mul3A_145 : i32
      %add3A_147 = arith.constant 0 : i32
      %add3A_148 = arith.addi %add3A_147, %mul3A_146 : i32
      %mul3A_149 = arith.constant 4 : i32
      %mul3A_150 = arith.muli %add3A_148, %mul3A_149 : i32
      %add3A_151 = vector.broadcast %mul3A_150 : i32 to vector<16xi32>
      %add3A_152 = arith.addi %add3A_151, %shift_right_arithmetic3A_6 : vector<16xi32>
      %gather3A = tpu.vector_load_idx %arg15[%add3A_152] : memref<80xi32, #tpu.memory_space<vmem>>[vector<16xi32>], vector<16xi32>,
      %mul3A_153 = arith.constant 4 : i32
      %mul3A_154 = vector.broadcast %mul3A_153 : i32 to vector<16xi32>
      %mul3A_155 = arith.muli %gather3A, %mul3A_154 : vector<16xi32>
      %add3A_156 = arith.addi %mul3A_155, %and3A_4 : vector<16xi32>
      %mul3A_157 = arith.constant 16 : i32
      %mul3A_158 = arith.muli %add3A_148, %mul3A_157 : i32
      %swap3A = arith.index_cast %mul3A_158 : i32 to index
      %swap3A_159 = tpu.vector_load %arg23[%swap3A] {strides = array<i32>} : memref<320xi32, #tpu.memory_space<vmem>>, vector<16xi32>,
      tpu.vector_store %arg23[%swap3A], %add3A_156 {strides = array<i32>} : memref<320xi32, #tpu.memory_space<vmem>>, vector<16xi32>,
    }
    %scan3A_52 = arith.constant 20 : i32
    "tpu.region"() ({
      %run_scoped3A = tpu.sem_alloc : memref<!tpu.dma_semaphore, #tpu.memory_space<semaphore_mem>>
      %dma_start3A_144 = arith.constant 0 : i32
      %dma_start3A_145 = tpu.memref_slice %arg27[%dma_start3A_144] : memref<40000xf32, #tpu.memory_space<vmem_shared>> -> memref<40000xf32, #tpu.memory_space<vmem_shared>>
      tpu.enqueue_indirect_dma source(%dma_start3A_145 : memref<40000xf32, #tpu.memory_space<vmem_shared>>) target(%arg24 : memref<320xf32, #tpu.memory_space<vmem>>) offsets(%arg23 : memref<320xi32, #tpu.memory_space<vmem>>) semaphore(%run_scoped3A : memref<!tpu.dma_semaphore, #tpu.memory_space<semaphore_mem>>)
      %dma_wait3A_146 = arith.constant 0 : i32
      %dma_wait3A_147 = tpu.memref_slice %arg27[%dma_wait3A_146] : memref<40000xf32, #tpu.memory_space<vmem_shared>> -> memref<40000xf32, #tpu.memory_space<vmem_shared>>
      tpu.wait_indirect_dma semaphore(%run_scoped3A : memref<!tpu.dma_semaphore, #tpu.memory_space<semaphore_mem>>) src(%dma_wait3A_147 : memref<40000xf32, #tpu.memory_space<vmem_shared>>) dst(%arg24 : memref<320xf32, #tpu.memory_space<vmem>>)
      tpu.yield
    }) : () -> ()
    %scan3A_53 = arith.constant 0 : i32
    %scan3A_54 = arith.constant 20 : i32
    %scan3A_55 = arith.addi %scan3A_53, %scan3A_54 : i32
    %scan3A_56 = arith.constant 1 : i32
    scf.for %scan3A_144 = %scan3A_53 to %scan3A_55 step %scan3A_56  : i32 {
      %mul3A_145 = arith.constant 1 : i32
      %mul3A_146 = arith.muli %scan3A_144, %mul3A_145 : i32
      %add3A_147 = arith.constant 0 : i32
      %add3A_148 = arith.addi %add3A_147, %mul3A_146 : i32
      %mul3A_149 = arith.constant 16 : i32
      %mul3A_150 = arith.muli %add3A_148, %mul3A_149 : i32
      %get3A = arith.index_cast %mul3A_150 : i32 to index
      %get3A_151 = tpu.vector_load %arg19[%get3A] {strides = array<i32>} : memref<320xf32, #tpu.memory_space<vmem>>, vector<16xf32>,
      %mul3A_152 = arith.constant 16 : i32
      %mul3A_153 = arith.muli %add3A_148, %mul3A_152 : i32
      %get3A_154 = arith.index_cast %mul3A_153 : i32 to index
      %get3A_155 = tpu.vector_load %arg24[%get3A_154] {strides = array<i32>} : memref<320xf32, #tpu.memory_space<vmem>>, vector<16xf32>,
      %mul3A_156 = arith.mulf %get3A_151, %get3A_155 : vector<16xf32>
      %mul3A_157 = arith.constant 16 : i32
      %mul3A_158 = arith.muli %add3A_148, %mul3A_157 : i32
      %swap3A = arith.index_cast %mul3A_158 : i32 to index
      %swap3A_159 = tpu.vector_load %arg25[%swap3A] {strides = array<i32>} : memref<320xf32, #tpu.memory_space<vmem>>, vector<16xf32>,
      tpu.vector_store %arg25[%swap3A], %mul3A_156 {strides = array<i32>} : memref<320xf32, #tpu.memory_space<vmem>>, vector<16xf32>,
    }
    %scan3A_57 = arith.constant 20 : i32
    %scan3A_58 = arith.constant 0 : i32
    %scan3A_59 = arith.constant 80 : i32
    %scan3A_60 = arith.addi %scan3A_58, %scan3A_59 : i32
    %scan3A_61 = arith.constant 1 : i32
    scf.for %scan3A_144 = %scan3A_58 to %scan3A_60 step %scan3A_61  : i32 {
      %mul3A_145 = arith.constant 1 : i32
      %mul3A_146 = arith.muli %scan3A_144, %mul3A_145 : i32
      %add3A_147 = arith.constant 0 : i32
      %add3A_148 = arith.addi %add3A_147, %mul3A_146 : i32
      %broadcast_in_dim3A = vector.broadcast %add3A_148 : i32 to vector<16xi32>
      %gather3A = tpu.vector_load_idx %arg17[%broadcast_in_dim3A] : memref<80xi32, #tpu.memory_space<vmem>>[vector<16xi32>], vector<16xi32>,
      %mul3A_149 = arith.constant 128 : i32
      %mul3A_150 = vector.broadcast %mul3A_149 : i32 to vector<16xi32>
      %mul3A_151 = arith.muli %gather3A, %mul3A_150 : vector<16xi32>
      %mul3A_152 = arith.constant 4 : i32
      %mul3A_153 = arith.muli %add3A_148, %mul3A_152 : i32
      %add3A_154 = arith.constant 0 : i32
      %add3A_155 = arith.addi %mul3A_153, %add3A_154 : i32
      %broadcast_in_dim3A_156 = vector.broadcast %add3A_155 : i32 to vector<16xi32>
      %gather3A_157 = tpu.vector_load_idx %arg25[%broadcast_in_dim3A_156] : memref<320xf32, #tpu.memory_space<vmem>>[vector<16xi32>], vector<16xf32>,
      %add3A_158 = arith.constant 0 : i32
      %add3A_159 = vector.broadcast %add3A_158 : i32 to vector<16xi32>
      %add3A_160 = arith.addi %add3A_159, %iota3A : vector<16xi32>
      %add3A_161 = arith.addi %mul3A_151, %add3A_160 : vector<16xi32>
      %gather3A_162 = tpu.vector_load_idx %arg12[%add3A_161] : memref<4864xf32, #tpu.memory_space<vmem>>[vector<16xi32>], vector<16xf32>,
      %get3A = arith.index_cast %add3A_148 : i32 to index
      %get3A_163 = arith.constant 0 : index
      %get3A_164 = tpu.vector_load %arg21[%get3A, %get3A_163] {strides = array<i32>} : memref<80x128xf32, #tpu.memory_space<vmem>>, vector<16xf32>,
      %add3A_165 = arith.addf %get3A_164, %gather3A_162 : vector<16xf32>
      %mul3A_166 = arith.mulf %add3A_165, %gather3A_157 : vector<16xf32>
      %swap3A = arith.index_cast %add3A_148 : i32 to index
      %swap3A_167 = arith.constant 0 : index
      %swap3A_168 = tpu.vector_load %arg21[%swap3A, %swap3A_167] {strides = array<i32>} : memref<80x128xf32, #tpu.memory_space<vmem>>, vector<16xf32>,
      tpu.vector_store %arg21[%swap3A, %swap3A_167], %mul3A_166 {strides = array<i32>} : memref<80x128xf32, #tpu.memory_space<vmem>>, vector<16xf32>,
      %add3A_169 = arith.constant 16 : i32
      %add3A_170 = vector.broadcast %add3A_169 : i32 to vector<16xi32>
      %add3A_171 = arith.addi %add3A_170, %iota3A : vector<16xi32>
      %add3A_172 = arith.addi %mul3A_151, %add3A_171 : vector<16xi32>
      %gather3A_173 = tpu.vector_load_idx %arg12[%add3A_172] : memref<4864xf32, #tpu.memory_space<vmem>>[vector<16xi32>], vector<16xf32>,
      %get3A_174 = arith.index_cast %add3A_148 : i32 to index
      %get3A_175 = arith.constant 16 : index
      %get3A_176 = tpu.vector_load %arg21[%get3A_174, %get3A_175] {strides = array<i32>} : memref<80x128xf32, #tpu.memory_space<vmem>>, vector<16xf32>,
      %add3A_177 = arith.addf %get3A_176, %gather3A_173 : vector<16xf32>
      %mul3A_178 = arith.mulf %add3A_177, %gather3A_157 : vector<16xf32>
      %swap3A_179 = arith.index_cast %add3A_148 : i32 to index
      %swap3A_180 = arith.constant 16 : index
      %swap3A_181 = tpu.vector_load %arg21[%swap3A_179, %swap3A_180] {strides = array<i32>} : memref<80x128xf32, #tpu.memory_space<vmem>>, vector<16xf32>,
      tpu.vector_store %arg21[%swap3A_179, %swap3A_180], %mul3A_178 {strides = array<i32>} : memref<80x128xf32, #tpu.memory_space<vmem>>, vector<16xf32>,
      %mul3A_182 = arith.constant 4 : i32
      %mul3A_183 = arith.muli %add3A_148, %mul3A_182 : i32
      %add3A_184 = arith.constant 1 : i32
      %add3A_185 = arith.addi %mul3A_183, %add3A_184 : i32
      %broadcast_in_dim3A_186 = vector.broadcast %add3A_185 : i32 to vector<16xi32>
      %gather3A_187 = tpu.vector_load_idx %arg25[%broadcast_in_dim3A_186] : memref<320xf32, #tpu.memory_space<vmem>>[vector<16xi32>], vector<16xf32>,
      %add3A_188 = arith.constant 32 : i32
      %add3A_189 = vector.broadcast %add3A_188 : i32 to vector<16xi32>
      %add3A_190 = arith.addi %add3A_189, %iota3A : vector<16xi32>
      %add3A_191 = arith.addi %mul3A_151, %add3A_190 : vector<16xi32>
      %gather3A_192 = tpu.vector_load_idx %arg12[%add3A_191] : memref<4864xf32, #tpu.memory_space<vmem>>[vector<16xi32>], vector<16xf32>,
      %get3A_193 = arith.index_cast %add3A_148 : i32 to index
      %get3A_194 = arith.constant 32 : index
      %get3A_195 = tpu.vector_load %arg21[%get3A_193, %get3A_194] {strides = array<i32>} : memref<80x128xf32, #tpu.memory_space<vmem>>, vector<16xf32>,
      %add3A_196 = arith.addf %get3A_195, %gather3A_192 : vector<16xf32>
      %mul3A_197 = arith.mulf %add3A_196, %gather3A_187 : vector<16xf32>
      %swap3A_198 = arith.index_cast %add3A_148 : i32 to index
      %swap3A_199 = arith.constant 32 : index
      %swap3A_200 = tpu.vector_load %arg21[%swap3A_198, %swap3A_199] {strides = array<i32>} : memref<80x128xf32, #tpu.memory_space<vmem>>, vector<16xf32>,
      tpu.vector_store %arg21[%swap3A_198, %swap3A_199], %mul3A_197 {strides = array<i32>} : memref<80x128xf32, #tpu.memory_space<vmem>>, vector<16xf32>,
      %add3A_201 = arith.constant 48 : i32
      %add3A_202 = vector.broadcast %add3A_201 : i32 to vector<16xi32>
      %add3A_203 = arith.addi %add3A_202, %iota3A : vector<16xi32>
      %add3A_204 = arith.addi %mul3A_151, %add3A_203 : vector<16xi32>
      %gather3A_205 = tpu.vector_load_idx %arg12[%add3A_204] : memref<4864xf32, #tpu.memory_space<vmem>>[vector<16xi32>], vector<16xf32>,
      %get3A_206 = arith.index_cast %add3A_148 : i32 to index
      %get3A_207 = arith.constant 48 : index
      %get3A_208 = tpu.vector_load %arg21[%get3A_206, %get3A_207] {strides = array<i32>} : memref<80x128xf32, #tpu.memory_space<vmem>>, vector<16xf32>,
      %add3A_209 = arith.addf %get3A_208, %gather3A_205 : vector<16xf32>
      %mul3A_210 = arith.mulf %add3A_209, %gather3A_187 : vector<16xf32>
      %swap3A_211 = arith.index_cast %add3A_148 : i32 to index
      %swap3A_212 = arith.constant 48 : index
      %swap3A_213 = tpu.vector_load %arg21[%swap3A_211, %swap3A_212] {strides = array<i32>} : memref<80x128xf32, #tpu.memory_space<vmem>>, vector<16xf32>,
      tpu.vector_store %arg21[%swap3A_211, %swap3A_212], %mul3A_210 {strides = array<i32>} : memref<80x128xf32, #tpu.memory_space<vmem>>, vector<16xf32>,
      %mul3A_214 = arith.constant 4 : i32
      %mul3A_215 = arith.muli %add3A_148, %mul3A_214 : i32
      %add3A_216 = arith.constant 2 : i32
      %add3A_217 = arith.addi %mul3A_215, %add3A_216 : i32
      %broadcast_in_dim3A_218 = vector.broadcast %add3A_217 : i32 to vector<16xi32>
      %gather3A_219 = tpu.vector_load_idx %arg25[%broadcast_in_dim3A_218] : memref<320xf32, #tpu.memory_space<vmem>>[vector<16xi32>], vector<16xf32>,
      %add3A_220 = arith.constant 64 : i32
      %add3A_221 = vector.broadcast %add3A_220 : i32 to vector<16xi32>
      %add3A_222 = arith.addi %add3A_221, %iota3A : vector<16xi32>
      %add3A_223 = arith.addi %mul3A_151, %add3A_222 : vector<16xi32>
      %gather3A_224 = tpu.vector_load_idx %arg12[%add3A_223] : memref<4864xf32, #tpu.memory_space<vmem>>[vector<16xi32>], vector<16xf32>,
      %get3A_225 = arith.index_cast %add3A_148 : i32 to index
      %get3A_226 = arith.constant 64 : index
      %get3A_227 = tpu.vector_load %arg21[%get3A_225, %get3A_226] {strides = array<i32>} : memref<80x128xf32, #tpu.memory_space<vmem>>, vector<16xf32>,
      %add3A_228 = arith.addf %get3A_227, %gather3A_224 : vector<16xf32>
      %mul3A_229 = arith.mulf %add3A_228, %gather3A_219 : vector<16xf32>
      %swap3A_230 = arith.index_cast %add3A_148 : i32 to index
      %swap3A_231 = arith.constant 64 : index
      %swap3A_232 = tpu.vector_load %arg21[%swap3A_230, %swap3A_231] {strides = array<i32>} : memref<80x128xf32, #tpu.memory_space<vmem>>, vector<16xf32>,
      tpu.vector_store %arg21[%swap3A_230, %swap3A_231], %mul3A_229 {strides = array<i32>} : memref<80x128xf32, #tpu.memory_space<vmem>>, vector<16xf32>,
      %add3A_233 = arith.constant 80 : i32
      %add3A_234 = vector.broadcast %add3A_233 : i32 to vector<16xi32>
      %add3A_235 = arith.addi %add3A_234, %iota3A : vector<16xi32>
      %add3A_236 = arith.addi %mul3A_151, %add3A_235 : vector<16xi32>
      %gather3A_237 = tpu.vector_load_idx %arg12[%add3A_236] : memref<4864xf32, #tpu.memory_space<vmem>>[vector<16xi32>], vector<16xf32>,
      %get3A_238 = arith.index_cast %add3A_148 : i32 to index
      %get3A_239 = arith.constant 80 : index
      %get3A_240 = tpu.vector_load %arg21[%get3A_238, %get3A_239] {strides = array<i32>} : memref<80x128xf32, #tpu.memory_space<vmem>>, vector<16xf32>,
      %add3A_241 = arith.addf %get3A_240, %gather3A_237 : vector<16xf32>
      %mul3A_242 = arith.mulf %add3A_241, %gather3A_219 : vector<16xf32>
      %swap3A_243 = arith.index_cast %add3A_148 : i32 to index
      %swap3A_244 = arith.constant 80 : index
      %swap3A_245 = tpu.vector_load %arg21[%swap3A_243, %swap3A_244] {strides = array<i32>} : memref<80x128xf32, #tpu.memory_space<vmem>>, vector<16xf32>,
      tpu.vector_store %arg21[%swap3A_243, %swap3A_244], %mul3A_242 {strides = array<i32>} : memref<80x128xf32, #tpu.memory_space<vmem>>, vector<16xf32>,
      %mul3A_246 = arith.constant 4 : i32
      %mul3A_247 = arith.muli %add3A_148, %mul3A_246 : i32
      %add3A_248 = arith.constant 3 : i32
      %add3A_249 = arith.addi %mul3A_247, %add3A_248 : i32
      %broadcast_in_dim3A_250 = vector.broadcast %add3A_249 : i32 to vector<16xi32>
      %gather3A_251 = tpu.vector_load_idx %arg25[%broadcast_in_dim3A_250] : memref<320xf32, #tpu.memory_space<vmem>>[vector<16xi32>], vector<16xf32>,
      %add3A_252 = arith.constant 96 : i32
      %add3A_253 = vector.broadcast %add3A_252 : i32 to vector<16xi32>
      %add3A_254 = arith.addi %add3A_253, %iota3A : vector<16xi32>
      %add3A_255 = arith.addi %mul3A_151, %add3A_254 : vector<16xi32>
      %gather3A_256 = tpu.vector_load_idx %arg12[%add3A_255] : memref<4864xf32, #tpu.memory_space<vmem>>[vector<16xi32>], vector<16xf32>,
      %get3A_257 = arith.index_cast %add3A_148 : i32 to index
      %get3A_258 = arith.constant 96 : index
      %get3A_259 = tpu.vector_load %arg21[%get3A_257, %get3A_258] {strides = array<i32>} : memref<80x128xf32, #tpu.memory_space<vmem>>, vector<16xf32>,
      %add3A_260 = arith.addf %get3A_259, %gather3A_256 : vector<16xf32>
      %mul3A_261 = arith.mulf %add3A_260, %gather3A_251 : vector<16xf32>
      %swap3A_262 = arith.index_cast %add3A_148 : i32 to index
      %swap3A_263 = arith.constant 96 : index
      %swap3A_264 = tpu.vector_load %arg21[%swap3A_262, %swap3A_263] {strides = array<i32>} : memref<80x128xf32, #tpu.memory_space<vmem>>, vector<16xf32>,
      tpu.vector_store %arg21[%swap3A_262, %swap3A_263], %mul3A_261 {strides = array<i32>} : memref<80x128xf32, #tpu.memory_space<vmem>>, vector<16xf32>,
      %add3A_265 = arith.constant 112 : i32
      %add3A_266 = vector.broadcast %add3A_265 : i32 to vector<16xi32>
      %add3A_267 = arith.addi %add3A_266, %iota3A : vector<16xi32>
      %add3A_268 = arith.addi %mul3A_151, %add3A_267 : vector<16xi32>
      %gather3A_269 = tpu.vector_load_idx %arg12[%add3A_268] : memref<4864xf32, #tpu.memory_space<vmem>>[vector<16xi32>], vector<16xf32>,
      %get3A_270 = arith.index_cast %add3A_148 : i32 to index
      %get3A_271 = arith.constant 112 : index
      %get3A_272 = tpu.vector_load %arg21[%get3A_270, %get3A_271] {strides = array<i32>} : memref<80x128xf32, #tpu.memory_space<vmem>>, vector<16xf32>,
      %add3A_273 = arith.addf %get3A_272, %gather3A_269 : vector<16xf32>
      %mul3A_274 = arith.mulf %add3A_273, %gather3A_251 : vector<16xf32>
      %swap3A_275 = arith.index_cast %add3A_148 : i32 to index
      %swap3A_276 = arith.constant 112 : index
      %swap3A_277 = tpu.vector_load %arg21[%swap3A_275, %swap3A_276] {strides = array<i32>} : memref<80x128xf32, #tpu.memory_space<vmem>>, vector<16xf32>,
      tpu.vector_store %arg21[%swap3A_275, %swap3A_276], %mul3A_274 {strides = array<i32>} : memref<80x128xf32, #tpu.memory_space<vmem>>, vector<16xf32>,
    }
    %scan3A_62 = arith.constant 80 : i32
    "tpu.region"() ({
      %run_scoped3A = tpu.sem_alloc : memref<!tpu.dma_semaphore, #tpu.memory_space<semaphore_mem>>
      %dma_start3A_144 = arith.constant 0 : i32
      %dma_start3A_145 = arith.constant 0 : i32
      %dma_start3A_146 = tpu.memref_slice %arg28[%dma_start3A_144, %dma_start3A_145] : memref<10000x128xf32, #tpu.memory_space<vmem_shared>> -> memref<10000x128xf32, #tpu.memory_space<vmem_shared>>
      tpu.enqueue_indirect_dma source(%arg21 : memref<80x128xf32, #tpu.memory_space<vmem>>) target(%dma_start3A_146 : memref<10000x128xf32, #tpu.memory_space<vmem_shared>>) offsets(%arg15 : memref<80xi32, #tpu.memory_space<vmem>>) semaphore(%run_scoped3A : memref<!tpu.dma_semaphore, #tpu.memory_space<semaphore_mem>>) {add = true}
      %dma_wait3A_147 = arith.constant 0 : i32
      %dma_wait3A_148 = arith.constant 0 : i32
      %dma_wait3A_149 = tpu.memref_slice %arg28[%dma_wait3A_147, %dma_wait3A_148] : memref<10000x128xf32, #tpu.memory_space<vmem_shared>> -> memref<10000x128xf32, #tpu.memory_space<vmem_shared>>
      tpu.wait_indirect_dma semaphore(%run_scoped3A : memref<!tpu.dma_semaphore, #tpu.memory_space<semaphore_mem>>) src(%arg21 : memref<80x128xf32, #tpu.memory_space<vmem>>) dst(%dma_wait3A_149 : memref<10000x128xf32, #tpu.memory_space<vmem_shared>>)
      tpu.yield
    }) : () -> ()
    %add3A_63 = arith.constant 9760 : i32
    %add3A_64 = arith.addi %mul3A_8, %add3A_63 : i32
    %mul3A_65 = arith.constant 4 : i32
    %mul3A_66 = arith.muli %add3A_64, %mul3A_65 : i32
    "tpu.region"() ({
      %run_scoped3A = tpu.sem_alloc : memref<!tpu.dma_semaphore, #tpu.memory_space<semaphore_mem>>
      %dma_start3A_144 = tpu.memref_slice %arg10[%mul3A_66] : memref<1280000xf32, #tpu.memory_space<hbm>> -> memref<320xf32, #tpu.memory_space<hbm>>
      %dma_start3A_145 = tpu.memref_slice %arg10[%mul3A_66] : memref<1280000xf32, #tpu.memory_space<hbm>> -> memref<320xf32, #tpu.memory_space<hbm>>
      tpu.enqueue_dma source(%arg25 : memref<320xf32, #tpu.memory_space<vmem>>) target(%dma_start3A_145 : memref<320xf32, #tpu.memory_space<hbm>>) target_semaphore(%run_scoped3A : memref<!tpu.dma_semaphore, #tpu.memory_space<semaphore_mem>>)
      %dma_wait3A_146 = tpu.memref_slice %arg10[%mul3A_66] : memref<1280000xf32, #tpu.memory_space<hbm>> -> memref<320xf32, #tpu.memory_space<hbm>>
      %dma_wait3A_147 = tpu.memref_slice %arg10[%mul3A_66] : memref<1280000xf32, #tpu.memory_space<hbm>> -> memref<320xf32, #tpu.memory_space<hbm>>
      tpu.wait_dma2 semaphore(%run_scoped3A : memref<!tpu.dma_semaphore, #tpu.memory_space<semaphore_mem>>) src(%arg25 : memref<320xf32, #tpu.memory_space<vmem>>) dst(%dma_wait3A_147 : memref<320xf32, #tpu.memory_space<hbm>>)
      tpu.yield
    }) : () -> ()
    %add3A_67 = arith.constant 9920 : i32
    %add3A_68 = arith.addi %mul3A_8, %add3A_67 : i32
    %dma_start3A_69 = tpu.memref_slice %arg2[%add3A_68] : memref<320000xi32, #tpu.memory_space<hbm>> -> memref<80xi32, #tpu.memory_space<hbm>>
    %dma_start3A_70 = tpu.memref_slice %arg2[%add3A_68] : memref<320000xi32, #tpu.memory_space<hbm>> -> memref<80xi32, #tpu.memory_space<hbm>>
    tpu.enqueue_dma source(%dma_start3A_70 : memref<80xi32, #tpu.memory_space<hbm>>) target(%arg13 : memref<80xi32, #tpu.memory_space<vmem>>) target_semaphore(%arg31 : memref<!tpu.dma_semaphore, #tpu.memory_space<semaphore_mem>>)
    %dma_start3A_71 = tpu.memref_slice %arg3[%add3A_68] : memref<320000xi32, #tpu.memory_space<hbm>> -> memref<80xi32, #tpu.memory_space<hbm>>
    %dma_start3A_72 = tpu.memref_slice %arg3[%add3A_68] : memref<320000xi32, #tpu.memory_space<hbm>> -> memref<80xi32, #tpu.memory_space<hbm>>
    tpu.enqueue_dma source(%dma_start3A_72 : memref<80xi32, #tpu.memory_space<hbm>>) target(%arg15 : memref<80xi32, #tpu.memory_space<vmem>>) target_semaphore(%arg31 : memref<!tpu.dma_semaphore, #tpu.memory_space<semaphore_mem>>)
    %dma_start3A_73 = tpu.memref_slice %arg4[%add3A_68] : memref<320000xi32, #tpu.memory_space<hbm>> -> memref<80xi32, #tpu.memory_space<hbm>>
    %dma_start3A_74 = tpu.memref_slice %arg4[%add3A_68] : memref<320000xi32, #tpu.memory_space<hbm>> -> memref<80xi32, #tpu.memory_space<hbm>>
    tpu.enqueue_dma source(%dma_start3A_74 : memref<80xi32, #tpu.memory_space<hbm>>) target(%arg17 : memref<80xi32, #tpu.memory_space<vmem>>) target_semaphore(%arg31 : memref<!tpu.dma_semaphore, #tpu.memory_space<semaphore_mem>>)
    %mul3A_75 = arith.constant 4 : i32
    %mul3A_76 = arith.muli %add3A_68, %mul3A_75 : i32
    %dma_start3A_77 = tpu.memref_slice %arg5[%mul3A_76] : memref<1280000xf32, #tpu.memory_space<hbm>> -> memref<320xf32, #tpu.memory_space<hbm>>
    %dma_start3A_78 = tpu.memref_slice %arg5[%mul3A_76] : memref<1280000xf32, #tpu.memory_space<hbm>> -> memref<320xf32, #tpu.memory_space<hbm>>
    tpu.enqueue_dma source(%dma_start3A_78 : memref<320xf32, #tpu.memory_space<hbm>>) target(%arg19 : memref<320xf32, #tpu.memory_space<vmem>>) target_semaphore(%arg31 : memref<!tpu.dma_semaphore, #tpu.memory_space<semaphore_mem>>)
    %add3A_79 = arith.constant 9920 : i32
    %add3A_80 = arith.addi %mul3A_8, %add3A_79 : i32
    %dma_wait3A_81 = tpu.memref_slice %arg2[%add3A_80] : memref<320000xi32, #tpu.memory_space<hbm>> -> memref<80xi32, #tpu.memory_space<hbm>>
    %dma_wait3A_82 = tpu.memref_slice %arg2[%add3A_80] : memref<320000xi32, #tpu.memory_space<hbm>> -> memref<80xi32, #tpu.memory_space<hbm>>
    tpu.wait_dma2 semaphore(%arg31 : memref<!tpu.dma_semaphore, #tpu.memory_space<semaphore_mem>>) src(%dma_wait3A_82 : memref<80xi32, #tpu.memory_space<hbm>>) dst(%arg13 : memref<80xi32, #tpu.memory_space<vmem>>)
    %dma_wait3A_83 = tpu.memref_slice %arg3[%add3A_80] : memref<320000xi32, #tpu.memory_space<hbm>> -> memref<80xi32, #tpu.memory_space<hbm>>
    %dma_wait3A_84 = tpu.memref_slice %arg3[%add3A_80] : memref<320000xi32, #tpu.memory_space<hbm>> -> memref<80xi32, #tpu.memory_space<hbm>>
    tpu.wait_dma2 semaphore(%arg31 : memref<!tpu.dma_semaphore, #tpu.memory_space<semaphore_mem>>) src(%dma_wait3A_84 : memref<80xi32, #tpu.memory_space<hbm>>) dst(%arg15 : memref<80xi32, #tpu.memory_space<vmem>>)
    %dma_wait3A_85 = tpu.memref_slice %arg4[%add3A_80] : memref<320000xi32, #tpu.memory_space<hbm>> -> memref<80xi32, #tpu.memory_space<hbm>>
    %dma_wait3A_86 = tpu.memref_slice %arg4[%add3A_80] : memref<320000xi32, #tpu.memory_space<hbm>> -> memref<80xi32, #tpu.memory_space<hbm>>
    tpu.wait_dma2 semaphore(%arg31 : memref<!tpu.dma_semaphore, #tpu.memory_space<semaphore_mem>>) src(%dma_wait3A_86 : memref<80xi32, #tpu.memory_space<hbm>>) dst(%arg17 : memref<80xi32, #tpu.memory_space<vmem>>)
    %mul3A_87 = arith.constant 4 : i32
    %mul3A_88 = arith.muli %add3A_80, %mul3A_87 : i32
    %dma_wait3A_89 = tpu.memref_slice %arg5[%mul3A_88] : memref<1280000xf32, #tpu.memory_space<hbm>> -> memref<320xf32, #tpu.memory_space<hbm>>
    %dma_wait3A_90 = tpu.memref_slice %arg5[%mul3A_88] : memref<1280000xf32, #tpu.memory_space<hbm>> -> memref<320xf32, #tpu.memory_space<hbm>>
    tpu.wait_dma2 semaphore(%arg31 : memref<!tpu.dma_semaphore, #tpu.memory_space<semaphore_mem>>) src(%dma_wait3A_90 : memref<320xf32, #tpu.memory_space<hbm>>) dst(%arg19 : memref<320xf32, #tpu.memory_space<vmem>>)
    %dma_start3A_91 = arith.constant 0 : i32
    %dma_start3A_92 = arith.constant 0 : i32
    %dma_start3A_93 = tpu.memref_slice %arg8[%dma_start3A_91, %dma_start3A_92] : memref<10000x128xf32, #tpu.memory_space<hbm>> -> memref<10000x128xf32, #tpu.memory_space<hbm>>
    tpu.enqueue_indirect_dma source(%dma_start3A_93 : memref<10000x128xf32, #tpu.memory_space<hbm>>) target(%arg21 : memref<80x128xf32, #tpu.memory_space<vmem>>) offsets(%arg13 : memref<80xi32, #tpu.memory_space<vmem>>) semaphore(%arg29 : memref<!tpu.dma_semaphore, #tpu.memory_space<semaphore_mem>>)
    %dma_wait3A_94 = arith.constant 0 : i32
    %dma_wait3A_95 = arith.constant 0 : i32
    %dma_wait3A_96 = tpu.memref_slice %arg8[%dma_wait3A_94, %dma_wait3A_95] : memref<10000x128xf32, #tpu.memory_space<hbm>> -> memref<10000x128xf32, #tpu.memory_space<hbm>>
    tpu.wait_indirect_dma semaphore(%arg30 : memref<!tpu.dma_semaphore, #tpu.memory_space<semaphore_mem>>) src(%dma_wait3A_96 : memref<10000x128xf32, #tpu.memory_space<hbm>>) dst(%arg22 : memref<80x128xf32, #tpu.memory_space<vmem>>)
    %scan3A_97 = arith.constant 0 : i32
    %scan3A_98 = arith.constant 20 : i32
    %scan3A_99 = arith.addi %scan3A_97, %scan3A_98 : i32
    %scan3A_100 = arith.constant 1 : i32
    scf.for %scan3A_144 = %scan3A_97 to %scan3A_99 step %scan3A_100  : i32 {
      %mul3A_145 = arith.constant 1 : i32
      %mul3A_146 = arith.muli %scan3A_144, %mul3A_145 : i32
      %add3A_147 = arith.constant 0 : i32
      %add3A_148 = arith.addi %add3A_147, %mul3A_146 : i32
      %mul3A_149 = arith.constant 4 : i32
      %mul3A_150 = arith.muli %add3A_148, %mul3A_149 : i32
      %add3A_151 = vector.broadcast %mul3A_150 : i32 to vector<16xi32>
      %add3A_152 = arith.addi %add3A_151, %shift_right_arithmetic3A_6 : vector<16xi32>
      %gather3A = tpu.vector_load_idx %arg16[%add3A_152] : memref<80xi32, #tpu.memory_space<vmem>>[vector<16xi32>], vector<16xi32>,
      %mul3A_153 = arith.constant 4 : i32
      %mul3A_154 = vector.broadcast %mul3A_153 : i32 to vector<16xi32>
      %mul3A_155 = arith.muli %gather3A, %mul3A_154 : vector<16xi32>
      %add3A_156 = arith.addi %mul3A_155, %and3A_4 : vector<16xi32>
      %mul3A_157 = arith.constant 16 : i32
      %mul3A_158 = arith.muli %add3A_148, %mul3A_157 : i32
      %swap3A = arith.index_cast %mul3A_158 : i32 to index
      %swap3A_159 = tpu.vector_load %arg23[%swap3A] {strides = array<i32>} : memref<320xi32, #tpu.memory_space<vmem>>, vector<16xi32>,
      tpu.vector_store %arg23[%swap3A], %add3A_156 {strides = array<i32>} : memref<320xi32, #tpu.memory_space<vmem>>, vector<16xi32>,
    }
    %scan3A_101 = arith.constant 20 : i32
    "tpu.region"() ({
      %run_scoped3A = tpu.sem_alloc : memref<!tpu.dma_semaphore, #tpu.memory_space<semaphore_mem>>
      %dma_start3A_144 = arith.constant 0 : i32
      %dma_start3A_145 = tpu.memref_slice %arg27[%dma_start3A_144] : memref<40000xf32, #tpu.memory_space<vmem_shared>> -> memref<40000xf32, #tpu.memory_space<vmem_shared>>
      tpu.enqueue_indirect_dma source(%dma_start3A_145 : memref<40000xf32, #tpu.memory_space<vmem_shared>>) target(%arg24 : memref<320xf32, #tpu.memory_space<vmem>>) offsets(%arg23 : memref<320xi32, #tpu.memory_space<vmem>>) semaphore(%run_scoped3A : memref<!tpu.dma_semaphore, #tpu.memory_space<semaphore_mem>>)
      %dma_wait3A_146 = arith.constant 0 : i32
      %dma_wait3A_147 = tpu.memref_slice %arg27[%dma_wait3A_146] : memref<40000xf32, #tpu.memory_space<vmem_shared>> -> memref<40000xf32, #tpu.memory_space<vmem_shared>>
      tpu.wait_indirect_dma semaphore(%run_scoped3A : memref<!tpu.dma_semaphore, #tpu.memory_space<semaphore_mem>>) src(%dma_wait3A_147 : memref<40000xf32, #tpu.memory_space<vmem_shared>>) dst(%arg24 : memref<320xf32, #tpu.memory_space<vmem>>)
      tpu.yield
    }) : () -> ()
    %scan3A_102 = arith.constant 0 : i32
    %scan3A_103 = arith.constant 20 : i32
    %scan3A_104 = arith.addi %scan3A_102, %scan3A_103 : i32
    %scan3A_105 = arith.constant 1 : i32
    scf.for %scan3A_144 = %scan3A_102 to %scan3A_104 step %scan3A_105  : i32 {
      %mul3A_145 = arith.constant 1 : i32
      %mul3A_146 = arith.muli %scan3A_144, %mul3A_145 : i32
      %add3A_147 = arith.constant 0 : i32
      %add3A_148 = arith.addi %add3A_147, %mul3A_146 : i32
      %mul3A_149 = arith.constant 16 : i32
      %mul3A_150 = arith.muli %add3A_148, %mul3A_149 : i32
      %get3A = arith.index_cast %mul3A_150 : i32 to index
      %get3A_151 = tpu.vector_load %arg20[%get3A] {strides = array<i32>} : memref<320xf32, #tpu.memory_space<vmem>>, vector<16xf32>,
      %mul3A_152 = arith.constant 16 : i32
      %mul3A_153 = arith.muli %add3A_148, %mul3A_152 : i32
      %get3A_154 = arith.index_cast %mul3A_153 : i32 to index
      %get3A_155 = tpu.vector_load %arg24[%get3A_154] {strides = array<i32>} : memref<320xf32, #tpu.memory_space<vmem>>, vector<16xf32>,
      %mul3A_156 = arith.mulf %get3A_151, %get3A_155 : vector<16xf32>
      %mul3A_157 = arith.constant 16 : i32
      %mul3A_158 = arith.muli %add3A_148, %mul3A_157 : i32
      %swap3A = arith.index_cast %mul3A_158 : i32 to index
      %swap3A_159 = tpu.vector_load %arg25[%swap3A] {strides = array<i32>} : memref<320xf32, #tpu.memory_space<vmem>>, vector<16xf32>,
      tpu.vector_store %arg25[%swap3A], %mul3A_156 {strides = array<i32>} : memref<320xf32, #tpu.memory_space<vmem>>, vector<16xf32>,
    }
    %scan3A_106 = arith.constant 20 : i32
    %scan3A_107 = arith.constant 0 : i32
    %scan3A_108 = arith.constant 80 : i32
    %scan3A_109 = arith.addi %scan3A_107, %scan3A_108 : i32
    %scan3A_110 = arith.constant 1 : i32
    scf.for %scan3A_144 = %scan3A_107 to %scan3A_109 step %scan3A_110  : i32 {
      %mul3A_145 = arith.constant 1 : i32
      %mul3A_146 = arith.muli %scan3A_144, %mul3A_145 : i32
      %add3A_147 = arith.constant 0 : i32
      %add3A_148 = arith.addi %add3A_147, %mul3A_146 : i32
      %broadcast_in_dim3A = vector.broadcast %add3A_148 : i32 to vector<16xi32>
      %gather3A = tpu.vector_load_idx %arg18[%broadcast_in_dim3A] : memref<80xi32, #tpu.memory_space<vmem>>[vector<16xi32>], vector<16xi32>,
      %mul3A_149 = arith.constant 128 : i32
      %mul3A_150 = vector.broadcast %mul3A_149 : i32 to vector<16xi32>
      %mul3A_151 = arith.muli %gather3A, %mul3A_150 : vector<16xi32>
      %mul3A_152 = arith.constant 4 : i32
      %mul3A_153 = arith.muli %add3A_148, %mul3A_152 : i32
      %add3A_154 = arith.constant 0 : i32
      %add3A_155 = arith.addi %mul3A_153, %add3A_154 : i32
      %broadcast_in_dim3A_156 = vector.broadcast %add3A_155 : i32 to vector<16xi32>
      %gather3A_157 = tpu.vector_load_idx %arg25[%broadcast_in_dim3A_156] : memref<320xf32, #tpu.memory_space<vmem>>[vector<16xi32>], vector<16xf32>,
      %add3A_158 = arith.constant 0 : i32
      %add3A_159 = vector.broadcast %add3A_158 : i32 to vector<16xi32>
      %add3A_160 = arith.addi %add3A_159, %iota3A : vector<16xi32>
      %add3A_161 = arith.addi %mul3A_151, %add3A_160 : vector<16xi32>
      %gather3A_162 = tpu.vector_load_idx %arg12[%add3A_161] : memref<4864xf32, #tpu.memory_space<vmem>>[vector<16xi32>], vector<16xf32>,
      %get3A = arith.index_cast %add3A_148 : i32 to index
      %get3A_163 = arith.constant 0 : index
      %get3A_164 = tpu.vector_load %arg22[%get3A, %get3A_163] {strides = array<i32>} : memref<80x128xf32, #tpu.memory_space<vmem>>, vector<16xf32>,
      %add3A_165 = arith.addf %get3A_164, %gather3A_162 : vector<16xf32>
      %mul3A_166 = arith.mulf %add3A_165, %gather3A_157 : vector<16xf32>
      %swap3A = arith.index_cast %add3A_148 : i32 to index
      %swap3A_167 = arith.constant 0 : index
      %swap3A_168 = tpu.vector_load %arg22[%swap3A, %swap3A_167] {strides = array<i32>} : memref<80x128xf32, #tpu.memory_space<vmem>>, vector<16xf32>,
      tpu.vector_store %arg22[%swap3A, %swap3A_167], %mul3A_166 {strides = array<i32>} : memref<80x128xf32, #tpu.memory_space<vmem>>, vector<16xf32>,
      %add3A_169 = arith.constant 16 : i32
      %add3A_170 = vector.broadcast %add3A_169 : i32 to vector<16xi32>
      %add3A_171 = arith.addi %add3A_170, %iota3A : vector<16xi32>
      %add3A_172 = arith.addi %mul3A_151, %add3A_171 : vector<16xi32>
      %gather3A_173 = tpu.vector_load_idx %arg12[%add3A_172] : memref<4864xf32, #tpu.memory_space<vmem>>[vector<16xi32>], vector<16xf32>,
      %get3A_174 = arith.index_cast %add3A_148 : i32 to index
      %get3A_175 = arith.constant 16 : index
      %get3A_176 = tpu.vector_load %arg22[%get3A_174, %get3A_175] {strides = array<i32>} : memref<80x128xf32, #tpu.memory_space<vmem>>, vector<16xf32>,
      %add3A_177 = arith.addf %get3A_176, %gather3A_173 : vector<16xf32>
      %mul3A_178 = arith.mulf %add3A_177, %gather3A_157 : vector<16xf32>
      %swap3A_179 = arith.index_cast %add3A_148 : i32 to index
      %swap3A_180 = arith.constant 16 : index
      %swap3A_181 = tpu.vector_load %arg22[%swap3A_179, %swap3A_180] {strides = array<i32>} : memref<80x128xf32, #tpu.memory_space<vmem>>, vector<16xf32>,
      tpu.vector_store %arg22[%swap3A_179, %swap3A_180], %mul3A_178 {strides = array<i32>} : memref<80x128xf32, #tpu.memory_space<vmem>>, vector<16xf32>,
      %mul3A_182 = arith.constant 4 : i32
      %mul3A_183 = arith.muli %add3A_148, %mul3A_182 : i32
      %add3A_184 = arith.constant 1 : i32
      %add3A_185 = arith.addi %mul3A_183, %add3A_184 : i32
      %broadcast_in_dim3A_186 = vector.broadcast %add3A_185 : i32 to vector<16xi32>
      %gather3A_187 = tpu.vector_load_idx %arg25[%broadcast_in_dim3A_186] : memref<320xf32, #tpu.memory_space<vmem>>[vector<16xi32>], vector<16xf32>,
      %add3A_188 = arith.constant 32 : i32
      %add3A_189 = vector.broadcast %add3A_188 : i32 to vector<16xi32>
      %add3A_190 = arith.addi %add3A_189, %iota3A : vector<16xi32>
      %add3A_191 = arith.addi %mul3A_151, %add3A_190 : vector<16xi32>
      %gather3A_192 = tpu.vector_load_idx %arg12[%add3A_191] : memref<4864xf32, #tpu.memory_space<vmem>>[vector<16xi32>], vector<16xf32>,
      %get3A_193 = arith.index_cast %add3A_148 : i32 to index
      %get3A_194 = arith.constant 32 : index
      %get3A_195 = tpu.vector_load %arg22[%get3A_193, %get3A_194] {strides = array<i32>} : memref<80x128xf32, #tpu.memory_space<vmem>>, vector<16xf32>,
      %add3A_196 = arith.addf %get3A_195, %gather3A_192 : vector<16xf32>
      %mul3A_197 = arith.mulf %add3A_196, %gather3A_187 : vector<16xf32>
      %swap3A_198 = arith.index_cast %add3A_148 : i32 to index
      %swap3A_199 = arith.constant 32 : index
      %swap3A_200 = tpu.vector_load %arg22[%swap3A_198, %swap3A_199] {strides = array<i32>} : memref<80x128xf32, #tpu.memory_space<vmem>>, vector<16xf32>,
      tpu.vector_store %arg22[%swap3A_198, %swap3A_199], %mul3A_197 {strides = array<i32>} : memref<80x128xf32, #tpu.memory_space<vmem>>, vector<16xf32>,
      %add3A_201 = arith.constant 48 : i32
      %add3A_202 = vector.broadcast %add3A_201 : i32 to vector<16xi32>
      %add3A_203 = arith.addi %add3A_202, %iota3A : vector<16xi32>
      %add3A_204 = arith.addi %mul3A_151, %add3A_203 : vector<16xi32>
      %gather3A_205 = tpu.vector_load_idx %arg12[%add3A_204] : memref<4864xf32, #tpu.memory_space<vmem>>[vector<16xi32>], vector<16xf32>,
      %get3A_206 = arith.index_cast %add3A_148 : i32 to index
      %get3A_207 = arith.constant 48 : index
      %get3A_208 = tpu.vector_load %arg22[%get3A_206, %get3A_207] {strides = array<i32>} : memref<80x128xf32, #tpu.memory_space<vmem>>, vector<16xf32>,
      %add3A_209 = arith.addf %get3A_208, %gather3A_205 : vector<16xf32>
      %mul3A_210 = arith.mulf %add3A_209, %gather3A_187 : vector<16xf32>
      %swap3A_211 = arith.index_cast %add3A_148 : i32 to index
      %swap3A_212 = arith.constant 48 : index
      %swap3A_213 = tpu.vector_load %arg22[%swap3A_211, %swap3A_212] {strides = array<i32>} : memref<80x128xf32, #tpu.memory_space<vmem>>, vector<16xf32>,
      tpu.vector_store %arg22[%swap3A_211, %swap3A_212], %mul3A_210 {strides = array<i32>} : memref<80x128xf32, #tpu.memory_space<vmem>>, vector<16xf32>,
      %mul3A_214 = arith.constant 4 : i32
      %mul3A_215 = arith.muli %add3A_148, %mul3A_214 : i32
      %add3A_216 = arith.constant 2 : i32
      %add3A_217 = arith.addi %mul3A_215, %add3A_216 : i32
      %broadcast_in_dim3A_218 = vector.broadcast %add3A_217 : i32 to vector<16xi32>
      %gather3A_219 = tpu.vector_load_idx %arg25[%broadcast_in_dim3A_218] : memref<320xf32, #tpu.memory_space<vmem>>[vector<16xi32>], vector<16xf32>,
      %add3A_220 = arith.constant 64 : i32
      %add3A_221 = vector.broadcast %add3A_220 : i32 to vector<16xi32>
      %add3A_222 = arith.addi %add3A_221, %iota3A : vector<16xi32>
      %add3A_223 = arith.addi %mul3A_151, %add3A_222 : vector<16xi32>
      %gather3A_224 = tpu.vector_load_idx %arg12[%add3A_223] : memref<4864xf32, #tpu.memory_space<vmem>>[vector<16xi32>], vector<16xf32>,
      %get3A_225 = arith.index_cast %add3A_148 : i32 to index
      %get3A_226 = arith.constant 64 : index
      %get3A_227 = tpu.vector_load %arg22[%get3A_225, %get3A_226] {strides = array<i32>} : memref<80x128xf32, #tpu.memory_space<vmem>>, vector<16xf32>,
      %add3A_228 = arith.addf %get3A_227, %gather3A_224 : vector<16xf32>
      %mul3A_229 = arith.mulf %add3A_228, %gather3A_219 : vector<16xf32>
      %swap3A_230 = arith.index_cast %add3A_148 : i32 to index
      %swap3A_231 = arith.constant 64 : index
      %swap3A_232 = tpu.vector_load %arg22[%swap3A_230, %swap3A_231] {strides = array<i32>} : memref<80x128xf32, #tpu.memory_space<vmem>>, vector<16xf32>,
      tpu.vector_store %arg22[%swap3A_230, %swap3A_231], %mul3A_229 {strides = array<i32>} : memref<80x128xf32, #tpu.memory_space<vmem>>, vector<16xf32>,
      %add3A_233 = arith.constant 80 : i32
      %add3A_234 = vector.broadcast %add3A_233 : i32 to vector<16xi32>
      %add3A_235 = arith.addi %add3A_234, %iota3A : vector<16xi32>
      %add3A_236 = arith.addi %mul3A_151, %add3A_235 : vector<16xi32>
      %gather3A_237 = tpu.vector_load_idx %arg12[%add3A_236] : memref<4864xf32, #tpu.memory_space<vmem>>[vector<16xi32>], vector<16xf32>,
      %get3A_238 = arith.index_cast %add3A_148 : i32 to index
      %get3A_239 = arith.constant 80 : index
      %get3A_240 = tpu.vector_load %arg22[%get3A_238, %get3A_239] {strides = array<i32>} : memref<80x128xf32, #tpu.memory_space<vmem>>, vector<16xf32>,
      %add3A_241 = arith.addf %get3A_240, %gather3A_237 : vector<16xf32>
      %mul3A_242 = arith.mulf %add3A_241, %gather3A_219 : vector<16xf32>
      %swap3A_243 = arith.index_cast %add3A_148 : i32 to index
      %swap3A_244 = arith.constant 80 : index
      %swap3A_245 = tpu.vector_load %arg22[%swap3A_243, %swap3A_244] {strides = array<i32>} : memref<80x128xf32, #tpu.memory_space<vmem>>, vector<16xf32>,
      tpu.vector_store %arg22[%swap3A_243, %swap3A_244], %mul3A_242 {strides = array<i32>} : memref<80x128xf32, #tpu.memory_space<vmem>>, vector<16xf32>,
      %mul3A_246 = arith.constant 4 : i32
      %mul3A_247 = arith.muli %add3A_148, %mul3A_246 : i32
      %add3A_248 = arith.constant 3 : i32
      %add3A_249 = arith.addi %mul3A_247, %add3A_248 : i32
      %broadcast_in_dim3A_250 = vector.broadcast %add3A_249 : i32 to vector<16xi32>
      %gather3A_251 = tpu.vector_load_idx %arg25[%broadcast_in_dim3A_250] : memref<320xf32, #tpu.memory_space<vmem>>[vector<16xi32>], vector<16xf32>,
      %add3A_252 = arith.constant 96 : i32
      %add3A_253 = vector.broadcast %add3A_252 : i32 to vector<16xi32>
      %add3A_254 = arith.addi %add3A_253, %iota3A : vector<16xi32>
      %add3A_255 = arith.addi %mul3A_151, %add3A_254 : vector<16xi32>
      %gather3A_256 = tpu.vector_load_idx %arg12[%add3A_255] : memref<4864xf32, #tpu.memory_space<vmem>>[vector<16xi32>], vector<16xf32>,
      %get3A_257 = arith.index_cast %add3A_148 : i32 to index
      %get3A_258 = arith.constant 96 : index
      %get3A_259 = tpu.vector_load %arg22[%get3A_257, %get3A_258] {strides = array<i32>} : memref<80x128xf32, #tpu.memory_space<vmem>>, vector<16xf32>,
      %add3A_260 = arith.addf %get3A_259, %gather3A_256 : vector<16xf32>
      %mul3A_261 = arith.mulf %add3A_260, %gather3A_251 : vector<16xf32>
      %swap3A_262 = arith.index_cast %add3A_148 : i32 to index
      %swap3A_263 = arith.constant 96 : index
      %swap3A_264 = tpu.vector_load %arg22[%swap3A_262, %swap3A_263] {strides = array<i32>} : memref<80x128xf32, #tpu.memory_space<vmem>>, vector<16xf32>,
      tpu.vector_store %arg22[%swap3A_262, %swap3A_263], %mul3A_261 {strides = array<i32>} : memref<80x128xf32, #tpu.memory_space<vmem>>, vector<16xf32>,
      %add3A_265 = arith.constant 112 : i32
      %add3A_266 = vector.broadcast %add3A_265 : i32 to vector<16xi32>
      %add3A_267 = arith.addi %add3A_266, %iota3A : vector<16xi32>
      %add3A_268 = arith.addi %mul3A_151, %add3A_267 : vector<16xi32>
      %gather3A_269 = tpu.vector_load_idx %arg12[%add3A_268] : memref<4864xf32, #tpu.memory_space<vmem>>[vector<16xi32>], vector<16xf32>,
      %get3A_270 = arith.index_cast %add3A_148 : i32 to index
      %get3A_271 = arith.constant 112 : index
      %get3A_272 = tpu.vector_load %arg22[%get3A_270, %get3A_271] {strides = array<i32>} : memref<80x128xf32, #tpu.memory_space<vmem>>, vector<16xf32>,
      %add3A_273 = arith.addf %get3A_272, %gather3A_269 : vector<16xf32>
      %mul3A_274 = arith.mulf %add3A_273, %gather3A_251 : vector<16xf32>
      %swap3A_275 = arith.index_cast %add3A_148 : i32 to index
      %swap3A_276 = arith.constant 112 : index
      %swap3A_277 = tpu.vector_load %arg22[%swap3A_275, %swap3A_276] {strides = array<i32>} : memref<80x128xf32, #tpu.memory_space<vmem>>, vector<16xf32>,
      tpu.vector_store %arg22[%swap3A_275, %swap3A_276], %mul3A_274 {strides = array<i32>} : memref<80x128xf32, #tpu.memory_space<vmem>>, vector<16xf32>,
    }
    %scan3A_111 = arith.constant 80 : i32
    "tpu.region"() ({
      %run_scoped3A = tpu.sem_alloc : memref<!tpu.dma_semaphore, #tpu.memory_space<semaphore_mem>>
      %dma_start3A_144 = arith.constant 0 : i32
      %dma_start3A_145 = arith.constant 0 : i32
      %dma_start3A_146 = tpu.memref_slice %arg28[%dma_start3A_144, %dma_start3A_145] : memref<10000x128xf32, #tpu.memory_space<vmem_shared>> -> memref<10000x128xf32, #tpu.memory_space<vmem_shared>>
      tpu.enqueue_indirect_dma source(%arg22 : memref<80x128xf32, #tpu.memory_space<vmem>>) target(%dma_start3A_146 : memref<10000x128xf32, #tpu.memory_space<vmem_shared>>) offsets(%arg16 : memref<80xi32, #tpu.memory_space<vmem>>) semaphore(%run_scoped3A : memref<!tpu.dma_semaphore, #tpu.memory_space<semaphore_mem>>) {add = true}
      %dma_wait3A_147 = arith.constant 0 : i32
      %dma_wait3A_148 = arith.constant 0 : i32
      %dma_wait3A_149 = tpu.memref_slice %arg28[%dma_wait3A_147, %dma_wait3A_148] : memref<10000x128xf32, #tpu.memory_space<vmem_shared>> -> memref<10000x128xf32, #tpu.memory_space<vmem_shared>>
      tpu.wait_indirect_dma semaphore(%run_scoped3A : memref<!tpu.dma_semaphore, #tpu.memory_space<semaphore_mem>>) src(%arg22 : memref<80x128xf32, #tpu.memory_space<vmem>>) dst(%dma_wait3A_149 : memref<10000x128xf32, #tpu.memory_space<vmem_shared>>)
      tpu.yield
    }) : () -> ()
    %add3A_112 = arith.constant 9840 : i32
    %add3A_113 = arith.addi %mul3A_8, %add3A_112 : i32
    %mul3A_114 = arith.constant 4 : i32
    %mul3A_115 = arith.muli %add3A_113, %mul3A_114 : i32
    "tpu.region"() ({
      %run_scoped3A = tpu.sem_alloc : memref<!tpu.dma_semaphore, #tpu.memory_space<semaphore_mem>>
      %dma_start3A_144 = tpu.memref_slice %arg10[%mul3A_115] : memref<1280000xf32, #tpu.memory_space<hbm>> -> memref<320xf32, #tpu.memory_space<hbm>>
      %dma_start3A_145 = tpu.memref_slice %arg10[%mul3A_115] : memref<1280000xf32, #tpu.memory_space<hbm>> -> memref<320xf32, #tpu.memory_space<hbm>>
      tpu.enqueue_dma source(%arg25 : memref<320xf32, #tpu.memory_space<vmem>>) target(%dma_start3A_145 : memref<320xf32, #tpu.memory_space<hbm>>) target_semaphore(%run_scoped3A : memref<!tpu.dma_semaphore, #tpu.memory_space<semaphore_mem>>)
      %dma_wait3A_146 = tpu.memref_slice %arg10[%mul3A_115] : memref<1280000xf32, #tpu.memory_space<hbm>> -> memref<320xf32, #tpu.memory_space<hbm>>
      %dma_wait3A_147 = tpu.memref_slice %arg10[%mul3A_115] : memref<1280000xf32, #tpu.memory_space<hbm>> -> memref<320xf32, #tpu.memory_space<hbm>>
      tpu.wait_dma2 semaphore(%run_scoped3A : memref<!tpu.dma_semaphore, #tpu.memory_space<semaphore_mem>>) src(%arg25 : memref<320xf32, #tpu.memory_space<vmem>>) dst(%dma_wait3A_147 : memref<320xf32, #tpu.memory_space<hbm>>)
      tpu.yield
    }) : () -> ()
    %dma_wait3A_116 = arith.constant 0 : i32
    %dma_wait3A_117 = arith.constant 0 : i32
    %dma_wait3A_118 = tpu.memref_slice %arg8[%dma_wait3A_116, %dma_wait3A_117] : memref<10000x128xf32, #tpu.memory_space<hbm>> -> memref<10000x128xf32, #tpu.memory_space<hbm>>
    tpu.wait_indirect_dma semaphore(%arg29 : memref<!tpu.dma_semaphore, #tpu.memory_space<semaphore_mem>>) src(%dma_wait3A_118 : memref<10000x128xf32, #tpu.memory_space<hbm>>) dst(%arg21 : memref<80x128xf32, #tpu.memory_space<vmem>>)
    %scan3A_119 = arith.constant 0 : i32
    %scan3A_120 = arith.constant 20 : i32
    %scan3A_121 = arith.addi %scan3A_119, %scan3A_120 : i32
    %scan3A_122 = arith.constant 1 : i32
    scf.for %scan3A_144 = %scan3A_119 to %scan3A_121 step %scan3A_122  : i32 {
      %mul3A_145 = arith.constant 1 : i32
      %mul3A_146 = arith.muli %scan3A_144, %mul3A_145 : i32
      %add3A_147 = arith.constant 0 : i32
      %add3A_148 = arith.addi %add3A_147, %mul3A_146 : i32
      %mul3A_149 = arith.constant 4 : i32
      %mul3A_150 = arith.muli %add3A_148, %mul3A_149 : i32
      %add3A_151 = vector.broadcast %mul3A_150 : i32 to vector<16xi32>
      %add3A_152 = arith.addi %add3A_151, %shift_right_arithmetic3A_6 : vector<16xi32>
      %gather3A = tpu.vector_load_idx %arg15[%add3A_152] : memref<80xi32, #tpu.memory_space<vmem>>[vector<16xi32>], vector<16xi32>,
      %mul3A_153 = arith.constant 4 : i32
      %mul3A_154 = vector.broadcast %mul3A_153 : i32 to vector<16xi32>
      %mul3A_155 = arith.muli %gather3A, %mul3A_154 : vector<16xi32>
      %add3A_156 = arith.addi %mul3A_155, %and3A_4 : vector<16xi32>
      %mul3A_157 = arith.constant 16 : i32
      %mul3A_158 = arith.muli %add3A_148, %mul3A_157 : i32
      %swap3A = arith.index_cast %mul3A_158 : i32 to index
      %swap3A_159 = tpu.vector_load %arg23[%swap3A] {strides = array<i32>} : memref<320xi32, #tpu.memory_space<vmem>>, vector<16xi32>,
      tpu.vector_store %arg23[%swap3A], %add3A_156 {strides = array<i32>} : memref<320xi32, #tpu.memory_space<vmem>>, vector<16xi32>,
    }
    %scan3A_123 = arith.constant 20 : i32
    "tpu.region"() ({
      %run_scoped3A = tpu.sem_alloc : memref<!tpu.dma_semaphore, #tpu.memory_space<semaphore_mem>>
      %dma_start3A_144 = arith.constant 0 : i32
      %dma_start3A_145 = tpu.memref_slice %arg27[%dma_start3A_144] : memref<40000xf32, #tpu.memory_space<vmem_shared>> -> memref<40000xf32, #tpu.memory_space<vmem_shared>>
      tpu.enqueue_indirect_dma source(%dma_start3A_145 : memref<40000xf32, #tpu.memory_space<vmem_shared>>) target(%arg24 : memref<320xf32, #tpu.memory_space<vmem>>) offsets(%arg23 : memref<320xi32, #tpu.memory_space<vmem>>) semaphore(%run_scoped3A : memref<!tpu.dma_semaphore, #tpu.memory_space<semaphore_mem>>)
      %dma_wait3A_146 = arith.constant 0 : i32
      %dma_wait3A_147 = tpu.memref_slice %arg27[%dma_wait3A_146] : memref<40000xf32, #tpu.memory_space<vmem_shared>> -> memref<40000xf32, #tpu.memory_space<vmem_shared>>
      tpu.wait_indirect_dma semaphore(%run_scoped3A : memref<!tpu.dma_semaphore, #tpu.memory_space<semaphore_mem>>) src(%dma_wait3A_147 : memref<40000xf32, #tpu.memory_space<vmem_shared>>) dst(%arg24 : memref<320xf32, #tpu.memory_space<vmem>>)
      tpu.yield
    }) : () -> ()
    %scan3A_124 = arith.constant 0 : i32
    %scan3A_125 = arith.constant 20 : i32
    %scan3A_126 = arith.addi %scan3A_124, %scan3A_125 : i32
    %scan3A_127 = arith.constant 1 : i32
    scf.for %scan3A_144 = %scan3A_124 to %scan3A_126 step %scan3A_127  : i32 {
      %mul3A_145 = arith.constant 1 : i32
      %mul3A_146 = arith.muli %scan3A_144, %mul3A_145 : i32
      %add3A_147 = arith.constant 0 : i32
      %add3A_148 = arith.addi %add3A_147, %mul3A_146 : i32
      %mul3A_149 = arith.constant 16 : i32
      %mul3A_150 = arith.muli %add3A_148, %mul3A_149 : i32
      %get3A = arith.index_cast %mul3A_150 : i32 to index
      %get3A_151 = tpu.vector_load %arg19[%get3A] {strides = array<i32>} : memref<320xf32, #tpu.memory_space<vmem>>, vector<16xf32>,
      %mul3A_152 = arith.constant 16 : i32
      %mul3A_153 = arith.muli %add3A_148, %mul3A_152 : i32
      %get3A_154 = arith.index_cast %mul3A_153 : i32 to index
      %get3A_155 = tpu.vector_load %arg24[%get3A_154] {strides = array<i32>} : memref<320xf32, #tpu.memory_space<vmem>>, vector<16xf32>,
      %mul3A_156 = arith.mulf %get3A_151, %get3A_155 : vector<16xf32>
      %mul3A_157 = arith.constant 16 : i32
      %mul3A_158 = arith.muli %add3A_148, %mul3A_157 : i32
      %swap3A = arith.index_cast %mul3A_158 : i32 to index
      %swap3A_159 = tpu.vector_load %arg25[%swap3A] {strides = array<i32>} : memref<320xf32, #tpu.memory_space<vmem>>, vector<16xf32>,
      tpu.vector_store %arg25[%swap3A], %mul3A_156 {strides = array<i32>} : memref<320xf32, #tpu.memory_space<vmem>>, vector<16xf32>,
    }
    %scan3A_128 = arith.constant 20 : i32
    %scan3A_129 = arith.constant 0 : i32
    %scan3A_130 = arith.constant 80 : i32
    %scan3A_131 = arith.addi %scan3A_129, %scan3A_130 : i32
    %scan3A_132 = arith.constant 1 : i32
    scf.for %scan3A_144 = %scan3A_129 to %scan3A_131 step %scan3A_132  : i32 {
      %mul3A_145 = arith.constant 1 : i32
      %mul3A_146 = arith.muli %scan3A_144, %mul3A_145 : i32
      %add3A_147 = arith.constant 0 : i32
      %add3A_148 = arith.addi %add3A_147, %mul3A_146 : i32
      %broadcast_in_dim3A = vector.broadcast %add3A_148 : i32 to vector<16xi32>
      %gather3A = tpu.vector_load_idx %arg17[%broadcast_in_dim3A] : memref<80xi32, #tpu.memory_space<vmem>>[vector<16xi32>], vector<16xi32>,
      %mul3A_149 = arith.constant 128 : i32
      %mul3A_150 = vector.broadcast %mul3A_149 : i32 to vector<16xi32>
      %mul3A_151 = arith.muli %gather3A, %mul3A_150 : vector<16xi32>
      %mul3A_152 = arith.constant 4 : i32
      %mul3A_153 = arith.muli %add3A_148, %mul3A_152 : i32
      %add3A_154 = arith.constant 0 : i32
      %add3A_155 = arith.addi %mul3A_153, %add3A_154 : i32
      %broadcast_in_dim3A_156 = vector.broadcast %add3A_155 : i32 to vector<16xi32>
      %gather3A_157 = tpu.vector_load_idx %arg25[%broadcast_in_dim3A_156] : memref<320xf32, #tpu.memory_space<vmem>>[vector<16xi32>], vector<16xf32>,
      %add3A_158 = arith.constant 0 : i32
      %add3A_159 = vector.broadcast %add3A_158 : i32 to vector<16xi32>
      %add3A_160 = arith.addi %add3A_159, %iota3A : vector<16xi32>
      %add3A_161 = arith.addi %mul3A_151, %add3A_160 : vector<16xi32>
      %gather3A_162 = tpu.vector_load_idx %arg12[%add3A_161] : memref<4864xf32, #tpu.memory_space<vmem>>[vector<16xi32>], vector<16xf32>,
      %get3A = arith.index_cast %add3A_148 : i32 to index
      %get3A_163 = arith.constant 0 : index
      %get3A_164 = tpu.vector_load %arg21[%get3A, %get3A_163] {strides = array<i32>} : memref<80x128xf32, #tpu.memory_space<vmem>>, vector<16xf32>,
      %add3A_165 = arith.addf %get3A_164, %gather3A_162 : vector<16xf32>
      %mul3A_166 = arith.mulf %add3A_165, %gather3A_157 : vector<16xf32>
      %swap3A = arith.index_cast %add3A_148 : i32 to index
      %swap3A_167 = arith.constant 0 : index
      %swap3A_168 = tpu.vector_load %arg21[%swap3A, %swap3A_167] {strides = array<i32>} : memref<80x128xf32, #tpu.memory_space<vmem>>, vector<16xf32>,
      tpu.vector_store %arg21[%swap3A, %swap3A_167], %mul3A_166 {strides = array<i32>} : memref<80x128xf32, #tpu.memory_space<vmem>>, vector<16xf32>,
      %add3A_169 = arith.constant 16 : i32
      %add3A_170 = vector.broadcast %add3A_169 : i32 to vector<16xi32>
      %add3A_171 = arith.addi %add3A_170, %iota3A : vector<16xi32>
      %add3A_172 = arith.addi %mul3A_151, %add3A_171 : vector<16xi32>
      %gather3A_173 = tpu.vector_load_idx %arg12[%add3A_172] : memref<4864xf32, #tpu.memory_space<vmem>>[vector<16xi32>], vector<16xf32>,
      %get3A_174 = arith.index_cast %add3A_148 : i32 to index
      %get3A_175 = arith.constant 16 : index
      %get3A_176 = tpu.vector_load %arg21[%get3A_174, %get3A_175] {strides = array<i32>} : memref<80x128xf32, #tpu.memory_space<vmem>>, vector<16xf32>,
      %add3A_177 = arith.addf %get3A_176, %gather3A_173 : vector<16xf32>
      %mul3A_178 = arith.mulf %add3A_177, %gather3A_157 : vector<16xf32>
      %swap3A_179 = arith.index_cast %add3A_148 : i32 to index
      %swap3A_180 = arith.constant 16 : index
      %swap3A_181 = tpu.vector_load %arg21[%swap3A_179, %swap3A_180] {strides = array<i32>} : memref<80x128xf32, #tpu.memory_space<vmem>>, vector<16xf32>,
      tpu.vector_store %arg21[%swap3A_179, %swap3A_180], %mul3A_178 {strides = array<i32>} : memref<80x128xf32, #tpu.memory_space<vmem>>, vector<16xf32>,
      %mul3A_182 = arith.constant 4 : i32
      %mul3A_183 = arith.muli %add3A_148, %mul3A_182 : i32
      %add3A_184 = arith.constant 1 : i32
      %add3A_185 = arith.addi %mul3A_183, %add3A_184 : i32
      %broadcast_in_dim3A_186 = vector.broadcast %add3A_185 : i32 to vector<16xi32>
      %gather3A_187 = tpu.vector_load_idx %arg25[%broadcast_in_dim3A_186] : memref<320xf32, #tpu.memory_space<vmem>>[vector<16xi32>], vector<16xf32>,
      %add3A_188 = arith.constant 32 : i32
      %add3A_189 = vector.broadcast %add3A_188 : i32 to vector<16xi32>
      %add3A_190 = arith.addi %add3A_189, %iota3A : vector<16xi32>
      %add3A_191 = arith.addi %mul3A_151, %add3A_190 : vector<16xi32>
      %gather3A_192 = tpu.vector_load_idx %arg12[%add3A_191] : memref<4864xf32, #tpu.memory_space<vmem>>[vector<16xi32>], vector<16xf32>,
      %get3A_193 = arith.index_cast %add3A_148 : i32 to index
      %get3A_194 = arith.constant 32 : index
      %get3A_195 = tpu.vector_load %arg21[%get3A_193, %get3A_194] {strides = array<i32>} : memref<80x128xf32, #tpu.memory_space<vmem>>, vector<16xf32>,
      %add3A_196 = arith.addf %get3A_195, %gather3A_192 : vector<16xf32>
      %mul3A_197 = arith.mulf %add3A_196, %gather3A_187 : vector<16xf32>
      %swap3A_198 = arith.index_cast %add3A_148 : i32 to index
      %swap3A_199 = arith.constant 32 : index
      %swap3A_200 = tpu.vector_load %arg21[%swap3A_198, %swap3A_199] {strides = array<i32>} : memref<80x128xf32, #tpu.memory_space<vmem>>, vector<16xf32>,
      tpu.vector_store %arg21[%swap3A_198, %swap3A_199], %mul3A_197 {strides = array<i32>} : memref<80x128xf32, #tpu.memory_space<vmem>>, vector<16xf32>,
      %add3A_201 = arith.constant 48 : i32
      %add3A_202 = vector.broadcast %add3A_201 : i32 to vector<16xi32>
      %add3A_203 = arith.addi %add3A_202, %iota3A : vector<16xi32>
      %add3A_204 = arith.addi %mul3A_151, %add3A_203 : vector<16xi32>
      %gather3A_205 = tpu.vector_load_idx %arg12[%add3A_204] : memref<4864xf32, #tpu.memory_space<vmem>>[vector<16xi32>], vector<16xf32>,
      %get3A_206 = arith.index_cast %add3A_148 : i32 to index
      %get3A_207 = arith.constant 48 : index
      %get3A_208 = tpu.vector_load %arg21[%get3A_206, %get3A_207] {strides = array<i32>} : memref<80x128xf32, #tpu.memory_space<vmem>>, vector<16xf32>,
      %add3A_209 = arith.addf %get3A_208, %gather3A_205 : vector<16xf32>
      %mul3A_210 = arith.mulf %add3A_209, %gather3A_187 : vector<16xf32>
      %swap3A_211 = arith.index_cast %add3A_148 : i32 to index
      %swap3A_212 = arith.constant 48 : index
      %swap3A_213 = tpu.vector_load %arg21[%swap3A_211, %swap3A_212] {strides = array<i32>} : memref<80x128xf32, #tpu.memory_space<vmem>>, vector<16xf32>,
      tpu.vector_store %arg21[%swap3A_211, %swap3A_212], %mul3A_210 {strides = array<i32>} : memref<80x128xf32, #tpu.memory_space<vmem>>, vector<16xf32>,
      %mul3A_214 = arith.constant 4 : i32
      %mul3A_215 = arith.muli %add3A_148, %mul3A_214 : i32
      %add3A_216 = arith.constant 2 : i32
      %add3A_217 = arith.addi %mul3A_215, %add3A_216 : i32
      %broadcast_in_dim3A_218 = vector.broadcast %add3A_217 : i32 to vector<16xi32>
      %gather3A_219 = tpu.vector_load_idx %arg25[%broadcast_in_dim3A_218] : memref<320xf32, #tpu.memory_space<vmem>>[vector<16xi32>], vector<16xf32>,
      %add3A_220 = arith.constant 64 : i32
      %add3A_221 = vector.broadcast %add3A_220 : i32 to vector<16xi32>
      %add3A_222 = arith.addi %add3A_221, %iota3A : vector<16xi32>
      %add3A_223 = arith.addi %mul3A_151, %add3A_222 : vector<16xi32>
      %gather3A_224 = tpu.vector_load_idx %arg12[%add3A_223] : memref<4864xf32, #tpu.memory_space<vmem>>[vector<16xi32>], vector<16xf32>,
      %get3A_225 = arith.index_cast %add3A_148 : i32 to index
      %get3A_226 = arith.constant 64 : index
      %get3A_227 = tpu.vector_load %arg21[%get3A_225, %get3A_226] {strides = array<i32>} : memref<80x128xf32, #tpu.memory_space<vmem>>, vector<16xf32>,
      %add3A_228 = arith.addf %get3A_227, %gather3A_224 : vector<16xf32>
      %mul3A_229 = arith.mulf %add3A_228, %gather3A_219 : vector<16xf32>
      %swap3A_230 = arith.index_cast %add3A_148 : i32 to index
      %swap3A_231 = arith.constant 64 : index
      %swap3A_232 = tpu.vector_load %arg21[%swap3A_230, %swap3A_231] {strides = array<i32>} : memref<80x128xf32, #tpu.memory_space<vmem>>, vector<16xf32>,
      tpu.vector_store %arg21[%swap3A_230, %swap3A_231], %mul3A_229 {strides = array<i32>} : memref<80x128xf32, #tpu.memory_space<vmem>>, vector<16xf32>,
      %add3A_233 = arith.constant 80 : i32
      %add3A_234 = vector.broadcast %add3A_233 : i32 to vector<16xi32>
      %add3A_235 = arith.addi %add3A_234, %iota3A : vector<16xi32>
      %add3A_236 = arith.addi %mul3A_151, %add3A_235 : vector<16xi32>
      %gather3A_237 = tpu.vector_load_idx %arg12[%add3A_236] : memref<4864xf32, #tpu.memory_space<vmem>>[vector<16xi32>], vector<16xf32>,
      %get3A_238 = arith.index_cast %add3A_148 : i32 to index
      %get3A_239 = arith.constant 80 : index
      %get3A_240 = tpu.vector_load %arg21[%get3A_238, %get3A_239] {strides = array<i32>} : memref<80x128xf32, #tpu.memory_space<vmem>>, vector<16xf32>,
      %add3A_241 = arith.addf %get3A_240, %gather3A_237 : vector<16xf32>
      %mul3A_242 = arith.mulf %add3A_241, %gather3A_219 : vector<16xf32>
      %swap3A_243 = arith.index_cast %add3A_148 : i32 to index
      %swap3A_244 = arith.constant 80 : index
      %swap3A_245 = tpu.vector_load %arg21[%swap3A_243, %swap3A_244] {strides = array<i32>} : memref<80x128xf32, #tpu.memory_space<vmem>>, vector<16xf32>,
      tpu.vector_store %arg21[%swap3A_243, %swap3A_244], %mul3A_242 {strides = array<i32>} : memref<80x128xf32, #tpu.memory_space<vmem>>, vector<16xf32>,
      %mul3A_246 = arith.constant 4 : i32
      %mul3A_247 = arith.muli %add3A_148, %mul3A_246 : i32
      %add3A_248 = arith.constant 3 : i32
      %add3A_249 = arith.addi %mul3A_247, %add3A_248 : i32
      %broadcast_in_dim3A_250 = vector.broadcast %add3A_249 : i32 to vector<16xi32>
      %gather3A_251 = tpu.vector_load_idx %arg25[%broadcast_in_dim3A_250] : memref<320xf32, #tpu.memory_space<vmem>>[vector<16xi32>], vector<16xf32>,
      %add3A_252 = arith.constant 96 : i32
      %add3A_253 = vector.broadcast %add3A_252 : i32 to vector<16xi32>
      %add3A_254 = arith.addi %add3A_253, %iota3A : vector<16xi32>
      %add3A_255 = arith.addi %mul3A_151, %add3A_254 : vector<16xi32>
      %gather3A_256 = tpu.vector_load_idx %arg12[%add3A_255] : memref<4864xf32, #tpu.memory_space<vmem>>[vector<16xi32>], vector<16xf32>,
      %get3A_257 = arith.index_cast %add3A_148 : i32 to index
      %get3A_258 = arith.constant 96 : index
      %get3A_259 = tpu.vector_load %arg21[%get3A_257, %get3A_258] {strides = array<i32>} : memref<80x128xf32, #tpu.memory_space<vmem>>, vector<16xf32>,
      %add3A_260 = arith.addf %get3A_259, %gather3A_256 : vector<16xf32>
      %mul3A_261 = arith.mulf %add3A_260, %gather3A_251 : vector<16xf32>
      %swap3A_262 = arith.index_cast %add3A_148 : i32 to index
      %swap3A_263 = arith.constant 96 : index
      %swap3A_264 = tpu.vector_load %arg21[%swap3A_262, %swap3A_263] {strides = array<i32>} : memref<80x128xf32, #tpu.memory_space<vmem>>, vector<16xf32>,
      tpu.vector_store %arg21[%swap3A_262, %swap3A_263], %mul3A_261 {strides = array<i32>} : memref<80x128xf32, #tpu.memory_space<vmem>>, vector<16xf32>,
      %add3A_265 = arith.constant 112 : i32
      %add3A_266 = vector.broadcast %add3A_265 : i32 to vector<16xi32>
      %add3A_267 = arith.addi %add3A_266, %iota3A : vector<16xi32>
      %add3A_268 = arith.addi %mul3A_151, %add3A_267 : vector<16xi32>
      %gather3A_269 = tpu.vector_load_idx %arg12[%add3A_268] : memref<4864xf32, #tpu.memory_space<vmem>>[vector<16xi32>], vector<16xf32>,
      %get3A_270 = arith.index_cast %add3A_148 : i32 to index
      %get3A_271 = arith.constant 112 : index
      %get3A_272 = tpu.vector_load %arg21[%get3A_270, %get3A_271] {strides = array<i32>} : memref<80x128xf32, #tpu.memory_space<vmem>>, vector<16xf32>,
      %add3A_273 = arith.addf %get3A_272, %gather3A_269 : vector<16xf32>
      %mul3A_274 = arith.mulf %add3A_273, %gather3A_251 : vector<16xf32>
      %swap3A_275 = arith.index_cast %add3A_148 : i32 to index
      %swap3A_276 = arith.constant 112 : index
      %swap3A_277 = tpu.vector_load %arg21[%swap3A_275, %swap3A_276] {strides = array<i32>} : memref<80x128xf32, #tpu.memory_space<vmem>>, vector<16xf32>,
      tpu.vector_store %arg21[%swap3A_275, %swap3A_276], %mul3A_274 {strides = array<i32>} : memref<80x128xf32, #tpu.memory_space<vmem>>, vector<16xf32>,
    }
    %scan3A_133 = arith.constant 80 : i32
    "tpu.region"() ({
      %run_scoped3A = tpu.sem_alloc : memref<!tpu.dma_semaphore, #tpu.memory_space<semaphore_mem>>
      %dma_start3A_144 = arith.constant 0 : i32
      %dma_start3A_145 = arith.constant 0 : i32
      %dma_start3A_146 = tpu.memref_slice %arg28[%dma_start3A_144, %dma_start3A_145] : memref<10000x128xf32, #tpu.memory_space<vmem_shared>> -> memref<10000x128xf32, #tpu.memory_space<vmem_shared>>
      tpu.enqueue_indirect_dma source(%arg21 : memref<80x128xf32, #tpu.memory_space<vmem>>) target(%dma_start3A_146 : memref<10000x128xf32, #tpu.memory_space<vmem_shared>>) offsets(%arg15 : memref<80xi32, #tpu.memory_space<vmem>>) semaphore(%run_scoped3A : memref<!tpu.dma_semaphore, #tpu.memory_space<semaphore_mem>>) {add = true}
      %dma_wait3A_147 = arith.constant 0 : i32
      %dma_wait3A_148 = arith.constant 0 : i32
      %dma_wait3A_149 = tpu.memref_slice %arg28[%dma_wait3A_147, %dma_wait3A_148] : memref<10000x128xf32, #tpu.memory_space<vmem_shared>> -> memref<10000x128xf32, #tpu.memory_space<vmem_shared>>
      tpu.wait_indirect_dma semaphore(%run_scoped3A : memref<!tpu.dma_semaphore, #tpu.memory_space<semaphore_mem>>) src(%arg21 : memref<80x128xf32, #tpu.memory_space<vmem>>) dst(%dma_wait3A_149 : memref<10000x128xf32, #tpu.memory_space<vmem_shared>>)
      tpu.yield
    }) : () -> ()
    %add3A_134 = arith.constant 9920 : i32
    %add3A_135 = arith.addi %mul3A_8, %add3A_134 : i32
    %mul3A_136 = arith.constant 4 : i32
    %mul3A_137 = arith.muli %add3A_135, %mul3A_136 : i32
    "tpu.region"() ({
      %run_scoped3A = tpu.sem_alloc : memref<!tpu.dma_semaphore, #tpu.memory_space<semaphore_mem>>
      %dma_start3A_144 = tpu.memref_slice %arg10[%mul3A_137] : memref<1280000xf32, #tpu.memory_space<hbm>> -> memref<320xf32, #tpu.memory_space<hbm>>
      %dma_start3A_145 = tpu.memref_slice %arg10[%mul3A_137] : memref<1280000xf32, #tpu.memory_space<hbm>> -> memref<320xf32, #tpu.memory_space<hbm>>
      tpu.enqueue_dma source(%arg25 : memref<320xf32, #tpu.memory_space<vmem>>) target(%dma_start3A_145 : memref<320xf32, #tpu.memory_space<hbm>>) target_semaphore(%run_scoped3A : memref<!tpu.dma_semaphore, #tpu.memory_space<semaphore_mem>>)
      %dma_wait3A_146 = tpu.memref_slice %arg10[%mul3A_137] : memref<1280000xf32, #tpu.memory_space<hbm>> -> memref<320xf32, #tpu.memory_space<hbm>>
      %dma_wait3A_147 = tpu.memref_slice %arg10[%mul3A_137] : memref<1280000xf32, #tpu.memory_space<hbm>> -> memref<320xf32, #tpu.memory_space<hbm>>
      tpu.wait_dma2 semaphore(%run_scoped3A : memref<!tpu.dma_semaphore, #tpu.memory_space<semaphore_mem>>) src(%arg25 : memref<320xf32, #tpu.memory_space<vmem>>) dst(%dma_wait3A_147 : memref<320xf32, #tpu.memory_space<hbm>>)
      tpu.yield
    }) : () -> ()
    %barrier3A_138 = arith.constant 0 : index
    tpu.barrier barrier_id(%barrier3A_138)
    %lt3A_139 = arith.constant 10 : i32
    %lt3A_140 = arith.cmpi slt, %arg1, %lt3A_139 : i32
    %convert_element_type3A_141 = arith.extui %lt3A_140 : i1 to i32
    %cond3A_142 = arith.constant 0 : i32
    %cond3A_143 = arith.cmpi ne, %convert_element_type3A_141, %cond3A_142 : i32
    scf.if %cond3A_143 {
      %mul3A_144 = arith.constant 1000 : i32
      %mul3A_145 = arith.muli %arg1, %mul3A_144 : i32
      %mul3A_146 = arith.constant 10000 : i32
      %mul3A_147 = arith.muli %arg0, %mul3A_146 : i32
      %mul3A_148 = arith.constant 1000 : i32
      %mul3A_149 = arith.muli %arg1, %mul3A_148 : i32
      %add3A_150 = arith.addi %mul3A_147, %mul3A_149 : i32
      "tpu.region"() ({
        %run_scoped3A = tpu.sem_alloc : memref<!tpu.dma_semaphore, #tpu.memory_space<semaphore_mem>>
        %dma_start3A_151 = arith.constant 0 : i32
        %dma_start3A_152 = tpu.memref_slice %arg11[%add3A_150, %dma_start3A_151] : memref<20000x128xf32, #tpu.memory_space<hbm>> -> memref<1000x128xf32, #tpu.memory_space<hbm>>
        %dma_start3A_153 = arith.constant 0 : i32
        %dma_start3A_154 = tpu.memref_slice %arg28[%mul3A_145, %dma_start3A_153] : memref<10000x128xf32, #tpu.memory_space<vmem_shared>> -> memref<1000x128xf32, #tpu.memory_space<vmem_shared>>
        tpu.enqueue_dma source(%dma_start3A_154 : memref<1000x128xf32, #tpu.memory_space<vmem_shared>>) target(%dma_start3A_152 : memref<1000x128xf32, #tpu.memory_space<hbm>>) target_semaphore(%run_scoped3A : memref<!tpu.dma_semaphore, #tpu.memory_space<semaphore_mem>>)
        %dma_wait3A_155 = arith.constant 0 : i32
        %dma_wait3A_156 = tpu.memref_slice %arg11[%add3A_150, %dma_wait3A_155] : memref<20000x128xf32, #tpu.memory_space<hbm>> -> memref<1000x128xf32, #tpu.memory_space<hbm>>
        %dma_wait3A_157 = arith.constant 0 : i32
        %dma_wait3A_158 = tpu.memref_slice %arg28[%mul3A_145, %dma_wait3A_157] : memref<10000x128xf32, #tpu.memory_space<vmem_shared>> -> memref<1000x128xf32, #tpu.memory_space<vmem_shared>>
        tpu.wait_dma2 semaphore(%run_scoped3A : memref<!tpu.dma_semaphore, #tpu.memory_space<semaphore_mem>>) src(%dma_wait3A_158 : memref<1000x128xf32, #tpu.memory_space<vmem_shared>>) dst(%dma_wait3A_156 : memref<1000x128xf32, #tpu.memory_space<hbm>>)
        tpu.yield
      }) : () -> ()
    } else {
    }
    return
  }
}

module attributes {stable_mosaic.version = 14 : i64} {
  func.func @_tc_rels_body(%arg0: memref<38x128xf32, #tpu.memory_space<vmem>>, %arg1: memref<128x8xf32, #tpu.memory_space<vmem>>, %arg2: memref<38x8xf32, #tpu.memory_space<vmem>>) attributes {dimension_semantics = [], scalar_prefetch = 0 : i64, scratch_operands = 0 : i64, tpu.core_type = #tpu.core_type<tc>} {
    %get3A = arith.constant 0 : index
    %get3A_0 = arith.constant 0 : index
    %get3A_1 = vector.load %arg0[%get3A, %get3A_0] : memref<38x128xf32, #tpu.memory_space<vmem>>, vector<38x128xf32>
    %get3A_2 = arith.constant 0 : index
    %get3A_3 = arith.constant 0 : index
    %get3A_4 = vector.load %arg1[%get3A_2, %get3A_3] : memref<128x8xf32, #tpu.memory_space<vmem>>, vector<128x8xf32>
    %dot_general3A = arith.constant dense<0.000000e+00> : vector<38x8xf32>
    %dot_general3A_5 = tpu.matmul %get3A_1, %get3A_4, %dot_general3A {dimension_numbers = #tpu.dot_dimension_numbers<[1], [0], [0], [1], [0, 0, 1, 1], [], []>, transpose_lhs_hint = false} : vector<38x128xf32>, vector<128x8xf32>, vector<38x8xf32> -> vector<38x8xf32>
    %swap3A = arith.constant 0 : index
    %swap3A_6 = arith.constant 0 : index
    %swap3A_7 = vector.load %arg2[%swap3A, %swap3A_6] : memref<38x8xf32, #tpu.memory_space<vmem>>, vector<38x8xf32>
    tpu.vector_store %arg2[%swap3A, %swap3A_6], %dot_general3A_5 {strides = array<i32>} : memref<38x8xf32, #tpu.memory_space<vmem>>, vector<38x8xf32>,
    return
  }
}

module attributes {stable_mosaic.version = 14 : i64} {
  func.func @_tc1_body(%arg0: i32, %arg1: memref<2000x128xf32, #tpu.memory_space<vmem>>, %arg2: memref<128x128xf32, #tpu.memory_space<vmem>>, %arg3: memref<128x8xf32, #tpu.memory_space<vmem>>, %arg4: memref<2000x128xf32, #tpu.memory_space<vmem>>, %arg5: memref<2000x8xf32, #tpu.memory_space<vmem>>) attributes {dimension_semantics = [#tpu.dimension_semantics<arbitrary>], iteration_bounds = array<i64: 5>, scalar_prefetch = 0 : i64, scratch_operands = 0 : i64, tpu.core_type = #tpu.core_type<tc>, window_params = [{transform_indices = @transform_0, window_bounds = array<i64: 2000, 128>}, {pipeline_mode = #tpu.pipeline_mode<synchronous>, transform_indices = @transform_1, window_bounds = array<i64: 128, 128>}, {pipeline_mode = #tpu.pipeline_mode<synchronous>, transform_indices = @transform_2, window_bounds = array<i64: 128, 8>}, {transform_indices = @transform_3, window_bounds = array<i64: 2000, 128>}, {transform_indices = @transform_4, window_bounds = array<i64: 2000, 8>}]} {
    %get3A = arith.constant 0 : index
    %get3A_0 = arith.constant 0 : index
    %get3A_1 = vector.load %arg1[%get3A, %get3A_0] : memref<2000x128xf32, #tpu.memory_space<vmem>>, vector<2000x128xf32>
    %get3A_2 = arith.constant 0 : index
    %get3A_3 = arith.constant 0 : index
    %get3A_4 = vector.load %arg2[%get3A_2, %get3A_3] : memref<128x128xf32, #tpu.memory_space<vmem>>, vector<128x128xf32>
    %dot_general3A = arith.constant dense<0.000000e+00> : vector<2000x128xf32>
    %dot_general3A_5 = tpu.matmul %get3A_1, %get3A_4, %dot_general3A {dimension_numbers = #tpu.dot_dimension_numbers<[1], [0], [0], [1], [0, 0, 1, 1], [], []>, transpose_lhs_hint = false} : vector<2000x128xf32>, vector<128x128xf32>, vector<2000x128xf32> -> vector<2000x128xf32>
    %swap3A = arith.constant 0 : index
    %swap3A_6 = arith.constant 0 : index
    %swap3A_7 = vector.load %arg4[%swap3A, %swap3A_6] : memref<2000x128xf32, #tpu.memory_space<vmem>>, vector<2000x128xf32>
    tpu.vector_store %arg4[%swap3A, %swap3A_6], %dot_general3A_5 {strides = array<i32>} : memref<2000x128xf32, #tpu.memory_space<vmem>>, vector<2000x128xf32>,
    %get3A_8 = arith.constant 0 : index
    %get3A_9 = arith.constant 0 : index
    %get3A_10 = vector.load %arg3[%get3A_8, %get3A_9] : memref<128x8xf32, #tpu.memory_space<vmem>>, vector<128x8xf32>
    %dot_general3A_11 = arith.constant dense<0.000000e+00> : vector<2000x8xf32>
    %dot_general3A_12 = tpu.matmul %dot_general3A_5, %get3A_10, %dot_general3A_11 {dimension_numbers = #tpu.dot_dimension_numbers<[1], [0], [0], [1], [0, 0, 1, 1], [], []>, transpose_lhs_hint = false} : vector<2000x128xf32>, vector<128x8xf32>, vector<2000x8xf32> -> vector<2000x8xf32>
    %swap3A_13 = arith.constant 0 : index
    %swap3A_14 = arith.constant 0 : index
    %swap3A_15 = vector.load %arg5[%swap3A_13, %swap3A_14] : memref<2000x8xf32, #tpu.memory_space<vmem>>, vector<2000x8xf32>
    tpu.vector_store %arg5[%swap3A_13, %swap3A_14], %dot_general3A_12 {strides = array<i32>} : memref<2000x8xf32, #tpu.memory_space<vmem>>, vector<2000x8xf32>,
    return
  }
  func.func @transform_0(%arg0: i32) -> (i32, i32) {
    %c0_i32 = arith.constant 0 : i32
    %c0_i32_0 = arith.constant 0 : i32
    return %arg0, %c0_i32 : i32, i32
  }
  func.func @transform_1(%arg0: i32) -> (i32, i32) {
    %c0_i32 = arith.constant 0 : i32
    %c0_i32_0 = arith.constant 0 : i32
    %c0_i32_1 = arith.constant 0 : i32
    return %c0_i32, %c0_i32_0 : i32, i32
  }
  func.func @transform_2(%arg0: i32) -> (i32, i32) {
    %c0_i32 = arith.constant 0 : i32
    %c0_i32_0 = arith.constant 0 : i32
    %c0_i32_1 = arith.constant 0 : i32
    return %c0_i32, %c0_i32_0 : i32, i32
  }
  func.func @transform_3(%arg0: i32) -> (i32, i32) {
    %c0_i32 = arith.constant 0 : i32
    %c0_i32_0 = arith.constant 0 : i32
    return %arg0, %c0_i32 : i32, i32
  }
  func.func @transform_4(%arg0: i32) -> (i32, i32) {
    %c0_i32 = arith.constant 0 : i32
    %c0_i32_0 = arith.constant 0 : i32
    return %arg0, %c0_i32 : i32, i32
  }
}

module attributes {stable_mosaic.version = 14 : i64} {
  func.func @_tc2_body(%arg0: memref<2x10000x4xf32, #tpu.memory_space<vmem>>, %arg1: memref<10000x4xf32, #tpu.memory_space<vmem>>) attributes {dimension_semantics = [], scalar_prefetch = 0 : i64, scratch_operands = 0 : i64, tpu.core_type = #tpu.core_type<tc>} {
    %get3A = arith.constant 0 : index
    %get3A_0 = arith.constant 0 : index
    %get3A_1 = arith.constant 0 : index
    %get3A_2 = vector.load %arg0[%get3A, %get3A_0, %get3A_1] : memref<2x10000x4xf32, #tpu.memory_space<vmem>>, vector<1x10000x4xf32>
    %get3A_3 = vector.shape_cast %get3A_2 : vector<1x10000x4xf32> to vector<10000x4xf32>
    %get3A_4 = arith.constant 1 : index
    %get3A_5 = arith.constant 0 : index
    %get3A_6 = arith.constant 0 : index
    %get3A_7 = vector.load %arg0[%get3A_4, %get3A_5, %get3A_6] : memref<2x10000x4xf32, #tpu.memory_space<vmem>>, vector<1x10000x4xf32>
    %get3A_8 = vector.shape_cast %get3A_7 : vector<1x10000x4xf32> to vector<10000x4xf32>
    %add3A = arith.addf %get3A_3, %get3A_8 : vector<10000x4xf32>
    %add3A_9 = arith.constant 1.000000e-16 : f32
    %add3A_10 = vector.broadcast %add3A_9 : f32 to vector<10000x4xf32>
    %add3A_11 = arith.addf %add3A, %add3A_10 : vector<10000x4xf32>
    %div3A = arith.constant 1.000000e+00 : f32
    %div3A_12 = vector.broadcast %div3A : f32 to vector<10000x4xf32>
    %div3A_13 = arith.divf %div3A_12, %add3A_11 : vector<10000x4xf32>
    %swap3A = arith.constant 0 : index
    %swap3A_14 = arith.constant 0 : index
    %swap3A_15 = vector.load %arg1[%swap3A, %swap3A_14] : memref<10000x4xf32, #tpu.memory_space<vmem>>, vector<10000x4xf32>
    tpu.vector_store %arg1[%swap3A, %swap3A_14], %div3A_13 {strides = array<i32>} : memref<10000x4xf32, #tpu.memory_space<vmem>>, vector<10000x4xf32>,
    return
  }
}

module attributes {stable_mosaic.version = 14 : i64} {
  func.func @_tc3_body(%arg0: memref<2x10000x128xf32, #tpu.memory_space<vmem>>, %arg1: memref<10000x128xf32, #tpu.memory_space<vmem>>) attributes {dimension_semantics = [], scalar_prefetch = 0 : i64, scratch_operands = 0 : i64, tpu.core_type = #tpu.core_type<tc>} {
    %get3A = arith.constant 0 : index
    %get3A_0 = arith.constant 0 : index
    %get3A_1 = arith.constant 0 : index
    %get3A_2 = vector.load %arg0[%get3A, %get3A_0, %get3A_1] : memref<2x10000x128xf32, #tpu.memory_space<vmem>>, vector<1x10000x128xf32>
    %get3A_3 = vector.shape_cast %get3A_2 : vector<1x10000x128xf32> to vector<10000x128xf32>
    %get3A_4 = arith.constant 1 : index
    %get3A_5 = arith.constant 0 : index
    %get3A_6 = arith.constant 0 : index
    %get3A_7 = vector.load %arg0[%get3A_4, %get3A_5, %get3A_6] : memref<2x10000x128xf32, #tpu.memory_space<vmem>>, vector<1x10000x128xf32>
    %get3A_8 = vector.shape_cast %get3A_7 : vector<1x10000x128xf32> to vector<10000x128xf32>
    %add3A = arith.addf %get3A_3, %get3A_8 : vector<10000x128xf32>
    %integer_pow3A = arith.mulf %add3A, %add3A : vector<10000x128xf32>
    %integer_pow3A_9 = arith.mulf %add3A, %integer_pow3A : vector<10000x128xf32>
    %mul3A = arith.constant 4.471500e-02 : f32
    %mul3A_10 = vector.broadcast %mul3A : f32 to vector<10000x128xf32>
    %mul3A_11 = arith.mulf %mul3A_10, %integer_pow3A_9 : vector<10000x128xf32>
    %add3A_12 = arith.addf %add3A, %mul3A_11 : vector<10000x128xf32>
    %mul3A_13 = arith.constant 0.797884583 : f32
    %mul3A_14 = vector.broadcast %mul3A_13 : f32 to vector<10000x128xf32>
    %mul3A_15 = arith.mulf %mul3A_14, %add3A_12 : vector<10000x128xf32>
    %tanh3A = math.tanh %mul3A_15 : vector<10000x128xf32>
    %add3A_16 = arith.constant 1.000000e+00 : f32
    %add3A_17 = vector.broadcast %add3A_16 : f32 to vector<10000x128xf32>
    %add3A_18 = arith.addf %add3A_17, %tanh3A : vector<10000x128xf32>
    %mul3A_19 = arith.constant 5.000000e-01 : f32
    %mul3A_20 = vector.broadcast %mul3A_19 : f32 to vector<10000x128xf32>
    %mul3A_21 = arith.mulf %mul3A_20, %add3A_18 : vector<10000x128xf32>
    %mul3A_22 = arith.mulf %add3A, %mul3A_21 : vector<10000x128xf32>
    %swap3A = arith.constant 0 : index
    %swap3A_23 = arith.constant 0 : index
    %swap3A_24 = vector.load %arg1[%swap3A, %swap3A_23] : memref<10000x128xf32, #tpu.memory_space<vmem>>, vector<10000x128xf32>
    tpu.vector_store %arg1[%swap3A, %swap3A_23], %mul3A_22 {strides = array<i32>} : memref<10000x128xf32, #tpu.memory_space<vmem>>, vector<10000x128xf32>,
    return
  }
}

</mosaic_0001>

<sc_bundles>
// kernel: kernel.11.cloned.1.call-start
scs
__scs_entry_jumppad:
0x0: {  	(pc) =	sbr.rel $0x88, $3  }
0x1: {  	(tag) =	ssettag $0x0;
	lr =	simm.s32 $0x1  }
0x2: {  	[smem:$0x3F9A] =	sst lr;
	_ =	strace $0xD0000000  }
0x3: {  	_ = 	snop  }
0x4: {  	_ = 	snop  }
0x5: {  	_ = 	snop  }
0x6: {  	_ = 	snop  }
0x7: {  	_ = 	snop  }
__scs_overlays_trampoline_lowered:
0x8: {  	[smem:$0x3FA9] =	sst s0  }
0x9: {  	[smem:$0x3FAA] =	sst s1  }
0xa: {  	[smem:$0x3FAB] =	sst s2  }
0xb: {  	[smem:$0x3FAC] =	sst s3  }
0xc: {  	[smem:$0x3FAD] =	sst s4  }
0xd: {  	[smem:$0x3FAE] =	sst s5  }
0xe: {  	[smem:$0x3FAF] =	sst s6  }
0xf: {  	[smem:$0x3FB0] =	sst s7  }
0x10: {  	[smem:$0x3FB1] =	sst s8  }
0x11: {  	[smem:$0x3FB2] =	sst s9;
	s0 =	simm.s32 @!p0 $0x0  }
0x12: {  	s1 =	sld [smem:$0x3F98];
	s0 =	simm.s32 @p0 $0x1  }
0x13: {  	[smem:$0x3FB3] =	sst s0;
	s0 =	simm.s32 @!p1 $0x0  }
0x14: {  	s2 =	sld [smem:$0x3F97];
	s0 =	simm.s32 @p1 $0x1  }
0x15: {  	[smem:$0x3FB4] =	sst s0;
	s0 =	simm.s32 @!p2 $0x0  }
0x16: {  	s3 =	sld [smem:$0x3FDB];
	s0 =	simm.s32 @p2 $0x1  }
0x17: {  	s4 =	simm.s32 $0x1BF5;
	[smem:$0x3FB6] =	sst s0  }
0x18: {  	s0 =	sld [smem:$0x3F99];
	_ =	swait.ge [sflag:s4], $0x0  }
0x19: {  	s7 =	sld [smem:$0x3F9A]  }
0x1a: {  	s8 =	sadd.s32 $0xFFFFE003, lr  }
0x1b: {  	s9 =	sadd.s32 $0xFFFFFEF7, lr;
	s5 =	simm.s32 $0xFFFFFFFF;
	p2 =	slt.u32 s8, $0xFFFFF086  }
0x1c: {  	p1 =	slt.u32 s9, $0xF7A;
	s5 =	simm.s32 @!p2 $0x0  }
0x1d: {  	s5 =	simm.s32 @p1 $0x1;
	p0 =	seq.s32 s7, s2  }
0x1e: {  	s7 =	smul.u32 @!p0 $0xF7A, s2;
	p2 =	seq.s32 @!p0 s5, $0x0  }
0x1f: {  	s9 =	smul.u32 $0xF7A, s1;
	s8 =	simm.s32 @!p0 $0x1BF5;
	p2 =	por !p2, p0  }
0x20: {  	[sflag:s8] =	ssyncset.s32 @!p0 $0xFFFFF086;
	s6 =	sadd.s32 @!p0 s3, s7;
	s7 =	simm.s32 @!p0 $0x108  }
0x21: {  	s3 =	sadd.s32 s3, s9;
	s6 =	sadd.s32 @!p0 $0x88, s6;
	s7 =	simm.s32 @p2 $0x1082  }
0x22: {  	[simem:s7], [sflag:s8] =	dma.local @!p0 [hbm:s6], $0xF7A  }
0x23: {  	s9 =	sor.u32 $0xD0000000, s2;
	s6 =	simm.s32 $0x108;
	_ =	swait.ge @!p0 [sflag:s8], $0x0  }
0x24: {  	s3 =	sadd.s32 $0x88, s3;
	s6 =	simm.s32 @!p1 $0x1082;
	[sflag:s4] =	ssyncset.s32 $0xFFFFF086  }
0x25: {  	[simem:s6], [sflag:s4] =	dma.local [hbm:s3], $0xF7A  }
0x26: {  	[smem:$0x3F9A] =	sst s1;
	(tag) =	ssettag s2;
	_ =	strace s9  }
0x27: {  	s1 =	sld [smem:$0x3FAA]  }
0x28: {  	s2 =	sld [smem:$0x3FAB]  }
0x29: {  	s4 =	sld [smem:$0x3FAD]  }
0x2a: {  	p0 =	seq.s32 s5, $0x0;
	s5 =	sld [smem:$0x3FAE]  }
0x2b: {  	s6 =	sld [smem:$0x3FAF]  }
0x2c: {  	s7 =	sld [smem:$0x3FB0]  }
0x2d: {  	s3 =	simm.s32 $0x108;
	s8 =	sld [smem:$0x3FB1]  }
0x2e: {  	s3 =	simm.s32 @!p0 $0x1082;
	s9 =	sld [smem:$0x3FB2]  }
0x2f: {  	lr =	sadd.s32 s0, s3;
	s0 =	sld [smem:$0x3FA9]  }
0x30: {  	s3 =	sld [smem:$0x3FAC]  }
0x31: {  	[smem:$0x3FB5] =	sst s10  }
0x32: {  	s10 =	sld [smem:$0x3FB3];
	_ =	sdelay $0x3  }
0x33: {  	p0 =	seq.s32 s10, $0x1;
	s10 =	sld [smem:$0x3FB5];
	_ =	sdelay $0x3  }
0x34: {  	[smem:$0x3FB5] =	sst s10  }
0x35: {  	s10 =	sld [smem:$0x3FB4];
	_ =	sdelay $0x3  }
0x36: {  	p1 =	seq.s32 s10, $0x1;
	s10 =	sld [smem:$0x3FB5];
	_ =	sdelay $0x3  }
0x37: {  	[smem:$0x3FB5] =	sst s10  }
0x38: {  	s10 =	sld [smem:$0x3FB6]  }
0x39: {  	_ = 	snop;
	(pc) =	sbr.ind lr, $3  }
0x3a: {  	_ = 	snop  }
0x3b: {  	_ = 	snop  }
0x3c: {  	p2 =	seq.s32 s10, $0x1;
	s10 =	sld [smem:$0x3FB5]  }
0x3d: {  	_ =	shalt  }
0x3e: {  	_ =	shalt  }
0x3f: {  	_ =	shalt  }
0x40: {  	_ =	shalt  }
0x41: {  	_ =	shalt  }
0x42: {  	_ =	shalt  }
0x43: {  	_ =	shalt  }
0x44: {  	_ =	shalt  }
0x45: {  	_ =	shalt  }
0x46: {  	_ =	shalt  }
0x47: {  	_ =	shalt  }
0x48: {  	_ =	shalt  }
0x49: {  	_ =	shalt  }
0x4a: {  	_ =	shalt  }
0x4b: {  	_ =	shalt  }
0x4c: {  	_ =	shalt  }
0x4d: {  	_ =	shalt  }
0x4e: {  	_ =	shalt  }
0x4f: {  	_ =	shalt  }
0x50: {  	_ =	shalt  }
0x51: {  	_ =	shalt  }
0x52: {  	_ =	shalt  }
0x53: {  	_ =	shalt  }
0x54: {  	_ =	shalt  }
0x55: {  	_ =	shalt  }
0x56: {  	_ =	shalt  }
0x57: {  	_ =	shalt  }
0x58: {  	_ =	shalt  }
0x59: {  	_ =	shalt  }
0x5a: {  	_ =	shalt  }
0x5b: {  	_ =	shalt  }
0x5c: {  	_ =	shalt  }
0x5d: {  	_ =	shalt  }
0x5e: {  	_ =	shalt  }
0x5f: {  	_ =	shalt  }
0x60: {  	_ =	shalt  }
0x61: {  	_ =	shalt  }
0x62: {  	_ =	shalt  }
0x63: {  	_ =	shalt  }
0x64: {  	_ =	shalt  }
0x65: {  	_ =	shalt  }
0x66: {  	_ =	shalt  }
0x67: {  	_ =	shalt  }
0x68: {  	_ =	shalt  }
0x69: {  	_ =	shalt  }
0x6a: {  	_ =	shalt  }
0x6b: {  	_ =	shalt  }
0x6c: {  	_ =	shalt  }
0x6d: {  	_ =	shalt  }
0x6e: {  	_ =	shalt  }
0x6f: {  	_ =	shalt  }
0x70: {  	_ =	shalt  }
0x71: {  	_ =	shalt  }
0x72: {  	_ =	shalt  }
0x73: {  	_ =	shalt  }
0x74: {  	_ =	shalt  }
0x75: {  	_ =	shalt  }
0x76: {  	_ =	shalt  }
0x77: {  	_ =	shalt  }
0x78: {  	_ =	shalt  }
0x79: {  	_ =	shalt  }
0x7a: {  	_ =	shalt  }
0x7b: {  	_ =	shalt  }
0x7c: {  	_ =	shalt  }
0x7d: {  	_ =	shalt  }
0x7e: {  	_ =	shalt  }
0x7f: {  	_ =	shalt  }
0x80: {  	_ =	shalt  }
0x81: {  	_ =	shalt  }
0x82: {  	_ =	shalt  }
0x83: {  	_ =	shalt  }
0x84: {  	_ =	shalt  }
0x85: {  	_ =	shalt  }
0x86: {  	_ =	shalt  }
0x87: {  	_ =	shalt  }
.Lfunc_end0:
.L_simem_size_0:
called_computation.1_lowered:
.L_overlay_start_0:
0x88: {  	s2 =	sld [smem:$0x3FD9]  }
0x89: {  	s3 =	sld [smem:$0x3FFE];
	_ =	sdelay $0x1  }
0x8a: {  	s1 =	srdreg.scid  }
0x8b: {  	s0 =	sand.u32 $0x1, s1  }
0x8c: {  	s14 =	sshll.u32 s0, $0xA;
	s2 =	sadd.s32 s3, s2  }
0x8d: {  	s2 =	sadd.s32 s2, s14  }
0x8e: {  	[smem:$0x3FC1] =	sst s2  }
0x8f: {  	_ = 	snop  }
0x90: {  	s2 =	sld [smem:$0x3FD0];
	_ =	sdelay $0x1  }
0x91: {  	s15 =	sld [smem:$0x3FC7]  }
0x92: {  	s5 =	simm.s32 $0xA;
	s6 =	simm.s32 $0x10;
	s4 =	sld [smem:$0x3FC5]  }
0x93: {  	[smem:s6], [sflag:s5] =	dma.local [hbm:s2], $0x1  }
0x94: {  	_ =	swait.eq [sflag:s5], $0x1  }
0x95: {  	[sflag:s5] =	ssyncset.done $0x0  }
0x96: {  	s16 =	sld [smem:$0x10];
	[sflag:s5] =	ssyncadd.s32 $0xFFFFFFFF  }
0x97: {  	s17 =	sld [smem:$0x11];
	(tm) =	ssettm $0x1  }
0x98: {  	s18 =	sld [smem:$0x3FFB];
	_ =	sdelay $0x3  }
0x99: {  	_ =	strace s18  }
0x9a: {  	s6 =	sld [smem:$0x3FFC];
	_ =	sdelay $0x3  }
0x9b: {  	_ =	strace s6  }
0x9c: {  	s6 =	sld [smem:$0x3FFD];
	_ =	sdelay $0x3  }
0x9d: {  	_ =	strace s6  }
0x9e: {  	_ =	strace $0x8FFFFFFF  }
0x9f: {  	s19 =	sld [smem:$0x3FDB];
	_ =	sdelay $0x1  }
0xa0: {  	s7 =	simm.s32 $_scs_section_size  }
0xa1: {  	s8 =	simm.s32 $_size__tile_overlayer_lowered;
	s9 =	simm.s32 $_tile_overlayer_lowered  }
0xa2: {  	s22 =	simm.s32 $0x1BFF;
	s21 =	sshll.u32 s9, $0x1;
	s6 =	sadd.s32 s7, s19  }
0xa3: {  	s10 =	simm.s32 $0x0;
	s20 =	sshll.u32 s8, $0x1;
	s8 =	sadd.s32 s21, s6  }
0xa4: {  	[timem:s10], [sflag:s22] =	dma.local [hbm:s8], s20  }
0xa5: {  	_ =	swait.ge [sflag:s22], s20  }
0xa6: {  	s7 =	ssub.s32 $0x0, s20;
	[sflag:s22] =	ssyncset.done $0x0  }
0xa7: {  	[sflag:s22] =	ssyncadd.s32 s7;
	_ =	sdelay $0x1  }
0xa8: {  	s23 =	simm.s32 $0x1B8B  }
0xa9: {  	_ =	swait.ge [sflag:s23], $0x1  }
0xaa: {  	[sflag:s23] =	ssyncset.done $0x0  }
0xab: {  	s25 =	simm.s32 $0x1B8E;
	s24 =	sld [smem:$0x3FFE];
	[sflag:s23] =	ssyncadd.s32 $0xFFFFFFFF  }
0xac: {  	s26 =	simm.s32 $execute0_lowered;
	[smem:$0x3FD2] =	sst s25  }
0xad: {  	s8 =	sshll.u32 s26, $0x1;
	_ =	strace $0x80000049;
	[dreg:$0x1] =	wrdreg $0xFFFFFFFF  }
0xae: {  	s28 =	simm.s32 $_size_execute0_lowered;
	s6 =	sadd.s32 s6, s8;
	[dreg:$0x0] =	wrdreg $0x0  }
0xaf: {  	s8 =	sshll.u32 s28, $0x1;
	[dreg:$0x2] =	wrdreg s6  }
0xb0: {  	[dreg:$0x3] =	wrdreg s8  }
0xb1: {  	[dreg:$0x4] =	wrdreg $0xC0  }
0xb2: {  	_ =	task [dreg:s10], $0x5FFFF  }
0xb3: {  	[dreg:$0x1] =	wrdreg $0xFFFFFFFF  }
0xb4: {  	[dreg:$0x0] =	wrdreg $0x60  }
0xb5: {  	[dreg:$0x2] =	wrdreg s24  }
0xb6: {  	[dreg:$0x3] =	wrdreg s15  }
0xb7: {  	[dreg:$0x4] =	wrdreg s4  }
0xb8: {  	[dreg:$0x5] =	wrdreg s17  }
0xb9: {  	[dreg:$0x6] =	wrdreg s16  }
0xba: {  	[dreg:$0x7] =	wrdreg $0x87480  }
0xbb: {  	[dreg:$0x8] =	wrdreg $0x7D800  }
0xbc: {  	[dreg:$0x9] =	wrdreg $0x9  }
0xbd: {  	_ =	task.clear_ibuf [dreg:s10], $0xAFFFF;
	_ =	strace $0x90000049  }
0xbe: {  	s29 =	simm.s32 $0x9;
	_ =	strace $0x8000004B  }
0xbf: {  	_ =	swait.ge [sflag:s29], $0x1  }
0xc0: {  	[sflag:s29] =	ssyncadd.s32 $0xFFFFFFFF  }
0xc1: {  	_ =	strace $0x9000004B  }
0xc2: {  	_ =	sfence  }
0xc3: {  	s30 =	sld [smem:$0x0];
	_ =	sdelay $0x2  }
0xc4: {  	s31 =	sshll.u32 s1, $0xD;
	s1 =	sshrl.u32 s1, $0x2  }
0xc5: {  	s3 =	sand.u32 $0x4000, s31;
	s1 =	sadd.s32 s1, s30  }
0xc6: {  	s0 =	sor.u32 s3, s0;
	s1 =	sshll.u32 s1, $0x11  }
0xc7: {  	s0 =	sor.u32 s1, s0  }
0xc8: {  	s0 =	sadd.s32 $0x8F2B, s0  }
0xc9: {  	[sflag:s0] =	ssyncadd.remote.s32 $0x1  }
0xca: {  	_ =	sfence.sel $0xFFFF  }
0xcb: {  	[dreg:$0x0] =	wrdreg $0xFFFFFFFF;
	(pc) =	sbr.abs _section_cstart, $3  }
0xcc: {  	[dreg:$0x1] =	wrdreg $0xFFFFFFFF  }
0xcd: {  	_ =	task.clear_ibuf [dreg:s10], $0x2FFFF;
	_ =	strace $0x9FFFFFFF  }
0xce: {  	(tm) =	ssettm $0x7FFFFFFF  }
0xcf: {  	_ =	shalt  }
tec
execute0_lowered:
.L_overlay_start_1:
0x0: {  	(tag) =	ssettag $0x1  }
0x1: {  	s0 =	rddreg [dreg:$0x0]  }
0x2: {  	s3 =	rddreg [dreg:$0x1]  }
0x3: {  	s1 =	rddreg [dreg:$0x4]  }
0x4: {  	s4 =	rddreg [dreg:$0x5]  }
0x5: {  	s6 =	rddreg [dreg:$0x6];
	s7 =	simm.s32 $0x0;
	s17 =	stileid.u32  }
0x6: {  	s5 =	srdreg.scid;
	s29 =	simm.s32 $0x4;
	s30 =	simm.s32 $0x4100  }
0x7: {  	s31 =	simm.s32 $0x1;
	s28 =	simm.s32 $0x3;
	[smem:$0x7FF] =	sst s7  }
0x8: {  	s2 =	smul.u32 $0xFA0, s17;
	s8 =	sadd.s32 $0xAE00, s0;
	s5 =	sand.u32 $0x1, s5  }
0x9: {  	s12 =	smul.u32 $0x3E80, s17;
	s9 =	sadd.s32 $0x1000, s0;
	s10 =	sadd.s32 $0x18800, s0  }
0xa: {  	s15 =	sshll.u32 s17, $0x1;
	s16 =	smul.u32 $0x7D000, s17;
	p0 =	sgt.u32 s17, $0x9  }
0xb: {  	s17 =	simm.s32 $0x1300;
	_ =	strace $0x8000004A;
	s13 =	smul.u32 $0x27100, s5  }
0xc: {  	s24 =	ssub.s32 $0x2, s5;
	s5 =	sor.u32 s5, s15;
	s11 =	sshrl.u32 s2, $0x3  }
0xd: {  	s25 =	sshrl.u32 s24, $0x1;
	s16 =	sshrl.u32 s16, $0x2;
	s1 =	sadd.s32 s1, s12  }
0xe: {  	s18 =	smul.u32 $0x2710, s5;
	s26 =	sadd.s32 s16, s4;
	[dreg:$0xa] =	wrdreg s1  }
0xf: {  	s21 =	smul.u32 $0x1388, s5;
	s16 =	sadd.s32 s2, s6;
	[dreg:$0x9] =	wrdreg s26  }
0x10: {  	s14 =	sadd.s32 s11, s0;
	s11 =	sadd.s32 $0x8DC00, s0;
	[dreg:$0xc] =	wrdreg s16  }
0x11: {  	s13 =	sadd.s32 s12, s13;
	s15 =	sadd.s32 $0x14C00, s14;
	[dreg:$0x8] =	wrdreg s18  }
0x12: {  	s12 =	simm.s32 $0x0;
	s2 =	sadd.s32 s10, s21;
	[dreg:$0xb] =	wrdreg s15  }
0x13: {  	s19 =	sshrl.u32 s18, $0x3;
	s22 =	sadd.s32 $0x50, s18;
	[dreg:$0x11] =	wrdreg s2  }
0x14: {  	s0 =	sadd.s32 s13, s0;
	s20 =	sadd.s32 s8, s19;
	[dreg:$0xe] =	wrdreg s22  }
0x15: {  	s13 =	ssub.s32 s24, s25;
	s23 =	sadd.s32 s9, s19;
	[dreg:$0xd] =	wrdreg s20  }
0x16: {  	s25 =	smul.u32 $0x9C40, s5;
	s1 =	sadd.s32 s3, s19;
	[dreg:$0xf] =	wrdreg s23  }
0x17: {  	s24 =	sshrl.u32 s22, $0x3;
	s0 =	sadd.s32 $0x3FA00, s0;
	[dreg:$0x10] =	wrdreg s1  }
0x18: {  	s15 =	sadd.s32 $0x26C0, s18;
	s26 =	sadd.s32 s8, s24;
	[dreg:$0x1d] =	wrdreg s0  }
0x19: {  	s16 =	sshrl.u32 s22, $0x1;
	s14 =	sadd.s32 s9, s24;
	[dreg:$0x12] =	wrdreg s26  }
0x1a: {  	s1 =	sadd.s32 s3, s24;
	s2 =	sshrl.u32 s25, $0x3;
	[dreg:$0x13] =	wrdreg s14  }
0x1b: {  	s19 =	sshrl.u32 s15, $0x3;
	s5 =	sadd.s32 s10, s16;
	[dreg:$0x14] =	wrdreg s1  }
0x1c: {  	s24 =	smax.u32 s13, $0x1;
	s25 =	sadd.s32 $0xA0, s18;
	[dreg:$0x15] =	wrdreg s5  }
0x1d: {  	s16 =	simm.s32 $0x5;
	s0 =	simm.s32 $0x140;
	[dreg:$0x1e] =	wrdreg s24  }
0x1e: {  	s13 =	simm.s32 $0x6C00;
	s20 =	sadd.s32 s8, s19;
	[dreg:$0x1f] =	wrdreg s25  }
0x1f: {  	s2 =	sadd.s32 s11, s2;
	s21 =	sadd.s32 s9, s19;
	[dreg:$0x16] =	wrdreg s20  }
0x20: {  	s3 =	sadd.s32 s3, s19;
	s1 =	sshrl.u32 s15, $0x1;
	[dreg:$0x17] =	wrdreg s21  }
0x21: {  	s26 =	sadd.s32 $0xF0, s18;
	s19 =	simm.s32 $0x1400;
	[dreg:$0x18] =	wrdreg s3  }
0x22: {  	s24 =	simm.s32 $0x1380;
	s22 =	sadd.s32 $0x1310, s2;
	[smem:$0x7FD] =	sst s26  }
0x23: {  	s25 =	simm.s32 $0x1480;
	s2 =	sadd.s32 $0x1338, s2;
	[dreg:$0x19] =	wrdreg s22  }
0x24: {  	v0 =	vlaneseq.u32;
	s5 =	simm.s32 $0x6A80;
	s23 =	sadd.s32 s10, s1;
	[dreg:$0x1a] =	wrdreg s2  }
0x25: {  	v1 =	vshrl.u32 v0, $0x2;
	v2 =	vand.u32 $0x3, v0;
	v3 =	vor.u32 $0x10, v0;
	s1 =	sadd.s32 s11, s1;
	s20 =	simm.s32 $0x1500;
	[dreg:$0x1b] =	wrdreg s23  }
0x26: {  	v4 =	vor.u32 $0x20, v0;
	v5 =	vor.u32 $0x30, v0;
	v6 =	vor.u32 $0x40, v0;
	s26 =	simm.s32 $0x1580;
	s21 =	simm.s32 $0x2;
	[dreg:$0x1c] =	wrdreg s1  }
0x27: {  	v7 =	vor.u32 $0x50, v0;
	v8 =	vor.u32 $0x60, v0;
	v9 =	vor.u32 $0x70, v0;
	s22 =	simm.s32 $0x50;
	s23 =	simm.s32 $0x1900;
	s2 =	simm.s32 $0x6900  }
.LBB2_1:
0x28: {  	s1 =	stileid.u32  }
0x29: {  	[smem:$0x7FA] =	sst s12;
	s1 =	sshll.u32 @!p0 s1, $0x6  }
0x2a: {  	s3 =	sor.u32 @!p0 $0x1C05, s1;
	s1 =	rddreg [dreg:$0x9]  }
0x2b: {  	s12 =	sshrl.u32 @!p0 s1, $0x3;
	s1 =	rddreg [dreg:$0xa]  }
0x2c: {  	[smem:$0x7FB] =	sst s3  }
0x2d: {  	[smem:$0x7FC] =	sst s12  }
0x2e: {  	[spmem:s12], [sflag:s3] =	dma.local @!p0 [hbm:s1], $0x3E80  }
0x2f: {  	s1 =	simm.s32 @!p0 $0x5  }
0x30: {  	_ =	swait.ge @!p0 [sflag:s1], $0x3E80  }
0x31: {  	s14 =	simm.s32 @!p0 $0x6D80;
	[sflag:s1] =	ssyncset.done @!p0 $0x0  }
0x32: {  	s12 =	simm.s32 @!p0 $0x0;
	s3 =	rddreg [dreg:$0xb];
	[sflag:s1] =	ssyncadd.s32 @!p0 $0xFFFFC180  }
0x33: {  	[tilespmem:s14], [sflag:$0x5] =	stream.linear.gather @!p0 [hbm4b:s3+s12], $0xFA0, $0x38;
	[tilespmem:$0x1BFC8] =	vst v63  }
0x34: {  	_ =	swait.ge @!p0 [sflag:s1], $0xFA0  }
0x35: {  	[sflag:s1] =	ssyncset.done @!p0 $0x0  }
0x36: {  	s3 =	rddreg [dreg:$0xc];
	[sflag:s1] =	ssyncadd.s32 @!p0 $0xFFFFF060  }
0x37: {  	[spmem:s3] =	stream.linear.scatter @!p0 [tilespmem:s14], [sflag:$0x5], $0xFA0, $0x38;
	[tilespmem:$0x1BFC8] =	vst v63  }
0x38: {  	_ =	swait.ge @!p0 [sflag:s1], $0xFA0  }
0x39: {  	[sflag:s1] =	ssyncset.done @!p0 $0x0  }
0x3a: {  	[sflag:s1] =	ssyncadd.s32 @!p0 $0xFFFFF060  }
0x3b: {  	s1 =	rddreg [dreg:$0x2]  }
0x3c: {  	[tilespmem:s7], [sflag:$0x5] =	stream.linear.gather [hbm4b:s1+s7], $0x1300, $0x38;
	[tilespmem:$0x1BFC8] =	vst v63  }
0x3d: {  	_ =	swait.ge [sflag:s16], $0x1300  }
0x3e: {  	[sflag:s16] =	ssyncset.done $0x0  }
0x3f: {  	[sflag:s16] =	ssyncadd.s32 $0xFFFFED00  }
0x40: {  	[bflag:$0x0] =	sbarrier.arrive $0xFFFF  }
0x41: {  	s18 =	rddreg [dreg:$0xd]  }
0x42: {  	[tilespmem:s17], [sflag:$0x5] =	stream.linear.gather [hbm4b:s18+s7], $0x50, $0x38;
	[tilespmem:$0x1BFC8] =	vst v63  }
0x43: {  	_ =	swait.ge [sflag:s16], $0x50  }
0x44: {  	[sflag:s16] =	ssyncset.done $0x0  }
0x45: {  	s3 =	rddreg [dreg:$0xf];
	[sflag:s16] =	ssyncadd.s32 $0xFFFFFFB0  }
0x46: {  	[tilespmem:s19], [sflag:$0x5] =	stream.linear.gather [hbm4b:s3+s7], $0x50, $0x38;
	[tilespmem:$0x1BFC8] =	vst v63  }
0x47: {  	_ =	swait.ge [sflag:s16], $0x50  }
0x48: {  	[sflag:s16] =	ssyncset.done $0x0  }
0x49: {  	s12 =	rddreg [dreg:$0x10];
	[sflag:s16] =	ssyncadd.s32 $0xFFFFFFB0  }
0x4a: {  	[tilespmem:s20], [sflag:$0x5] =	stream.linear.gather [hbm4b:s12+s7], $0x50, $0x38;
	[tilespmem:$0x1BFC8] =	vst v63  }
0x4b: {  	_ =	swait.ge [sflag:s16], $0x50  }
0x4c: {  	[sflag:s16] =	ssyncset.done $0x0  }
0x4d: {  	s15 =	simm.s32 $0x1600;
	s14 =	rddreg [dreg:$0x11];
	[sflag:s16] =	ssyncadd.s32 $0xFFFFFFB0  }
0x4e: {  	[tilespmem:s15], [sflag:$0x5] =	stream.linear.gather [hbm4b:s14+s7], $0x140, $0x38;
	[tilespmem:$0x1BFC8] =	vst v63  }
0x4f: {  	_ =	swait.ge [sflag:s16], $0x140  }
0x50: {  	[sflag:s16] =	ssyncset.done $0x0  }
0x51: {  	[sflag:s16] =	ssyncadd.s32 $0xFFFFFEC0  }
0x52: {  	s18 =	rddreg [dreg:$0x3]  }
0x53: {  	[tilespmem:s23], [sflag:$0x1] =	stream.indirect.gather [hbm4b:s18+s22], $0x80, s17, s22, $0xb8;
	[tilespmem:$0x1BFC8] =	vst v63  }
0x54: {  	s3 =	rddreg [dreg:$0x12]  }
0x55: {  	[tilespmem:s24], [sflag:$0x4] =	stream.linear.gather [hbm4b:s3+s7], $0x50, $0x38;
	[tilespmem:$0x1BFC8] =	vst v63  }
0x56: {  	s12 =	rddreg [dreg:$0x13]  }
0x57: {  	[tilespmem:s25], [sflag:$0x4] =	stream.linear.gather [hbm4b:s12+s7], $0x50, $0x38;
	[tilespmem:$0x1BFC8] =	vst v63  }
0x58: {  	s14 =	rddreg [dreg:$0x14]  }
0x59: {  	[tilespmem:s26], [sflag:$0x4] =	stream.linear.gather [hbm4b:s14+s7], $0x50, $0x38;
	[tilespmem:$0x1BFC8] =	vst v63  }
0x5a: {  	s1 =	simm.s32 $0x0;
	s15 =	rddreg [dreg:$0x15];
	s18 =	simm.s32 $0x1780  }
0x5b: {  	[tilespmem:s18], [sflag:$0x4] =	stream.linear.gather [hbm4b:s15+s7], $0x140, $0x38;
	[tilespmem:$0x1BFC8] =	vst v63  }
.LBB2_2:
0x5c: {  	_ =	swait.ge [sflag:s29], $0x50  }
0x5d: {  	[sflag:s29] =	ssyncset.done $0x0  }
0x5e: {  	[sflag:s29] =	ssyncadd.s32 $0xFFFFFFB0  }
0x5f: {  	_ =	swait.ge [sflag:s29], $0x50  }
0x60: {  	[sflag:s29] =	ssyncset.done $0x0  }
0x61: {  	[sflag:s29] =	ssyncadd.s32 $0xFFFFFFB0  }
0x62: {  	_ =	swait.ge [sflag:s29], $0x50  }
0x63: {  	[sflag:s29] =	ssyncset.done $0x0  }
0x64: {  	[sflag:s29] =	ssyncadd.s32 $0xFFFFFFB0  }
0x65: {  	_ =	swait.ge [sflag:s29], $0x140  }
0x66: {  	[sflag:s29] =	ssyncset.done $0x0  }
0x67: {  	s12 =	simm.s32 $0x0;
	[sflag:s29] =	ssyncadd.s32 $0xFFFFFEC0  }
0x68: {  	v10 =	vor.u32 s12, v1;
	s3 =	rddreg [dreg:$0x3]  }
0x69: {  	[tilespmem:s30], [sflag:$0x2] =	stream.indirect.gather [hbm4b:s3+s22], $0x80, s24, s22, $0xb8;
	[tilespmem:$0x1BFC8] =	vst v63  }
0x6a: {  	_ =	swait.ge [sflag:s31], $0x2800  }
0x6b: {  	[sflag:s31] =	ssyncset.done $0x0  }
0x6c: {  	[sflag:s31] =	ssyncadd.s32 $0xFFFFD800  }
0x6d: {  	v10 =	vld.idx.msk [tilespmem:v10+s19+$0x0], $0xffff;
	_ =	sdelay $0x1  }
0x6e: {  	s18 =	simm.s32 $0x4  }
0x6f: {  	v11 =	vor.u32 s18, v1;
	_ =	sdelay $0x1  }
0x70: {  	v10 =	vshll.u32 v10, $0x2  }
0x71: {  	s12 =	simm.s32 $0x6900;
	v10 =	vor.u32 v2, v10  }
0x72: {  	[tilespmem:s12+$0x0] =	vst v10  }
0x73: {  	v11 =	vld.idx.msk [tilespmem:v11+s19+$0x0], $0xffff;
	_ =	sdelay $0x1  }
0x74: {  	s14 =	simm.s32 $0x8  }
0x75: {  	v10 =	vor.u32 s14, v1;
	s14 =	simm.s32 $0xC  }
.LBB2_3:
0x76: {  	p1 =	sne.s32 s14, $0x4C  }
0x77: {  	v11 =	vshll.u32 v11, $0x2  }
0x78: {  	s12 =	sadd.s32 $0x10, s12;
	v11 =	vor.u32 v2, v11  }
0x79: {  	[tilespmem:s12+$0x0] =	vst v11  }
.Ltmp0:
0x7a: {  	v11 =	vld.idx.msk [tilespmem:v10+s19+$0x0], $0xffff;
	(pc) =	sbr.rel @p1 .LBB2_3-.Ltmp0, $2  }
0x7b: {  	_ =	sdelay $0x2  }
0x7c: {  	v10 =	vor.u32 s14, v1;
	s14 =	sadd.s32 $0x4, s14  }
0x7d: {  	_ = 	snop  }
0x7e: {  	v11 =	vshll.u32 v11, $0x2  }
0x7f: {  	s12 =	sadd.s32 $0x10, s12;
	v11 =	vor.u32 v2, v11  }
0x80: {  	[tilespmem:s12+$0x0] =	vst v11  }
0x81: {  	v10 =	vld.idx.msk [tilespmem:v10+s19+$0x0], $0xffff;
	_ =	sdelay $0x4  }
0x82: {  	v10 =	vshll.u32 v10, $0x2  }
0x83: {  	s12 =	sadd.s32 $0x10, s12;
	v10 =	vor.u32 v2, v10  }
0x84: {  	[tilespmem:s12+$0x0] =	vst v10  }
0x85: {  	[tilespmem:s5], [sflag:$0x5] =	stream.indirect.gather [spmem:s6], $0x1, s2, s0, $0xb8;
	[tilespmem:$0x1BFC8] =	vst v63  }
0x86: {  	_ =	swait.ge [sflag:s16], $0x140  }
0x87: {  	[sflag:s16] =	ssyncset.done $0x0  }
0x88: {  	s12 =	simm.s32 $0x0;
	[sflag:s16] =	ssyncadd.s32 $0xFFFFFEC0  }
0x89: {  	v10 =	vld [tilespmem:s12+$0x1600]  }
0x8a: {  	s14 =	simm.s32 $0x0;
	s15 =	simm.s32 $0x40;
	v11 =	vld [tilespmem:s12+$0x6A80]  }
.LBB2_5:
0x8b: {  	_ = 	snop  }
0x8c: {  	p1 =	sne.s32 s15, $0x4C0  }
.Ltmp1:
0x8d: {  	_ = 	snop;
	(pc) =	sbr.rel @p1 .LBB2_5-.Ltmp1, $4  }
0x8e: {  	_ = 	snop  }
0x8f: {  	s18 =	sshra.s32 s15, $0x2;
	v12 =	vmul.f32 v11, v10  }
0x90: {  	v10 =	vld [tilespmem:s18+$0x1600]  }
0x91: {  	s15 =	sadd.s32 $0x40, s15;
	v11 =	vld [tilespmem:s18+$0x6A80];
	[tilespmem:s12+$0x6C00] =	vst v12;
	s12 =	smov.u32 s18  }
0x92: {  	_ =	sdelay $0x1  }
0x93: {  	v12 =	vmov s14;
	_ =	sdelay $0x1  }
0x94: {  	v10 =	vmul.f32 v11, v10;
	_ =	sdelay $0x1  }
0x95: {  	[tilespmem:s12+$0x6C00] =	vst v10  }
0x96: {  	v10 =	vld.idx.msk [tilespmem:v12+s20+$0x0], $0xffff;
	_ =	sdelay $0x4  }
0x97: {  	v13 =	vshll.u32 v10, $0x7  }
0x98: {  	v11 =	vand.u32 $0xFFFFFFFC, v12;
	v10 =	vor.u32 v0, v13  }
0x99: {  	v11 =	vbroadcast v11, $0x0;
	_ =	sdelay $0x1  }
0x9a: {  	s12 =	simm.s32 $0x1940  }
0x9b: {  	v12 =	vld [tilespmem:s12+$0xFFFFFFC0]  }
0x9c: {  	v10 =	vld.idx.msk [tilespmem:v10+s7+$0x0], $0xffff;
	_ =	sdelay $0x1  }
0x9d: {  	v11 =	vld.idx.msk [tilespmem:v11+s13+$0x0], $0xffff;
	_ =	sdelay $0x2  }
0x9e: {  	v14 =	vor.u32 v3, v13;
	v10 =	vadd.f32 v12, v10;
	_ =	sdelay $0x1  }
0x9f: {  	v10 =	vmul.f32 v10, v11;
	_ =	sdelay $0x1  }
0xa0: {  	[tilespmem:s12+$0xFFFFFFC0] =	vst v10  }
0xa1: {  	v12 =	vld.idx.msk [tilespmem:v14+s7+$0x0], $0xffff  }
0xa2: {  	v14 =	vld [tilespmem:s12+$0xFFFFFFD0];
	_ =	sdelay $0x2  }
0xa3: {  	s3 =	simm.s32 $0x1  }
0xa4: {  	v10 =	vmov s3  }
0xa5: {  	v15 =	vor.u32 v4, v13;
	v12 =	vadd.f32 v14, v12;
	v14 =	vand.u32 $0xFFFFFFFD, v10  }
0xa6: {  	v14 =	vbroadcast v14, $0x0  }
0xa7: {  	v11 =	vmul.f32 v12, v11;
	_ =	sdelay $0x1  }
0xa8: {  	v12 =	vld [tilespmem:s12+$0xFFFFFFE0];
	[tilespmem:s12+$0xFFFFFFD0] =	vst v11  }
0xa9: {  	v11 =	vld.idx.msk [tilespmem:v15+s7+$0x0], $0xffff;
	_ =	sdelay $0x1  }
0xaa: {  	v14 =	vld.idx.msk [tilespmem:v14+s13+$0x0], $0xffff;
	_ =	sdelay $0x2  }
0xab: {  	v15 =	vor.u32 v5, v13;
	v11 =	vadd.f32 v12, v11;
	_ =	sdelay $0x1  }
0xac: {  	v11 =	vmul.f32 v11, v14;
	_ =	sdelay $0x1  }
0xad: {  	v12 =	vld [tilespmem:s12+$0xFFFFFFF0];
	[tilespmem:s12+$0xFFFFFFE0] =	vst v11  }
0xae: {  	v11 =	vld.idx.msk [tilespmem:v15+s7+$0x0], $0xffff;
	_ =	sdelay $0x2  }
0xaf: {  	s15 =	simm.s32 $0x2  }
0xb0: {  	v16 =	vmov s15  }
0xb1: {  	v15 =	vor.u32 v6, v13;
	v11 =	vadd.f32 v12, v11;
	v12 =	vand.u32 $0xFFFFFFFE, v16  }
0xb2: {  	v12 =	vbroadcast v12, $0x0  }
0xb3: {  	v11 =	vmul.f32 v11, v14;
	_ =	sdelay $0x1  }
0xb4: {  	v14 =	vld [tilespmem:s12+$0x0];
	[tilespmem:s12+$0xFFFFFFF0] =	vst v11  }
0xb5: {  	v11 =	vld.idx.msk [tilespmem:v15+s7+$0x0], $0xffff;
	_ =	sdelay $0x1  }
0xb6: {  	v12 =	vld.idx.msk [tilespmem:v12+s13+$0x0], $0xffff;
	_ =	sdelay $0x2  }
0xb7: {  	v11 =	vadd.f32 v14, v11;
	v14 =	vor.u32 v7, v13;
	_ =	sdelay $0x1  }
0xb8: {  	v11 =	vmul.f32 v11, v12;
	_ =	sdelay $0x1  }
0xb9: {  	[tilespmem:s12+$0x0] =	vst v11  }
0xba: {  	v11 =	vld.idx.msk [tilespmem:v14+s7+$0x0], $0xffff  }
0xbb: {  	v14 =	vld [tilespmem:s12+$0x10];
	_ =	sdelay $0x4  }
0xbc: {  	v15 =	vor.u32 v8, v13;
	v11 =	vadd.f32 v14, v11;
	_ =	sdelay $0x1  }
0xbd: {  	s18 =	simm.s32 $0x3;
	v11 =	vmul.f32 v11, v12  }
0xbe: {  	v12 =	vmov s18  }
0xbf: {  	[tilespmem:s12+$0x10] =	vst v11  }
0xc0: {  	v14 =	vld.idx.msk [tilespmem:v15+s7+$0x0], $0xffff  }
0xc1: {  	v15 =	vld [tilespmem:s12+$0x20];
	_ =	sdelay $0x1  }
0xc2: {  	v11 =	vld.idx.msk [tilespmem:v12+s13+$0x0], $0xffff;
	_ =	sdelay $0x2  }
0xc3: {  	v12 =	vor.u32 v9, v13;
	v13 =	vadd.f32 v15, v14;
	_ =	sdelay $0x1  }
0xc4: {  	v13 =	vmul.f32 v13, v11;
	_ =	sdelay $0x1  }
0xc5: {  	v14 =	vld [tilespmem:s12+$0x30];
	[tilespmem:s12+$0x20] =	vst v13  }
0xc6: {  	v13 =	vld.idx.msk [tilespmem:v12+s7+$0x0], $0xffff;
	_ =	sdelay $0x1  }
0xc7: {  	s18 =	simm.s32 $0x4  }
0xc8: {  	v12 =	vmov s18  }
0xc9: {  	v12 =	vand.u32 $0xFFFFFFFC, v12  }
0xca: {  	s14 =	simm.s32 $0x2;
	v12 =	vbroadcast v12, $0x0;
	v13 =	vadd.f32 v14, v13  }
.LBB2_7:
0xcb: {  	p1 =	sne.s32 s14, $0x4F  }
0xcc: {  	v11 =	vmul.f32 v13, v11;
	_ =	sdelay $0x1  }
0xcd: {  	[tilespmem:s12+$0x30] =	vst v11  }
0xce: {  	v10 =	vld.idx.msk [tilespmem:v10+s20+$0x0], $0xffff  }
0xcf: {  	v11 =	vld.idx.msk [tilespmem:v12+s13+$0x0], $0xffff;
	_ =	sdelay $0x4  }
0xd0: {  	v12 =	vshll.u32 v10, $0x7  }
0xd1: {  	v13 =	vor.u32 v0, v12;
	v14 =	vor.u32 v3, v12;
	v15 =	vor.u32 v4, v12  }
0xd2: {  	v16 =	vor.u32 v5, v12;
	v17 =	vor.u32 v6, v12;
	v10 =	vor.u32 v9, v12  }
0xd3: {  	v18 =	vor.u32 v8, v12;
	_ =	sdelay $0x2  }
0xd4: {  	s12 =	sadd.s32 $0x80, s12;
	v13 =	vld.idx.msk [tilespmem:v13+s7+$0x0], $0xffff  }
0xd5: {  	v19 =	vld [tilespmem:s12+$0xFFFFFFC0];
	_ =	sdelay $0x4  }
0xd6: {  	v13 =	vadd.f32 v19, v13;
	_ =	sdelay $0x1  }
0xd7: {  	v13 =	vmul.f32 v13, v11;
	_ =	sdelay $0x1  }
0xd8: {  	[tilespmem:s12+$0xFFFFFFC0] =	vst v13  }
0xd9: {  	v13 =	vld.idx.msk [tilespmem:v14+s7+$0x0], $0xffff  }
0xda: {  	v14 =	vld [tilespmem:s12+$0xFFFFFFD0];
	_ =	sdelay $0x2  }
0xdb: {  	s15 =	sadd.s32 $0x1, s18  }
0xdc: {  	v19 =	vmov s15  }
0xdd: {  	v13 =	vadd.f32 v14, v13;
	v14 =	vand.u32 $0xFFFFFFFD, v19  }
0xde: {  	v14 =	vbroadcast v14, $0x0  }
0xdf: {  	v11 =	vmul.f32 v13, v11;
	_ =	sdelay $0x1  }
0xe0: {  	[tilespmem:s12+$0xFFFFFFD0] =	vst v11  }
0xe1: {  	v11 =	vld.idx.msk [tilespmem:v15+s7+$0x0], $0xffff  }
0xe2: {  	v13 =	vld [tilespmem:s12+$0xFFFFFFE0]  }
0xe3: {  	v14 =	vld.idx.msk [tilespmem:v14+s13+$0x0], $0xffff;
	_ =	sdelay $0x3  }
0xe4: {  	v11 =	vadd.f32 v13, v11;
	_ =	sdelay $0x1  }
0xe5: {  	v11 =	vmul.f32 v11, v14;
	_ =	sdelay $0x1  }
0xe6: {  	[tilespmem:s12+$0xFFFFFFE0] =	vst v11  }
0xe7: {  	v11 =	vld.idx.msk [tilespmem:v16+s7+$0x0], $0xffff  }
0xe8: {  	v13 =	vld [tilespmem:s12+$0xFFFFFFF0];
	_ =	sdelay $0x2  }
0xe9: {  	s15 =	sadd.s32 $0x2, s18  }
0xea: {  	v15 =	vmov s15  }
0xeb: {  	v11 =	vadd.f32 v13, v11;
	v13 =	vand.u32 $0xFFFFFFFE, v15  }
0xec: {  	v13 =	vbroadcast v13, $0x0  }
0xed: {  	v11 =	vmul.f32 v11, v14;
	_ =	sdelay $0x1  }
0xee: {  	[tilespmem:s12+$0xFFFFFFF0] =	vst v11  }
0xef: {  	v11 =	vld.idx.msk [tilespmem:v17+s7+$0x0], $0xffff  }
0xf0: {  	v14 =	vld [tilespmem:s12+$0x0]  }
0xf1: {  	v13 =	vld.idx.msk [tilespmem:v13+s13+$0x0], $0xffff;
	_ =	sdelay $0x3  }
0xf2: {  	v12 =	vor.u32 v7, v12;
	v11 =	vadd.f32 v14, v11;
	_ =	sdelay $0x1  }
0xf3: {  	v11 =	vmul.f32 v11, v13;
	_ =	sdelay $0x1  }
0xf4: {  	[tilespmem:s12+$0x0] =	vst v11  }
0xf5: {  	v11 =	vld.idx.msk [tilespmem:v12+s7+$0x0], $0xffff  }
0xf6: {  	v12 =	vld [tilespmem:s12+$0x10];
	_ =	sdelay $0x4  }
0xf7: {  	v11 =	vadd.f32 v12, v11  }
0xf8: {  	s15 =	sadd.s32 $0x3, s18  }
0xf9: {  	v12 =	vmov s15;
	v11 =	vmul.f32 v11, v13;
	_ =	sdelay $0x1  }
0xfa: {  	[tilespmem:s12+$0x10] =	vst v11  }
0xfb: {  	v13 =	vld.idx.msk [tilespmem:v18+s7+$0x0], $0xffff  }
0xfc: {  	v14 =	vld [tilespmem:s12+$0x20]  }
0xfd: {  	v11 =	vld.idx.msk [tilespmem:v12+s13+$0x0], $0xffff;
	_ =	sdelay $0x3  }
0xfe: {  	v12 =	vadd.f32 v14, v13;
	_ =	sdelay $0x1  }
0xff: {  	v12 =	vmul.f32 v12, v11;
	_ =	sdelay $0x1  }
0x100: {  	[tilespmem:s12+$0x20] =	vst v12  }
0x101: {  	v13 =	vld.idx.msk [tilespmem:v10+s7+$0x0], $0xffff  }
0x102: {  	v14 =	vld [tilespmem:s12+$0x30]  }
.Ltmp2:
0x103: {  	(pc) =	sbr.rel @p1 .LBB2_7-.Ltmp2, $4  }
0x104: {  	s18 =	sadd.s32 $0x4, s18  }
0x105: {  	v10 =	vmov s18  }
0x106: {  	v12 =	vand.u32 $0xFFFFFFFC, v10  }
0x107: {  	v10 =	vmov s14;
	s14 =	sadd.s32 $0x1, s14;
	v12 =	vbroadcast v12, $0x0;
	v13 =	vadd.f32 v14, v13  }
0x108: {  	_ = 	snop  }
0x109: {  	v11 =	vmul.f32 v13, v11;
	_ =	sdelay $0x1  }
0x10a: {  	[tilespmem:s12+$0x30] =	vst v11  }
0x10b: {  	v10 =	vld.idx.msk [tilespmem:v10+s20+$0x0], $0xffff;
	_ =	sdelay $0x4  }
0x10c: {  	v10 =	vshll.u32 v10, $0x7  }
0x10d: {  	v11 =	vor.u32 v0, v10;
	_ =	sdelay $0x2  }
0x10e: {  	s12 =	sadd.s32 $0x80, s12  }
0x10f: {  	v48 =	vld [tilespmem:s12+$0xFFFFFFC0]  }
0x110: {  	v11 =	vld.idx.msk [tilespmem:v11+s7+$0x0], $0xffff;
	_ =	sdelay $0x1  }
0x111: {  	v12 =	vld.idx.msk [tilespmem:v12+s13+$0x0], $0xffff;
	_ =	sdelay $0x2  }
0x112: {  	v14 =	vor.u32 v3, v10;
	v11 =	vadd.f32 v48, v11;
	_ =	sdelay $0x1  }
0x113: {  	v11 =	vmul.f32 v11, v12;
	_ =	sdelay $0x1  }
0x114: {  	v49 =	vld [tilespmem:s12+$0xFFFFFFD0];
	[tilespmem:s12+$0xFFFFFFC0] =	vst v11  }
0x115: {  	v11 =	vld.idx.msk [tilespmem:v14+s7+$0x0], $0xffff;
	_ =	sdelay $0x2  }
0x116: {  	s14 =	sadd.s32 $0x1, s18  }
0x117: {  	v15 =	vmov s14  }
0x118: {  	v51 =	vand.u32 $0xFFFFFFFD, v15;
	v50 =	vor.u32 v4, v10;
	v11 =	vadd.f32 v49, v11  }
0x119: {  	v13 =	vbroadcast v51, $0x0  }
0x11a: {  	v11 =	vmul.f32 v11, v12;
	_ =	sdelay $0x1  }
0x11b: {  	v52 =	vld [tilespmem:s12+$0xFFFFFFE0];
	[tilespmem:s12+$0xFFFFFFD0] =	vst v11  }
0x11c: {  	v11 =	vld.idx.msk [tilespmem:v50+s7+$0x0], $0xffff;
	_ =	sdelay $0x1  }
0x11d: {  	v13 =	vld.idx.msk [tilespmem:v13+s13+$0x0], $0xffff;
	_ =	sdelay $0x2  }
0x11e: {  	v53 =	vor.u32 v5, v10;
	v11 =	vadd.f32 v52, v11;
	_ =	sdelay $0x1  }
0x11f: {  	v11 =	vmul.f32 v11, v13;
	_ =	sdelay $0x1  }
0x120: {  	v54 =	vld [tilespmem:s12+$0xFFFFFFF0];
	[tilespmem:s12+$0xFFFFFFE0] =	vst v11  }
0x121: {  	v11 =	vld.idx.msk [tilespmem:v53+s7+$0x0], $0xffff;
	_ =	sdelay $0x2  }
0x122: {  	s15 =	sadd.s32 $0x2, s18  }
0x123: {  	v56 =	vmov s15  }
0x124: {  	v57 =	vand.u32 $0xFFFFFFFE, v56;
	v55 =	vor.u32 v6, v10;
	v11 =	vadd.f32 v54, v11  }
0x125: {  	v12 =	vbroadcast v57, $0x0  }
0x126: {  	v11 =	vmul.f32 v11, v13;
	_ =	sdelay $0x1  }
0x127: {  	v58 =	vld [tilespmem:s12+$0x0];
	[tilespmem:s12+$0xFFFFFFF0] =	vst v11  }
0x128: {  	v11 =	vld.idx.msk [tilespmem:v55+s7+$0x0], $0xffff;
	_ =	sdelay $0x1  }
0x129: {  	v12 =	vld.idx.msk [tilespmem:v12+s13+$0x0], $0xffff;
	_ =	sdelay $0x2  }
0x12a: {  	v59 =	vor.u32 v7, v10;
	v11 =	vadd.f32 v58, v11;
	_ =	sdelay $0x1  }
0x12b: {  	v11 =	vmul.f32 v11, v12;
	_ =	sdelay $0x1  }
0x12c: {  	v60 =	vld [tilespmem:s12+$0x10];
	[tilespmem:s12+$0x0] =	vst v11  }
0x12d: {  	v11 =	vld.idx.msk [tilespmem:v59+s7+$0x0], $0xffff;
	_ =	sdelay $0x4  }
0x12e: {  	v61 =	vor.u32 v8, v10;
	v11 =	vadd.f32 v60, v11  }
0x12f: {  	s3 =	sadd.s32 $0x3, s18  }
0x130: {  	v62 =	vmov s3;
	v11 =	vmul.f32 v11, v12;
	_ =	sdelay $0x1  }
0x131: {  	v63 =	vld [tilespmem:s12+$0x20];
	[tilespmem:s12+$0x10] =	vst v11  }
0x132: {  	v11 =	vld.idx.msk [tilespmem:v61+s7+$0x0], $0xffff;
	_ =	sdelay $0x1  }
0x133: {  	v12 =	vld.idx.msk [tilespmem:v62+s13+$0x0], $0xffff;
	_ =	sdelay $0x2  }
0x134: {  	v10 =	vor.u32 v9, v10;
	v11 =	vadd.f32 v63, v11;
	_ =	sdelay $0x1  }
0x135: {  	v11 =	vmul.f32 v11, v12;
	_ =	sdelay $0x1  }
0x136: {  	[tilespmem:s12+$0x20] =	vst v11;
	v11 =	vld [tilespmem:s12+$0x30]  }
0x137: {  	v10 =	vld.idx.msk [tilespmem:v10+s7+$0x0], $0xffff;
	_ =	sdelay $0x4  }
0x138: {  	v10 =	vadd.f32 v11, v10;
	_ =	sdelay $0x1  }
0x139: {  	v10 =	vmul.f32 v10, v12;
	_ =	sdelay $0x1  }
0x13a: {  	[tilespmem:s12+$0x30] =	vst v10  }
0x13b: {  	[spmem:s4] =	stream.indirect.scatter.add.f32 [tilespmem:s23], [sflag:$0x5], $0x80, s19, s22, $0xb8;
	[tilespmem:$0x1BFC8] =	vst v63  }
0x13c: {  	s12 =	smul.u32 $0xA0, s1;
	_ =	swait.ge [sflag:s16], $0x2800  }
0x13d: {  	s3 =	rddreg [dreg:$0x8]  }
0x13e: {  	s15 =	sadd.s32 s3, s12  }
0x13f: {  	[sflag:s16] =	ssyncset.done $0x0;
	s14 =	sshrl.u32 s15, $0x1  }
0x140: {  	[sflag:s16] =	ssyncadd.s32 $0xFFFFD800;
	s15 =	simm.s32 $0x0;
	s14 =	sadd.s32 s11, s14  }
0x141: {  	[hbm4b:s14+s15] =	stream.linear.scatter [tilespmem:s13], [sflag:$0x5], $0x140, $0x38;
	[tilespmem:$0x1BFC8] =	vst v63  }
0x142: {  	_ =	swait.ge [sflag:s16], $0x140  }
0x143: {  	s18 =	rddreg [dreg:$0x1f]  }
0x144: {  	s14 =	sadd.s32 s12, s18  }
0x145: {  	[sflag:s16] =	ssyncset.done $0x0;
	s18 =	sshrl.u32 s14, $0x3  }
0x146: {  	[sflag:s16] =	ssyncadd.s32 $0xFFFFFEC0;
	s3 =	sadd.s32 s8, s18  }
0x147: {  	[tilespmem:s17], [sflag:$0x3] =	stream.linear.gather [hbm4b:s3+s15], $0x50, $0x38;
	[tilespmem:$0x1BFC8] =	vst v63  }
0x148: {  	s3 =	sadd.s32 s9, s18  }
0x149: {  	[tilespmem:s19], [sflag:$0x3] =	stream.linear.gather [hbm4b:s3+s15], $0x50, $0x38;
	[tilespmem:$0x1BFC8] =	vst v63  }
0x14a: {  	s3 =	rddreg [dreg:$0x1]  }
0x14b: {  	s14 =	sshrl.u32 s14, $0x1;
	s3 =	sadd.s32 s3, s18  }
0x14c: {  	[tilespmem:s20], [sflag:$0x3] =	stream.linear.gather [hbm4b:s3+s15], $0x50, $0x38;
	[tilespmem:$0x1BFC8] =	vst v63  }
0x14d: {  	s3 =	sand.u32 $0x1FFFFFF8, s14  }
0x14e: {  	s18 =	simm.s32 $0x1600;
	s3 =	sadd.s32 s10, s3  }
0x14f: {  	[tilespmem:s18], [sflag:$0x3] =	stream.linear.gather [hbm4b:s3+s15], $0x140, $0x38;
	[tilespmem:$0x1BFC8] =	vst v63  }
0x150: {  	_ =	swait.ge [sflag:s28], $0x50  }
0x151: {  	[sflag:s28] =	ssyncset.done $0x0  }
0x152: {  	[sflag:s28] =	ssyncadd.s32 $0xFFFFFFB0  }
0x153: {  	_ =	swait.ge [sflag:s28], $0x50  }
0x154: {  	[sflag:s28] =	ssyncset.done $0x0  }
0x155: {  	[sflag:s28] =	ssyncadd.s32 $0xFFFFFFB0  }
0x156: {  	_ =	swait.ge [sflag:s28], $0x50  }
0x157: {  	[sflag:s28] =	ssyncset.done $0x0  }
0x158: {  	[sflag:s28] =	ssyncadd.s32 $0xFFFFFFB0  }
0x159: {  	_ =	swait.ge [sflag:s28], $0x140  }
0x15a: {  	[sflag:s28] =	ssyncset.done $0x0  }
0x15b: {  	[sflag:s28] =	ssyncadd.s32 $0xFFFFFEC0  }
0x15c: {  	v10 =	vor.u32 s15, v1;
	s14 =	rddreg [dreg:$0x3]  }
0x15d: {  	[tilespmem:s23], [sflag:$0x1] =	stream.indirect.gather [hbm4b:s14+s22], $0x80, s17, s22, $0xb8;
	[tilespmem:$0x1BFC8] =	vst v63  }
0x15e: {  	_ =	swait.ge [sflag:s21], $0x2800  }
0x15f: {  	[sflag:s21] =	ssyncset.done $0x0  }
0x160: {  	[sflag:s21] =	ssyncadd.s32 $0xFFFFD800  }
0x161: {  	v10 =	vld.idx.msk [tilespmem:v10+s25+$0x0], $0xffff;
	_ =	sdelay $0x1  }
0x162: {  	s15 =	simm.s32 $0x4  }
0x163: {  	v11 =	vor.u32 s15, v1;
	_ =	sdelay $0x1  }
0x164: {  	v10 =	vshll.u32 v10, $0x2  }
0x165: {  	s14 =	simm.s32 $0x6900;
	v10 =	vor.u32 v2, v10  }
0x166: {  	[tilespmem:s14+$0x0] =	vst v10  }
0x167: {  	v11 =	vld.idx.msk [tilespmem:v11+s25+$0x0], $0xffff;
	_ =	sdelay $0x1  }
0x168: {  	s18 =	simm.s32 $0x8  }
0x169: {  	s15 =	simm.s32 $0xC;
	v10 =	vor.u32 s18, v1  }
.LBB2_9:
0x16a: {  	p1 =	sne.s32 s15, $0x4C  }
0x16b: {  	v11 =	vshll.u32 v11, $0x2  }
0x16c: {  	s14 =	sadd.s32 $0x10, s14;
	v11 =	vor.u32 v2, v11  }
0x16d: {  	[tilespmem:s14+$0x0] =	vst v11  }
.Ltmp3:
0x16e: {  	v11 =	vld.idx.msk [tilespmem:v10+s25+$0x0], $0xffff;
	(pc) =	sbr.rel @p1 .LBB2_9-.Ltmp3, $2  }
0x16f: {  	_ =	sdelay $0x2  }
0x170: {  	v10 =	vor.u32 s15, v1;
	s15 =	sadd.s32 $0x4, s15  }
0x171: {  	_ = 	snop  }
0x172: {  	v11 =	vshll.u32 v11, $0x2  }
0x173: {  	s3 =	sadd.s32 $0x10, s14;
	v11 =	vor.u32 v2, v11  }
0x174: {  	[tilespmem:s3+$0x0] =	vst v11  }
0x175: {  	v10 =	vld.idx.msk [tilespmem:v10+s25+$0x0], $0xffff;
	_ =	sdelay $0x4  }
0x176: {  	v10 =	vshll.u32 v10, $0x2  }
0x177: {  	s3 =	sadd.s32 $0x10, s3;
	v10 =	vor.u32 v2, v10  }
0x178: {  	[tilespmem:s3+$0x0] =	vst v10  }
0x179: {  	[tilespmem:s5], [sflag:$0x5] =	stream.indirect.gather [spmem:s6], $0x1, s2, s0, $0xb8;
	[tilespmem:$0x1BFC8] =	vst v63  }
0x17a: {  	_ =	swait.ge [sflag:s16], $0x140  }
0x17b: {  	[sflag:s16] =	ssyncset.done $0x0  }
0x17c: {  	s14 =	simm.s32 $0x0;
	[sflag:s16] =	ssyncadd.s32 $0xFFFFFEC0  }
0x17d: {  	v10 =	vld [tilespmem:s14+$0x1780]  }
0x17e: {  	s15 =	simm.s32 $0x0;
	s18 =	simm.s32 $0x40;
	v11 =	vld [tilespmem:s14+$0x6A80]  }
.LBB2_11:
0x17f: {  	_ = 	snop  }
0x180: {  	p1 =	sne.s32 s18, $0x4C0  }
.Ltmp4:
0x181: {  	_ = 	snop;
	(pc) =	sbr.rel @p1 .LBB2_11-.Ltmp4, $4  }
0x182: {  	_ = 	snop  }
0x183: {  	s3 =	sshra.s32 s18, $0x2;
	v12 =	vmul.f32 v11, v10  }
0x184: {  	v10 =	vld [tilespmem:s3+$0x1780]  }
0x185: {  	s18 =	sadd.s32 $0x40, s18;
	v11 =	vld [tilespmem:s3+$0x6A80];
	[tilespmem:s14+$0x6C00] =	vst v12;
	s14 =	smov.u32 s3  }
0x186: {  	_ =	sdelay $0x1  }
0x187: {  	v12 =	vmov s15;
	_ =	sdelay $0x1  }
0x188: {  	v10 =	vmul.f32 v11, v10;
	_ =	sdelay $0x1  }
0x189: {  	[tilespmem:s14+$0x6C00] =	vst v10  }
0x18a: {  	v10 =	vld.idx.msk [tilespmem:v12+s26+$0x0], $0xffff;
	_ =	sdelay $0x4  }
0x18b: {  	v13 =	vshll.u32 v10, $0x7  }
0x18c: {  	v11 =	vand.u32 $0xFFFFFFFC, v12;
	v10 =	vor.u32 v0, v13  }
0x18d: {  	v11 =	vbroadcast v11, $0x0;
	_ =	sdelay $0x1  }
0x18e: {  	s18 =	simm.s32 $0x4140  }
0x18f: {  	v12 =	vld [tilespmem:s18+$0xFFFFFFC0]  }
0x190: {  	v10 =	vld.idx.msk [tilespmem:v10+s7+$0x0], $0xffff;
	_ =	sdelay $0x1  }
0x191: {  	v11 =	vld.idx.msk [tilespmem:v11+s13+$0x0], $0xffff;
	_ =	sdelay $0x2  }
0x192: {  	v14 =	vor.u32 v3, v13;
	v10 =	vadd.f32 v12, v10;
	_ =	sdelay $0x1  }
0x193: {  	v10 =	vmul.f32 v10, v11;
	_ =	sdelay $0x1  }
0x194: {  	[tilespmem:s18+$0xFFFFFFC0] =	vst v10  }
0x195: {  	v12 =	vld.idx.msk [tilespmem:v14+s7+$0x0], $0xffff  }
0x196: {  	v14 =	vld [tilespmem:s18+$0xFFFFFFD0];
	_ =	sdelay $0x2  }
0x197: {  	s3 =	simm.s32 $0x1  }
0x198: {  	v10 =	vmov s3  }
0x199: {  	v15 =	vor.u32 v4, v13;
	v12 =	vadd.f32 v14, v12;
	v14 =	vand.u32 $0xFFFFFFFD, v10  }
0x19a: {  	v14 =	vbroadcast v14, $0x0  }
0x19b: {  	v11 =	vmul.f32 v12, v11;
	_ =	sdelay $0x1  }
0x19c: {  	v12 =	vld [tilespmem:s18+$0xFFFFFFE0];
	[tilespmem:s18+$0xFFFFFFD0] =	vst v11  }
0x19d: {  	v11 =	vld.idx.msk [tilespmem:v15+s7+$0x0], $0xffff;
	_ =	sdelay $0x1  }
0x19e: {  	v14 =	vld.idx.msk [tilespmem:v14+s13+$0x0], $0xffff;
	_ =	sdelay $0x2  }
0x19f: {  	v15 =	vor.u32 v5, v13;
	v11 =	vadd.f32 v12, v11;
	_ =	sdelay $0x1  }
0x1a0: {  	v11 =	vmul.f32 v11, v14;
	_ =	sdelay $0x1  }
0x1a1: {  	v12 =	vld [tilespmem:s18+$0xFFFFFFF0];
	[tilespmem:s18+$0xFFFFFFE0] =	vst v11  }
0x1a2: {  	v11 =	vld.idx.msk [tilespmem:v15+s7+$0x0], $0xffff;
	_ =	sdelay $0x2  }
0x1a3: {  	s14 =	simm.s32 $0x2  }
0x1a4: {  	v16 =	vmov s14  }
0x1a5: {  	v15 =	vor.u32 v6, v13;
	v11 =	vadd.f32 v12, v11;
	v12 =	vand.u32 $0xFFFFFFFE, v16  }
0x1a6: {  	v12 =	vbroadcast v12, $0x0  }
0x1a7: {  	v11 =	vmul.f32 v11, v14;
	_ =	sdelay $0x1  }
0x1a8: {  	v14 =	vld [tilespmem:s18+$0x0];
	[tilespmem:s18+$0xFFFFFFF0] =	vst v11  }
0x1a9: {  	v11 =	vld.idx.msk [tilespmem:v15+s7+$0x0], $0xffff;
	_ =	sdelay $0x1  }
0x1aa: {  	v12 =	vld.idx.msk [tilespmem:v12+s13+$0x0], $0xffff;
	_ =	sdelay $0x2  }
0x1ab: {  	v11 =	vadd.f32 v14, v11;
	v14 =	vor.u32 v7, v13;
	_ =	sdelay $0x1  }
0x1ac: {  	v11 =	vmul.f32 v11, v12;
	_ =	sdelay $0x1  }
0x1ad: {  	[tilespmem:s18+$0x0] =	vst v11  }
0x1ae: {  	v11 =	vld.idx.msk [tilespmem:v14+s7+$0x0], $0xffff  }
0x1af: {  	v14 =	vld [tilespmem:s18+$0x10];
	_ =	sdelay $0x4  }
0x1b0: {  	v15 =	vor.u32 v8, v13;
	v11 =	vadd.f32 v14, v11;
	_ =	sdelay $0x1  }
0x1b1: {  	s15 =	simm.s32 $0x3;
	v11 =	vmul.f32 v11, v12  }
0x1b2: {  	v12 =	vmov s15  }
0x1b3: {  	[tilespmem:s18+$0x10] =	vst v11  }
0x1b4: {  	v14 =	vld.idx.msk [tilespmem:v15+s7+$0x0], $0xffff  }
0x1b5: {  	v15 =	vld [tilespmem:s18+$0x20];
	_ =	sdelay $0x1  }
0x1b6: {  	v11 =	vld.idx.msk [tilespmem:v12+s13+$0x0], $0xffff;
	_ =	sdelay $0x2  }
0x1b7: {  	v12 =	vor.u32 v9, v13;
	v13 =	vadd.f32 v15, v14;
	_ =	sdelay $0x1  }
0x1b8: {  	v13 =	vmul.f32 v13, v11;
	_ =	sdelay $0x1  }
0x1b9: {  	v14 =	vld [tilespmem:s18+$0x30];
	[tilespmem:s18+$0x20] =	vst v13  }
0x1ba: {  	v13 =	vld.idx.msk [tilespmem:v12+s7+$0x0], $0xffff;
	_ =	sdelay $0x1  }
0x1bb: {  	s14 =	simm.s32 $0x4  }
0x1bc: {  	v12 =	vmov s14  }
0x1bd: {  	v12 =	vand.u32 $0xFFFFFFFC, v12  }
0x1be: {  	s15 =	simm.s32 $0x2;
	v12 =	vbroadcast v12, $0x0;
	v13 =	vadd.f32 v14, v13  }
.LBB2_13:
0x1bf: {  	p1 =	sne.s32 s15, $0x4F  }
0x1c0: {  	v11 =	vmul.f32 v13, v11;
	_ =	sdelay $0x1  }
0x1c1: {  	[tilespmem:s18+$0x30] =	vst v11  }
0x1c2: {  	v10 =	vld.idx.msk [tilespmem:v10+s26+$0x0], $0xffff  }
0x1c3: {  	v11 =	vld.idx.msk [tilespmem:v12+s13+$0x0], $0xffff;
	_ =	sdelay $0x4  }
0x1c4: {  	v12 =	vshll.u32 v10, $0x7  }
0x1c5: {  	v13 =	vor.u32 v0, v12;
	v14 =	vor.u32 v3, v12;
	v15 =	vor.u32 v4, v12  }
0x1c6: {  	v16 =	vor.u32 v5, v12;
	v17 =	vor.u32 v6, v12;
	v10 =	vor.u32 v9, v12  }
0x1c7: {  	v18 =	vor.u32 v8, v12;
	_ =	sdelay $0x2  }
0x1c8: {  	s18 =	sadd.s32 $0x80, s18;
	v13 =	vld.idx.msk [tilespmem:v13+s7+$0x0], $0xffff  }
0x1c9: {  	v19 =	vld [tilespmem:s18+$0xFFFFFFC0];
	_ =	sdelay $0x4  }
0x1ca: {  	v13 =	vadd.f32 v19, v13;
	_ =	sdelay $0x1  }
0x1cb: {  	v13 =	vmul.f32 v13, v11;
	_ =	sdelay $0x1  }
0x1cc: {  	[tilespmem:s18+$0xFFFFFFC0] =	vst v13  }
0x1cd: {  	v13 =	vld.idx.msk [tilespmem:v14+s7+$0x0], $0xffff  }
0x1ce: {  	v14 =	vld [tilespmem:s18+$0xFFFFFFD0];
	_ =	sdelay $0x2  }
0x1cf: {  	s3 =	sadd.s32 $0x1, s14  }
0x1d0: {  	v19 =	vmov s3  }
0x1d1: {  	v13 =	vadd.f32 v14, v13;
	v14 =	vand.u32 $0xFFFFFFFD, v19  }
0x1d2: {  	v14 =	vbroadcast v14, $0x0  }
0x1d3: {  	v11 =	vmul.f32 v13, v11;
	_ =	sdelay $0x1  }
0x1d4: {  	[tilespmem:s18+$0xFFFFFFD0] =	vst v11  }
0x1d5: {  	v11 =	vld.idx.msk [tilespmem:v15+s7+$0x0], $0xffff  }
0x1d6: {  	v13 =	vld [tilespmem:s18+$0xFFFFFFE0]  }
0x1d7: {  	v14 =	vld.idx.msk [tilespmem:v14+s13+$0x0], $0xffff;
	_ =	sdelay $0x3  }
0x1d8: {  	v11 =	vadd.f32 v13, v11;
	_ =	sdelay $0x1  }
0x1d9: {  	v11 =	vmul.f32 v11, v14;
	_ =	sdelay $0x1  }
0x1da: {  	[tilespmem:s18+$0xFFFFFFE0] =	vst v11  }
0x1db: {  	v11 =	vld.idx.msk [tilespmem:v16+s7+$0x0], $0xffff  }
0x1dc: {  	v13 =	vld [tilespmem:s18+$0xFFFFFFF0];
	_ =	sdelay $0x2  }
0x1dd: {  	s3 =	sadd.s32 $0x2, s14  }
0x1de: {  	v15 =	vmov s3  }
0x1df: {  	v11 =	vadd.f32 v13, v11;
	v13 =	vand.u32 $0xFFFFFFFE, v15  }
0x1e0: {  	v13 =	vbroadcast v13, $0x0  }
0x1e1: {  	v11 =	vmul.f32 v11, v14;
	_ =	sdelay $0x1  }
0x1e2: {  	[tilespmem:s18+$0xFFFFFFF0] =	vst v11  }
0x1e3: {  	v11 =	vld.idx.msk [tilespmem:v17+s7+$0x0], $0xffff  }
0x1e4: {  	v14 =	vld [tilespmem:s18+$0x0]  }
0x1e5: {  	v13 =	vld.idx.msk [tilespmem:v13+s13+$0x0], $0xffff;
	_ =	sdelay $0x3  }
0x1e6: {  	v12 =	vor.u32 v7, v12;
	v11 =	vadd.f32 v14, v11;
	_ =	sdelay $0x1  }
0x1e7: {  	v11 =	vmul.f32 v11, v13;
	_ =	sdelay $0x1  }
0x1e8: {  	[tilespmem:s18+$0x0] =	vst v11  }
0x1e9: {  	v11 =	vld.idx.msk [tilespmem:v12+s7+$0x0], $0xffff  }
0x1ea: {  	v12 =	vld [tilespmem:s18+$0x10];
	_ =	sdelay $0x4  }
0x1eb: {  	v11 =	vadd.f32 v12, v11  }
0x1ec: {  	s3 =	sadd.s32 $0x3, s14  }
0x1ed: {  	v12 =	vmov s3;
	v11 =	vmul.f32 v11, v13;
	_ =	sdelay $0x1  }
0x1ee: {  	[tilespmem:s18+$0x10] =	vst v11  }
0x1ef: {  	v13 =	vld.idx.msk [tilespmem:v18+s7+$0x0], $0xffff  }
0x1f0: {  	v14 =	vld [tilespmem:s18+$0x20]  }
0x1f1: {  	v11 =	vld.idx.msk [tilespmem:v12+s13+$0x0], $0xffff;
	_ =	sdelay $0x3  }
0x1f2: {  	v12 =	vadd.f32 v14, v13;
	_ =	sdelay $0x1  }
0x1f3: {  	v12 =	vmul.f32 v12, v11;
	_ =	sdelay $0x1  }
0x1f4: {  	[tilespmem:s18+$0x20] =	vst v12  }
0x1f5: {  	v13 =	vld.idx.msk [tilespmem:v10+s7+$0x0], $0xffff  }
0x1f6: {  	v14 =	vld [tilespmem:s18+$0x30]  }
.Ltmp5:
0x1f7: {  	(pc) =	sbr.rel @p1 .LBB2_13-.Ltmp5, $4  }
0x1f8: {  	s14 =	sadd.s32 $0x4, s14  }
0x1f9: {  	v10 =	vmov s14  }
0x1fa: {  	v12 =	vand.u32 $0xFFFFFFFC, v10  }
0x1fb: {  	v10 =	vmov s15;
	s15 =	sadd.s32 $0x1, s15;
	v12 =	vbroadcast v12, $0x0;
	v13 =	vadd.f32 v14, v13  }
0x1fc: {  	_ = 	snop  }
0x1fd: {  	v11 =	vmul.f32 v13, v11;
	_ =	sdelay $0x1  }
0x1fe: {  	[tilespmem:s18+$0x30] =	vst v11  }
0x1ff: {  	v10 =	vld.idx.msk [tilespmem:v10+s26+$0x0], $0xffff;
	_ =	sdelay $0x4  }
0x200: {  	v10 =	vshll.u32 v10, $0x7  }
0x201: {  	v11 =	vor.u32 v0, v10;
	_ =	sdelay $0x2  }
0x202: {  	s3 =	sadd.s32 $0x80, s18  }
0x203: {  	v48 =	vld [tilespmem:s3+$0xFFFFFFC0]  }
0x204: {  	v11 =	vld.idx.msk [tilespmem:v11+s7+$0x0], $0xffff;
	_ =	sdelay $0x1  }
0x205: {  	v12 =	vld.idx.msk [tilespmem:v12+s13+$0x0], $0xffff;
	_ =	sdelay $0x2  }
0x206: {  	v14 =	vor.u32 v3, v10;
	v11 =	vadd.f32 v48, v11;
	_ =	sdelay $0x1  }
0x207: {  	v11 =	vmul.f32 v11, v12;
	_ =	sdelay $0x1  }
0x208: {  	v49 =	vld [tilespmem:s3+$0xFFFFFFD0];
	[tilespmem:s3+$0xFFFFFFC0] =	vst v11  }
0x209: {  	v11 =	vld.idx.msk [tilespmem:v14+s7+$0x0], $0xffff;
	_ =	sdelay $0x2  }
0x20a: {  	s15 =	sadd.s32 $0x1, s14  }
0x20b: {  	v15 =	vmov s15  }
0x20c: {  	v51 =	vand.u32 $0xFFFFFFFD, v15;
	v50 =	vor.u32 v4, v10;
	v11 =	vadd.f32 v49, v11  }
0x20d: {  	v13 =	vbroadcast v51, $0x0  }
0x20e: {  	v11 =	vmul.f32 v11, v12;
	_ =	sdelay $0x1  }
0x20f: {  	v52 =	vld [tilespmem:s3+$0xFFFFFFE0];
	[tilespmem:s3+$0xFFFFFFD0] =	vst v11  }
0x210: {  	v11 =	vld.idx.msk [tilespmem:v50+s7+$0x0], $0xffff;
	_ =	sdelay $0x1  }
0x211: {  	v13 =	vld.idx.msk [tilespmem:v13+s13+$0x0], $0xffff;
	_ =	sdelay $0x2  }
0x212: {  	v53 =	vor.u32 v5, v10;
	v11 =	vadd.f32 v52, v11;
	_ =	sdelay $0x1  }
0x213: {  	v11 =	vmul.f32 v11, v13;
	_ =	sdelay $0x1  }
0x214: {  	v54 =	vld [tilespmem:s3+$0xFFFFFFF0];
	[tilespmem:s3+$0xFFFFFFE0] =	vst v11  }
0x215: {  	v11 =	vld.idx.msk [tilespmem:v53+s7+$0x0], $0xffff;
	_ =	sdelay $0x2  }
0x216: {  	s18 =	sadd.s32 $0x2, s14  }
0x217: {  	v56 =	vmov s18  }
0x218: {  	v57 =	vand.u32 $0xFFFFFFFE, v56;
	v55 =	vor.u32 v6, v10;
	v11 =	vadd.f32 v54, v11  }
0x219: {  	v12 =	vbroadcast v57, $0x0  }
0x21a: {  	v11 =	vmul.f32 v11, v13;
	_ =	sdelay $0x1  }
0x21b: {  	v58 =	vld [tilespmem:s3+$0x0];
	[tilespmem:s3+$0xFFFFFFF0] =	vst v11  }
0x21c: {  	v11 =	vld.idx.msk [tilespmem:v55+s7+$0x0], $0xffff;
	_ =	sdelay $0x1  }
0x21d: {  	v12 =	vld.idx.msk [tilespmem:v12+s13+$0x0], $0xffff;
	_ =	sdelay $0x2  }
0x21e: {  	v59 =	vor.u32 v7, v10;
	v11 =	vadd.f32 v58, v11;
	_ =	sdelay $0x1  }
0x21f: {  	v11 =	vmul.f32 v11, v12;
	_ =	sdelay $0x1  }
0x220: {  	v60 =	vld [tilespmem:s3+$0x10];
	[tilespmem:s3+$0x0] =	vst v11  }
0x221: {  	v11 =	vld.idx.msk [tilespmem:v59+s7+$0x0], $0xffff;
	_ =	sdelay $0x4  }
0x222: {  	v61 =	vor.u32 v8, v10;
	v11 =	vadd.f32 v60, v11  }
0x223: {  	s15 =	sadd.s32 $0x3, s14  }
0x224: {  	v62 =	vmov s15;
	v11 =	vmul.f32 v11, v12;
	_ =	sdelay $0x1  }
0x225: {  	v63 =	vld [tilespmem:s3+$0x20];
	[tilespmem:s3+$0x10] =	vst v11  }
0x226: {  	v11 =	vld.idx.msk [tilespmem:v61+s7+$0x0], $0xffff;
	_ =	sdelay $0x1  }
0x227: {  	v12 =	vld.idx.msk [tilespmem:v62+s13+$0x0], $0xffff;
	_ =	sdelay $0x2  }
0x228: {  	v10 =	vor.u32 v9, v10;
	v11 =	vadd.f32 v63, v11;
	_ =	sdelay $0x1  }
0x229: {  	v11 =	vmul.f32 v11, v12;
	_ =	sdelay $0x1  }
0x22a: {  	[tilespmem:s3+$0x20] =	vst v11;
	v11 =	vld [tilespmem:s3+$0x30]  }
0x22b: {  	v10 =	vld.idx.msk [tilespmem:v10+s7+$0x0], $0xffff;
	_ =	sdelay $0x4  }
0x22c: {  	v10 =	vadd.f32 v11, v10;
	_ =	sdelay $0x1  }
0x22d: {  	v10 =	vmul.f32 v10, v12;
	_ =	sdelay $0x1  }
0x22e: {  	s18 =	rddreg [dreg:$0xe];
	[tilespmem:s3+$0x30] =	vst v10  }
0x22f: {  	[spmem:s4] =	stream.indirect.scatter.add.f32 [tilespmem:s30], [sflag:$0x5], $0x80, s25, s22, $0xb8;
	[tilespmem:$0x1BFC8] =	vst v63  }
0x230: {  	s3 =	sadd.s32 s12, s18;
	_ =	swait.ge [sflag:s16], $0x2800  }
0x231: {  	s3 =	sshrl.u32 s3, $0x1;
	[sflag:s16] =	ssyncset.done $0x0  }
0x232: {  	s3 =	sadd.s32 s11, s3;
	[sflag:s16] =	ssyncadd.s32 $0xFFFFD800  }
0x233: {  	[hbm4b:s3+s7] =	stream.linear.scatter [tilespmem:s13], [sflag:$0x5], $0x140, $0x38;
	[tilespmem:$0x1BFC8] =	vst v63  }
0x234: {  	_ =	swait.ge [sflag:s16], $0x140  }
0x235: {  	s14 =	sld [smem:$0x7FD];
	_ =	sdelay $0x2  }
0x236: {  	s3 =	sadd.s32 s12, s14  }
0x237: {  	[sflag:s16] =	ssyncset.done $0x0;
	s12 =	sshrl.u32 s3, $0x3  }
0x238: {  	s1 =	sadd.s32 $0x1, s1;
	[sflag:s16] =	ssyncadd.s32 $0xFFFFFEC0;
	s15 =	sadd.s32 s8, s12  }
0x239: {  	[tilespmem:s24], [sflag:$0x4] =	stream.linear.gather [hbm4b:s15+s7], $0x50, $0x38;
	[tilespmem:$0x1BFC8] =	vst v63  }
0x23a: {  	p1 =	sne.s32 s1, $0x3D;
	s18 =	sadd.s32 s9, s12  }
0x23b: {  	[tilespmem:s25], [sflag:$0x4] =	stream.linear.gather [hbm4b:s18+s7], $0x50, $0x38;
	[tilespmem:$0x1BFC8] =	vst v63  }
.Ltmp6:
0x23c: {  	s15 =	rddreg [dreg:$0x1];
	(pc) =	sbr.rel @p1 .LBB2_2-.Ltmp6, $4  }
0x23d: {  	s3 =	sshrl.u32 s3, $0x1;
	s12 =	sadd.s32 s15, s12  }
0x23e: {  	[tilespmem:s26], [sflag:$0x4] =	stream.linear.gather [hbm4b:s12+s7], $0x50, $0x38;
	[tilespmem:$0x1BFC8] =	vst v63  }
0x23f: {  	s3 =	sadd.s32 s10, s3;
	s18 =	simm.s32 $0x1780  }
0x240: {  	[tilespmem:s18], [sflag:$0x4] =	stream.linear.gather [hbm4b:s3+s7], $0x140, $0x38;
	[tilespmem:$0x1BFC8] =	vst v63  }
0x241: {  	_ =	swait.ge [sflag:s29], $0x50  }
0x242: {  	[sflag:s29] =	ssyncset.done $0x0  }
0x243: {  	[sflag:s29] =	ssyncadd.s32 $0xFFFFFFB0  }
0x244: {  	_ =	swait.ge [sflag:s29], $0x50  }
0x245: {  	[sflag:s29] =	ssyncset.done $0x0  }
0x246: {  	[sflag:s29] =	ssyncadd.s32 $0xFFFFFFB0  }
0x247: {  	_ =	swait.ge [sflag:s29], $0x50  }
0x248: {  	[sflag:s29] =	ssyncset.done $0x0  }
0x249: {  	[sflag:s29] =	ssyncadd.s32 $0xFFFFFFB0  }
0x24a: {  	_ =	swait.ge [sflag:s29], $0x140  }
0x24b: {  	[sflag:s29] =	ssyncset.done $0x0  }
0x24c: {  	s1 =	simm.s32 $0x0;
	[sflag:s29] =	ssyncadd.s32 $0xFFFFFEC0  }
0x24d: {  	v10 =	vor.u32 s1, v1;
	s15 =	rddreg [dreg:$0x3]  }
0x24e: {  	[tilespmem:s30], [sflag:$0x2] =	stream.indirect.gather [hbm4b:s15+s22], $0x80, s24, s22, $0xb8;
	[tilespmem:$0x1BFC8] =	vst v63  }
0x24f: {  	_ =	swait.ge [sflag:s31], $0x2800  }
0x250: {  	[sflag:s31] =	ssyncset.done $0x0  }
0x251: {  	[sflag:s31] =	ssyncadd.s32 $0xFFFFD800  }
0x252: {  	v10 =	vld.idx.msk [tilespmem:v10+s19+$0x0], $0xffff;
	_ =	sdelay $0x1  }
0x253: {  	s18 =	simm.s32 $0x4  }
0x254: {  	v11 =	vor.u32 s18, v1;
	_ =	sdelay $0x1  }
0x255: {  	v10 =	vshll.u32 v10, $0x2  }
0x256: {  	s1 =	simm.s32 $0x6900;
	v10 =	vor.u32 v2, v10  }
0x257: {  	[tilespmem:s1+$0x0] =	vst v10  }
0x258: {  	v11 =	vld.idx.msk [tilespmem:v11+s19+$0x0], $0xffff;
	_ =	sdelay $0x1  }
0x259: {  	s3 =	simm.s32 $0x8  }
0x25a: {  	s12 =	simm.s32 $0xC;
	v10 =	vor.u32 s3, v1  }
.LBB2_16:
0x25b: {  	p1 =	sne.s32 s12, $0x4C  }
0x25c: {  	v11 =	vshll.u32 v11, $0x2  }
0x25d: {  	s1 =	sadd.s32 $0x10, s1;
	v11 =	vor.u32 v2, v11  }
0x25e: {  	[tilespmem:s1+$0x0] =	vst v11  }
.Ltmp7:
0x25f: {  	v11 =	vld.idx.msk [tilespmem:v10+s19+$0x0], $0xffff;
	(pc) =	sbr.rel @p1 .LBB2_16-.Ltmp7, $2  }
0x260: {  	_ =	sdelay $0x2  }
0x261: {  	v10 =	vor.u32 s12, v1;
	s12 =	sadd.s32 $0x4, s12  }
0x262: {  	_ = 	snop  }
0x263: {  	v11 =	vshll.u32 v11, $0x2  }
0x264: {  	s1 =	sadd.s32 $0x10, s1;
	v11 =	vor.u32 v2, v11  }
0x265: {  	[tilespmem:s1+$0x0] =	vst v11  }
0x266: {  	v10 =	vld.idx.msk [tilespmem:v10+s19+$0x0], $0xffff;
	_ =	sdelay $0x4  }
0x267: {  	v10 =	vshll.u32 v10, $0x2  }
0x268: {  	s1 =	sadd.s32 $0x10, s1;
	v10 =	vor.u32 v2, v10  }
0x269: {  	[tilespmem:s1+$0x0] =	vst v10  }
0x26a: {  	[tilespmem:s5], [sflag:$0x5] =	stream.indirect.gather [spmem:s6], $0x1, s2, s0, $0xb8;
	[tilespmem:$0x1BFC8] =	vst v63  }
0x26b: {  	_ =	swait.ge [sflag:s16], $0x140  }
0x26c: {  	[sflag:s16] =	ssyncset.done $0x0  }
0x26d: {  	s1 =	simm.s32 $0x0;
	[sflag:s16] =	ssyncadd.s32 $0xFFFFFEC0  }
0x26e: {  	v10 =	vld [tilespmem:s1+$0x1600]  }
0x26f: {  	s12 =	simm.s32 $0x0;
	s14 =	simm.s32 $0x40;
	v11 =	vld [tilespmem:s1+$0x6A80]  }
.LBB2_18:
0x270: {  	_ = 	snop  }
0x271: {  	p1 =	sne.s32 s14, $0x4C0  }
.Ltmp8:
0x272: {  	_ = 	snop;
	(pc) =	sbr.rel @p1 .LBB2_18-.Ltmp8, $4  }
0x273: {  	_ = 	snop  }
0x274: {  	s3 =	sshra.s32 s14, $0x2;
	v12 =	vmul.f32 v11, v10  }
0x275: {  	v10 =	vld [tilespmem:s3+$0x1600]  }
0x276: {  	s14 =	sadd.s32 $0x40, s14;
	v11 =	vld [tilespmem:s3+$0x6A80];
	[tilespmem:s1+$0x6C00] =	vst v12;
	s1 =	smov.u32 s3  }
0x277: {  	_ =	sdelay $0x1  }
0x278: {  	v12 =	vmov s12;
	_ =	sdelay $0x1  }
0x279: {  	v10 =	vmul.f32 v11, v10;
	_ =	sdelay $0x1  }
0x27a: {  	[tilespmem:s1+$0x6C00] =	vst v10  }
0x27b: {  	v10 =	vld.idx.msk [tilespmem:v12+s20+$0x0], $0xffff;
	_ =	sdelay $0x4  }
0x27c: {  	v13 =	vshll.u32 v10, $0x7  }
0x27d: {  	v11 =	vand.u32 $0xFFFFFFFC, v12;
	v10 =	vor.u32 v0, v13  }
0x27e: {  	v11 =	vbroadcast v11, $0x0;
	_ =	sdelay $0x1  }
0x27f: {  	s1 =	simm.s32 $0x1940  }
0x280: {  	v12 =	vld [tilespmem:s1+$0xFFFFFFC0]  }
0x281: {  	v10 =	vld.idx.msk [tilespmem:v10+s7+$0x0], $0xffff;
	_ =	sdelay $0x1  }
0x282: {  	v11 =	vld.idx.msk [tilespmem:v11+s13+$0x0], $0xffff;
	_ =	sdelay $0x2  }
0x283: {  	v14 =	vor.u32 v3, v13;
	v10 =	vadd.f32 v12, v10;
	_ =	sdelay $0x1  }
0x284: {  	v10 =	vmul.f32 v10, v11;
	_ =	sdelay $0x1  }
0x285: {  	[tilespmem:s1+$0xFFFFFFC0] =	vst v10  }
0x286: {  	v12 =	vld.idx.msk [tilespmem:v14+s7+$0x0], $0xffff  }
0x287: {  	v14 =	vld [tilespmem:s1+$0xFFFFFFD0];
	_ =	sdelay $0x2  }
0x288: {  	s3 =	simm.s32 $0x1  }
0x289: {  	v10 =	vmov s3  }
0x28a: {  	v15 =	vor.u32 v4, v13;
	v12 =	vadd.f32 v14, v12;
	v14 =	vand.u32 $0xFFFFFFFD, v10  }
0x28b: {  	v14 =	vbroadcast v14, $0x0  }
0x28c: {  	v11 =	vmul.f32 v12, v11;
	_ =	sdelay $0x1  }
0x28d: {  	v12 =	vld [tilespmem:s1+$0xFFFFFFE0];
	[tilespmem:s1+$0xFFFFFFD0] =	vst v11  }
0x28e: {  	v11 =	vld.idx.msk [tilespmem:v15+s7+$0x0], $0xffff;
	_ =	sdelay $0x1  }
0x28f: {  	v14 =	vld.idx.msk [tilespmem:v14+s13+$0x0], $0xffff;
	_ =	sdelay $0x2  }
0x290: {  	v15 =	vor.u32 v5, v13;
	v11 =	vadd.f32 v12, v11;
	_ =	sdelay $0x1  }
0x291: {  	v11 =	vmul.f32 v11, v14;
	_ =	sdelay $0x1  }
0x292: {  	v12 =	vld [tilespmem:s1+$0xFFFFFFF0];
	[tilespmem:s1+$0xFFFFFFE0] =	vst v11  }
0x293: {  	v11 =	vld.idx.msk [tilespmem:v15+s7+$0x0], $0xffff;
	_ =	sdelay $0x2  }
0x294: {  	s15 =	simm.s32 $0x2  }
0x295: {  	v16 =	vmov s15  }
0x296: {  	v15 =	vor.u32 v6, v13;
	v11 =	vadd.f32 v12, v11;
	v12 =	vand.u32 $0xFFFFFFFE, v16  }
0x297: {  	v12 =	vbroadcast v12, $0x0  }
0x298: {  	v11 =	vmul.f32 v11, v14;
	_ =	sdelay $0x1  }
0x299: {  	v14 =	vld [tilespmem:s1+$0x0];
	[tilespmem:s1+$0xFFFFFFF0] =	vst v11  }
0x29a: {  	v11 =	vld.idx.msk [tilespmem:v15+s7+$0x0], $0xffff;
	_ =	sdelay $0x1  }
0x29b: {  	v12 =	vld.idx.msk [tilespmem:v12+s13+$0x0], $0xffff;
	_ =	sdelay $0x2  }
0x29c: {  	v11 =	vadd.f32 v14, v11;
	v14 =	vor.u32 v7, v13;
	_ =	sdelay $0x1  }
0x29d: {  	v11 =	vmul.f32 v11, v12;
	_ =	sdelay $0x1  }
0x29e: {  	[tilespmem:s1+$0x0] =	vst v11  }
0x29f: {  	v11 =	vld.idx.msk [tilespmem:v14+s7+$0x0], $0xffff  }
0x2a0: {  	v14 =	vld [tilespmem:s1+$0x10];
	_ =	sdelay $0x4  }
0x2a1: {  	v15 =	vor.u32 v8, v13;
	v11 =	vadd.f32 v14, v11;
	_ =	sdelay $0x1  }
0x2a2: {  	s18 =	simm.s32 $0x3;
	v11 =	vmul.f32 v11, v12  }
0x2a3: {  	v12 =	vmov s18  }
0x2a4: {  	[tilespmem:s1+$0x10] =	vst v11  }
0x2a5: {  	v14 =	vld.idx.msk [tilespmem:v15+s7+$0x0], $0xffff  }
0x2a6: {  	v15 =	vld [tilespmem:s1+$0x20];
	_ =	sdelay $0x1  }
0x2a7: {  	v11 =	vld.idx.msk [tilespmem:v12+s13+$0x0], $0xffff;
	_ =	sdelay $0x2  }
0x2a8: {  	v12 =	vor.u32 v9, v13;
	v13 =	vadd.f32 v15, v14;
	_ =	sdelay $0x1  }
0x2a9: {  	v13 =	vmul.f32 v13, v11;
	_ =	sdelay $0x1  }
0x2aa: {  	v14 =	vld [tilespmem:s1+$0x30];
	[tilespmem:s1+$0x20] =	vst v13  }
0x2ab: {  	v13 =	vld.idx.msk [tilespmem:v12+s7+$0x0], $0xffff;
	_ =	sdelay $0x1  }
0x2ac: {  	s12 =	simm.s32 $0x4  }
0x2ad: {  	v12 =	vmov s12  }
0x2ae: {  	v12 =	vand.u32 $0xFFFFFFFC, v12  }
0x2af: {  	s14 =	simm.s32 $0x2;
	v12 =	vbroadcast v12, $0x0;
	v13 =	vadd.f32 v14, v13  }
.LBB2_20:
0x2b0: {  	p1 =	sne.s32 s14, $0x4F  }
0x2b1: {  	v11 =	vmul.f32 v13, v11;
	_ =	sdelay $0x1  }
0x2b2: {  	[tilespmem:s1+$0x30] =	vst v11  }
0x2b3: {  	v10 =	vld.idx.msk [tilespmem:v10+s20+$0x0], $0xffff  }
0x2b4: {  	v11 =	vld.idx.msk [tilespmem:v12+s13+$0x0], $0xffff;
	_ =	sdelay $0x4  }
0x2b5: {  	v12 =	vshll.u32 v10, $0x7  }
0x2b6: {  	v13 =	vor.u32 v0, v12;
	v14 =	vor.u32 v3, v12;
	v15 =	vor.u32 v4, v12  }
0x2b7: {  	v16 =	vor.u32 v5, v12;
	v17 =	vor.u32 v6, v12;
	v10 =	vor.u32 v9, v12  }
0x2b8: {  	v18 =	vor.u32 v8, v12;
	_ =	sdelay $0x2  }
0x2b9: {  	s1 =	sadd.s32 $0x80, s1;
	v13 =	vld.idx.msk [tilespmem:v13+s7+$0x0], $0xffff  }
0x2ba: {  	v19 =	vld [tilespmem:s1+$0xFFFFFFC0];
	_ =	sdelay $0x4  }
0x2bb: {  	v13 =	vadd.f32 v19, v13;
	_ =	sdelay $0x1  }
0x2bc: {  	v13 =	vmul.f32 v13, v11;
	_ =	sdelay $0x1  }
0x2bd: {  	[tilespmem:s1+$0xFFFFFFC0] =	vst v13  }
0x2be: {  	v13 =	vld.idx.msk [tilespmem:v14+s7+$0x0], $0xffff  }
0x2bf: {  	v14 =	vld [tilespmem:s1+$0xFFFFFFD0];
	_ =	sdelay $0x2  }
0x2c0: {  	s3 =	sadd.s32 $0x1, s12  }
0x2c1: {  	v19 =	vmov s3  }
0x2c2: {  	v13 =	vadd.f32 v14, v13;
	v14 =	vand.u32 $0xFFFFFFFD, v19  }
0x2c3: {  	v14 =	vbroadcast v14, $0x0  }
0x2c4: {  	v11 =	vmul.f32 v13, v11;
	_ =	sdelay $0x1  }
0x2c5: {  	[tilespmem:s1+$0xFFFFFFD0] =	vst v11  }
0x2c6: {  	v11 =	vld.idx.msk [tilespmem:v15+s7+$0x0], $0xffff  }
0x2c7: {  	v13 =	vld [tilespmem:s1+$0xFFFFFFE0]  }
0x2c8: {  	v14 =	vld.idx.msk [tilespmem:v14+s13+$0x0], $0xffff;
	_ =	sdelay $0x3  }
0x2c9: {  	v11 =	vadd.f32 v13, v11;
	_ =	sdelay $0x1  }
0x2ca: {  	v11 =	vmul.f32 v11, v14;
	_ =	sdelay $0x1  }
0x2cb: {  	[tilespmem:s1+$0xFFFFFFE0] =	vst v11  }
0x2cc: {  	v11 =	vld.idx.msk [tilespmem:v16+s7+$0x0], $0xffff  }
0x2cd: {  	v13 =	vld [tilespmem:s1+$0xFFFFFFF0];
	_ =	sdelay $0x2  }
0x2ce: {  	s3 =	sadd.s32 $0x2, s12  }
0x2cf: {  	v15 =	vmov s3  }
0x2d0: {  	v11 =	vadd.f32 v13, v11;
	v13 =	vand.u32 $0xFFFFFFFE, v15  }
0x2d1: {  	v13 =	vbroadcast v13, $0x0  }
0x2d2: {  	v11 =	vmul.f32 v11, v14;
	_ =	sdelay $0x1  }
0x2d3: {  	[tilespmem:s1+$0xFFFFFFF0] =	vst v11  }
0x2d4: {  	v11 =	vld.idx.msk [tilespmem:v17+s7+$0x0], $0xffff  }
0x2d5: {  	v14 =	vld [tilespmem:s1+$0x0]  }
0x2d6: {  	v13 =	vld.idx.msk [tilespmem:v13+s13+$0x0], $0xffff;
	_ =	sdelay $0x3  }
0x2d7: {  	v12 =	vor.u32 v7, v12;
	v11 =	vadd.f32 v14, v11;
	_ =	sdelay $0x1  }
0x2d8: {  	v11 =	vmul.f32 v11, v13;
	_ =	sdelay $0x1  }
0x2d9: {  	[tilespmem:s1+$0x0] =	vst v11  }
0x2da: {  	v11 =	vld.idx.msk [tilespmem:v12+s7+$0x0], $0xffff  }
0x2db: {  	v12 =	vld [tilespmem:s1+$0x10];
	_ =	sdelay $0x4  }
0x2dc: {  	v11 =	vadd.f32 v12, v11  }
0x2dd: {  	s3 =	sadd.s32 $0x3, s12  }
0x2de: {  	v12 =	vmov s3;
	v11 =	vmul.f32 v11, v13;
	_ =	sdelay $0x1  }
0x2df: {  	[tilespmem:s1+$0x10] =	vst v11  }
0x2e0: {  	v13 =	vld.idx.msk [tilespmem:v18+s7+$0x0], $0xffff  }
0x2e1: {  	v14 =	vld [tilespmem:s1+$0x20]  }
0x2e2: {  	v11 =	vld.idx.msk [tilespmem:v12+s13+$0x0], $0xffff;
	_ =	sdelay $0x3  }
0x2e3: {  	v12 =	vadd.f32 v14, v13;
	_ =	sdelay $0x1  }
0x2e4: {  	v12 =	vmul.f32 v12, v11;
	_ =	sdelay $0x1  }
0x2e5: {  	[tilespmem:s1+$0x20] =	vst v12  }
0x2e6: {  	v13 =	vld.idx.msk [tilespmem:v10+s7+$0x0], $0xffff  }
0x2e7: {  	v14 =	vld [tilespmem:s1+$0x30]  }
.Ltmp9:
0x2e8: {  	(pc) =	sbr.rel @p1 .LBB2_20-.Ltmp9, $4  }
0x2e9: {  	s12 =	sadd.s32 $0x4, s12  }
0x2ea: {  	v10 =	vmov s12  }
0x2eb: {  	v12 =	vand.u32 $0xFFFFFFFC, v10  }
0x2ec: {  	v10 =	vmov s14;
	s14 =	sadd.s32 $0x1, s14;
	v12 =	vbroadcast v12, $0x0;
	v13 =	vadd.f32 v14, v13  }
0x2ed: {  	_ = 	snop  }
0x2ee: {  	v11 =	vmul.f32 v13, v11;
	_ =	sdelay $0x1  }
0x2ef: {  	[tilespmem:s1+$0x30] =	vst v11  }
0x2f0: {  	v10 =	vld.idx.msk [tilespmem:v10+s20+$0x0], $0xffff;
	_ =	sdelay $0x4  }
0x2f1: {  	v10 =	vshll.u32 v10, $0x7  }
0x2f2: {  	v11 =	vor.u32 v0, v10;
	_ =	sdelay $0x2  }
0x2f3: {  	s15 =	sadd.s32 $0x80, s1  }
0x2f4: {  	v48 =	vld [tilespmem:s15+$0xFFFFFFC0]  }
0x2f5: {  	v11 =	vld.idx.msk [tilespmem:v11+s7+$0x0], $0xffff;
	_ =	sdelay $0x1  }
0x2f6: {  	v12 =	vld.idx.msk [tilespmem:v12+s13+$0x0], $0xffff;
	_ =	sdelay $0x2  }
0x2f7: {  	v14 =	vor.u32 v3, v10;
	v11 =	vadd.f32 v48, v11;
	_ =	sdelay $0x1  }
0x2f8: {  	v11 =	vmul.f32 v11, v12;
	_ =	sdelay $0x1  }
0x2f9: {  	v49 =	vld [tilespmem:s15+$0xFFFFFFD0];
	[tilespmem:s15+$0xFFFFFFC0] =	vst v11  }
0x2fa: {  	v11 =	vld.idx.msk [tilespmem:v14+s7+$0x0], $0xffff;
	_ =	sdelay $0x2  }
0x2fb: {  	s3 =	sadd.s32 $0x1, s12  }
0x2fc: {  	v15 =	vmov s3  }
0x2fd: {  	v51 =	vand.u32 $0xFFFFFFFD, v15;
	v50 =	vor.u32 v4, v10;
	v11 =	vadd.f32 v49, v11  }
0x2fe: {  	v13 =	vbroadcast v51, $0x0  }
0x2ff: {  	v11 =	vmul.f32 v11, v12;
	_ =	sdelay $0x1  }
0x300: {  	v52 =	vld [tilespmem:s15+$0xFFFFFFE0];
	[tilespmem:s15+$0xFFFFFFD0] =	vst v11  }
0x301: {  	v11 =	vld.idx.msk [tilespmem:v50+s7+$0x0], $0xffff;
	_ =	sdelay $0x1  }
0x302: {  	v13 =	vld.idx.msk [tilespmem:v13+s13+$0x0], $0xffff;
	_ =	sdelay $0x2  }
0x303: {  	v53 =	vor.u32 v5, v10;
	v11 =	vadd.f32 v52, v11;
	_ =	sdelay $0x1  }
0x304: {  	v11 =	vmul.f32 v11, v13;
	_ =	sdelay $0x1  }
0x305: {  	v54 =	vld [tilespmem:s15+$0xFFFFFFF0];
	[tilespmem:s15+$0xFFFFFFE0] =	vst v11  }
0x306: {  	v11 =	vld.idx.msk [tilespmem:v53+s7+$0x0], $0xffff;
	_ =	sdelay $0x2  }
0x307: {  	s18 =	sadd.s32 $0x2, s12  }
0x308: {  	v56 =	vmov s18  }
0x309: {  	v57 =	vand.u32 $0xFFFFFFFE, v56;
	v55 =	vor.u32 v6, v10;
	v11 =	vadd.f32 v54, v11  }
0x30a: {  	v12 =	vbroadcast v57, $0x0  }
0x30b: {  	v11 =	vmul.f32 v11, v13;
	_ =	sdelay $0x1  }
0x30c: {  	v58 =	vld [tilespmem:s15+$0x0];
	[tilespmem:s15+$0xFFFFFFF0] =	vst v11  }
0x30d: {  	v11 =	vld.idx.msk [tilespmem:v55+s7+$0x0], $0xffff;
	_ =	sdelay $0x1  }
0x30e: {  	v12 =	vld.idx.msk [tilespmem:v12+s13+$0x0], $0xffff;
	_ =	sdelay $0x2  }
0x30f: {  	v59 =	vor.u32 v7, v10;
	v11 =	vadd.f32 v58, v11;
	_ =	sdelay $0x1  }
0x310: {  	v11 =	vmul.f32 v11, v12;
	_ =	sdelay $0x1  }
0x311: {  	v60 =	vld [tilespmem:s15+$0x10];
	[tilespmem:s15+$0x0] =	vst v11  }
0x312: {  	v11 =	vld.idx.msk [tilespmem:v59+s7+$0x0], $0xffff;
	_ =	sdelay $0x4  }
0x313: {  	v61 =	vor.u32 v8, v10;
	v11 =	vadd.f32 v60, v11  }
0x314: {  	s14 =	sadd.s32 $0x3, s12  }
0x315: {  	v62 =	vmov s14;
	v11 =	vmul.f32 v11, v12;
	_ =	sdelay $0x1  }
0x316: {  	v63 =	vld [tilespmem:s15+$0x20];
	[tilespmem:s15+$0x10] =	vst v11  }
0x317: {  	v11 =	vld.idx.msk [tilespmem:v61+s7+$0x0], $0xffff;
	_ =	sdelay $0x1  }
0x318: {  	v12 =	vld.idx.msk [tilespmem:v62+s13+$0x0], $0xffff;
	_ =	sdelay $0x2  }
0x319: {  	v10 =	vor.u32 v9, v10;
	v11 =	vadd.f32 v63, v11;
	_ =	sdelay $0x1  }
0x31a: {  	v11 =	vmul.f32 v11, v12;
	_ =	sdelay $0x1  }
0x31b: {  	[tilespmem:s15+$0x20] =	vst v11;
	v11 =	vld [tilespmem:s15+$0x30]  }
0x31c: {  	v10 =	vld.idx.msk [tilespmem:v10+s7+$0x0], $0xffff;
	_ =	sdelay $0x4  }
0x31d: {  	v10 =	vadd.f32 v11, v10;
	_ =	sdelay $0x1  }
0x31e: {  	v10 =	vmul.f32 v10, v12;
	_ =	sdelay $0x1  }
0x31f: {  	[tilespmem:s15+$0x30] =	vst v10  }
0x320: {  	[spmem:s4] =	stream.indirect.scatter.add.f32 [tilespmem:s23], [sflag:$0x5], $0x80, s19, s22, $0xb8;
	[tilespmem:$0x1BFC8] =	vst v63  }
0x321: {  	_ =	swait.ge [sflag:s16], $0x2800  }
0x322: {  	[sflag:s16] =	ssyncset.done $0x0  }
0x323: {  	s1 =	simm.s32 $0x0;
	s15 =	rddreg [dreg:$0x19];
	[sflag:s16] =	ssyncadd.s32 $0xFFFFD800  }
0x324: {  	[hbm4b:s15+s1] =	stream.linear.scatter [tilespmem:s13], [sflag:$0x5], $0x140, $0x38;
	[tilespmem:$0x1BFC8] =	vst v63  }
0x325: {  	_ =	swait.ge [sflag:s16], $0x140  }
0x326: {  	[sflag:s16] =	ssyncset.done $0x0  }
0x327: {  	s18 =	rddreg [dreg:$0x16];
	[sflag:s16] =	ssyncadd.s32 $0xFFFFFEC0  }
0x328: {  	[tilespmem:s17], [sflag:$0x3] =	stream.linear.gather [hbm4b:s18+s1], $0x50, $0x38;
	[tilespmem:$0x1BFC8] =	vst v63  }
0x329: {  	s12 =	rddreg [dreg:$0x17]  }
0x32a: {  	[tilespmem:s19], [sflag:$0x3] =	stream.linear.gather [hbm4b:s12+s1], $0x50, $0x38;
	[tilespmem:$0x1BFC8] =	vst v63  }
0x32b: {  	s14 =	rddreg [dreg:$0x18]  }
0x32c: {  	[tilespmem:s20], [sflag:$0x3] =	stream.linear.gather [hbm4b:s14+s1], $0x50, $0x38;
	[tilespmem:$0x1BFC8] =	vst v63  }
0x32d: {  	s15 =	rddreg [dreg:$0x1b];
	s18 =	simm.s32 $0x1600  }
0x32e: {  	[tilespmem:s18], [sflag:$0x3] =	stream.linear.gather [hbm4b:s15+s1], $0x140, $0x38;
	[tilespmem:$0x1BFC8] =	vst v63  }
0x32f: {  	_ =	swait.ge [sflag:s28], $0x50  }
0x330: {  	[sflag:s28] =	ssyncset.done $0x0  }
0x331: {  	[sflag:s28] =	ssyncadd.s32 $0xFFFFFFB0  }
0x332: {  	_ =	swait.ge [sflag:s28], $0x50  }
0x333: {  	[sflag:s28] =	ssyncset.done $0x0  }
0x334: {  	[sflag:s28] =	ssyncadd.s32 $0xFFFFFFB0  }
0x335: {  	_ =	swait.ge [sflag:s28], $0x50  }
0x336: {  	[sflag:s28] =	ssyncset.done $0x0  }
0x337: {  	[sflag:s28] =	ssyncadd.s32 $0xFFFFFFB0  }
0x338: {  	_ =	swait.ge [sflag:s28], $0x140  }
0x339: {  	[sflag:s28] =	ssyncset.done $0x0  }
0x33a: {  	[sflag:s28] =	ssyncadd.s32 $0xFFFFFEC0  }
0x33b: {  	v10 =	vor.u32 s1, v1;
	s14 =	rddreg [dreg:$0x3]  }
0x33c: {  	[tilespmem:s23], [sflag:$0x1] =	stream.indirect.gather [hbm4b:s14+s22], $0x80, s17, s22, $0xb8;
	[tilespmem:$0x1BFC8] =	vst v63  }
0x33d: {  	_ =	swait.ge [sflag:s21], $0x2800  }
0x33e: {  	[sflag:s21] =	ssyncset.done $0x0  }
0x33f: {  	[sflag:s21] =	ssyncadd.s32 $0xFFFFD800  }
0x340: {  	v10 =	vld.idx.msk [tilespmem:v10+s25+$0x0], $0xffff;
	_ =	sdelay $0x1  }
0x341: {  	s15 =	simm.s32 $0x4  }
0x342: {  	v11 =	vor.u32 s15, v1;
	_ =	sdelay $0x1  }
0x343: {  	v10 =	vshll.u32 v10, $0x2  }
0x344: {  	s1 =	simm.s32 $0x6900;
	v10 =	vor.u32 v2, v10  }
0x345: {  	[tilespmem:s1+$0x0] =	vst v10  }
0x346: {  	v11 =	vld.idx.msk [tilespmem:v11+s25+$0x0], $0xffff;
	_ =	sdelay $0x1  }
0x347: {  	s18 =	simm.s32 $0x8  }
0x348: {  	s12 =	simm.s32 $0xC;
	v10 =	vor.u32 s18, v1  }
.LBB2_22:
0x349: {  	p1 =	sne.s32 s12, $0x4C  }
0x34a: {  	v11 =	vshll.u32 v11, $0x2  }
0x34b: {  	s1 =	sadd.s32 $0x10, s1;
	v11 =	vor.u32 v2, v11  }
0x34c: {  	[tilespmem:s1+$0x0] =	vst v11  }
.Ltmp10:
0x34d: {  	v11 =	vld.idx.msk [tilespmem:v10+s25+$0x0], $0xffff;
	(pc) =	sbr.rel @p1 .LBB2_22-.Ltmp10, $2  }
0x34e: {  	_ =	sdelay $0x2  }
0x34f: {  	v10 =	vor.u32 s12, v1;
	s12 =	sadd.s32 $0x4, s12  }
0x350: {  	_ = 	snop  }
0x351: {  	v11 =	vshll.u32 v11, $0x2  }
0x352: {  	s1 =	sadd.s32 $0x10, s1;
	v11 =	vor.u32 v2, v11  }
0x353: {  	[tilespmem:s1+$0x0] =	vst v11  }
0x354: {  	v10 =	vld.idx.msk [tilespmem:v10+s25+$0x0], $0xffff;
	_ =	sdelay $0x4  }
0x355: {  	v10 =	vshll.u32 v10, $0x2  }
0x356: {  	s1 =	sadd.s32 $0x10, s1;
	v10 =	vor.u32 v2, v10  }
0x357: {  	[tilespmem:s1+$0x0] =	vst v10  }
0x358: {  	[tilespmem:s5], [sflag:$0x5] =	stream.indirect.gather [spmem:s6], $0x1, s2, s0, $0xb8;
	[tilespmem:$0x1BFC8] =	vst v63  }
0x359: {  	_ =	swait.ge [sflag:s16], $0x140  }
0x35a: {  	[sflag:s16] =	ssyncset.done $0x0  }
0x35b: {  	s1 =	simm.s32 $0x0;
	[sflag:s16] =	ssyncadd.s32 $0xFFFFFEC0  }
0x35c: {  	v10 =	vld [tilespmem:s1+$0x1780]  }
0x35d: {  	s12 =	simm.s32 $0x0;
	s14 =	simm.s32 $0x40;
	v11 =	vld [tilespmem:s1+$0x6A80]  }
.LBB2_24:
0x35e: {  	_ = 	snop  }
0x35f: {  	p1 =	sne.s32 s14, $0x4C0  }
.Ltmp11:
0x360: {  	_ = 	snop;
	(pc) =	sbr.rel @p1 .LBB2_24-.Ltmp11, $4  }
0x361: {  	_ = 	snop  }
0x362: {  	s3 =	sshra.s32 s14, $0x2;
	v12 =	vmul.f32 v11, v10  }
0x363: {  	v10 =	vld [tilespmem:s3+$0x1780]  }
0x364: {  	s14 =	sadd.s32 $0x40, s14;
	v11 =	vld [tilespmem:s3+$0x6A80];
	[tilespmem:s1+$0x6C00] =	vst v12;
	s1 =	smov.u32 s3  }
0x365: {  	_ =	sdelay $0x1  }
0x366: {  	v12 =	vmov s12;
	_ =	sdelay $0x1  }
0x367: {  	v10 =	vmul.f32 v11, v10;
	_ =	sdelay $0x1  }
0x368: {  	[tilespmem:s1+$0x6C00] =	vst v10  }
0x369: {  	v10 =	vld.idx.msk [tilespmem:v12+s26+$0x0], $0xffff;
	_ =	sdelay $0x4  }
0x36a: {  	v13 =	vshll.u32 v10, $0x7  }
0x36b: {  	v11 =	vand.u32 $0xFFFFFFFC, v12;
	v10 =	vor.u32 v0, v13  }
0x36c: {  	v11 =	vbroadcast v11, $0x0;
	_ =	sdelay $0x1  }
0x36d: {  	s1 =	simm.s32 $0x4140  }
0x36e: {  	v12 =	vld [tilespmem:s1+$0xFFFFFFC0]  }
0x36f: {  	v10 =	vld.idx.msk [tilespmem:v10+s7+$0x0], $0xffff;
	_ =	sdelay $0x1  }
0x370: {  	v11 =	vld.idx.msk [tilespmem:v11+s13+$0x0], $0xffff;
	_ =	sdelay $0x2  }
0x371: {  	v14 =	vor.u32 v3, v13;
	v10 =	vadd.f32 v12, v10;
	_ =	sdelay $0x1  }
0x372: {  	v10 =	vmul.f32 v10, v11;
	_ =	sdelay $0x1  }
0x373: {  	[tilespmem:s1+$0xFFFFFFC0] =	vst v10  }
0x374: {  	v12 =	vld.idx.msk [tilespmem:v14+s7+$0x0], $0xffff  }
0x375: {  	v14 =	vld [tilespmem:s1+$0xFFFFFFD0];
	_ =	sdelay $0x2  }
0x376: {  	s3 =	simm.s32 $0x1  }
0x377: {  	v10 =	vmov s3  }
0x378: {  	v15 =	vor.u32 v4, v13;
	v12 =	vadd.f32 v14, v12;
	v14 =	vand.u32 $0xFFFFFFFD, v10  }
0x379: {  	v14 =	vbroadcast v14, $0x0  }
0x37a: {  	v11 =	vmul.f32 v12, v11;
	_ =	sdelay $0x1  }
0x37b: {  	v12 =	vld [tilespmem:s1+$0xFFFFFFE0];
	[tilespmem:s1+$0xFFFFFFD0] =	vst v11  }
0x37c: {  	v11 =	vld.idx.msk [tilespmem:v15+s7+$0x0], $0xffff;
	_ =	sdelay $0x1  }
0x37d: {  	v14 =	vld.idx.msk [tilespmem:v14+s13+$0x0], $0xffff;
	_ =	sdelay $0x2  }
0x37e: {  	v15 =	vor.u32 v5, v13;
	v11 =	vadd.f32 v12, v11;
	_ =	sdelay $0x1  }
0x37f: {  	v11 =	vmul.f32 v11, v14;
	_ =	sdelay $0x1  }
0x380: {  	v12 =	vld [tilespmem:s1+$0xFFFFFFF0];
	[tilespmem:s1+$0xFFFFFFE0] =	vst v11  }
0x381: {  	v11 =	vld.idx.msk [tilespmem:v15+s7+$0x0], $0xffff;
	_ =	sdelay $0x2  }
0x382: {  	s15 =	simm.s32 $0x2  }
0x383: {  	v16 =	vmov s15  }
0x384: {  	v15 =	vor.u32 v6, v13;
	v11 =	vadd.f32 v12, v11;
	v12 =	vand.u32 $0xFFFFFFFE, v16  }
0x385: {  	v12 =	vbroadcast v12, $0x0  }
0x386: {  	v11 =	vmul.f32 v11, v14;
	_ =	sdelay $0x1  }
0x387: {  	v14 =	vld [tilespmem:s1+$0x0];
	[tilespmem:s1+$0xFFFFFFF0] =	vst v11  }
0x388: {  	v11 =	vld.idx.msk [tilespmem:v15+s7+$0x0], $0xffff;
	_ =	sdelay $0x1  }
0x389: {  	v12 =	vld.idx.msk [tilespmem:v12+s13+$0x0], $0xffff;
	_ =	sdelay $0x2  }
0x38a: {  	v11 =	vadd.f32 v14, v11;
	v14 =	vor.u32 v7, v13;
	_ =	sdelay $0x1  }
0x38b: {  	v11 =	vmul.f32 v11, v12;
	_ =	sdelay $0x1  }
0x38c: {  	[tilespmem:s1+$0x0] =	vst v11  }
0x38d: {  	v11 =	vld.idx.msk [tilespmem:v14+s7+$0x0], $0xffff  }
0x38e: {  	v14 =	vld [tilespmem:s1+$0x10];
	_ =	sdelay $0x4  }
0x38f: {  	v15 =	vor.u32 v8, v13;
	v11 =	vadd.f32 v14, v11;
	_ =	sdelay $0x1  }
0x390: {  	s18 =	simm.s32 $0x3;
	v11 =	vmul.f32 v11, v12  }
0x391: {  	v12 =	vmov s18  }
0x392: {  	[tilespmem:s1+$0x10] =	vst v11  }
0x393: {  	v14 =	vld.idx.msk [tilespmem:v15+s7+$0x0], $0xffff  }
0x394: {  	v15 =	vld [tilespmem:s1+$0x20];
	_ =	sdelay $0x1  }
0x395: {  	v11 =	vld.idx.msk [tilespmem:v12+s13+$0x0], $0xffff;
	_ =	sdelay $0x2  }
0x396: {  	v12 =	vor.u32 v9, v13;
	v13 =	vadd.f32 v15, v14;
	_ =	sdelay $0x1  }
0x397: {  	v13 =	vmul.f32 v13, v11;
	_ =	sdelay $0x1  }
0x398: {  	v14 =	vld [tilespmem:s1+$0x30];
	[tilespmem:s1+$0x20] =	vst v13  }
0x399: {  	v13 =	vld.idx.msk [tilespmem:v12+s7+$0x0], $0xffff;
	_ =	sdelay $0x1  }
0x39a: {  	s12 =	simm.s32 $0x4  }
0x39b: {  	v12 =	vmov s12  }
0x39c: {  	v12 =	vand.u32 $0xFFFFFFFC, v12  }
0x39d: {  	s14 =	simm.s32 $0x2;
	v12 =	vbroadcast v12, $0x0;
	v13 =	vadd.f32 v14, v13  }
.LBB2_26:
0x39e: {  	p1 =	sne.s32 s14, $0x4F  }
0x39f: {  	v11 =	vmul.f32 v13, v11;
	_ =	sdelay $0x1  }
0x3a0: {  	[tilespmem:s1+$0x30] =	vst v11  }
0x3a1: {  	v10 =	vld.idx.msk [tilespmem:v10+s26+$0x0], $0xffff  }
0x3a2: {  	v11 =	vld.idx.msk [tilespmem:v12+s13+$0x0], $0xffff;
	_ =	sdelay $0x4  }
0x3a3: {  	v12 =	vshll.u32 v10, $0x7  }
0x3a4: {  	v13 =	vor.u32 v0, v12;
	v14 =	vor.u32 v3, v12;
	v15 =	vor.u32 v4, v12  }
0x3a5: {  	v16 =	vor.u32 v5, v12;
	v17 =	vor.u32 v6, v12;
	v10 =	vor.u32 v9, v12  }
0x3a6: {  	v18 =	vor.u32 v8, v12;
	_ =	sdelay $0x2  }
0x3a7: {  	s1 =	sadd.s32 $0x80, s1;
	v13 =	vld.idx.msk [tilespmem:v13+s7+$0x0], $0xffff  }
0x3a8: {  	v19 =	vld [tilespmem:s1+$0xFFFFFFC0];
	_ =	sdelay $0x4  }
0x3a9: {  	v13 =	vadd.f32 v19, v13;
	_ =	sdelay $0x1  }
0x3aa: {  	v13 =	vmul.f32 v13, v11;
	_ =	sdelay $0x1  }
0x3ab: {  	[tilespmem:s1+$0xFFFFFFC0] =	vst v13  }
0x3ac: {  	v13 =	vld.idx.msk [tilespmem:v14+s7+$0x0], $0xffff  }
0x3ad: {  	v14 =	vld [tilespmem:s1+$0xFFFFFFD0];
	_ =	sdelay $0x2  }
0x3ae: {  	s3 =	sadd.s32 $0x1, s12  }
0x3af: {  	v19 =	vmov s3  }
0x3b0: {  	v13 =	vadd.f32 v14, v13;
	v14 =	vand.u32 $0xFFFFFFFD, v19  }
0x3b1: {  	v14 =	vbroadcast v14, $0x0  }
0x3b2: {  	v11 =	vmul.f32 v13, v11;
	_ =	sdelay $0x1  }
0x3b3: {  	[tilespmem:s1+$0xFFFFFFD0] =	vst v11  }
0x3b4: {  	v11 =	vld.idx.msk [tilespmem:v15+s7+$0x0], $0xffff  }
0x3b5: {  	v13 =	vld [tilespmem:s1+$0xFFFFFFE0]  }
0x3b6: {  	v14 =	vld.idx.msk [tilespmem:v14+s13+$0x0], $0xffff;
	_ =	sdelay $0x3  }
0x3b7: {  	v11 =	vadd.f32 v13, v11;
	_ =	sdelay $0x1  }
0x3b8: {  	v11 =	vmul.f32 v11, v14;
	_ =	sdelay $0x1  }
0x3b9: {  	[tilespmem:s1+$0xFFFFFFE0] =	vst v11  }
0x3ba: {  	v11 =	vld.idx.msk [tilespmem:v16+s7+$0x0], $0xffff  }
0x3bb: {  	v13 =	vld [tilespmem:s1+$0xFFFFFFF0];
	_ =	sdelay $0x2  }
0x3bc: {  	s3 =	sadd.s32 $0x2, s12  }
0x3bd: {  	v15 =	vmov s3  }
0x3be: {  	v11 =	vadd.f32 v13, v11;
	v13 =	vand.u32 $0xFFFFFFFE, v15  }
0x3bf: {  	v13 =	vbroadcast v13, $0x0  }
0x3c0: {  	v11 =	vmul.f32 v11, v14;
	_ =	sdelay $0x1  }
0x3c1: {  	[tilespmem:s1+$0xFFFFFFF0] =	vst v11  }
0x3c2: {  	v11 =	vld.idx.msk [tilespmem:v17+s7+$0x0], $0xffff  }
0x3c3: {  	v14 =	vld [tilespmem:s1+$0x0]  }
0x3c4: {  	v13 =	vld.idx.msk [tilespmem:v13+s13+$0x0], $0xffff;
	_ =	sdelay $0x3  }
0x3c5: {  	v12 =	vor.u32 v7, v12;
	v11 =	vadd.f32 v14, v11;
	_ =	sdelay $0x1  }
0x3c6: {  	v11 =	vmul.f32 v11, v13;
	_ =	sdelay $0x1  }
0x3c7: {  	[tilespmem:s1+$0x0] =	vst v11  }
0x3c8: {  	v11 =	vld.idx.msk [tilespmem:v12+s7+$0x0], $0xffff  }
0x3c9: {  	v12 =	vld [tilespmem:s1+$0x10];
	_ =	sdelay $0x4  }
0x3ca: {  	v11 =	vadd.f32 v12, v11  }
0x3cb: {  	s3 =	sadd.s32 $0x3, s12  }
0x3cc: {  	v12 =	vmov s3;
	v11 =	vmul.f32 v11, v13;
	_ =	sdelay $0x1  }
0x3cd: {  	[tilespmem:s1+$0x10] =	vst v11  }
0x3ce: {  	v13 =	vld.idx.msk [tilespmem:v18+s7+$0x0], $0xffff  }
0x3cf: {  	v14 =	vld [tilespmem:s1+$0x20]  }
0x3d0: {  	v11 =	vld.idx.msk [tilespmem:v12+s13+$0x0], $0xffff;
	_ =	sdelay $0x3  }
0x3d1: {  	v12 =	vadd.f32 v14, v13;
	_ =	sdelay $0x1  }
0x3d2: {  	v12 =	vmul.f32 v12, v11;
	_ =	sdelay $0x1  }
0x3d3: {  	[tilespmem:s1+$0x20] =	vst v12  }
0x3d4: {  	v13 =	vld.idx.msk [tilespmem:v10+s7+$0x0], $0xffff  }
0x3d5: {  	v14 =	vld [tilespmem:s1+$0x30]  }
.Ltmp12:
0x3d6: {  	(pc) =	sbr.rel @p1 .LBB2_26-.Ltmp12, $4  }
0x3d7: {  	s12 =	sadd.s32 $0x4, s12  }
0x3d8: {  	v10 =	vmov s12  }
0x3d9: {  	v12 =	vand.u32 $0xFFFFFFFC, v10  }
0x3da: {  	v10 =	vmov s14;
	s14 =	sadd.s32 $0x1, s14;
	v12 =	vbroadcast v12, $0x0;
	v13 =	vadd.f32 v14, v13  }
0x3db: {  	_ = 	snop  }
0x3dc: {  	v11 =	vmul.f32 v13, v11;
	_ =	sdelay $0x1  }
0x3dd: {  	[tilespmem:s1+$0x30] =	vst v11  }
0x3de: {  	v10 =	vld.idx.msk [tilespmem:v10+s26+$0x0], $0xffff;
	_ =	sdelay $0x4  }
0x3df: {  	v10 =	vshll.u32 v10, $0x7  }
0x3e0: {  	v11 =	vor.u32 v0, v10;
	_ =	sdelay $0x2  }
0x3e1: {  	s14 =	sadd.s32 $0x80, s1  }
0x3e2: {  	v48 =	vld [tilespmem:s14+$0xFFFFFFC0]  }
0x3e3: {  	v11 =	vld.idx.msk [tilespmem:v11+s7+$0x0], $0xffff;
	_ =	sdelay $0x1  }
0x3e4: {  	v12 =	vld.idx.msk [tilespmem:v12+s13+$0x0], $0xffff;
	_ =	sdelay $0x2  }
0x3e5: {  	v14 =	vor.u32 v3, v10;
	v11 =	vadd.f32 v48, v11;
	_ =	sdelay $0x1  }
0x3e6: {  	v11 =	vmul.f32 v11, v12;
	_ =	sdelay $0x1  }
0x3e7: {  	v49 =	vld [tilespmem:s14+$0xFFFFFFD0];
	[tilespmem:s14+$0xFFFFFFC0] =	vst v11  }
0x3e8: {  	v11 =	vld.idx.msk [tilespmem:v14+s7+$0x0], $0xffff;
	_ =	sdelay $0x2  }
0x3e9: {  	s3 =	sadd.s32 $0x1, s12  }
0x3ea: {  	v15 =	vmov s3  }
0x3eb: {  	v51 =	vand.u32 $0xFFFFFFFD, v15;
	v50 =	vor.u32 v4, v10;
	v11 =	vadd.f32 v49, v11  }
0x3ec: {  	v13 =	vbroadcast v51, $0x0  }
0x3ed: {  	v11 =	vmul.f32 v11, v12;
	_ =	sdelay $0x1  }
0x3ee: {  	v52 =	vld [tilespmem:s14+$0xFFFFFFE0];
	[tilespmem:s14+$0xFFFFFFD0] =	vst v11  }
0x3ef: {  	v11 =	vld.idx.msk [tilespmem:v50+s7+$0x0], $0xffff;
	_ =	sdelay $0x1  }
0x3f0: {  	v13 =	vld.idx.msk [tilespmem:v13+s13+$0x0], $0xffff;
	_ =	sdelay $0x2  }
0x3f1: {  	v53 =	vor.u32 v5, v10;
	v11 =	vadd.f32 v52, v11;
	_ =	sdelay $0x1  }
0x3f2: {  	v11 =	vmul.f32 v11, v13;
	_ =	sdelay $0x1  }
0x3f3: {  	v54 =	vld [tilespmem:s14+$0xFFFFFFF0];
	[tilespmem:s14+$0xFFFFFFE0] =	vst v11  }
0x3f4: {  	v11 =	vld.idx.msk [tilespmem:v53+s7+$0x0], $0xffff;
	_ =	sdelay $0x2  }
0x3f5: {  	s15 =	sadd.s32 $0x2, s12  }
0x3f6: {  	v56 =	vmov s15  }
0x3f7: {  	v57 =	vand.u32 $0xFFFFFFFE, v56;
	v55 =	vor.u32 v6, v10;
	v11 =	vadd.f32 v54, v11  }
0x3f8: {  	v12 =	vbroadcast v57, $0x0  }
0x3f9: {  	v11 =	vmul.f32 v11, v13;
	_ =	sdelay $0x1  }
0x3fa: {  	v58 =	vld [tilespmem:s14+$0x0];
	[tilespmem:s14+$0xFFFFFFF0] =	vst v11  }
0x3fb: {  	v11 =	vld.idx.msk [tilespmem:v55+s7+$0x0], $0xffff;
	_ =	sdelay $0x1  }
0x3fc: {  	v12 =	vld.idx.msk [tilespmem:v12+s13+$0x0], $0xffff;
	_ =	sdelay $0x2  }
0x3fd: {  	v59 =	vor.u32 v7, v10;
	v11 =	vadd.f32 v58, v11;
	_ =	sdelay $0x1  }
0x3fe: {  	v11 =	vmul.f32 v11, v12;
	_ =	sdelay $0x1  }
0x3ff: {  	v60 =	vld [tilespmem:s14+$0x10];
	[tilespmem:s14+$0x0] =	vst v11  }
0x400: {  	v11 =	vld.idx.msk [tilespmem:v59+s7+$0x0], $0xffff;
	_ =	sdelay $0x4  }
0x401: {  	v61 =	vor.u32 v8, v10;
	v11 =	vadd.f32 v60, v11  }
0x402: {  	s18 =	sadd.s32 $0x3, s12  }
0x403: {  	v62 =	vmov s18;
	v11 =	vmul.f32 v11, v12;
	_ =	sdelay $0x1  }
0x404: {  	v63 =	vld [tilespmem:s14+$0x20];
	[tilespmem:s14+$0x10] =	vst v11  }
0x405: {  	v11 =	vld.idx.msk [tilespmem:v61+s7+$0x0], $0xffff;
	_ =	sdelay $0x1  }
0x406: {  	v12 =	vld.idx.msk [tilespmem:v62+s13+$0x0], $0xffff;
	_ =	sdelay $0x2  }
0x407: {  	v10 =	vor.u32 v9, v10;
	v11 =	vadd.f32 v63, v11;
	_ =	sdelay $0x1  }
0x408: {  	v11 =	vmul.f32 v11, v12;
	_ =	sdelay $0x1  }
0x409: {  	[tilespmem:s14+$0x20] =	vst v11;
	v11 =	vld [tilespmem:s14+$0x30]  }
0x40a: {  	v10 =	vld.idx.msk [tilespmem:v10+s7+$0x0], $0xffff;
	_ =	sdelay $0x4  }
0x40b: {  	v10 =	vadd.f32 v11, v10;
	_ =	sdelay $0x1  }
0x40c: {  	v10 =	vmul.f32 v10, v12;
	_ =	sdelay $0x1  }
0x40d: {  	[tilespmem:s14+$0x30] =	vst v10  }
0x40e: {  	[spmem:s4] =	stream.indirect.scatter.add.f32 [tilespmem:s30], [sflag:$0x5], $0x80, s25, s22, $0xb8;
	[tilespmem:$0x1BFC8] =	vst v63  }
0x40f: {  	_ =	swait.ge [sflag:s16], $0x2800  }
0x410: {  	[sflag:s16] =	ssyncset.done $0x0  }
0x411: {  	s12 =	simm.s32 $0x0;
	s14 =	rddreg [dreg:$0x1a];
	[sflag:s16] =	ssyncadd.s32 $0xFFFFD800  }
0x412: {  	[hbm4b:s14+s12] =	stream.linear.scatter [tilespmem:s13], [sflag:$0x5], $0x140, $0x38;
	[tilespmem:$0x1BFC8] =	vst v63  }
0x413: {  	_ =	swait.ge [sflag:s16], $0x140  }
0x414: {  	v10 =	vor.u32 s12, v1;
	[sflag:s16] =	ssyncset.done $0x0  }
0x415: {  	[sflag:s16] =	ssyncadd.s32 $0xFFFFFEC0  }
0x416: {  	_ =	swait.ge [sflag:s31], $0x2800  }
0x417: {  	[sflag:s31] =	ssyncset.done $0x0  }
0x418: {  	[sflag:s31] =	ssyncadd.s32 $0xFFFFD800  }
0x419: {  	v10 =	vld.idx.msk [tilespmem:v10+s19+$0x0], $0xffff;
	_ =	sdelay $0x1  }
0x41a: {  	s15 =	simm.s32 $0x4  }
0x41b: {  	v11 =	vor.u32 s15, v1;
	_ =	sdelay $0x1  }
0x41c: {  	v10 =	vshll.u32 v10, $0x2  }
0x41d: {  	s1 =	simm.s32 $0x6900;
	v10 =	vor.u32 v2, v10  }
0x41e: {  	[tilespmem:s1+$0x0] =	vst v10  }
0x41f: {  	v11 =	vld.idx.msk [tilespmem:v11+s19+$0x0], $0xffff;
	_ =	sdelay $0x1  }
0x420: {  	s18 =	simm.s32 $0x8  }
0x421: {  	s12 =	simm.s32 $0xC;
	v10 =	vor.u32 s18, v1  }
.LBB2_28:
0x422: {  	p1 =	sne.s32 s12, $0x4C  }
0x423: {  	v11 =	vshll.u32 v11, $0x2  }
0x424: {  	s1 =	sadd.s32 $0x10, s1;
	v11 =	vor.u32 v2, v11  }
0x425: {  	[tilespmem:s1+$0x0] =	vst v11  }
.Ltmp13:
0x426: {  	v11 =	vld.idx.msk [tilespmem:v10+s19+$0x0], $0xffff;
	(pc) =	sbr.rel @p1 .LBB2_28-.Ltmp13, $2  }
0x427: {  	_ =	sdelay $0x2  }
0x428: {  	v10 =	vor.u32 s12, v1;
	s12 =	sadd.s32 $0x4, s12  }
0x429: {  	_ = 	snop  }
0x42a: {  	v11 =	vshll.u32 v11, $0x2  }
0x42b: {  	s1 =	sadd.s32 $0x10, s1;
	v11 =	vor.u32 v2, v11  }
0x42c: {  	[tilespmem:s1+$0x0] =	vst v11  }
0x42d: {  	v10 =	vld.idx.msk [tilespmem:v10+s19+$0x0], $0xffff;
	_ =	sdelay $0x4  }
0x42e: {  	v10 =	vshll.u32 v10, $0x2  }
0x42f: {  	s1 =	sadd.s32 $0x10, s1;
	v10 =	vor.u32 v2, v10  }
0x430: {  	[tilespmem:s1+$0x0] =	vst v10  }
0x431: {  	[tilespmem:s5], [sflag:$0x5] =	stream.indirect.gather [spmem:s6], $0x1, s2, s0, $0xb8;
	[tilespmem:$0x1BFC8] =	vst v63  }
0x432: {  	_ =	swait.ge [sflag:s16], $0x140  }
0x433: {  	[sflag:s16] =	ssyncset.done $0x0  }
0x434: {  	s1 =	simm.s32 $0x0;
	[sflag:s16] =	ssyncadd.s32 $0xFFFFFEC0  }
0x435: {  	v10 =	vld [tilespmem:s1+$0x1600]  }
0x436: {  	s12 =	simm.s32 $0x0;
	s14 =	simm.s32 $0x40;
	v11 =	vld [tilespmem:s1+$0x6A80]  }
.LBB2_30:
0x437: {  	_ = 	snop  }
0x438: {  	p1 =	sne.s32 s14, $0x4C0  }
.Ltmp14:
0x439: {  	_ = 	snop;
	(pc) =	sbr.rel @p1 .LBB2_30-.Ltmp14, $4  }
0x43a: {  	_ = 	snop  }
0x43b: {  	s3 =	sshra.s32 s14, $0x2;
	v12 =	vmul.f32 v11, v10  }
0x43c: {  	v10 =	vld [tilespmem:s3+$0x1600]  }
0x43d: {  	s14 =	sadd.s32 $0x40, s14;
	v11 =	vld [tilespmem:s3+$0x6A80];
	[tilespmem:s1+$0x6C00] =	vst v12;
	s1 =	smov.u32 s3  }
0x43e: {  	_ =	sdelay $0x1  }
0x43f: {  	v12 =	vmov s12;
	_ =	sdelay $0x1  }
0x440: {  	v10 =	vmul.f32 v11, v10;
	_ =	sdelay $0x1  }
0x441: {  	[tilespmem:s1+$0x6C00] =	vst v10  }
0x442: {  	v10 =	vld.idx.msk [tilespmem:v12+s20+$0x0], $0xffff;
	_ =	sdelay $0x4  }
0x443: {  	v13 =	vshll.u32 v10, $0x7  }
0x444: {  	v11 =	vand.u32 $0xFFFFFFFC, v12;
	v10 =	vor.u32 v0, v13  }
0x445: {  	v11 =	vbroadcast v11, $0x0;
	_ =	sdelay $0x1  }
0x446: {  	s1 =	simm.s32 $0x1940  }
0x447: {  	v12 =	vld [tilespmem:s1+$0xFFFFFFC0]  }
0x448: {  	v10 =	vld.idx.msk [tilespmem:v10+s7+$0x0], $0xffff;
	_ =	sdelay $0x1  }
0x449: {  	v11 =	vld.idx.msk [tilespmem:v11+s13+$0x0], $0xffff;
	_ =	sdelay $0x2  }
0x44a: {  	v14 =	vor.u32 v3, v13;
	v10 =	vadd.f32 v12, v10;
	_ =	sdelay $0x1  }
0x44b: {  	v10 =	vmul.f32 v10, v11;
	_ =	sdelay $0x1  }
0x44c: {  	[tilespmem:s1+$0xFFFFFFC0] =	vst v10  }
0x44d: {  	v12 =	vld.idx.msk [tilespmem:v14+s7+$0x0], $0xffff  }
0x44e: {  	v14 =	vld [tilespmem:s1+$0xFFFFFFD0];
	_ =	sdelay $0x2  }
0x44f: {  	s3 =	simm.s32 $0x1  }
0x450: {  	v10 =	vmov s3  }
0x451: {  	v15 =	vor.u32 v4, v13;
	v12 =	vadd.f32 v14, v12;
	v14 =	vand.u32 $0xFFFFFFFD, v10  }
0x452: {  	v14 =	vbroadcast v14, $0x0  }
0x453: {  	v11 =	vmul.f32 v12, v11;
	_ =	sdelay $0x1  }
0x454: {  	v12 =	vld [tilespmem:s1+$0xFFFFFFE0];
	[tilespmem:s1+$0xFFFFFFD0] =	vst v11  }
0x455: {  	v11 =	vld.idx.msk [tilespmem:v15+s7+$0x0], $0xffff;
	_ =	sdelay $0x1  }
0x456: {  	v14 =	vld.idx.msk [tilespmem:v14+s13+$0x0], $0xffff;
	_ =	sdelay $0x2  }
0x457: {  	v15 =	vor.u32 v5, v13;
	v11 =	vadd.f32 v12, v11;
	_ =	sdelay $0x1  }
0x458: {  	v11 =	vmul.f32 v11, v14;
	_ =	sdelay $0x1  }
0x459: {  	v12 =	vld [tilespmem:s1+$0xFFFFFFF0];
	[tilespmem:s1+$0xFFFFFFE0] =	vst v11  }
0x45a: {  	v11 =	vld.idx.msk [tilespmem:v15+s7+$0x0], $0xffff;
	_ =	sdelay $0x2  }
0x45b: {  	s15 =	simm.s32 $0x2  }
0x45c: {  	v16 =	vmov s15  }
0x45d: {  	v15 =	vor.u32 v6, v13;
	v11 =	vadd.f32 v12, v11;
	v12 =	vand.u32 $0xFFFFFFFE, v16  }
0x45e: {  	v12 =	vbroadcast v12, $0x0  }
0x45f: {  	v11 =	vmul.f32 v11, v14;
	_ =	sdelay $0x1  }
0x460: {  	v14 =	vld [tilespmem:s1+$0x0];
	[tilespmem:s1+$0xFFFFFFF0] =	vst v11  }
0x461: {  	v11 =	vld.idx.msk [tilespmem:v15+s7+$0x0], $0xffff;
	_ =	sdelay $0x1  }
0x462: {  	v12 =	vld.idx.msk [tilespmem:v12+s13+$0x0], $0xffff;
	_ =	sdelay $0x2  }
0x463: {  	v11 =	vadd.f32 v14, v11;
	v14 =	vor.u32 v7, v13;
	_ =	sdelay $0x1  }
0x464: {  	v11 =	vmul.f32 v11, v12;
	_ =	sdelay $0x1  }
0x465: {  	[tilespmem:s1+$0x0] =	vst v11  }
0x466: {  	v11 =	vld.idx.msk [tilespmem:v14+s7+$0x0], $0xffff  }
0x467: {  	v14 =	vld [tilespmem:s1+$0x10];
	_ =	sdelay $0x4  }
0x468: {  	v15 =	vor.u32 v8, v13;
	v11 =	vadd.f32 v14, v11;
	_ =	sdelay $0x1  }
0x469: {  	s18 =	simm.s32 $0x3;
	v11 =	vmul.f32 v11, v12  }
0x46a: {  	v12 =	vmov s18  }
0x46b: {  	[tilespmem:s1+$0x10] =	vst v11  }
0x46c: {  	v14 =	vld.idx.msk [tilespmem:v15+s7+$0x0], $0xffff  }
0x46d: {  	v15 =	vld [tilespmem:s1+$0x20];
	_ =	sdelay $0x1  }
0x46e: {  	v11 =	vld.idx.msk [tilespmem:v12+s13+$0x0], $0xffff;
	_ =	sdelay $0x2  }
0x46f: {  	v12 =	vor.u32 v9, v13;
	v13 =	vadd.f32 v15, v14;
	_ =	sdelay $0x1  }
0x470: {  	v13 =	vmul.f32 v13, v11;
	_ =	sdelay $0x1  }
0x471: {  	v14 =	vld [tilespmem:s1+$0x30];
	[tilespmem:s1+$0x20] =	vst v13  }
0x472: {  	v13 =	vld.idx.msk [tilespmem:v12+s7+$0x0], $0xffff;
	_ =	sdelay $0x1  }
0x473: {  	s12 =	simm.s32 $0x4  }
0x474: {  	v12 =	vmov s12  }
0x475: {  	v12 =	vand.u32 $0xFFFFFFFC, v12  }
0x476: {  	s14 =	simm.s32 $0x2;
	v12 =	vbroadcast v12, $0x0;
	v13 =	vadd.f32 v14, v13  }
.LBB2_32:
0x477: {  	p1 =	sne.s32 s14, $0x4F  }
0x478: {  	v11 =	vmul.f32 v13, v11;
	_ =	sdelay $0x1  }
0x479: {  	[tilespmem:s1+$0x30] =	vst v11  }
0x47a: {  	v10 =	vld.idx.msk [tilespmem:v10+s20+$0x0], $0xffff  }
0x47b: {  	v11 =	vld.idx.msk [tilespmem:v12+s13+$0x0], $0xffff;
	_ =	sdelay $0x4  }
0x47c: {  	v12 =	vshll.u32 v10, $0x7  }
0x47d: {  	v13 =	vor.u32 v0, v12;
	v14 =	vor.u32 v3, v12;
	v15 =	vor.u32 v4, v12  }
0x47e: {  	v16 =	vor.u32 v5, v12;
	v17 =	vor.u32 v6, v12;
	v10 =	vor.u32 v9, v12  }
0x47f: {  	v18 =	vor.u32 v8, v12;
	_ =	sdelay $0x2  }
0x480: {  	s1 =	sadd.s32 $0x80, s1;
	v13 =	vld.idx.msk [tilespmem:v13+s7+$0x0], $0xffff  }
0x481: {  	v19 =	vld [tilespmem:s1+$0xFFFFFFC0];
	_ =	sdelay $0x4  }
0x482: {  	v13 =	vadd.f32 v19, v13;
	_ =	sdelay $0x1  }
0x483: {  	v13 =	vmul.f32 v13, v11;
	_ =	sdelay $0x1  }
0x484: {  	[tilespmem:s1+$0xFFFFFFC0] =	vst v13  }
0x485: {  	v13 =	vld.idx.msk [tilespmem:v14+s7+$0x0], $0xffff  }
0x486: {  	v14 =	vld [tilespmem:s1+$0xFFFFFFD0];
	_ =	sdelay $0x2  }
0x487: {  	s3 =	sadd.s32 $0x1, s12  }
0x488: {  	v19 =	vmov s3  }
0x489: {  	v13 =	vadd.f32 v14, v13;
	v14 =	vand.u32 $0xFFFFFFFD, v19  }
0x48a: {  	v14 =	vbroadcast v14, $0x0  }
0x48b: {  	v11 =	vmul.f32 v13, v11;
	_ =	sdelay $0x1  }
0x48c: {  	[tilespmem:s1+$0xFFFFFFD0] =	vst v11  }
0x48d: {  	v11 =	vld.idx.msk [tilespmem:v15+s7+$0x0], $0xffff  }
0x48e: {  	v13 =	vld [tilespmem:s1+$0xFFFFFFE0]  }
0x48f: {  	v14 =	vld.idx.msk [tilespmem:v14+s13+$0x0], $0xffff;
	_ =	sdelay $0x3  }
0x490: {  	v11 =	vadd.f32 v13, v11;
	_ =	sdelay $0x1  }
0x491: {  	v11 =	vmul.f32 v11, v14;
	_ =	sdelay $0x1  }
0x492: {  	[tilespmem:s1+$0xFFFFFFE0] =	vst v11  }
0x493: {  	v11 =	vld.idx.msk [tilespmem:v16+s7+$0x0], $0xffff  }
0x494: {  	v13 =	vld [tilespmem:s1+$0xFFFFFFF0];
	_ =	sdelay $0x2  }
0x495: {  	s3 =	sadd.s32 $0x2, s12  }
0x496: {  	v15 =	vmov s3  }
0x497: {  	v11 =	vadd.f32 v13, v11;
	v13 =	vand.u32 $0xFFFFFFFE, v15  }
0x498: {  	v13 =	vbroadcast v13, $0x0  }
0x499: {  	v11 =	vmul.f32 v11, v14;
	_ =	sdelay $0x1  }
0x49a: {  	[tilespmem:s1+$0xFFFFFFF0] =	vst v11  }
0x49b: {  	v11 =	vld.idx.msk [tilespmem:v17+s7+$0x0], $0xffff  }
0x49c: {  	v14 =	vld [tilespmem:s1+$0x0]  }
0x49d: {  	v13 =	vld.idx.msk [tilespmem:v13+s13+$0x0], $0xffff;
	_ =	sdelay $0x3  }
0x49e: {  	v12 =	vor.u32 v7, v12;
	v11 =	vadd.f32 v14, v11;
	_ =	sdelay $0x1  }
0x49f: {  	v11 =	vmul.f32 v11, v13;
	_ =	sdelay $0x1  }
0x4a0: {  	[tilespmem:s1+$0x0] =	vst v11  }
0x4a1: {  	v11 =	vld.idx.msk [tilespmem:v12+s7+$0x0], $0xffff  }
0x4a2: {  	v12 =	vld [tilespmem:s1+$0x10];
	_ =	sdelay $0x4  }
0x4a3: {  	v11 =	vadd.f32 v12, v11  }
0x4a4: {  	s3 =	sadd.s32 $0x3, s12  }
0x4a5: {  	v12 =	vmov s3;
	v11 =	vmul.f32 v11, v13;
	_ =	sdelay $0x1  }
0x4a6: {  	[tilespmem:s1+$0x10] =	vst v11  }
0x4a7: {  	v13 =	vld.idx.msk [tilespmem:v18+s7+$0x0], $0xffff  }
0x4a8: {  	v14 =	vld [tilespmem:s1+$0x20]  }
0x4a9: {  	v11 =	vld.idx.msk [tilespmem:v12+s13+$0x0], $0xffff;
	_ =	sdelay $0x3  }
0x4aa: {  	v12 =	vadd.f32 v14, v13;
	_ =	sdelay $0x1  }
0x4ab: {  	v12 =	vmul.f32 v12, v11;
	_ =	sdelay $0x1  }
0x4ac: {  	[tilespmem:s1+$0x20] =	vst v12  }
0x4ad: {  	v13 =	vld.idx.msk [tilespmem:v10+s7+$0x0], $0xffff  }
0x4ae: {  	v14 =	vld [tilespmem:s1+$0x30]  }
.Ltmp15:
0x4af: {  	(pc) =	sbr.rel @p1 .LBB2_32-.Ltmp15, $4  }
0x4b0: {  	s12 =	sadd.s32 $0x4, s12  }
0x4b1: {  	v10 =	vmov s12  }
0x4b2: {  	v12 =	vand.u32 $0xFFFFFFFC, v10  }
0x4b3: {  	v10 =	vmov s14;
	s14 =	sadd.s32 $0x1, s14;
	v12 =	vbroadcast v12, $0x0;
	v13 =	vadd.f32 v14, v13  }
0x4b4: {  	_ = 	snop  }
0x4b5: {  	v11 =	vmul.f32 v13, v11;
	_ =	sdelay $0x1  }
0x4b6: {  	[tilespmem:s1+$0x30] =	vst v11  }
0x4b7: {  	v10 =	vld.idx.msk [tilespmem:v10+s20+$0x0], $0xffff;
	_ =	sdelay $0x4  }
0x4b8: {  	v10 =	vshll.u32 v10, $0x7  }
0x4b9: {  	v11 =	vor.u32 v0, v10;
	_ =	sdelay $0x2  }
0x4ba: {  	s15 =	sadd.s32 $0x80, s1  }
0x4bb: {  	v48 =	vld [tilespmem:s15+$0xFFFFFFC0]  }
0x4bc: {  	v11 =	vld.idx.msk [tilespmem:v11+s7+$0x0], $0xffff;
	_ =	sdelay $0x1  }
0x4bd: {  	v12 =	vld.idx.msk [tilespmem:v12+s13+$0x0], $0xffff;
	_ =	sdelay $0x2  }
0x4be: {  	v14 =	vor.u32 v3, v10;
	v11 =	vadd.f32 v48, v11;
	_ =	sdelay $0x1  }
0x4bf: {  	v11 =	vmul.f32 v11, v12;
	_ =	sdelay $0x1  }
0x4c0: {  	v49 =	vld [tilespmem:s15+$0xFFFFFFD0];
	[tilespmem:s15+$0xFFFFFFC0] =	vst v11  }
0x4c1: {  	v11 =	vld.idx.msk [tilespmem:v14+s7+$0x0], $0xffff;
	_ =	sdelay $0x2  }
0x4c2: {  	s3 =	sadd.s32 $0x1, s12  }
0x4c3: {  	v15 =	vmov s3  }
0x4c4: {  	v51 =	vand.u32 $0xFFFFFFFD, v15;
	v50 =	vor.u32 v4, v10;
	v11 =	vadd.f32 v49, v11  }
0x4c5: {  	v13 =	vbroadcast v51, $0x0  }
0x4c6: {  	v11 =	vmul.f32 v11, v12;
	_ =	sdelay $0x1  }
0x4c7: {  	v52 =	vld [tilespmem:s15+$0xFFFFFFE0];
	[tilespmem:s15+$0xFFFFFFD0] =	vst v11  }
0x4c8: {  	v11 =	vld.idx.msk [tilespmem:v50+s7+$0x0], $0xffff;
	_ =	sdelay $0x1  }
0x4c9: {  	v13 =	vld.idx.msk [tilespmem:v13+s13+$0x0], $0xffff;
	_ =	sdelay $0x2  }
0x4ca: {  	v53 =	vor.u32 v5, v10;
	v11 =	vadd.f32 v52, v11;
	_ =	sdelay $0x1  }
0x4cb: {  	v11 =	vmul.f32 v11, v13;
	_ =	sdelay $0x1  }
0x4cc: {  	v54 =	vld [tilespmem:s15+$0xFFFFFFF0];
	[tilespmem:s15+$0xFFFFFFE0] =	vst v11  }
0x4cd: {  	v11 =	vld.idx.msk [tilespmem:v53+s7+$0x0], $0xffff;
	_ =	sdelay $0x2  }
0x4ce: {  	s18 =	sadd.s32 $0x2, s12  }
0x4cf: {  	v56 =	vmov s18  }
0x4d0: {  	v57 =	vand.u32 $0xFFFFFFFE, v56;
	v55 =	vor.u32 v6, v10;
	v11 =	vadd.f32 v54, v11  }
0x4d1: {  	v12 =	vbroadcast v57, $0x0  }
0x4d2: {  	v11 =	vmul.f32 v11, v13;
	_ =	sdelay $0x1  }
0x4d3: {  	v58 =	vld [tilespmem:s15+$0x0];
	[tilespmem:s15+$0xFFFFFFF0] =	vst v11  }
0x4d4: {  	v11 =	vld.idx.msk [tilespmem:v55+s7+$0x0], $0xffff;
	_ =	sdelay $0x1  }
0x4d5: {  	v12 =	vld.idx.msk [tilespmem:v12+s13+$0x0], $0xffff;
	_ =	sdelay $0x2  }
0x4d6: {  	v59 =	vor.u32 v7, v10;
	v11 =	vadd.f32 v58, v11;
	_ =	sdelay $0x1  }
0x4d7: {  	v11 =	vmul.f32 v11, v12;
	_ =	sdelay $0x1  }
0x4d8: {  	v60 =	vld [tilespmem:s15+$0x10];
	[tilespmem:s15+$0x0] =	vst v11  }
0x4d9: {  	v11 =	vld.idx.msk [tilespmem:v59+s7+$0x0], $0xffff;
	_ =	sdelay $0x4  }
0x4da: {  	v61 =	vor.u32 v8, v10;
	v11 =	vadd.f32 v60, v11  }
0x4db: {  	s12 =	sadd.s32 $0x3, s12  }
0x4dc: {  	v62 =	vmov s12;
	v11 =	vmul.f32 v11, v12;
	_ =	sdelay $0x1  }
0x4dd: {  	v63 =	vld [tilespmem:s15+$0x20];
	[tilespmem:s15+$0x10] =	vst v11  }
0x4de: {  	v11 =	vld.idx.msk [tilespmem:v61+s7+$0x0], $0xffff;
	_ =	sdelay $0x1  }
0x4df: {  	v12 =	vld.idx.msk [tilespmem:v62+s13+$0x0], $0xffff;
	_ =	sdelay $0x2  }
0x4e0: {  	v10 =	vor.u32 v9, v10;
	v11 =	vadd.f32 v63, v11;
	_ =	sdelay $0x1  }
0x4e1: {  	v11 =	vmul.f32 v11, v12;
	_ =	sdelay $0x1  }
0x4e2: {  	[tilespmem:s15+$0x20] =	vst v11;
	v11 =	vld [tilespmem:s15+$0x30]  }
0x4e3: {  	v10 =	vld.idx.msk [tilespmem:v10+s7+$0x0], $0xffff;
	_ =	sdelay $0x4  }
0x4e4: {  	v10 =	vadd.f32 v11, v10;
	_ =	sdelay $0x1  }
0x4e5: {  	v10 =	vmul.f32 v10, v12;
	_ =	sdelay $0x1  }
0x4e6: {  	[tilespmem:s15+$0x30] =	vst v10  }
0x4e7: {  	[spmem:s4] =	stream.indirect.scatter.add.f32 [tilespmem:s23], [sflag:$0x5], $0x80, s19, s22, $0xb8;
	[tilespmem:$0x1BFC8] =	vst v63  }
0x4e8: {  	_ =	swait.ge [sflag:s16], $0x2800  }
0x4e9: {  	[sflag:s16] =	ssyncset.done $0x0  }
0x4ea: {  	s14 =	rddreg [dreg:$0x1c];
	[sflag:s16] =	ssyncadd.s32 $0xFFFFD800  }
0x4eb: {  	[hbm4b:s14+s7] =	stream.linear.scatter [tilespmem:s13], [sflag:$0x5], $0x140, $0x38;
	[tilespmem:$0x1BFC8] =	vst v63  }
0x4ec: {  	_ =	swait.ge [sflag:s16], $0x140  }
0x4ed: {  	[sflag:s16] =	ssyncset.done $0x0  }
0x4ee: {  	[sflag:s16] =	ssyncadd.s32 $0xFFFFFEC0  }
0x4ef: {  	[bflag:$0x0] =	sbarrier.arrive $0xFFFF  }
0x4f0: {  	s3 =	sld [smem:$0x7FB]  }
0x4f1: {  	s12 =	sld [smem:$0x7FC];
	_ =	sdelay $0x1  }
0x4f2: {  	s1 =	rddreg [dreg:$0x1d]  }
0x4f3: {  	[hbm:s1], [sflag:s3] =	dma.local @!p0 [spmem:s12], $0x3E80  }
0x4f4: {  	s1 =	simm.s32 @!p0 $0x5  }
0x4f5: {  	_ =	swait.ge @!p0 [sflag:s1], $0x3E80  }
0x4f6: {  	s15 =	sld [smem:$0x7FA];
	_ =	sdelay $0x2  }
0x4f7: {  	s18 =	rddreg [dreg:$0x1e];
	s12 =	sadd.s32 $0x1, s15  }
0x4f8: {  	p1 =	sne.s32 s12, s18  }
.Ltmp16:
0x4f9: {  	_ = 	snop;
	(pc) =	sbr.rel @p1 .LBB2_1-.Ltmp16, $3  }
0x4fa: {  	_ =	sdelay $0x1  }
0x4fb: {  	[sflag:s1] =	ssyncset.done @!p0 $0x0  }
0x4fc: {  	[sflag:s1] =	ssyncadd.s32 @!p0 $0xFFFFC180  }
0x4fd: {  	_ =	sfence.sel $0x180000  }
0x4fe: {  	[bflag:$0x0] =	sbarrier.arrive $0xFFFF  }
0x4ff: {  	_ =	strace $0x9000004A  }
0x500: {  	s0 =	stileid.u32;
	[bflag:$0x2] =	sbarrier.arrive $0xFFFF  }
0x501: {  	p0 =	sne.s32 s0, $0x0;
	s0 =	rddreg [dreg:$0x7]  }
0x502: {  	s0 =	sadd.s32 @!p0 $0x100000, s0  }
0x503: {  	[sflag:s0] =	ssyncadd.tile.s32 @!p0 $0x1;
	_ =	shalt  }
.Lfunc_end2:
_tile_overlayer_lowered:
.L_overlay_start_2:
0x504: {  	(tag) =	ssettag $0x2  }
0x505: {  	s0 =	rddreg [dreg:$0x0];
	s2 =	stileid.u32  }
0x506: {  	s1 =	rddreg [dreg:$0x1];
	p0 =	sne.s32 s2, $0x0  }
0x507: {  	s3 =	rddreg [dreg:$0x2];
	[bflag:$0x3] =	sbarrier.arrive $0xFFFF;
	s2 =	simm.s32 @!p0 $0x1C05  }
0x508: {  	[timem:s3], [sflag:s2] =	dma.local @!p0 [hbm:s0], s1  }
0x509: {  	s0 =	simm.s32 @!p0 $0x5  }
0x50a: {  	_ =	swait.ge @!p0 [sflag:s0], s1  }
0x50b: {  	s1 =	ssub.s32 @!p0 $0x0, s1;
	[sflag:s0] =	ssyncset.done @!p0 $0x0  }
0x50c: {  	[sflag:s0] =	ssyncadd.s32 @!p0 s1  }
0x50d: {  	[bflag:$0x3] =	sbarrier.arrive $0xFFFF  }
0x50e: {  	_ =	shalt  }

// kernel: kernel.8.cloned.1.call-start
scs
__scs_entry_jumppad:
0x0: {  	(pc) =	sbr.rel $0x88, $3  }
0x1: {  	(tag) =	ssettag $0x0;
	lr =	simm.s32 $0x1  }
0x2: {  	[smem:$0x3F9A] =	sst lr;
	_ =	strace $0xD0000000  }
0x3: {  	_ = 	snop  }
0x4: {  	_ = 	snop  }
0x5: {  	_ = 	snop  }
0x6: {  	_ = 	snop  }
0x7: {  	_ = 	snop  }
__scs_overlays_trampoline_lowered:
0x8: {  	[smem:$0x3FA9] =	sst s0  }
0x9: {  	[smem:$0x3FAA] =	sst s1  }
0xa: {  	[smem:$0x3FAB] =	sst s2  }
0xb: {  	[smem:$0x3FAC] =	sst s3  }
0xc: {  	[smem:$0x3FAD] =	sst s4  }
0xd: {  	[smem:$0x3FAE] =	sst s5  }
0xe: {  	[smem:$0x3FAF] =	sst s6  }
0xf: {  	[smem:$0x3FB0] =	sst s7  }
0x10: {  	[smem:$0x3FB1] =	sst s8  }
0x11: {  	[smem:$0x3FB2] =	sst s9;
	s0 =	simm.s32 @!p0 $0x0  }
0x12: {  	s1 =	sld [smem:$0x3F98];
	s0 =	simm.s32 @p0 $0x1  }
0x13: {  	[smem:$0x3FB3] =	sst s0;
	s0 =	simm.s32 @!p1 $0x0  }
0x14: {  	s2 =	sld [smem:$0x3F97];
	s0 =	simm.s32 @p1 $0x1  }
0x15: {  	[smem:$0x3FB4] =	sst s0;
	s0 =	simm.s32 @!p2 $0x0  }
0x16: {  	s3 =	sld [smem:$0x3FDB];
	s0 =	simm.s32 @p2 $0x1  }
0x17: {  	s4 =	simm.s32 $0x1BF5;
	[smem:$0x3FB6] =	sst s0  }
0x18: {  	s0 =	sld [smem:$0x3F99];
	_ =	swait.ge [sflag:s4], $0x0  }
0x19: {  	s7 =	sld [smem:$0x3F9A]  }
0x1a: {  	s8 =	sadd.s32 $0xFFFFE003, lr  }
0x1b: {  	s9 =	sadd.s32 $0xFFFFFEF7, lr;
	s5 =	simm.s32 $0xFFFFFFFF;
	p2 =	slt.u32 s8, $0xFFFFF086  }
0x1c: {  	p1 =	slt.u32 s9, $0xF7A;
	s5 =	simm.s32 @!p2 $0x0  }
0x1d: {  	s5 =	simm.s32 @p1 $0x1;
	p0 =	seq.s32 s7, s2  }
0x1e: {  	s7 =	smul.u32 @!p0 $0xF7A, s2;
	p2 =	seq.s32 @!p0 s5, $0x0  }
0x1f: {  	s9 =	smul.u32 $0xF7A, s1;
	s8 =	simm.s32 @!p0 $0x1BF5;
	p2 =	por !p2, p0  }
0x20: {  	[sflag:s8] =	ssyncset.s32 @!p0 $0xFFFFF086;
	s6 =	sadd.s32 @!p0 s3, s7;
	s7 =	simm.s32 @!p0 $0x108  }
0x21: {  	s3 =	sadd.s32 s3, s9;
	s6 =	sadd.s32 @!p0 $0x88, s6;
	s7 =	simm.s32 @p2 $0x1082  }
0x22: {  	[simem:s7], [sflag:s8] =	dma.local @!p0 [hbm:s6], $0xF7A  }
0x23: {  	s9 =	sor.u32 $0xD0000000, s2;
	s6 =	simm.s32 $0x108;
	_ =	swait.ge @!p0 [sflag:s8], $0x0  }
0x24: {  	s3 =	sadd.s32 $0x88, s3;
	s6 =	simm.s32 @!p1 $0x1082;
	[sflag:s4] =	ssyncset.s32 $0xFFFFF086  }
0x25: {  	[simem:s6], [sflag:s4] =	dma.local [hbm:s3], $0xF7A  }
0x26: {  	[smem:$0x3F9A] =	sst s1;
	(tag) =	ssettag s2;
	_ =	strace s9  }
0x27: {  	s1 =	sld [smem:$0x3FAA]  }
0x28: {  	s2 =	sld [smem:$0x3FAB]  }
0x29: {  	s4 =	sld [smem:$0x3FAD]  }
0x2a: {  	p0 =	seq.s32 s5, $0x0;
	s5 =	sld [smem:$0x3FAE]  }
0x2b: {  	s6 =	sld [smem:$0x3FAF]  }
0x2c: {  	s7 =	sld [smem:$0x3FB0]  }
0x2d: {  	s3 =	simm.s32 $0x108;
	s8 =	sld [smem:$0x3FB1]  }
0x2e: {  	s3 =	simm.s32 @!p0 $0x1082;
	s9 =	sld [smem:$0x3FB2]  }
0x2f: {  	lr =	sadd.s32 s0, s3;
	s0 =	sld [smem:$0x3FA9]  }
0x30: {  	s3 =	sld [smem:$0x3FAC]  }
0x31: {  	[smem:$0x3FB5] =	sst s10  }
0x32: {  	s10 =	sld [smem:$0x3FB3];
	_ =	sdelay $0x3  }
0x33: {  	p0 =	seq.s32 s10, $0x1;
	s10 =	sld [smem:$0x3FB5];
	_ =	sdelay $0x3  }
0x34: {  	[smem:$0x3FB5] =	sst s10  }
0x35: {  	s10 =	sld [smem:$0x3FB4];
	_ =	sdelay $0x3  }
0x36: {  	p1 =	seq.s32 s10, $0x1;
	s10 =	sld [smem:$0x3FB5];
	_ =	sdelay $0x3  }
0x37: {  	[smem:$0x3FB5] =	sst s10  }
0x38: {  	s10 =	sld [smem:$0x3FB6]  }
0x39: {  	_ = 	snop;
	(pc) =	sbr.ind lr, $3  }
0x3a: {  	_ = 	snop  }
0x3b: {  	_ = 	snop  }
0x3c: {  	p2 =	seq.s32 s10, $0x1;
	s10 =	sld [smem:$0x3FB5]  }
0x3d: {  	_ =	shalt  }
0x3e: {  	_ =	shalt  }
0x3f: {  	_ =	shalt  }
0x40: {  	_ =	shalt  }
0x41: {  	_ =	shalt  }
0x42: {  	_ =	shalt  }
0x43: {  	_ =	shalt  }
0x44: {  	_ =	shalt  }
0x45: {  	_ =	shalt  }
0x46: {  	_ =	shalt  }
0x47: {  	_ =	shalt  }
0x48: {  	_ =	shalt  }
0x49: {  	_ =	shalt  }
0x4a: {  	_ =	shalt  }
0x4b: {  	_ =	shalt  }
0x4c: {  	_ =	shalt  }
0x4d: {  	_ =	shalt  }
0x4e: {  	_ =	shalt  }
0x4f: {  	_ =	shalt  }
0x50: {  	_ =	shalt  }
0x51: {  	_ =	shalt  }
0x52: {  	_ =	shalt  }
0x53: {  	_ =	shalt  }
0x54: {  	_ =	shalt  }
0x55: {  	_ =	shalt  }
0x56: {  	_ =	shalt  }
0x57: {  	_ =	shalt  }
0x58: {  	_ =	shalt  }
0x59: {  	_ =	shalt  }
0x5a: {  	_ =	shalt  }
0x5b: {  	_ =	shalt  }
0x5c: {  	_ =	shalt  }
0x5d: {  	_ =	shalt  }
0x5e: {  	_ =	shalt  }
0x5f: {  	_ =	shalt  }
0x60: {  	_ =	shalt  }
0x61: {  	_ =	shalt  }
0x62: {  	_ =	shalt  }
0x63: {  	_ =	shalt  }
0x64: {  	_ =	shalt  }
0x65: {  	_ =	shalt  }
0x66: {  	_ =	shalt  }
0x67: {  	_ =	shalt  }
0x68: {  	_ =	shalt  }
0x69: {  	_ =	shalt  }
0x6a: {  	_ =	shalt  }
0x6b: {  	_ =	shalt  }
0x6c: {  	_ =	shalt  }
0x6d: {  	_ =	shalt  }
0x6e: {  	_ =	shalt  }
0x6f: {  	_ =	shalt  }
0x70: {  	_ =	shalt  }
0x71: {  	_ =	shalt  }
0x72: {  	_ =	shalt  }
0x73: {  	_ =	shalt  }
0x74: {  	_ =	shalt  }
0x75: {  	_ =	shalt  }
0x76: {  	_ =	shalt  }
0x77: {  	_ =	shalt  }
0x78: {  	_ =	shalt  }
0x79: {  	_ =	shalt  }
0x7a: {  	_ =	shalt  }
0x7b: {  	_ =	shalt  }
0x7c: {  	_ =	shalt  }
0x7d: {  	_ =	shalt  }
0x7e: {  	_ =	shalt  }
0x7f: {  	_ =	shalt  }
0x80: {  	_ =	shalt  }
0x81: {  	_ =	shalt  }
0x82: {  	_ =	shalt  }
0x83: {  	_ =	shalt  }
0x84: {  	_ =	shalt  }
0x85: {  	_ =	shalt  }
0x86: {  	_ =	shalt  }
0x87: {  	_ =	shalt  }
.Lfunc_end0:
.L_simem_size_0:
called_computation_lowered:
.L_overlay_start_0:
0x88: {  	s2 =	sld [smem:$0x3FD9]  }
0x89: {  	s3 =	sld [smem:$0x3FFE];
	_ =	sdelay $0x1  }
0x8a: {  	s1 =	srdreg.scid  }
0x8b: {  	s0 =	sand.u32 $0x1, s1  }
0x8c: {  	s14 =	sshll.u32 s0, $0xA;
	s2 =	sadd.s32 s3, s2  }
0x8d: {  	s2 =	sadd.s32 s2, s14  }
0x8e: {  	[smem:$0x3FC1] =	sst s2  }
0x8f: {  	_ = 	snop  }
0x90: {  	s2 =	sld [smem:$0x3FD0];
	_ =	sdelay $0x2  }
0x91: {  	s4 =	simm.s32 $0xA;
	s5 =	simm.s32 $0x10;
	s15 =	sld [smem:$0x3FC7]  }
0x92: {  	[smem:s5], [sflag:s4] =	dma.local [hbm:s2], $0x1  }
0x93: {  	_ =	swait.eq [sflag:s4], $0x1  }
0x94: {  	[sflag:s4] =	ssyncset.done $0x0  }
0x95: {  	[sflag:s4] =	ssyncadd.s32 $0xFFFFFFFF  }
0x96: {  	s16 =	sld [smem:$0x10];
	(tm) =	ssettm $0x1  }
0x97: {  	s17 =	sld [smem:$0x3FFB];
	_ =	sdelay $0x3  }
0x98: {  	_ =	strace s17  }
0x99: {  	s4 =	sld [smem:$0x3FFC];
	_ =	sdelay $0x3  }
0x9a: {  	_ =	strace s4  }
0x9b: {  	s4 =	sld [smem:$0x3FFD];
	_ =	sdelay $0x3  }
0x9c: {  	_ =	strace s4  }
0x9d: {  	_ =	strace $0x8FFFFFFF  }
0x9e: {  	s18 =	sld [smem:$0x3FDB];
	_ =	sdelay $0x1  }
0x9f: {  	s19 =	simm.s32 $_scs_section_size  }
0xa0: {  	s6 =	simm.s32 $_size__tile_overlayer_lowered;
	s7 =	simm.s32 $_tile_overlayer_lowered  }
0xa1: {  	s22 =	simm.s32 $0x1BFF;
	s21 =	sshll.u32 s7, $0x1;
	s4 =	sadd.s32 s19, s18  }
0xa2: {  	s8 =	simm.s32 $0x0;
	s20 =	sshll.u32 s6, $0x1;
	s6 =	sadd.s32 s21, s4  }
0xa3: {  	[timem:s8], [sflag:s22] =	dma.local [hbm:s6], s20  }
0xa4: {  	_ =	swait.ge [sflag:s22], s20  }
0xa5: {  	s5 =	ssub.s32 $0x0, s20;
	[sflag:s22] =	ssyncset.done $0x0  }
0xa6: {  	[sflag:s22] =	ssyncadd.s32 s5;
	_ =	sdelay $0x1  }
0xa7: {  	s23 =	simm.s32 $0x1B8B  }
0xa8: {  	_ =	swait.ge [sflag:s23], $0x1  }
0xa9: {  	[sflag:s23] =	ssyncset.done $0x0  }
0xaa: {  	s25 =	simm.s32 $0x1B8E;
	s24 =	sld [smem:$0x3FFE];
	[sflag:s23] =	ssyncadd.s32 $0xFFFFFFFF  }
0xab: {  	s26 =	simm.s32 $execute0_lowered;
	[smem:$0x3FD2] =	sst s25  }
0xac: {  	s6 =	sshll.u32 s26, $0x1;
	_ =	strace $0x80000046;
	[dreg:$0x1] =	wrdreg $0xFFFFFFFF  }
0xad: {  	s28 =	simm.s32 $_size_execute0_lowered;
	s4 =	sadd.s32 s4, s6;
	[dreg:$0x0] =	wrdreg $0x0  }
0xae: {  	s6 =	sshll.u32 s28, $0x1;
	[dreg:$0x2] =	wrdreg s4  }
0xaf: {  	[dreg:$0x3] =	wrdreg s6  }
0xb0: {  	[dreg:$0x4] =	wrdreg $0xC0  }
0xb1: {  	_ =	task [dreg:s8], $0x5FFFF  }
0xb2: {  	[dreg:$0x1] =	wrdreg $0xFFFFFFFF  }
0xb3: {  	[dreg:$0x0] =	wrdreg $0x60  }
0xb4: {  	[dreg:$0x2] =	wrdreg s24  }
0xb5: {  	[dreg:$0x3] =	wrdreg s15  }
0xb6: {  	[dreg:$0x4] =	wrdreg s16  }
0xb7: {  	[dreg:$0x5] =	wrdreg $0x15C800  }
0xb8: {  	[dreg:$0x6] =	wrdreg $0x9  }
0xb9: {  	_ =	task.clear_ibuf [dreg:s8], $0x7FFFF;
	_ =	strace $0x90000046  }
0xba: {  	s29 =	simm.s32 $0x9;
	_ =	strace $0x80000048  }
0xbb: {  	_ =	swait.ge [sflag:s29], $0x1  }
0xbc: {  	[sflag:s29] =	ssyncadd.s32 $0xFFFFFFFF  }
0xbd: {  	_ =	strace $0x90000048  }
0xbe: {  	_ =	sfence  }
0xbf: {  	s30 =	sld [smem:$0x0];
	_ =	sdelay $0x2  }
0xc0: {  	s31 =	sshll.u32 s1, $0xD;
	s1 =	sshrl.u32 s1, $0x2  }
0xc1: {  	s3 =	sand.u32 $0x4000, s31;
	s1 =	sadd.s32 s1, s30  }
0xc2: {  	s0 =	sor.u32 s3, s0;
	s1 =	sshll.u32 s1, $0x11  }
0xc3: {  	s0 =	sor.u32 s1, s0  }
0xc4: {  	s0 =	sadd.s32 $0x8F2B, s0  }
0xc5: {  	[sflag:s0] =	ssyncadd.remote.s32 $0x1  }
0xc6: {  	_ =	sfence.sel $0xFFFF  }
0xc7: {  	[dreg:$0x0] =	wrdreg $0xFFFFFFFF;
	(pc) =	sbr.abs _section_cstart, $3  }
0xc8: {  	[dreg:$0x1] =	wrdreg $0xFFFFFFFF  }
0xc9: {  	_ =	task.clear_ibuf [dreg:s8], $0x2FFFF;
	_ =	strace $0x9FFFFFFF  }
0xca: {  	(tm) =	ssettm $0x7FFFFFFF  }
0xcb: {  	_ =	shalt  }
tec
execute0_lowered:
.L_overlay_start_1:
0x0: {  	(tag) =	ssettag $0x1  }
0x1: {  	s10 =	rddreg [dreg:$0x0]  }
0x2: {  	s1 =	rddreg [dreg:$0x1]  }
0x3: {  	s2 =	rddreg [dreg:$0x2]  }
0x4: {  	s4 =	rddreg [dreg:$0x3]  }
0x5: {  	s0 =	rddreg [dreg:$0x4];
	s5 =	simm.s32 $0x0;
	s3 =	stileid.u32  }
0x6: {  	s6 =	srdreg.scid;
	s19 =	simm.s32 $0x13B80;
	s20 =	simm.s32 $0x13D80  }
0x7: {  	s21 =	simm.s32 $0x13F80;
	s22 =	simm.s32 $0x14600;
	s23 =	simm.s32 $0x640  }
0x8: {  	s24 =	simm.s32 $0x0;
	[smem:$0x7FF] =	sst s5;
	s11 =	smul.u32 $0xFA0, s3  }
0x9: {  	s12 =	sand.u32 $0x1, s6;
	s13 =	smul.u32 $0x3E8, s3;
	s6 =	sadd.s32 $0xAE00, s10  }
0xa: {  	s7 =	sadd.s32 $0x1000, s10;
	s8 =	sadd.s32 $0xE00, s10;
	s17 =	smul.u32 $0x3E80, s3  }
0xb: {  	s30 =	sshll.u32 s3, $0x1;
	p0 =	sgt.u32 s3, $0x9;
	_ =	strace $0x80000047  }
0xc: {  	s14 =	smul.u32 $0x2710, s12;
	s29 =	ssub.s32 $0x2, s12;
	s12 =	sor.u32 s12, s30  }
0xd: {  	s9 =	sshrl.u32 s11, $0x3;
	s16 =	sshrl.u32 s29, $0x1;
	s31 =	sshrl.u32 s17, $0x2  }
0xe: {  	s11 =	sadd.s32 s11, s4;
	s12 =	smul.u32 $0x2710, s12;
	s13 =	sadd.s32 s13, s14  }
0xf: {  	s17 =	simm.s32 $0x13880;
	s15 =	sadd.s32 s9, s10;
	s13 =	sshrl.u32 s13, $0x1  }
0x10: {  	s9 =	sadd.s32 $0x18800, s10;
	s16 =	ssub.s32 s29, s16;
	s18 =	sadd.s32 s13, s10  }
0x11: {  	v0 =	vlaneseq.u32;
	s10 =	sadd.s32 $0x14C00, s15;
	s13 =	sadd.s32 s31, s4;
	s15 =	smax.u32 s16, $0x1  }
0x12: {  	v0 =	vmul.u32 $0x4, v0;
	s16 =	simm.s32 $0x1;
	s14 =	sadd.s32 $0x16000, s18;
	s18 =	simm.s32 $0x13980  }
.LBB2_1:
0x13: {  	s25 =	simm.s32 @!p0 $0x0;
	s26 =	simm.s32 @!p0 $0x14C80  }
0x14: {  	[tilespmem:s26], [sflag:$0x1] =	stream.linear.gather @!p0 [hbm4b:s10+s25], $0xFA0, $0x38;
	[tilespmem:$0x16648] =	vst v63  }
0x15: {  	s25 =	simm.s32 @!p0 $0x1  }
0x16: {  	_ =	swait.ge @!p0 [sflag:s25], $0xFA0  }
0x17: {  	[sflag:s25] =	ssyncset.done @!p0 $0x0  }
0x18: {  	[sflag:s25] =	ssyncadd.s32 @!p0 $0xFFFFF060  }
0x19: {  	[spmem:s11] =	stream.linear.scatter @!p0 [tilespmem:s26], [sflag:$0x1], $0xFA0, $0x38;
	[tilespmem:$0x16648] =	vst v63  }
0x1a: {  	_ =	swait.ge @!p0 [sflag:s25], $0xFA0  }
0x1b: {  	[sflag:s25] =	ssyncset.done @!p0 $0x0  }
0x1c: {  	[sflag:s25] =	ssyncadd.s32 @!p0 $0xFFFFF060  }
0x1d: {  	[tilespmem:s5], [sflag:$0x1] =	stream.linear.gather [hbm4b:s2+s5], $0x13880, $0x38;
	[tilespmem:$0x16648] =	vst v63  }
0x1e: {  	_ =	swait.ge [sflag:s16], $0x13880  }
0x1f: {  	[sflag:s16] =	ssyncset.done $0x0  }
0x20: {  	[sflag:s16] =	ssyncadd.s32 $0xFFFEC780  }
0x21: {  	[tilespmem:s17], [sflag:$0x1] =	stream.linear.gather [hbm4b:s8+s5], $0x100, $0x38;
	[tilespmem:$0x16648] =	vst v63  }
0x22: {  	_ =	swait.ge [sflag:s16], $0x100  }
0x23: {  	[sflag:s16] =	ssyncset.done $0x0  }
0x24: {  	[sflag:s16] =	ssyncadd.s32 $0xFFFFFF00  }
0x25: {  	s25 =	simm.s32 $0x0;
	[bflag:$0x0] =	sbarrier.arrive $0xFFFF  }
.LBB2_2:
0x26: {  	s26 =	smul.u32 $0x190, s25;
	_ =	sdelay $0x1  }
0x27: {  	s26 =	sadd.s32 s12, s26  }
0x28: {  	s28 =	sshrl.u32 s26, $0x3  }
0x29: {  	s30 =	simm.s32 $0x0;
	s29 =	sadd.s32 s6, s28  }
0x2a: {  	[tilespmem:s18], [sflag:$0x1] =	stream.linear.gather [hbm4b:s29+s30], $0x190, $0x38;
	[tilespmem:$0x16648] =	vst v63  }
0x2b: {  	_ =	swait.ge [sflag:s16], $0x190  }
0x2c: {  	[sflag:s16] =	ssyncset.done $0x0  }
0x2d: {  	s31 =	sadd.s32 s7, s28;
	[sflag:s16] =	ssyncadd.s32 $0xFFFFFE70  }
0x2e: {  	[tilespmem:s19], [sflag:$0x1] =	stream.linear.gather [hbm4b:s31+s30], $0x190, $0x38;
	[tilespmem:$0x16648] =	vst v63  }
0x2f: {  	_ =	swait.ge [sflag:s16], $0x190  }
0x30: {  	[sflag:s16] =	ssyncset.done $0x0  }
0x31: {  	s28 =	sadd.s32 s1, s28;
	[sflag:s16] =	ssyncadd.s32 $0xFFFFFE70  }
0x32: {  	[tilespmem:s20], [sflag:$0x1] =	stream.linear.gather [hbm4b:s28+s30], $0x190, $0x38;
	[tilespmem:$0x16648] =	vst v63  }
0x33: {  	_ =	swait.ge [sflag:s16], $0x190  }
0x34: {  	[sflag:s16] =	ssyncset.done $0x0  }
0x35: {  	s28 =	simm.s32 $0x0;
	[sflag:s16] =	ssyncadd.s32 $0xFFFFFE70  }
0x36: {  	v1 =	vld [tilespmem:s28+$0x13980]  }
0x37: {  	v2 =	vld [tilespmem:s28+$0x13D80]  }
0x38: {  	v3 =	vld [tilespmem:s28+$0x13B80];
	_ =	sdelay $0x2  }
0x39: {  	v4 =	vshll.u32 v1, $0x3  }
0x3a: {  	v2 =	vshll.u32 v2, $0x2  }
0x3b: {  	v5 =	vshll.u32 v3, $0x3  }
0x3c: {  	v1 =	vor.u32 $0x4, v5;
	_ =	sdelay $0x1  }
0x3d: {  	v6 =	vld.idx.msk [tilespmem:v4+s5+$0x0], $0xffff  }
0x3e: {  	v7 =	vld.idx.msk [tilespmem:v2+s17+$0x0], $0xffff;
	_ =	sdelay $0x1  }
0x3f: {  	v1 =	vld.idx.msk [tilespmem:v1+s5+$0x0], $0xffff;
	_ =	sdelay $0x2  }
0x40: {  	v6 =	vadd.f32 v7, v6;
	_ =	sdelay $0x1  }
0x41: {  	v1 =	vadd.f32 v1, v6;
	_ =	sdelay $0x1  }
0x42: {  	v6 =	vmul.f32 $2.000000030e-01, v1  }
0x43: {  	vm0 =	vge.f32 v1, $0.0e+00  }
0x44: {  	v1 =	vsel vm0, v1, v6  }
0x45: {  	v1 =	vmul.f32 $1.442695020e+00, v1;
	_ =	sdelay $0x1  }
0x46: {  	(erf) = vpow2.f32 v1;
	_ =	sdelay $0x4  }
0x47: {  	v50 =	vor.u32 s30, v0;
	_ =	sdelay $0x1  }
0x48: {  	v51 =	vor.u32 $0x1, v4  }
0x49: {  	v8 =	vor.u32 $0x1, v2  }
0x4a: {  	v9 =	vpop (erf)  }
0x4b: {  	v1 =	vshll.u32 v3, $0x2;
	v3 =	vor.u32 $0x5, v5;
	[tilespmem:v50+s21+$0x0] =	vst.idx.msk $0xffff, v9  }
0x4c: {  	[tilespmem:v50+s22+$0x0] =	vst.idx.msk $0xffff, v1  }
0x4d: {  	v6 =	vld.idx.msk [tilespmem:v51+s5+$0x0], $0xffff  }
0x4e: {  	v52 =	vld.idx.msk [tilespmem:v8+s17+$0x0], $0xffff;
	_ =	sdelay $0x1  }
0x4f: {  	v3 =	vld.idx.msk [tilespmem:v3+s5+$0x0], $0xffff;
	_ =	sdelay $0x2  }
0x50: {  	v6 =	vadd.f32 v52, v6;
	_ =	sdelay $0x1  }
0x51: {  	v3 =	vadd.f32 v3, v6;
	_ =	sdelay $0x1  }
0x52: {  	v6 =	vmul.f32 $2.000000030e-01, v3  }
0x53: {  	vm13 =	vge.f32 v3, $0.0e+00  }
0x54: {  	v3 =	vsel vm13, v3, v6  }
0x55: {  	v3 =	vmul.f32 $1.442695020e+00, v3;
	_ =	sdelay $0x1  }
0x56: {  	(erf) = vpow2.f32 v3;
	_ =	sdelay $0x3  }
0x57: {  	s28 =	simm.s32 $0x1  }
0x58: {  	v3 =	vor.u32 s28, v0;
	_ =	sdelay $0x1  }
0x59: {  	v53 =	vor.u32 $0x2, v4  }
0x5a: {  	v54 =	vor.u32 $0x2, v2  }
0x5b: {  	v55 =	vpop (erf)  }
0x5c: {  	v57 =	vor.u32 $0x6, v5;
	v56 =	vor.u32 $0x1, v1;
	[tilespmem:v3+s21+$0x0] =	vst.idx.msk $0xffff, v55  }
0x5d: {  	[tilespmem:v3+s22+$0x0] =	vst.idx.msk $0xffff, v56  }
0x5e: {  	v3 =	vld.idx.msk [tilespmem:v53+s5+$0x0], $0xffff  }
0x5f: {  	v58 =	vld.idx.msk [tilespmem:v54+s17+$0x0], $0xffff;
	_ =	sdelay $0x1  }
0x60: {  	v59 =	vld.idx.msk [tilespmem:v57+s5+$0x0], $0xffff;
	_ =	sdelay $0x2  }
0x61: {  	v3 =	vadd.f32 v58, v3;
	_ =	sdelay $0x1  }
0x62: {  	v3 =	vadd.f32 v59, v3;
	_ =	sdelay $0x1  }
0x63: {  	v60 =	vmul.f32 $2.000000030e-01, v3  }
0x64: {  	vm14 =	vge.f32 v3, $0.0e+00  }
0x65: {  	v3 =	vsel vm14, v3, v60  }
0x66: {  	v3 =	vmul.f32 $1.442695020e+00, v3;
	_ =	sdelay $0x1  }
0x67: {  	(erf) = vpow2.f32 v3;
	_ =	sdelay $0x3  }
0x68: {  	s28 =	simm.s32 $0x2  }
0x69: {  	v3 =	vor.u32 s28, v0;
	_ =	sdelay $0x1  }
0x6a: {  	v4 =	vor.u32 $0x3, v4  }
0x6b: {  	v2 =	vor.u32 $0x3, v2  }
0x6c: {  	v61 =	vpop (erf)  }
0x6d: {  	v5 =	vor.u32 $0x7, v5;
	v62 =	vor.u32 $0x2, v1;
	[tilespmem:v3+s21+$0x0] =	vst.idx.msk $0xffff, v61  }
0x6e: {  	[tilespmem:v3+s22+$0x0] =	vst.idx.msk $0xffff, v62  }
0x6f: {  	v3 =	vld.idx.msk [tilespmem:v4+s5+$0x0], $0xffff  }
0x70: {  	v2 =	vld.idx.msk [tilespmem:v2+s17+$0x0], $0xffff;
	_ =	sdelay $0x1  }
0x71: {  	v63 =	vld.idx.msk [tilespmem:v5+s5+$0x0], $0xffff;
	_ =	sdelay $0x2  }
0x72: {  	v2 =	vadd.f32 v2, v3;
	_ =	sdelay $0x1  }
0x73: {  	v2 =	vadd.f32 v63, v2;
	_ =	sdelay $0x1  }
0x74: {  	v3 =	vmul.f32 $2.000000030e-01, v2  }
0x75: {  	vm15 =	vge.f32 v2, $0.0e+00  }
0x76: {  	v2 =	vsel vm15, v2, v3  }
0x77: {  	v2 =	vmul.f32 $1.442695020e+00, v2;
	_ =	sdelay $0x1  }
0x78: {  	(erf) = vpow2.f32 v2;
	_ =	sdelay $0x2  }
0x79: {  	s31 =	simm.s32 $0x3  }
0x7a: {  	s28 =	simm.s32 $0x40;
	v2 =	vor.u32 s31, v0  }
.LBB2_3:
0x7b: {  	_ = 	snop  }
0x7c: {  	p1 =	sne.s32 s28, $0x600;
	s29 =	smov.u32 s28;
	s28 =	sadd.s32 $0x40, s28  }
0x7d: {  	_ =	sdelay $0x1  }
0x7e: {  	v1 =	vor.u32 $0x3, v1;
	v3 =	vpop (erf)  }
0x7f: {  	s30 =	sshra.s32 s29, $0x2;
	[tilespmem:v2+s21+$0x0] =	vst.idx.msk $0xffff, v3  }
0x80: {  	[tilespmem:v2+s22+$0x0] =	vst.idx.msk $0xffff, v1  }
0x81: {  	v1 =	vld [tilespmem:s30+$0x13980]  }
0x82: {  	v3 =	vld [tilespmem:s30+$0x13D80]  }
0x83: {  	v5 =	vld [tilespmem:s30+$0x13B80];
	_ =	sdelay $0x2  }
0x84: {  	v2 =	vshll.u32 v1, $0x3  }
0x85: {  	v4 =	vshll.u32 v3, $0x2  }
0x86: {  	v3 =	vshll.u32 v5, $0x3  }
0x87: {  	v1 =	vor.u32 $0x4, v3;
	_ =	sdelay $0x1  }
0x88: {  	v6 =	vld.idx.msk [tilespmem:v2+s5+$0x0], $0xffff  }
0x89: {  	v7 =	vld.idx.msk [tilespmem:v4+s17+$0x0], $0xffff;
	_ =	sdelay $0x1  }
0x8a: {  	v1 =	vld.idx.msk [tilespmem:v1+s5+$0x0], $0xffff;
	_ =	sdelay $0x3  }
0x8b: {  	v6 =	vadd.f32 v7, v6;
	_ =	sdelay $0x1  }
0x8c: {  	v1 =	vadd.f32 v1, v6;
	_ =	sdelay $0x1  }
0x8d: {  	v6 =	vmul.f32 $2.000000030e-01, v1  }
0x8e: {  	vm0 =	vge.f32 v1, $0.0e+00  }
0x8f: {  	v1 =	vsel vm0, v1, v6  }
0x90: {  	v1 =	vmul.f32 $1.442695020e+00, v1;
	_ =	sdelay $0x1  }
0x91: {  	(erf) = vpow2.f32 v1;
	_ =	sdelay $0x4  }
0x92: {  	v6 =	vor.u32 s29, v0;
	_ =	sdelay $0x1  }
0x93: {  	v7 =	vor.u32 $0x1, v2  }
0x94: {  	v8 =	vor.u32 $0x1, v4  }
0x95: {  	v9 =	vpop (erf)  }
0x96: {  	v1 =	vshll.u32 v5, $0x2;
	v5 =	vor.u32 $0x5, v3;
	[tilespmem:v6+s21+$0x0] =	vst.idx.msk $0xffff, v9  }
0x97: {  	[tilespmem:v6+s22+$0x0] =	vst.idx.msk $0xffff, v1  }
0x98: {  	v6 =	vld.idx.msk [tilespmem:v7+s5+$0x0], $0xffff  }
0x99: {  	v7 =	vld.idx.msk [tilespmem:v8+s17+$0x0], $0xffff;
	_ =	sdelay $0x1  }
0x9a: {  	v5 =	vld.idx.msk [tilespmem:v5+s5+$0x0], $0xffff;
	_ =	sdelay $0x3  }
0x9b: {  	v6 =	vadd.f32 v7, v6;
	_ =	sdelay $0x1  }
0x9c: {  	v5 =	vadd.f32 v5, v6;
	_ =	sdelay $0x1  }
0x9d: {  	v6 =	vmul.f32 $2.000000030e-01, v5  }
0x9e: {  	vm0 =	vge.f32 v5, $0.0e+00  }
0x9f: {  	v5 =	vsel vm0, v5, v6  }
0xa0: {  	v5 =	vmul.f32 $1.442695020e+00, v5;
	_ =	sdelay $0x1  }
0xa1: {  	(erf) = vpow2.f32 v5;
	_ =	sdelay $0x3  }
0xa2: {  	s30 =	sadd.s32 $0x1, s29  }
0xa3: {  	v5 =	vor.u32 s30, v0;
	_ =	sdelay $0x1  }
0xa4: {  	v6 =	vor.u32 $0x2, v2  }
0xa5: {  	v7 =	vor.u32 $0x2, v4  }
0xa6: {  	v8 =	vpop (erf)  }
0xa7: {  	v9 =	vor.u32 $0x6, v3;
	[tilespmem:v5+s21+$0x0] =	vst.idx.msk $0xffff, v8;
	v8 =	vor.u32 $0x1, v1  }
0xa8: {  	[tilespmem:v5+s22+$0x0] =	vst.idx.msk $0xffff, v8  }
0xa9: {  	v5 =	vld.idx.msk [tilespmem:v6+s5+$0x0], $0xffff  }
0xaa: {  	v6 =	vld.idx.msk [tilespmem:v7+s17+$0x0], $0xffff;
	_ =	sdelay $0x1  }
0xab: {  	v7 =	vld.idx.msk [tilespmem:v9+s5+$0x0], $0xffff;
	_ =	sdelay $0x3  }
0xac: {  	v5 =	vadd.f32 v6, v5;
	_ =	sdelay $0x1  }
0xad: {  	v5 =	vadd.f32 v7, v5;
	_ =	sdelay $0x1  }
0xae: {  	v6 =	vmul.f32 $2.000000030e-01, v5  }
0xaf: {  	vm0 =	vge.f32 v5, $0.0e+00  }
0xb0: {  	v5 =	vsel vm0, v5, v6  }
0xb1: {  	v5 =	vmul.f32 $1.442695020e+00, v5;
	_ =	sdelay $0x1  }
0xb2: {  	(erf) = vpow2.f32 v5;
	_ =	sdelay $0x3  }
0xb3: {  	s30 =	sadd.s32 $0x2, s29  }
0xb4: {  	v5 =	vor.u32 s30, v0;
	_ =	sdelay $0x1  }
0xb5: {  	v4 =	vor.u32 $0x3, v4;
	v2 =	vor.u32 $0x3, v2;
	_ =	sdelay $0x1  }
0xb6: {  	v3 =	vor.u32 $0x7, v3;
	v6 =	vpop (erf)  }
0xb7: {  	[tilespmem:v5+s21+$0x0] =	vst.idx.msk $0xffff, v6;
	v6 =	vor.u32 $0x2, v1  }
0xb8: {  	[tilespmem:v5+s22+$0x0] =	vst.idx.msk $0xffff, v6  }
0xb9: {  	v2 =	vld.idx.msk [tilespmem:v2+s5+$0x0], $0xffff  }
0xba: {  	v4 =	vld.idx.msk [tilespmem:v4+s17+$0x0], $0xffff  }
0xbb: {  	v3 =	vld.idx.msk [tilespmem:v3+s5+$0x0], $0xffff;
	_ =	sdelay $0x4  }
0xbc: {  	v2 =	vadd.f32 v4, v2;
	_ =	sdelay $0x1  }
0xbd: {  	v2 =	vadd.f32 v3, v2;
	_ =	sdelay $0x1  }
0xbe: {  	vm0 =	vge.f32 v2, $0.0e+00;
	v3 =	vmul.f32 $2.000000030e-01, v2;
	_ =	sdelay $0x1  }
0xbf: {  	v2 =	vsel vm0, v2, v3  }
0xc0: {  	v2 =	vmul.f32 $1.442695020e+00, v2;
	_ =	sdelay $0x1  }
.Ltmp0:
0xc1: {  	(erf) = vpow2.f32 v2;
	(pc) =	sbr.rel @p1 .LBB2_3-.Ltmp0, $3  }
0xc2: {  	_ =	sdelay $0x1  }
0xc3: {  	s29 =	sadd.s32 $0x3, s29  }
0xc4: {  	v2 =	vor.u32 s29, v0  }
0xc5: {  	_ =	sdelay $0x3  }
0xc6: {  	v3 =	vpop (erf)  }
0xc7: {  	v1 =	vor.u32 $0x3, v1;
	s26 =	sshrl.u32 s26, $0x1;
	[tilespmem:v2+s21+$0x0] =	vst.idx.msk $0xffff, v3  }
0xc8: {  	s26 =	sadd.s32 s9, s26;
	[tilespmem:v2+s22+$0x0] =	vst.idx.msk $0xffff, v1  }
0xc9: {  	[hbm4b:s26+s5] =	stream.linear.scatter [tilespmem:s21], [sflag:$0x1], $0x640, $0x38;
	[tilespmem:$0x16648] =	vst v63  }
0xca: {  	s25 =	sadd.s32 $0x1, s25;
	_ =	swait.ge [sflag:s16], $0x640  }
0xcb: {  	p1 =	sne.s32 s25, $0x19;
	[sflag:s16] =	ssyncset.done $0x0  }
.Ltmp1:
0xcc: {  	[sflag:s16] =	ssyncadd.s32 $0xFFFFF9C0;
	(pc) =	sbr.rel @p1 .LBB2_2-.Ltmp1, $4  }
0xcd: {  	[spmem:s4] =	stream.indirect.scatter.add.f32 [tilespmem:s21], [sflag:$0x1], $0x1, s22, s23, $0xb8;
	[tilespmem:$0x16648] =	vst v63  }
0xce: {  	_ =	swait.ge [sflag:s16], $0x640  }
0xcf: {  	[sflag:s16] =	ssyncset.done $0x0  }
0xd0: {  	[sflag:s16] =	ssyncadd.s32 $0xFFFFF9C0  }
0xd1: {  	[bflag:$0x0] =	sbarrier.arrive $0xFFFF;
	s25 =	simm.s32 @!p0 $0x14C80;
	s26 =	simm.s32 @!p0 $0x1  }
0xd2: {  	[tilespmem:s25], [sflag:$0x1] =	stream.linear.gather @!p0 [spmem:s13], $0xFA0, $0x38;
	[tilespmem:$0x16648] =	vst v63  }
0xd3: {  	s24 =	sadd.s32 $0x1, s24;
	_ =	swait.ge @!p0 [sflag:s26], $0xFA0  }
0xd4: {  	p1 =	sne.s32 s24, s15;
	[sflag:s26] =	ssyncset.done @!p0 $0x0  }
.Ltmp2:
0xd5: {  	s28 =	simm.s32 @!p0 $0x0;
	[sflag:s26] =	ssyncadd.s32 @!p0 $0xFFFFF060;
	(pc) =	sbr.rel @p1 .LBB2_1-.Ltmp2, $4  }
0xd6: {  	[hbm4b:s14+s28] =	stream.linear.scatter @!p0 [tilespmem:s25], [sflag:$0x1], $0xFA0, $0x38;
	[tilespmem:$0x16648] =	vst v63  }
0xd7: {  	_ =	swait.ge @!p0 [sflag:s26], $0xFA0  }
0xd8: {  	[sflag:s26] =	ssyncset.done @!p0 $0x0  }
0xd9: {  	[sflag:s26] =	ssyncadd.s32 @!p0 $0xFFFFF060  }
0xda: {  	_ =	sfence.sel $0x180000  }
0xdb: {  	[bflag:$0x0] =	sbarrier.arrive $0xFFFF  }
0xdc: {  	p0 =	sne.s32 s3, $0x0;
	_ =	strace $0x90000047  }
0xdd: {  	s0 =	sadd.s32 @!p0 $0x100000, s0;
	[bflag:$0x2] =	sbarrier.arrive $0xFFFF  }
0xde: {  	[sflag:s0] =	ssyncadd.tile.s32 @!p0 $0x1;
	_ =	shalt  }
.Lfunc_end2:
_tile_overlayer_lowered:
.L_overlay_start_2:
0xdf: {  	(tag) =	ssettag $0x2  }
0xe0: {  	s0 =	rddreg [dreg:$0x0];
	s2 =	stileid.u32  }
0xe1: {  	s1 =	rddreg [dreg:$0x1];
	p0 =	sne.s32 s2, $0x0  }
0xe2: {  	s3 =	rddreg [dreg:$0x2];
	[bflag:$0x3] =	sbarrier.arrive $0xFFFF;
	s2 =	simm.s32 @!p0 $0x1C01  }
0xe3: {  	[timem:s3], [sflag:s2] =	dma.local @!p0 [hbm:s0], s1  }
0xe4: {  	s0 =	simm.s32 @!p0 $0x1  }
0xe5: {  	_ =	swait.ge @!p0 [sflag:s0], s1  }
0xe6: {  	s1 =	ssub.s32 @!p0 $0x0, s1;
	[sflag:s0] =	ssyncset.done @!p0 $0x0  }
0xe7: {  	[sflag:s0] =	ssyncadd.s32 @!p0 s1  }
0xe8: {  	[bflag:$0x3] =	sbarrier.arrive $0xFFFF  }
0xe9: {  	_ =	shalt  }

</sc_bundles>
